<compile_context>
chip_gen: v7x
topology: tpu7x:2x2x1
jax: 0.10.2.dev20260603
libtpu: 0.0.44.dev20260713+nightly
codegen_flags: <defaults>
</compile_context>

<pallas_src>
import functools
import math

import jax
import jax.numpy as jnp
from jax import lax
from jax.experimental import pallas as pl
from jax.experimental.pallas import tpu as pltpu
from jax.experimental.pallas import tpu_sc as plsc

_BE = 2048
_CH = 512
_DG = 128
_SENT = -1e30
_EPS = 1e-5

_mm = functools.partial(jnp.dot, precision=jax.lax.Precision.HIGHEST)


def _gather_rows(tables, idxs, ep, d):
    info = plsc.get_sparse_core_info()
    nc, ns = info.num_cores, info.num_subcores
    nw = nc * ns
    bw = ep // nw
    nch = bw // _CH
    mesh = plsc.VectorSubcoreMesh(core_axis_name="c", subcore_axis_name="s")

    @functools.partial(
        pl.kernel, mesh=mesh,
        out_type=jax.ShapeDtypeStruct((4, ep, d), jnp.float32),
        scratch_types=[
            pltpu.VMEM((_CH,), jnp.int32),
            pltpu.VMEM((_CH, d), jnp.float32),
            pltpu.SemaphoreType.DMA,
        ],
    )
    def k(t0, t1, t2, t3, idx_hbm, out_hbm, idx_v, rows_v, sem):
        wid = lax.axis_index("s") * nc + lax.axis_index("c")
        base = wid * bw
        for g, tab in enumerate((t0, t1, t2, t3)):
            def body(ci, carry, g=g, tab=tab):
                row0 = pl.multiple_of(base + ci * _CH, 8)
                pltpu.sync_copy(idx_hbm.at[g, pl.ds(row0, _CH)], idx_v)
                pltpu.async_copy(tab.at[idx_v], rows_v, sem).wait()
                pltpu.sync_copy(rows_v, out_hbm.at[g, pl.ds(row0, _CH)])
                return carry
            lax.fori_loop(0, nch, body, 0)

    return k(*tables, idxs)


def _pass1_body(ga_ref, gb_ref, bias_ref, r1_ref, s_ref, q_ref):
    b = pl.program_id(1)
    z = ga_ref[0] + gb_ref[0] + bias_ref[0:1, :]
    r = jnp.maximum(z, 0.0)
    sent = z[:, 0:1] < -1e29
    r1_ref[...] = jnp.where(sent, -1.0, r)
    ps = jnp.sum(r, axis=0, keepdims=True)
    pq = jnp.sum(r * r, axis=0, keepdims=True)

    @pl.when(b == 0)
    def _():
        s_ref[...] = jnp.zeros_like(s_ref)
        q_ref[...] = jnp.zeros_like(q_ref)

    s_ref[...] += jnp.broadcast_to(ps, s_ref.shape)
    q_ref[...] += jnp.broadcast_to(pq, q_ref.shape)


def _pass2_body(r1_ref, w_ref, bias_ref, r2_ref, s_ref, q_ref):
    b = pl.program_id(1)
    r1 = r1_ref[...]
    sent = r1[:, 0:1] < -0.5
    rin = jnp.maximum(r1, 0.0)
    z2 = jnp.dot(rin, w_ref[...], preferred_element_type=jnp.float32,
                 precision=jax.lax.Precision.HIGHEST)
    z2 = z2 + bias_ref[0:1, :]
    r2 = jnp.maximum(z2, 0.0)
    r2_ref[...] = jnp.where(sent, _SENT, r2)
    c = jnp.where(sent, 0.0, r2)
    ps = jnp.sum(c, axis=0, keepdims=True)
    pq = jnp.sum(c * c, axis=0, keepdims=True)

    @pl.when(b == 0)
    def _():
        s_ref[...] = jnp.zeros_like(s_ref)
        q_ref[...] = jnp.zeros_like(q_ref)

    s_ref[...] += jnp.broadcast_to(ps, s_ref.shape)
    q_ref[...] += jnp.broadcast_to(pq, q_ref.shape)


def _run_pass1(gout, bias, conv):
    _, ep, d = gout.shape
    nb = ep // _BE
    bias8 = jnp.broadcast_to(bias[None, :], (8, d))
    ia, ib = 2 * conv, 2 * conv + 1
    r1, s, q = pl.pallas_call(
        _pass1_body,
        grid=(1, nb),
        in_specs=[
            pl.BlockSpec((1, _BE, d), lambda c, b: (ia, b, 0)),
            pl.BlockSpec((1, _BE, d), lambda c, b: (ib, b, 0)),
            pl.BlockSpec((8, d), lambda c, b: (0, 0)),
        ],
        out_specs=[
            pl.BlockSpec((_BE, d), lambda c, b: (b, 0)),
            pl.BlockSpec((8, d), lambda c, b: (0, 0)),
            pl.BlockSpec((8, d), lambda c, b: (0, 0)),
        ],
        out_shape=[
            jax.ShapeDtypeStruct((ep, d), jnp.float32),
            jax.ShapeDtypeStruct((8, d), jnp.float32),
            jax.ShapeDtypeStruct((8, d), jnp.float32),
        ],
    )(gout, gout, bias8)
    return r1, s[0, :], q[0, :]


def _run_pass2(r1, w, bias):
    ep, d1 = r1.shape
    d2 = w.shape[1]
    nb = ep // _BE
    bias8 = jnp.broadcast_to(bias[None, :], (8, d2))
    r2, s, q = pl.pallas_call(
        _pass2_body,
        grid=(1, nb),
        in_specs=[
            pl.BlockSpec((_BE, d1), lambda c, b: (b, 0)),
            pl.BlockSpec((d1, d2), lambda c, b: (0, 0)),
            pl.BlockSpec((8, d2), lambda c, b: (0, 0)),
        ],
        out_specs=[
            pl.BlockSpec((_BE, d2), lambda c, b: (b, 0)),
            pl.BlockSpec((8, d2), lambda c, b: (0, 0)),
            pl.BlockSpec((8, d2), lambda c, b: (0, 0)),
        ],
        out_shape=[
            jax.ShapeDtypeStruct((ep, d2), jnp.float32),
            jax.ShapeDtypeStruct((8, d2), jnp.float32),
            jax.ShapeDtypeStruct((8, d2), jnp.float32),
        ],
    )(r1, w, bias8)
    return r2, s[0, :], q[0, :]


def _conv_tables(x, pos, nn_x, nn_pos):
    (w1x, b1x, g1x, be1x), (w2x, b2x, g2x, be2x) = nn_x
    (w1p, b1p, g1p, be1p), (w2p, b2p, g2p, be2p) = nn_pos
    dx = x.shape[1]
    dp = pos.shape[1]
    d1 = w2x.shape[0]
    d = d1 + w2p.shape[0]
    zpad = jnp.zeros((x.shape[0], _DG - d), jnp.float32)
    ta = jnp.concatenate([_mm(x, w1x[:dx] - w1x[dx:]),
                          _mm(pos, w1p[:dp] - w1p[dp:]), zpad], axis=1)
    tb = jnp.concatenate([_mm(x, w1x[dx:]), _mm(pos, w1p[dp:]), zpad], axis=1)
    vpad = jnp.zeros((_DG - d,), jnp.float32)
    b1 = jnp.concatenate([b1x, b1p, vpad])
    g1 = jnp.concatenate([g1x, g1p, vpad])
    be1 = jnp.concatenate([be1x, be1p, vpad])
    w2 = jnp.zeros((_DG, d), jnp.float32)
    w2 = w2.at[:d1, :d1].set(w2x).at[d1:d, d1:].set(w2p)
    b2 = jnp.concatenate([b2x, b2p])
    g2 = jnp.concatenate([g2x, g2p])
    be2 = jnp.concatenate([be2x, be2p])
    return ta, tb, b1, g1, be1, w2, b2, g2, be2


def kernel(pos, x, tpl_edge_index, geo_edge_index, params):
    n = x.shape[0]
    e = tpl_edge_index.shape[1]
    loop = jnp.arange(n, dtype=jnp.int32)

    tabs = [
        _conv_tables(x, pos, params["tpl_x"], params["tpl_pos"]),
        _conv_tables(x, pos, params["geo_x"], params["geo_pos"]),
    ]
    eidx = [tpl_edge_index, geo_edge_index]

    ep_raw = e + n
    quant = math.lcm(_BE, 32 * _CH)
    ep = ((ep_raw + quant - 1) // quant) * quant
    pad = ep - ep_raw
    d = _DG

    tables, idxs, dstfs, cnts = [], [], [], []
    for c in range(2):
        src, dst = eidx[c][0], eidx[c][1]
        srcf = jnp.concatenate([src, loop])
        dstf = jnp.concatenate([dst, loop])
        dup = jnp.concatenate([src == dst, jnp.zeros((n,), bool)])
        dstg = jnp.where(dup, n, dstf)
        if pad:
            padi = jnp.full((pad,), n, jnp.int32)
            dstg = jnp.concatenate([dstg, padi])
            srcf = jnp.concatenate([srcf, jnp.zeros((pad,), jnp.int32)])
            dstf = jnp.concatenate([dstf, jnp.zeros((pad,), jnp.int32)])
        ta, tb = tabs[c][0], tabs[c][1]
        d = ta.shape[1]
        tables.append(jnp.concatenate([ta, jnp.full((1, d), _SENT, jnp.float32)]))
        tables.append(jnp.concatenate([tb, jnp.zeros((1, d), jnp.float32)]))
        idxs.extend([dstg, srcf])
        dstfs.append(dstf)
        cnts.append(jnp.float32(n + e) - jnp.sum(dup, dtype=jnp.float32))

    gout = _gather_rows(tables, jnp.stack(idxs), ep, tables[0].shape[1])

    outs = []
    for c in range(2):
        _, _, b1, g1, be1, w2, b2, g2, be2 = tabs[c]
        cnt = cnts[c]

        r1, s1, q1 = _run_pass1(gout, b1, c)
        mean1 = s1 / cnt
        var1 = q1 / cnt - mean1 * mean1
        sc1 = g1 / jnp.sqrt(var1 + _EPS)
        w2f = w2 * sc1[:, None]
        b2f = b2 + _mm(be1 - mean1 * sc1, w2)

        r2, s2, q2 = _run_pass2(r1, w2f, b2f)
        mean2 = s2 / cnt
        var2 = q2 / cnt - mean2 * mean2
        sc2 = g2 / jnp.sqrt(var2 + _EPS)
        nodemax = jax.ops.segment_max(r2, dstfs[c], num_segments=n)
        outs.append((nodemax - mean2) * sc2 + be2)

    xo = jnp.concatenate(outs, axis=1)
    (wf, bf, gf, bef), = params["mlp"]
    h = jnp.maximum(_mm(xo, wf) + bf, 0.0)
    mean = jnp.mean(h, axis=0, keepdims=True)
    var = jnp.var(h, axis=0, keepdims=True)
    return (h - mean) / jnp.sqrt(var + _EPS) * gf + bef

# --- scband reference (transcript-rebuilt; emitter-appended) ---
"""Pipeline reference for scband-gcumotion-43997644980922 (READ-ONLY COPY).

The authoritative reference and input builder live on the scoring server;
editing this copy changes nothing except your own understanding.
"""

import jax, jax.numpy as jnp
import numpy as np

N = 10000
E = 320000
D_IN = 128
D_OUT = 128
POS_DIM = 3
DIM_POS_FEAT = 16


def _init_mlp(key, channels):
    params = []
    for i in range(1, len(channels)):
        key, k1 = jax.random.split(key)
        W = jax.random.normal(k1, (channels[i - 1], channels[i]), dtype=jnp.float32) / np.sqrt(channels[i - 1])
        b = jnp.zeros((channels[i],), dtype=jnp.float32)
        g = jnp.ones((channels[i],), dtype=jnp.float32)
        be = jnp.zeros((channels[i],), dtype=jnp.float32)
        params.append((W, b, g, be))
    return params


def _mlp(params, x, mask=None):
    # torch: Seq(Linear, ReLU, BatchNorm1d) per layer; BN in training mode uses batch stats (biased var)
    for (W, b, g, be) in params:
        x = x @ W + b
        x = jnp.maximum(x, 0.0)
        if mask is None:
            mean = jnp.mean(x, axis=0, keepdims=True)
            var = jnp.var(x, axis=0, keepdims=True)
        else:
            m = mask[:, None].astype(x.dtype)
            cnt = jnp.sum(m, axis=0, keepdims=True)
            mean = jnp.sum(x * m, axis=0, keepdims=True) / cnt
            var = jnp.sum(((x - mean) ** 2) * m, axis=0, keepdims=True) / cnt
        x = (x - mean) / jnp.sqrt(var + 1e-5) * g + be
    return x


def _prep_edges(edge_index, num_nodes):
    # remove_self_loops then add_self_loops, expressed with a fixed-shape validity mask
    src, dst = edge_index[0], edge_index[1]
    keep = src != dst
    loop = jnp.arange(num_nodes, dtype=src.dtype)
    src_full = jnp.concatenate([src, loop])
    dst_full = jnp.concatenate([dst, loop])
    mask = jnp.concatenate([keep, jnp.ones((num_nodes,), dtype=bool)])
    return src_full, dst_full, mask


def _edge_conv(pos, x, src, dst, mask, nn_x, nn_pos, num_nodes):
    x_i = x[dst]
    x_j = x[src]
    pos_i = pos[dst]
    pos_j = pos[src]
    x_feat = _mlp(nn_x, jnp.concatenate([x_i, x_j - x_i], axis=1), mask)
    pos_feat = _mlp(nn_pos, jnp.concatenate([pos_i, pos_j - pos_i], axis=1), mask)
    msg = jnp.concatenate([x_feat, pos_feat], axis=1)
    # aggr='max' over destination nodes; self-loops guarantee every segment non-empty.
    # Masked-out rows are self-loops whose message equals the appended loop row for
    # the same node, so including them leaves the per-node max unchanged.
    return jax.ops.segment_max(msg, dst, num_segments=num_nodes)


def setup_inputs(seed: int = 0):
    key = jax.random.key(seed)
    ks = jax.random.split(key, 10)
    pos = jax.random.normal(ks[0], (N, POS_DIM), dtype=jnp.float32)
    x = jax.random.normal(ks[1], (N, D_IN), dtype=jnp.float32)
    tpl = jax.random.randint(ks[2], (2, E), 0, N, dtype=jnp.int32)
    geo = jax.random.randint(ks[3], (2, E), 0, N, dtype=jnp.int32)
    params = {
        "tpl_x": _init_mlp(ks[4], [2 * D_IN, D_OUT // 2, D_OUT // 2]),
        "tpl_pos": _init_mlp(ks[5], [2 * POS_DIM, DIM_POS_FEAT, DIM_POS_FEAT]),
        "geo_x": _init_mlp(ks[6], [2 * D_IN, D_OUT // 2, D_OUT // 2]),
        "geo_pos": _init_mlp(ks[7], [2 * POS_DIM, DIM_POS_FEAT, DIM_POS_FEAT]),
        "mlp": _init_mlp(ks[8], [D_OUT + 2 * DIM_POS_FEAT, D_OUT]),
    }
    return {"pos": pos, "x": x, "tpl_edge_index": tpl, "geo_edge_index": geo, "params": params}


def reference(pos, x, tpl_edge_index, geo_edge_index, params):
    n = x.shape[0]
    s1, d1, m1 = _prep_edges(tpl_edge_index, n)
    s2, d2, m2 = _prep_edges(geo_edge_index, n)
    x_tpl = _edge_conv(pos, x, s1, d1, m1, params["tpl_x"], params["tpl_pos"], n)
    x_geo = _edge_conv(pos, x, s2, d2, m2, params["geo_x"], params["geo_pos"], n)
    x_out = jnp.concatenate([x_tpl, x_geo], axis=1)
    return _mlp(params["mlp"], x_out)

if __name__ == "__main__":
    import jax
    _d = setup_inputs()
    print(jax.jit(kernel)(*tuple(_d.values())))

</pallas_src>

<mosaic_0001>
#map = affine_map<(d0, d1) -> (0, 0)>
#map1 = affine_map<(d0, d1) -> (0, 0, 0)>
module attributes {stable_mosaic.version = 14 : i64} {
  func.func @k(%arg0: i32, %arg1: i32, %arg2: memref<10001x128xf32, #tpu.memory_space<hbm>>, %arg3: memref<10001x128xf32, #tpu.memory_space<hbm>>, %arg4: memref<10001x128xf32, #tpu.memory_space<hbm>>, %arg5: memref<10001x128xf32, #tpu.memory_space<hbm>>, %arg6: memref<4x344064xi32, #tpu.memory_space<hbm>>, %arg7: memref<4x344064x128xf32, #tpu.memory_space<hbm>>, %arg8: memref<512xi32, #tpu.memory_space<vmem>>, %arg9: memref<512x128xf32, #tpu.memory_space<vmem>>, %arg10: memref<!tpu.dma_semaphore, #tpu.memory_space<semaphore_mem>>) attributes {dimension_semantics = [#tpu.dimension_semantics<core_parallel>, #tpu.dimension_semantics<subcore_parallel>], iteration_bounds = array<i64: 2, 16>, scalar_prefetch = 0 : i64, scratch_operands = 3 : i64, tpu.core_type = #tpu.core_type<sc_vector_subcore>, window_params = [{transform_indices = #map}, {transform_indices = #map}, {transform_indices = #map}, {transform_indices = #map}, {transform_indices = #map}, {transform_indices = #map1}]} {
    %mul3A = arith.constant 2 : i32
    %mul3A_0 = arith.muli %arg1, %mul3A : i32
    %add3A = arith.addi %mul3A_0, %arg0 : i32
    %mul3A_1 = arith.constant 10752 : i32
    %mul3A_2 = arith.muli %add3A, %mul3A_1 : i32
    %scan3A = arith.constant 0 : i32
    %scan3A_3 = arith.constant 0 : i32
    %scan3A_4 = arith.constant 21 : i32
    %scan3A_5 = arith.addi %scan3A_3, %scan3A_4 : i32
    %scan3A_6 = arith.constant 1 : i32
    scf.for %scan3A_26 = %scan3A_3 to %scan3A_5 step %scan3A_6  : i32 {
      %mul3A_27 = arith.constant 512 : i32
      %mul3A_28 = arith.muli %scan3A_26, %mul3A_27 : i32
      %add3A_29 = arith.addi %mul3A_2, %mul3A_28 : i32
      %multiple_of3A = tpu.assume_multiple %add3A_29, 8 : i32
      %run_scoped3A = arith.constant 0 : i32
      "tpu.region"() ({
        %run_scoped3A_35 = tpu.sem_alloc : memref<!tpu.dma_semaphore, #tpu.memory_space<semaphore_mem>>
        %dma_start3A_36 = tpu.memref_slice %arg6[%run_scoped3A, %multiple_of3A] : memref<4x344064xi32, #tpu.memory_space<hbm>> -> memref<1x512xi32, #tpu.memory_space<hbm>>
        %dma_start3A_37 = tpu.memref_squeeze %dma_start3A_36 : memref<1x512xi32, #tpu.memory_space<hbm>> -> memref<512xi32, #tpu.memory_space<hbm>>
        %dma_start3A_38 = tpu.memref_slice %arg6[%run_scoped3A, %multiple_of3A] : memref<4x344064xi32, #tpu.memory_space<hbm>> -> memref<1x512xi32, #tpu.memory_space<hbm>>
        %dma_start3A_39 = tpu.memref_squeeze %dma_start3A_38 : memref<1x512xi32, #tpu.memory_space<hbm>> -> memref<512xi32, #tpu.memory_space<hbm>>
        tpu.enqueue_dma source(%dma_start3A_39 : memref<512xi32, #tpu.memory_space<hbm>>) target(%arg8 : memref<512xi32, #tpu.memory_space<vmem>>) target_semaphore(%run_scoped3A_35 : memref<!tpu.dma_semaphore, #tpu.memory_space<semaphore_mem>>)
        %dma_wait3A_40 = tpu.memref_slice %arg6[%run_scoped3A, %multiple_of3A] : memref<4x344064xi32, #tpu.memory_space<hbm>> -> memref<1x512xi32, #tpu.memory_space<hbm>>
        %dma_wait3A_41 = tpu.memref_squeeze %dma_wait3A_40 : memref<1x512xi32, #tpu.memory_space<hbm>> -> memref<512xi32, #tpu.memory_space<hbm>>
        %dma_wait3A_42 = tpu.memref_slice %arg6[%run_scoped3A, %multiple_of3A] : memref<4x344064xi32, #tpu.memory_space<hbm>> -> memref<1x512xi32, #tpu.memory_space<hbm>>
        %dma_wait3A_43 = tpu.memref_squeeze %dma_wait3A_42 : memref<1x512xi32, #tpu.memory_space<hbm>> -> memref<512xi32, #tpu.memory_space<hbm>>
        tpu.wait_dma2 semaphore(%run_scoped3A_35 : memref<!tpu.dma_semaphore, #tpu.memory_space<semaphore_mem>>) src(%dma_wait3A_43 : memref<512xi32, #tpu.memory_space<hbm>>) dst(%arg8 : memref<512xi32, #tpu.memory_space<vmem>>)
        tpu.yield
      }) : () -> ()
      %dma_start3A = arith.constant 0 : i32
      %dma_start3A_30 = arith.constant 0 : i32
      %dma_start3A_31 = tpu.memref_slice %arg2[%dma_start3A, %dma_start3A_30] : memref<10001x128xf32, #tpu.memory_space<hbm>> -> memref<10001x128xf32, #tpu.memory_space<hbm>>
      tpu.enqueue_indirect_dma source(%dma_start3A_31 : memref<10001x128xf32, #tpu.memory_space<hbm>>) target(%arg9 : memref<512x128xf32, #tpu.memory_space<vmem>>) offsets(%arg8 : memref<512xi32, #tpu.memory_space<vmem>>) semaphore(%arg10 : memref<!tpu.dma_semaphore, #tpu.memory_space<semaphore_mem>>)
      %dma_wait3A = arith.constant 0 : i32
      %dma_wait3A_32 = arith.constant 0 : i32
      %dma_wait3A_33 = tpu.memref_slice %arg2[%dma_wait3A, %dma_wait3A_32] : memref<10001x128xf32, #tpu.memory_space<hbm>> -> memref<10001x128xf32, #tpu.memory_space<hbm>>
      tpu.wait_indirect_dma semaphore(%arg10 : memref<!tpu.dma_semaphore, #tpu.memory_space<semaphore_mem>>) src(%dma_wait3A_33 : memref<10001x128xf32, #tpu.memory_space<hbm>>) dst(%arg9 : memref<512x128xf32, #tpu.memory_space<vmem>>)
      %run_scoped3A_34 = arith.constant 0 : i32
      "tpu.region"() ({
        %run_scoped3A_35 = tpu.sem_alloc : memref<!tpu.dma_semaphore, #tpu.memory_space<semaphore_mem>>
        %dma_start3A_36 = arith.constant 0 : i32
        %dma_start3A_37 = tpu.memref_slice %arg7[%run_scoped3A_34, %multiple_of3A, %dma_start3A_36] : memref<4x344064x128xf32, #tpu.memory_space<hbm>> -> memref<1x512x128xf32, #tpu.memory_space<hbm>>
        %dma_start3A_38 = tpu.memref_squeeze %dma_start3A_37 : memref<1x512x128xf32, #tpu.memory_space<hbm>> -> memref<512x128xf32, #tpu.memory_space<hbm>>
        %dma_start3A_39 = arith.constant 0 : i32
        %dma_start3A_40 = tpu.memref_slice %arg7[%run_scoped3A_34, %multiple_of3A, %dma_start3A_39] : memref<4x344064x128xf32, #tpu.memory_space<hbm>> -> memref<1x512x128xf32, #tpu.memory_space<hbm>>
        %dma_start3A_41 = tpu.memref_squeeze %dma_start3A_40 : memref<1x512x128xf32, #tpu.memory_space<hbm>> -> memref<512x128xf32, #tpu.memory_space<hbm>>
        tpu.enqueue_dma source(%arg9 : memref<512x128xf32, #tpu.memory_space<vmem>>) target(%dma_start3A_41 : memref<512x128xf32, #tpu.memory_space<hbm>>) target_semaphore(%run_scoped3A_35 : memref<!tpu.dma_semaphore, #tpu.memory_space<semaphore_mem>>)
        %dma_wait3A_42 = arith.constant 0 : i32
        %dma_wait3A_43 = tpu.memref_slice %arg7[%run_scoped3A_34, %multiple_of3A, %dma_wait3A_42] : memref<4x344064x128xf32, #tpu.memory_space<hbm>> -> memref<1x512x128xf32, #tpu.memory_space<hbm>>
        %dma_wait3A_44 = tpu.memref_squeeze %dma_wait3A_43 : memref<1x512x128xf32, #tpu.memory_space<hbm>> -> memref<512x128xf32, #tpu.memory_space<hbm>>
        %dma_wait3A_45 = arith.constant 0 : i32
        %dma_wait3A_46 = tpu.memref_slice %arg7[%run_scoped3A_34, %multiple_of3A, %dma_wait3A_45] : memref<4x344064x128xf32, #tpu.memory_space<hbm>> -> memref<1x512x128xf32, #tpu.memory_space<hbm>>
        %dma_wait3A_47 = tpu.memref_squeeze %dma_wait3A_46 : memref<1x512x128xf32, #tpu.memory_space<hbm>> -> memref<512x128xf32, #tpu.memory_space<hbm>>
        tpu.wait_dma2 semaphore(%run_scoped3A_35 : memref<!tpu.dma_semaphore, #tpu.memory_space<semaphore_mem>>) src(%arg9 : memref<512x128xf32, #tpu.memory_space<vmem>>) dst(%dma_wait3A_47 : memref<512x128xf32, #tpu.memory_space<hbm>>)
        tpu.yield
      }) : () -> ()
    }
    %scan3A_7 = arith.constant 21 : i32
    %scan3A_8 = arith.constant 0 : i32
    %scan3A_9 = arith.constant 0 : i32
    %scan3A_10 = arith.constant 21 : i32
    %scan3A_11 = arith.addi %scan3A_9, %scan3A_10 : i32
    %scan3A_12 = arith.constant 1 : i32
    scf.for %scan3A_26 = %scan3A_9 to %scan3A_11 step %scan3A_12  : i32 {
      %mul3A_27 = arith.constant 512 : i32
      %mul3A_28 = arith.muli %scan3A_26, %mul3A_27 : i32
      %add3A_29 = arith.addi %mul3A_2, %mul3A_28 : i32
      %multiple_of3A = tpu.assume_multiple %add3A_29, 8 : i32
      %run_scoped3A = arith.constant 1 : i32
      "tpu.region"() ({
        %run_scoped3A_35 = tpu.sem_alloc : memref<!tpu.dma_semaphore, #tpu.memory_space<semaphore_mem>>
        %dma_start3A_36 = tpu.memref_slice %arg6[%run_scoped3A, %multiple_of3A] : memref<4x344064xi32, #tpu.memory_space<hbm>> -> memref<1x512xi32, #tpu.memory_space<hbm>>
        %dma_start3A_37 = tpu.memref_squeeze %dma_start3A_36 : memref<1x512xi32, #tpu.memory_space<hbm>> -> memref<512xi32, #tpu.memory_space<hbm>>
        %dma_start3A_38 = tpu.memref_slice %arg6[%run_scoped3A, %multiple_of3A] : memref<4x344064xi32, #tpu.memory_space<hbm>> -> memref<1x512xi32, #tpu.memory_space<hbm>>
        %dma_start3A_39 = tpu.memref_squeeze %dma_start3A_38 : memref<1x512xi32, #tpu.memory_space<hbm>> -> memref<512xi32, #tpu.memory_space<hbm>>
        tpu.enqueue_dma source(%dma_start3A_39 : memref<512xi32, #tpu.memory_space<hbm>>) target(%arg8 : memref<512xi32, #tpu.memory_space<vmem>>) target_semaphore(%run_scoped3A_35 : memref<!tpu.dma_semaphore, #tpu.memory_space<semaphore_mem>>)
        %dma_wait3A_40 = tpu.memref_slice %arg6[%run_scoped3A, %multiple_of3A] : memref<4x344064xi32, #tpu.memory_space<hbm>> -> memref<1x512xi32, #tpu.memory_space<hbm>>
        %dma_wait3A_41 = tpu.memref_squeeze %dma_wait3A_40 : memref<1x512xi32, #tpu.memory_space<hbm>> -> memref<512xi32, #tpu.memory_space<hbm>>
        %dma_wait3A_42 = tpu.memref_slice %arg6[%run_scoped3A, %multiple_of3A] : memref<4x344064xi32, #tpu.memory_space<hbm>> -> memref<1x512xi32, #tpu.memory_space<hbm>>
        %dma_wait3A_43 = tpu.memref_squeeze %dma_wait3A_42 : memref<1x512xi32, #tpu.memory_space<hbm>> -> memref<512xi32, #tpu.memory_space<hbm>>
        tpu.wait_dma2 semaphore(%run_scoped3A_35 : memref<!tpu.dma_semaphore, #tpu.memory_space<semaphore_mem>>) src(%dma_wait3A_43 : memref<512xi32, #tpu.memory_space<hbm>>) dst(%arg8 : memref<512xi32, #tpu.memory_space<vmem>>)
        tpu.yield
      }) : () -> ()
      %dma_start3A = arith.constant 0 : i32
      %dma_start3A_30 = arith.constant 0 : i32
      %dma_start3A_31 = tpu.memref_slice %arg3[%dma_start3A, %dma_start3A_30] : memref<10001x128xf32, #tpu.memory_space<hbm>> -> memref<10001x128xf32, #tpu.memory_space<hbm>>
      tpu.enqueue_indirect_dma source(%dma_start3A_31 : memref<10001x128xf32, #tpu.memory_space<hbm>>) target(%arg9 : memref<512x128xf32, #tpu.memory_space<vmem>>) offsets(%arg8 : memref<512xi32, #tpu.memory_space<vmem>>) semaphore(%arg10 : memref<!tpu.dma_semaphore, #tpu.memory_space<semaphore_mem>>)
      %dma_wait3A = arith.constant 0 : i32
      %dma_wait3A_32 = arith.constant 0 : i32
      %dma_wait3A_33 = tpu.memref_slice %arg3[%dma_wait3A, %dma_wait3A_32] : memref<10001x128xf32, #tpu.memory_space<hbm>> -> memref<10001x128xf32, #tpu.memory_space<hbm>>
      tpu.wait_indirect_dma semaphore(%arg10 : memref<!tpu.dma_semaphore, #tpu.memory_space<semaphore_mem>>) src(%dma_wait3A_33 : memref<10001x128xf32, #tpu.memory_space<hbm>>) dst(%arg9 : memref<512x128xf32, #tpu.memory_space<vmem>>)
      %run_scoped3A_34 = arith.constant 1 : i32
      "tpu.region"() ({
        %run_scoped3A_35 = tpu.sem_alloc : memref<!tpu.dma_semaphore, #tpu.memory_space<semaphore_mem>>
        %dma_start3A_36 = arith.constant 0 : i32
        %dma_start3A_37 = tpu.memref_slice %arg7[%run_scoped3A_34, %multiple_of3A, %dma_start3A_36] : memref<4x344064x128xf32, #tpu.memory_space<hbm>> -> memref<1x512x128xf32, #tpu.memory_space<hbm>>
        %dma_start3A_38 = tpu.memref_squeeze %dma_start3A_37 : memref<1x512x128xf32, #tpu.memory_space<hbm>> -> memref<512x128xf32, #tpu.memory_space<hbm>>
        %dma_start3A_39 = arith.constant 0 : i32
        %dma_start3A_40 = tpu.memref_slice %arg7[%run_scoped3A_34, %multiple_of3A, %dma_start3A_39] : memref<4x344064x128xf32, #tpu.memory_space<hbm>> -> memref<1x512x128xf32, #tpu.memory_space<hbm>>
        %dma_start3A_41 = tpu.memref_squeeze %dma_start3A_40 : memref<1x512x128xf32, #tpu.memory_space<hbm>> -> memref<512x128xf32, #tpu.memory_space<hbm>>
        tpu.enqueue_dma source(%arg9 : memref<512x128xf32, #tpu.memory_space<vmem>>) target(%dma_start3A_41 : memref<512x128xf32, #tpu.memory_space<hbm>>) target_semaphore(%run_scoped3A_35 : memref<!tpu.dma_semaphore, #tpu.memory_space<semaphore_mem>>)
        %dma_wait3A_42 = arith.constant 0 : i32
        %dma_wait3A_43 = tpu.memref_slice %arg7[%run_scoped3A_34, %multiple_of3A, %dma_wait3A_42] : memref<4x344064x128xf32, #tpu.memory_space<hbm>> -> memref<1x512x128xf32, #tpu.memory_space<hbm>>
        %dma_wait3A_44 = tpu.memref_squeeze %dma_wait3A_43 : memref<1x512x128xf32, #tpu.memory_space<hbm>> -> memref<512x128xf32, #tpu.memory_space<hbm>>
        %dma_wait3A_45 = arith.constant 0 : i32
        %dma_wait3A_46 = tpu.memref_slice %arg7[%run_scoped3A_34, %multiple_of3A, %dma_wait3A_45] : memref<4x344064x128xf32, #tpu.memory_space<hbm>> -> memref<1x512x128xf32, #tpu.memory_space<hbm>>
        %dma_wait3A_47 = tpu.memref_squeeze %dma_wait3A_46 : memref<1x512x128xf32, #tpu.memory_space<hbm>> -> memref<512x128xf32, #tpu.memory_space<hbm>>
        tpu.wait_dma2 semaphore(%run_scoped3A_35 : memref<!tpu.dma_semaphore, #tpu.memory_space<semaphore_mem>>) src(%arg9 : memref<512x128xf32, #tpu.memory_space<vmem>>) dst(%dma_wait3A_47 : memref<512x128xf32, #tpu.memory_space<hbm>>)
        tpu.yield
      }) : () -> ()
    }
    %scan3A_13 = arith.constant 21 : i32
    %scan3A_14 = arith.constant 0 : i32
    %scan3A_15 = arith.constant 0 : i32
    %scan3A_16 = arith.constant 21 : i32
    %scan3A_17 = arith.addi %scan3A_15, %scan3A_16 : i32
    %scan3A_18 = arith.constant 1 : i32
    scf.for %scan3A_26 = %scan3A_15 to %scan3A_17 step %scan3A_18  : i32 {
      %mul3A_27 = arith.constant 512 : i32
      %mul3A_28 = arith.muli %scan3A_26, %mul3A_27 : i32
      %add3A_29 = arith.addi %mul3A_2, %mul3A_28 : i32
      %multiple_of3A = tpu.assume_multiple %add3A_29, 8 : i32
      %run_scoped3A = arith.constant 2 : i32
      "tpu.region"() ({
        %run_scoped3A_35 = tpu.sem_alloc : memref<!tpu.dma_semaphore, #tpu.memory_space<semaphore_mem>>
        %dma_start3A_36 = tpu.memref_slice %arg6[%run_scoped3A, %multiple_of3A] : memref<4x344064xi32, #tpu.memory_space<hbm>> -> memref<1x512xi32, #tpu.memory_space<hbm>>
        %dma_start3A_37 = tpu.memref_squeeze %dma_start3A_36 : memref<1x512xi32, #tpu.memory_space<hbm>> -> memref<512xi32, #tpu.memory_space<hbm>>
        %dma_start3A_38 = tpu.memref_slice %arg6[%run_scoped3A, %multiple_of3A] : memref<4x344064xi32, #tpu.memory_space<hbm>> -> memref<1x512xi32, #tpu.memory_space<hbm>>
        %dma_start3A_39 = tpu.memref_squeeze %dma_start3A_38 : memref<1x512xi32, #tpu.memory_space<hbm>> -> memref<512xi32, #tpu.memory_space<hbm>>
        tpu.enqueue_dma source(%dma_start3A_39 : memref<512xi32, #tpu.memory_space<hbm>>) target(%arg8 : memref<512xi32, #tpu.memory_space<vmem>>) target_semaphore(%run_scoped3A_35 : memref<!tpu.dma_semaphore, #tpu.memory_space<semaphore_mem>>)
        %dma_wait3A_40 = tpu.memref_slice %arg6[%run_scoped3A, %multiple_of3A] : memref<4x344064xi32, #tpu.memory_space<hbm>> -> memref<1x512xi32, #tpu.memory_space<hbm>>
        %dma_wait3A_41 = tpu.memref_squeeze %dma_wait3A_40 : memref<1x512xi32, #tpu.memory_space<hbm>> -> memref<512xi32, #tpu.memory_space<hbm>>
        %dma_wait3A_42 = tpu.memref_slice %arg6[%run_scoped3A, %multiple_of3A] : memref<4x344064xi32, #tpu.memory_space<hbm>> -> memref<1x512xi32, #tpu.memory_space<hbm>>
        %dma_wait3A_43 = tpu.memref_squeeze %dma_wait3A_42 : memref<1x512xi32, #tpu.memory_space<hbm>> -> memref<512xi32, #tpu.memory_space<hbm>>
        tpu.wait_dma2 semaphore(%run_scoped3A_35 : memref<!tpu.dma_semaphore, #tpu.memory_space<semaphore_mem>>) src(%dma_wait3A_43 : memref<512xi32, #tpu.memory_space<hbm>>) dst(%arg8 : memref<512xi32, #tpu.memory_space<vmem>>)
        tpu.yield
      }) : () -> ()
      %dma_start3A = arith.constant 0 : i32
      %dma_start3A_30 = arith.constant 0 : i32
      %dma_start3A_31 = tpu.memref_slice %arg4[%dma_start3A, %dma_start3A_30] : memref<10001x128xf32, #tpu.memory_space<hbm>> -> memref<10001x128xf32, #tpu.memory_space<hbm>>
      tpu.enqueue_indirect_dma source(%dma_start3A_31 : memref<10001x128xf32, #tpu.memory_space<hbm>>) target(%arg9 : memref<512x128xf32, #tpu.memory_space<vmem>>) offsets(%arg8 : memref<512xi32, #tpu.memory_space<vmem>>) semaphore(%arg10 : memref<!tpu.dma_semaphore, #tpu.memory_space<semaphore_mem>>)
      %dma_wait3A = arith.constant 0 : i32
      %dma_wait3A_32 = arith.constant 0 : i32
      %dma_wait3A_33 = tpu.memref_slice %arg4[%dma_wait3A, %dma_wait3A_32] : memref<10001x128xf32, #tpu.memory_space<hbm>> -> memref<10001x128xf32, #tpu.memory_space<hbm>>
      tpu.wait_indirect_dma semaphore(%arg10 : memref<!tpu.dma_semaphore, #tpu.memory_space<semaphore_mem>>) src(%dma_wait3A_33 : memref<10001x128xf32, #tpu.memory_space<hbm>>) dst(%arg9 : memref<512x128xf32, #tpu.memory_space<vmem>>)
      %run_scoped3A_34 = arith.constant 2 : i32
      "tpu.region"() ({
        %run_scoped3A_35 = tpu.sem_alloc : memref<!tpu.dma_semaphore, #tpu.memory_space<semaphore_mem>>
        %dma_start3A_36 = arith.constant 0 : i32
        %dma_start3A_37 = tpu.memref_slice %arg7[%run_scoped3A_34, %multiple_of3A, %dma_start3A_36] : memref<4x344064x128xf32, #tpu.memory_space<hbm>> -> memref<1x512x128xf32, #tpu.memory_space<hbm>>
        %dma_start3A_38 = tpu.memref_squeeze %dma_start3A_37 : memref<1x512x128xf32, #tpu.memory_space<hbm>> -> memref<512x128xf32, #tpu.memory_space<hbm>>
        %dma_start3A_39 = arith.constant 0 : i32
        %dma_start3A_40 = tpu.memref_slice %arg7[%run_scoped3A_34, %multiple_of3A, %dma_start3A_39] : memref<4x344064x128xf32, #tpu.memory_space<hbm>> -> memref<1x512x128xf32, #tpu.memory_space<hbm>>
        %dma_start3A_41 = tpu.memref_squeeze %dma_start3A_40 : memref<1x512x128xf32, #tpu.memory_space<hbm>> -> memref<512x128xf32, #tpu.memory_space<hbm>>
        tpu.enqueue_dma source(%arg9 : memref<512x128xf32, #tpu.memory_space<vmem>>) target(%dma_start3A_41 : memref<512x128xf32, #tpu.memory_space<hbm>>) target_semaphore(%run_scoped3A_35 : memref<!tpu.dma_semaphore, #tpu.memory_space<semaphore_mem>>)
        %dma_wait3A_42 = arith.constant 0 : i32
        %dma_wait3A_43 = tpu.memref_slice %arg7[%run_scoped3A_34, %multiple_of3A, %dma_wait3A_42] : memref<4x344064x128xf32, #tpu.memory_space<hbm>> -> memref<1x512x128xf32, #tpu.memory_space<hbm>>
        %dma_wait3A_44 = tpu.memref_squeeze %dma_wait3A_43 : memref<1x512x128xf32, #tpu.memory_space<hbm>> -> memref<512x128xf32, #tpu.memory_space<hbm>>
        %dma_wait3A_45 = arith.constant 0 : i32
        %dma_wait3A_46 = tpu.memref_slice %arg7[%run_scoped3A_34, %multiple_of3A, %dma_wait3A_45] : memref<4x344064x128xf32, #tpu.memory_space<hbm>> -> memref<1x512x128xf32, #tpu.memory_space<hbm>>
        %dma_wait3A_47 = tpu.memref_squeeze %dma_wait3A_46 : memref<1x512x128xf32, #tpu.memory_space<hbm>> -> memref<512x128xf32, #tpu.memory_space<hbm>>
        tpu.wait_dma2 semaphore(%run_scoped3A_35 : memref<!tpu.dma_semaphore, #tpu.memory_space<semaphore_mem>>) src(%arg9 : memref<512x128xf32, #tpu.memory_space<vmem>>) dst(%dma_wait3A_47 : memref<512x128xf32, #tpu.memory_space<hbm>>)
        tpu.yield
      }) : () -> ()
    }
    %scan3A_19 = arith.constant 21 : i32
    %scan3A_20 = arith.constant 0 : i32
    %scan3A_21 = arith.constant 0 : i32
    %scan3A_22 = arith.constant 21 : i32
    %scan3A_23 = arith.addi %scan3A_21, %scan3A_22 : i32
    %scan3A_24 = arith.constant 1 : i32
    scf.for %scan3A_26 = %scan3A_21 to %scan3A_23 step %scan3A_24  : i32 {
      %mul3A_27 = arith.constant 512 : i32
      %mul3A_28 = arith.muli %scan3A_26, %mul3A_27 : i32
      %add3A_29 = arith.addi %mul3A_2, %mul3A_28 : i32
      %multiple_of3A = tpu.assume_multiple %add3A_29, 8 : i32
      %run_scoped3A = arith.constant 3 : i32
      "tpu.region"() ({
        %run_scoped3A_35 = tpu.sem_alloc : memref<!tpu.dma_semaphore, #tpu.memory_space<semaphore_mem>>
        %dma_start3A_36 = tpu.memref_slice %arg6[%run_scoped3A, %multiple_of3A] : memref<4x344064xi32, #tpu.memory_space<hbm>> -> memref<1x512xi32, #tpu.memory_space<hbm>>
        %dma_start3A_37 = tpu.memref_squeeze %dma_start3A_36 : memref<1x512xi32, #tpu.memory_space<hbm>> -> memref<512xi32, #tpu.memory_space<hbm>>
        %dma_start3A_38 = tpu.memref_slice %arg6[%run_scoped3A, %multiple_of3A] : memref<4x344064xi32, #tpu.memory_space<hbm>> -> memref<1x512xi32, #tpu.memory_space<hbm>>
        %dma_start3A_39 = tpu.memref_squeeze %dma_start3A_38 : memref<1x512xi32, #tpu.memory_space<hbm>> -> memref<512xi32, #tpu.memory_space<hbm>>
        tpu.enqueue_dma source(%dma_start3A_39 : memref<512xi32, #tpu.memory_space<hbm>>) target(%arg8 : memref<512xi32, #tpu.memory_space<vmem>>) target_semaphore(%run_scoped3A_35 : memref<!tpu.dma_semaphore, #tpu.memory_space<semaphore_mem>>)
        %dma_wait3A_40 = tpu.memref_slice %arg6[%run_scoped3A, %multiple_of3A] : memref<4x344064xi32, #tpu.memory_space<hbm>> -> memref<1x512xi32, #tpu.memory_space<hbm>>
        %dma_wait3A_41 = tpu.memref_squeeze %dma_wait3A_40 : memref<1x512xi32, #tpu.memory_space<hbm>> -> memref<512xi32, #tpu.memory_space<hbm>>
        %dma_wait3A_42 = tpu.memref_slice %arg6[%run_scoped3A, %multiple_of3A] : memref<4x344064xi32, #tpu.memory_space<hbm>> -> memref<1x512xi32, #tpu.memory_space<hbm>>
        %dma_wait3A_43 = tpu.memref_squeeze %dma_wait3A_42 : memref<1x512xi32, #tpu.memory_space<hbm>> -> memref<512xi32, #tpu.memory_space<hbm>>
        tpu.wait_dma2 semaphore(%run_scoped3A_35 : memref<!tpu.dma_semaphore, #tpu.memory_space<semaphore_mem>>) src(%dma_wait3A_43 : memref<512xi32, #tpu.memory_space<hbm>>) dst(%arg8 : memref<512xi32, #tpu.memory_space<vmem>>)
        tpu.yield
      }) : () -> ()
      %dma_start3A = arith.constant 0 : i32
      %dma_start3A_30 = arith.constant 0 : i32
      %dma_start3A_31 = tpu.memref_slice %arg5[%dma_start3A, %dma_start3A_30] : memref<10001x128xf32, #tpu.memory_space<hbm>> -> memref<10001x128xf32, #tpu.memory_space<hbm>>
      tpu.enqueue_indirect_dma source(%dma_start3A_31 : memref<10001x128xf32, #tpu.memory_space<hbm>>) target(%arg9 : memref<512x128xf32, #tpu.memory_space<vmem>>) offsets(%arg8 : memref<512xi32, #tpu.memory_space<vmem>>) semaphore(%arg10 : memref<!tpu.dma_semaphore, #tpu.memory_space<semaphore_mem>>)
      %dma_wait3A = arith.constant 0 : i32
      %dma_wait3A_32 = arith.constant 0 : i32
      %dma_wait3A_33 = tpu.memref_slice %arg5[%dma_wait3A, %dma_wait3A_32] : memref<10001x128xf32, #tpu.memory_space<hbm>> -> memref<10001x128xf32, #tpu.memory_space<hbm>>
      tpu.wait_indirect_dma semaphore(%arg10 : memref<!tpu.dma_semaphore, #tpu.memory_space<semaphore_mem>>) src(%dma_wait3A_33 : memref<10001x128xf32, #tpu.memory_space<hbm>>) dst(%arg9 : memref<512x128xf32, #tpu.memory_space<vmem>>)
      %run_scoped3A_34 = arith.constant 3 : i32
      "tpu.region"() ({
        %run_scoped3A_35 = tpu.sem_alloc : memref<!tpu.dma_semaphore, #tpu.memory_space<semaphore_mem>>
        %dma_start3A_36 = arith.constant 0 : i32
        %dma_start3A_37 = tpu.memref_slice %arg7[%run_scoped3A_34, %multiple_of3A, %dma_start3A_36] : memref<4x344064x128xf32, #tpu.memory_space<hbm>> -> memref<1x512x128xf32, #tpu.memory_space<hbm>>
        %dma_start3A_38 = tpu.memref_squeeze %dma_start3A_37 : memref<1x512x128xf32, #tpu.memory_space<hbm>> -> memref<512x128xf32, #tpu.memory_space<hbm>>
        %dma_start3A_39 = arith.constant 0 : i32
        %dma_start3A_40 = tpu.memref_slice %arg7[%run_scoped3A_34, %multiple_of3A, %dma_start3A_39] : memref<4x344064x128xf32, #tpu.memory_space<hbm>> -> memref<1x512x128xf32, #tpu.memory_space<hbm>>
        %dma_start3A_41 = tpu.memref_squeeze %dma_start3A_40 : memref<1x512x128xf32, #tpu.memory_space<hbm>> -> memref<512x128xf32, #tpu.memory_space<hbm>>
        tpu.enqueue_dma source(%arg9 : memref<512x128xf32, #tpu.memory_space<vmem>>) target(%dma_start3A_41 : memref<512x128xf32, #tpu.memory_space<hbm>>) target_semaphore(%run_scoped3A_35 : memref<!tpu.dma_semaphore, #tpu.memory_space<semaphore_mem>>)
        %dma_wait3A_42 = arith.constant 0 : i32
        %dma_wait3A_43 = tpu.memref_slice %arg7[%run_scoped3A_34, %multiple_of3A, %dma_wait3A_42] : memref<4x344064x128xf32, #tpu.memory_space<hbm>> -> memref<1x512x128xf32, #tpu.memory_space<hbm>>
        %dma_wait3A_44 = tpu.memref_squeeze %dma_wait3A_43 : memref<1x512x128xf32, #tpu.memory_space<hbm>> -> memref<512x128xf32, #tpu.memory_space<hbm>>
        %dma_wait3A_45 = arith.constant 0 : i32
        %dma_wait3A_46 = tpu.memref_slice %arg7[%run_scoped3A_34, %multiple_of3A, %dma_wait3A_45] : memref<4x344064x128xf32, #tpu.memory_space<hbm>> -> memref<1x512x128xf32, #tpu.memory_space<hbm>>
        %dma_wait3A_47 = tpu.memref_squeeze %dma_wait3A_46 : memref<1x512x128xf32, #tpu.memory_space<hbm>> -> memref<512x128xf32, #tpu.memory_space<hbm>>
        tpu.wait_dma2 semaphore(%run_scoped3A_35 : memref<!tpu.dma_semaphore, #tpu.memory_space<semaphore_mem>>) src(%arg9 : memref<512x128xf32, #tpu.memory_space<vmem>>) dst(%dma_wait3A_47 : memref<512x128xf32, #tpu.memory_space<hbm>>)
        tpu.yield
      }) : () -> ()
    }
    %scan3A_25 = arith.constant 21 : i32
    return
  }
}

module attributes {stable_mosaic.version = 14 : i64} {
  func.func @_pass1_body(%arg0: i32, %arg1: i32, %arg2: memref<1x2048x128xf32, #tpu.memory_space<vmem>>, %arg3: memref<1x2048x128xf32, #tpu.memory_space<vmem>>, %arg4: memref<8x128xf32, #tpu.memory_space<vmem>>, %arg5: memref<2048x128xf32, #tpu.memory_space<vmem>>, %arg6: memref<8x128xf32, #tpu.memory_space<vmem>>, %arg7: memref<8x128xf32, #tpu.memory_space<vmem>>) attributes {dimension_semantics = [#tpu.dimension_semantics<arbitrary>, #tpu.dimension_semantics<arbitrary>], iteration_bounds = array<i64: 1, 168>, scalar_prefetch = 0 : i64, scratch_operands = 0 : i64, tpu.core_type = #tpu.core_type<tc>, window_params = [{transform_indices = @transform_0, window_bounds = array<i64: 1, 2048, 128>}, {transform_indices = @transform_1, window_bounds = array<i64: 1, 2048, 128>}, {pipeline_mode = #tpu.pipeline_mode<synchronous>, transform_indices = @transform_2, window_bounds = array<i64: 8, 128>}, {transform_indices = @transform_3, window_bounds = array<i64: 2048, 128>}, {pipeline_mode = #tpu.pipeline_mode<synchronous>, transform_indices = @transform_4, window_bounds = array<i64: 8, 128>}, {pipeline_mode = #tpu.pipeline_mode<synchronous>, transform_indices = @transform_5, window_bounds = array<i64: 8, 128>}]} {
    %get3A = arith.constant 0 : index
    %get3A_0 = arith.constant 0 : index
    %get3A_1 = arith.constant 0 : index
    %get3A_2 = vector.load %arg2[%get3A, %get3A_0, %get3A_1] : memref<1x2048x128xf32, #tpu.memory_space<vmem>>, vector<1x2048x128xf32>
    %get3A_3 = vector.shape_cast %get3A_2 : vector<1x2048x128xf32> to vector<2048x128xf32>
    %get3A_4 = arith.constant 0 : index
    %get3A_5 = arith.constant 0 : index
    %get3A_6 = arith.constant 0 : index
    %get3A_7 = vector.load %arg3[%get3A_4, %get3A_5, %get3A_6] : memref<1x2048x128xf32, #tpu.memory_space<vmem>>, vector<1x2048x128xf32>
    %get3A_8 = vector.shape_cast %get3A_7 : vector<1x2048x128xf32> to vector<2048x128xf32>
    %add3A = arith.addf %get3A_3, %get3A_8 : vector<2048x128xf32>
    %get3A_9 = arith.constant 0 : index
    %get3A_10 = arith.constant 0 : index
    %get3A_11 = vector.load %arg4[%get3A_9, %get3A_10] : memref<8x128xf32, #tpu.memory_space<vmem>>, vector<1x128xf32>
    %add3A_12 = vector.broadcast %get3A_11 : vector<1x128xf32> to vector<2048x128xf32>
    %add3A_13 = arith.addf %add3A, %add3A_12 : vector<2048x128xf32>
    %max3A = arith.constant 0.000000e+00 : f32
    %max3A_14 = vector.broadcast %max3A : f32 to vector<2048x128xf32>
    %max3A_15 = arith.maximumf %add3A_13, %max3A_14 : vector<2048x128xf32>
    %slice3A = vector.extract_strided_slice %add3A_13 {offsets = [0, 0], sizes = [2048, 1], strides = [1, 1]} : vector<2048x128xf32> to vector<2048x1xf32>
    %lt3A = arith.constant -1.000000e+29 : f32
    %lt3A_16 = vector.broadcast %lt3A : f32 to vector<2048x1xf32>
    %lt3A_17 = arith.cmpf olt, %slice3A, %lt3A_16 : vector<2048x1xf32>
    %jit3A = arith.constant -1.000000e+00 : f32
    %broadcast_in_dim3A = vector.shape_cast %lt3A_17 : vector<2048x1xi1> to vector<2048x1xi1>
    %broadcast_in_dim3A_18 = vector.broadcast %broadcast_in_dim3A : vector<2048x1xi1> to vector<2048x128xi1>
    %broadcast_in_dim3A_19 = vector.broadcast %jit3A : f32 to vector<2048x128xf32>
    %select_n3A = arith.select %broadcast_in_dim3A_18, %broadcast_in_dim3A_19, %max3A_15 : vector<2048x128xi1>, vector<2048x128xf32>
    %swap3A = arith.constant 0 : index
    %swap3A_20 = arith.constant 0 : index
    %swap3A_21 = vector.load %arg5[%swap3A, %swap3A_20] : memref<2048x128xf32, #tpu.memory_space<vmem>>, vector<2048x128xf32>
    tpu.vector_store %arg5[%swap3A, %swap3A_20], %select_n3A {strides = array<i32>} : memref<2048x128xf32, #tpu.memory_space<vmem>>, vector<2048x128xf32>,
    %reduce_sum3A = arith.constant dense<0.000000e+00> : vector<128xf32>
    %reduce_sum3A_22 = vector.multi_reduction <add>, %max3A_15, %reduce_sum3A [0] : vector<2048x128xf32> to vector<128xf32>
    %broadcast_in_dim3A_23 = vector.shape_cast %reduce_sum3A_22 : vector<128xf32> to vector<1x128xf32>
    %mul3A = arith.mulf %max3A_15, %max3A_15 : vector<2048x128xf32>
    %reduce_sum3A_24 = arith.constant dense<0.000000e+00> : vector<128xf32>
    %reduce_sum3A_25 = vector.multi_reduction <add>, %mul3A, %reduce_sum3A_24 [0] : vector<2048x128xf32> to vector<128xf32>
    %broadcast_in_dim3A_26 = vector.shape_cast %reduce_sum3A_25 : vector<128xf32> to vector<1x128xf32>
    %eq3A = arith.constant 0 : i32
    %eq3A_27 = arith.cmpi eq, %arg1, %eq3A : i32
    %convert_element_type3A = arith.extui %eq3A_27 : i1 to i32
    %cond3A = arith.constant 0 : i32
    %cond3A_28 = arith.cmpi ne, %convert_element_type3A, %cond3A : i32
    scf.if %cond3A_28 {
      %broadcast_in_dim3A_47 = arith.constant 0.000000e+00 : f32
      %broadcast_in_dim3A_48 = vector.broadcast %broadcast_in_dim3A_47 : f32 to vector<8x128xf32>
      %swap3A_49 = arith.constant 0 : index
      %swap3A_50 = arith.constant 0 : index
      %swap3A_51 = vector.load %arg6[%swap3A_49, %swap3A_50] : memref<8x128xf32, #tpu.memory_space<vmem>>, vector<8x128xf32>
      tpu.vector_store %arg6[%swap3A_49, %swap3A_50], %broadcast_in_dim3A_48 {strides = array<i32>} : memref<8x128xf32, #tpu.memory_space<vmem>>, vector<8x128xf32>,
      %broadcast_in_dim3A_52 = arith.constant 0.000000e+00 : f32
      %broadcast_in_dim3A_53 = vector.broadcast %broadcast_in_dim3A_52 : f32 to vector<8x128xf32>
      %swap3A_54 = arith.constant 0 : index
      %swap3A_55 = arith.constant 0 : index
      %swap3A_56 = vector.load %arg7[%swap3A_54, %swap3A_55] : memref<8x128xf32, #tpu.memory_space<vmem>>, vector<8x128xf32>
      tpu.vector_store %arg7[%swap3A_54, %swap3A_55], %broadcast_in_dim3A_53 {strides = array<i32>} : memref<8x128xf32, #tpu.memory_space<vmem>>, vector<8x128xf32>,
    } else {
    }
    %get3A_29 = arith.constant 0 : index
    %get3A_30 = arith.constant 0 : index
    %get3A_31 = vector.load %arg6[%get3A_29, %get3A_30] : memref<8x128xf32, #tpu.memory_space<vmem>>, vector<8x128xf32>
    %broadcast_in_dim3A_32 = vector.shape_cast %broadcast_in_dim3A_23 : vector<1x128xf32> to vector<1x128xf32>
    %broadcast_in_dim3A_33 = vector.broadcast %broadcast_in_dim3A_32 : vector<1x128xf32> to vector<8x128xf32>
    %add3A_34 = arith.addf %get3A_31, %broadcast_in_dim3A_33 : vector<8x128xf32>
    %swap3A_35 = arith.constant 0 : index
    %swap3A_36 = arith.constant 0 : index
    %swap3A_37 = vector.load %arg6[%swap3A_35, %swap3A_36] : memref<8x128xf32, #tpu.memory_space<vmem>>, vector<8x128xf32>
    tpu.vector_store %arg6[%swap3A_35, %swap3A_36], %add3A_34 {strides = array<i32>} : memref<8x128xf32, #tpu.memory_space<vmem>>, vector<8x128xf32>,
    %get3A_38 = arith.constant 0 : index
    %get3A_39 = arith.constant 0 : index
    %get3A_40 = vector.load %arg7[%get3A_38, %get3A_39] : memref<8x128xf32, #tpu.memory_space<vmem>>, vector<8x128xf32>
    %broadcast_in_dim3A_41 = vector.shape_cast %broadcast_in_dim3A_26 : vector<1x128xf32> to vector<1x128xf32>
    %broadcast_in_dim3A_42 = vector.broadcast %broadcast_in_dim3A_41 : vector<1x128xf32> to vector<8x128xf32>
    %add3A_43 = arith.addf %get3A_40, %broadcast_in_dim3A_42 : vector<8x128xf32>
    %swap3A_44 = arith.constant 0 : index
    %swap3A_45 = arith.constant 0 : index
    %swap3A_46 = vector.load %arg7[%swap3A_44, %swap3A_45] : memref<8x128xf32, #tpu.memory_space<vmem>>, vector<8x128xf32>
    tpu.vector_store %arg7[%swap3A_44, %swap3A_45], %add3A_43 {strides = array<i32>} : memref<8x128xf32, #tpu.memory_space<vmem>>, vector<8x128xf32>,
    return
  }
  func.func @transform_0(%arg0: i32, %arg1: i32) -> (i32, i32, i32) {
    %c0_i32 = arith.constant 0 : i32
    %c0_i32_0 = arith.constant 0 : i32
    %c0_i32_1 = arith.constant 0 : i32
    return %c0_i32, %arg1, %c0_i32_0 : i32, i32, i32
  }
  func.func @transform_1(%arg0: i32, %arg1: i32) -> (i32, i32, i32) {
    %c1_i32 = arith.constant 1 : i32
    %c0_i32 = arith.constant 0 : i32
    %c0_i32_0 = arith.constant 0 : i32
    return %c1_i32, %arg1, %c0_i32 : i32, i32, i32
  }
  func.func @transform_2(%arg0: i32, %arg1: i32) -> (i32, i32) {
    %c0_i32 = arith.constant 0 : i32
    %c0_i32_0 = arith.constant 0 : i32
    %c0_i32_1 = arith.constant 0 : i32
    return %c0_i32, %c0_i32_0 : i32, i32
  }
  func.func @transform_3(%arg0: i32, %arg1: i32) -> (i32, i32) {
    %c0_i32 = arith.constant 0 : i32
    %c0_i32_0 = arith.constant 0 : i32
    return %arg1, %c0_i32 : i32, i32
  }
  func.func @transform_4(%arg0: i32, %arg1: i32) -> (i32, i32) {
    %c0_i32 = arith.constant 0 : i32
    %c0_i32_0 = arith.constant 0 : i32
    %c0_i32_1 = arith.constant 0 : i32
    return %c0_i32, %c0_i32_0 : i32, i32
  }
  func.func @transform_5(%arg0: i32, %arg1: i32) -> (i32, i32) {
    %c0_i32 = arith.constant 0 : i32
    %c0_i32_0 = arith.constant 0 : i32
    %c0_i32_1 = arith.constant 0 : i32
    return %c0_i32, %c0_i32_0 : i32, i32
  }
}

module attributes {stable_mosaic.version = 14 : i64} {
  func.func @_pass2_body(%arg0: i32, %arg1: i32, %arg2: memref<2048x128xf32, #tpu.memory_space<vmem>>, %arg3: memref<128x80xf32, #tpu.memory_space<vmem>>, %arg4: memref<8x80xf32, #tpu.memory_space<vmem>>, %arg5: memref<2048x80xf32, #tpu.memory_space<vmem>>, %arg6: memref<8x80xf32, #tpu.memory_space<vmem>>, %arg7: memref<8x80xf32, #tpu.memory_space<vmem>>) attributes {dimension_semantics = [#tpu.dimension_semantics<arbitrary>, #tpu.dimension_semantics<arbitrary>], iteration_bounds = array<i64: 1, 168>, scalar_prefetch = 0 : i64, scratch_operands = 0 : i64, tpu.core_type = #tpu.core_type<tc>, window_params = [{transform_indices = @transform_0, window_bounds = array<i64: 2048, 128>}, {pipeline_mode = #tpu.pipeline_mode<synchronous>, transform_indices = @transform_1, window_bounds = array<i64: 128, 80>}, {pipeline_mode = #tpu.pipeline_mode<synchronous>, transform_indices = @transform_2, window_bounds = array<i64: 8, 80>}, {transform_indices = @transform_3, window_bounds = array<i64: 2048, 80>}, {pipeline_mode = #tpu.pipeline_mode<synchronous>, transform_indices = @transform_4, window_bounds = array<i64: 8, 80>}, {pipeline_mode = #tpu.pipeline_mode<synchronous>, transform_indices = @transform_5, window_bounds = array<i64: 8, 80>}]} {
    %get3A = arith.constant 0 : index
    %get3A_0 = arith.constant 0 : index
    %get3A_1 = vector.load %arg2[%get3A, %get3A_0] : memref<2048x128xf32, #tpu.memory_space<vmem>>, vector<2048x128xf32>
    %slice3A = vector.extract_strided_slice %get3A_1 {offsets = [0, 0], sizes = [2048, 1], strides = [1, 1]} : vector<2048x128xf32> to vector<2048x1xf32>
    %lt3A = arith.constant -5.000000e-01 : f32
    %lt3A_2 = vector.broadcast %lt3A : f32 to vector<2048x1xf32>
    %lt3A_3 = arith.cmpf olt, %slice3A, %lt3A_2 : vector<2048x1xf32>
    %max3A = arith.constant 0.000000e+00 : f32
    %max3A_4 = vector.broadcast %max3A : f32 to vector<2048x128xf32>
    %max3A_5 = arith.maximumf %get3A_1, %max3A_4 : vector<2048x128xf32>
    %get3A_6 = arith.constant 0 : index
    %get3A_7 = arith.constant 0 : index
    %get3A_8 = vector.load %arg3[%get3A_6, %get3A_7] : memref<128x80xf32, #tpu.memory_space<vmem>>, vector<128x80xf32>
    %dot_general3A = arith.constant dense<0.000000e+00> : vector<2048x80xf32>
    %dot_general3A_9 = tpu.matmul %max3A_5, %get3A_8, %dot_general3A {dimension_numbers = #tpu.dot_dimension_numbers<[1], [0], [0], [1], [0, 0, 1, 1], [], []>, precision = #tpu.contract_precision<fp32>, transpose_lhs_hint = false} : vector<2048x128xf32>, vector<128x80xf32>, vector<2048x80xf32> -> vector<2048x80xf32>
    %get3A_10 = arith.constant 0 : index
    %get3A_11 = arith.constant 0 : index
    %get3A_12 = vector.load %arg4[%get3A_10, %get3A_11] : memref<8x80xf32, #tpu.memory_space<vmem>>, vector<1x80xf32>
    %add3A = vector.broadcast %get3A_12 : vector<1x80xf32> to vector<2048x80xf32>
    %add3A_13 = arith.addf %dot_general3A_9, %add3A : vector<2048x80xf32>
    %max3A_14 = arith.constant 0.000000e+00 : f32
    %max3A_15 = vector.broadcast %max3A_14 : f32 to vector<2048x80xf32>
    %max3A_16 = arith.maximumf %add3A_13, %max3A_15 : vector<2048x80xf32>
    %jit3A = arith.constant -1.000000e+30 : f32
    %broadcast_in_dim3A = vector.shape_cast %lt3A_3 : vector<2048x1xi1> to vector<2048x1xi1>
    %broadcast_in_dim3A_17 = vector.broadcast %broadcast_in_dim3A : vector<2048x1xi1> to vector<2048x80xi1>
    %broadcast_in_dim3A_18 = vector.broadcast %jit3A : f32 to vector<2048x80xf32>
    %select_n3A = arith.select %broadcast_in_dim3A_17, %broadcast_in_dim3A_18, %max3A_16 : vector<2048x80xi1>, vector<2048x80xf32>
    %swap3A = arith.constant 0 : index
    %swap3A_19 = arith.constant 0 : index
    %swap3A_20 = vector.load %arg5[%swap3A, %swap3A_19] : memref<2048x80xf32, #tpu.memory_space<vmem>>, vector<2048x80xf32>
    tpu.vector_store %arg5[%swap3A, %swap3A_19], %select_n3A {strides = array<i32>} : memref<2048x80xf32, #tpu.memory_space<vmem>>, vector<2048x80xf32>,
    %jit3A_21 = arith.constant 0.000000e+00 : f32
    %broadcast_in_dim3A_22 = vector.shape_cast %lt3A_3 : vector<2048x1xi1> to vector<2048x1xi1>
    %broadcast_in_dim3A_23 = vector.broadcast %broadcast_in_dim3A_22 : vector<2048x1xi1> to vector<2048x80xi1>
    %broadcast_in_dim3A_24 = vector.broadcast %jit3A_21 : f32 to vector<2048x80xf32>
    %select_n3A_25 = arith.select %broadcast_in_dim3A_23, %broadcast_in_dim3A_24, %max3A_16 : vector<2048x80xi1>, vector<2048x80xf32>
    %reduce_sum3A = arith.constant dense<0.000000e+00> : vector<80xf32>
    %reduce_sum3A_26 = vector.multi_reduction <add>, %select_n3A_25, %reduce_sum3A [0] : vector<2048x80xf32> to vector<80xf32>
    %broadcast_in_dim3A_27 = vector.shape_cast %reduce_sum3A_26 : vector<80xf32> to vector<1x80xf32>
    %mul3A = arith.mulf %select_n3A_25, %select_n3A_25 : vector<2048x80xf32>
    %reduce_sum3A_28 = arith.constant dense<0.000000e+00> : vector<80xf32>
    %reduce_sum3A_29 = vector.multi_reduction <add>, %mul3A, %reduce_sum3A_28 [0] : vector<2048x80xf32> to vector<80xf32>
    %broadcast_in_dim3A_30 = vector.shape_cast %reduce_sum3A_29 : vector<80xf32> to vector<1x80xf32>
    %eq3A = arith.constant 0 : i32
    %eq3A_31 = arith.cmpi eq, %arg1, %eq3A : i32
    %convert_element_type3A = arith.extui %eq3A_31 : i1 to i32
    %cond3A = arith.constant 0 : i32
    %cond3A_32 = arith.cmpi ne, %convert_element_type3A, %cond3A : i32
    scf.if %cond3A_32 {
      %broadcast_in_dim3A_51 = arith.constant 0.000000e+00 : f32
      %broadcast_in_dim3A_52 = vector.broadcast %broadcast_in_dim3A_51 : f32 to vector<8x80xf32>
      %swap3A_53 = arith.constant 0 : index
      %swap3A_54 = arith.constant 0 : index
      %swap3A_55 = vector.load %arg6[%swap3A_53, %swap3A_54] : memref<8x80xf32, #tpu.memory_space<vmem>>, vector<8x80xf32>
      tpu.vector_store %arg6[%swap3A_53, %swap3A_54], %broadcast_in_dim3A_52 {strides = array<i32>} : memref<8x80xf32, #tpu.memory_space<vmem>>, vector<8x80xf32>,
      %broadcast_in_dim3A_56 = arith.constant 0.000000e+00 : f32
      %broadcast_in_dim3A_57 = vector.broadcast %broadcast_in_dim3A_56 : f32 to vector<8x80xf32>
      %swap3A_58 = arith.constant 0 : index
      %swap3A_59 = arith.constant 0 : index
      %swap3A_60 = vector.load %arg7[%swap3A_58, %swap3A_59] : memref<8x80xf32, #tpu.memory_space<vmem>>, vector<8x80xf32>
      tpu.vector_store %arg7[%swap3A_58, %swap3A_59], %broadcast_in_dim3A_57 {strides = array<i32>} : memref<8x80xf32, #tpu.memory_space<vmem>>, vector<8x80xf32>,
    } else {
    }
    %get3A_33 = arith.constant 0 : index
    %get3A_34 = arith.constant 0 : index
    %get3A_35 = vector.load %arg6[%get3A_33, %get3A_34] : memref<8x80xf32, #tpu.memory_space<vmem>>, vector<8x80xf32>
    %broadcast_in_dim3A_36 = vector.shape_cast %broadcast_in_dim3A_27 : vector<1x80xf32> to vector<1x80xf32>
    %broadcast_in_dim3A_37 = vector.broadcast %broadcast_in_dim3A_36 : vector<1x80xf32> to vector<8x80xf32>
    %add3A_38 = arith.addf %get3A_35, %broadcast_in_dim3A_37 : vector<8x80xf32>
    %swap3A_39 = arith.constant 0 : index
    %swap3A_40 = arith.constant 0 : index
    %swap3A_41 = vector.load %arg6[%swap3A_39, %swap3A_40] : memref<8x80xf32, #tpu.memory_space<vmem>>, vector<8x80xf32>
    tpu.vector_store %arg6[%swap3A_39, %swap3A_40], %add3A_38 {strides = array<i32>} : memref<8x80xf32, #tpu.memory_space<vmem>>, vector<8x80xf32>,
    %get3A_42 = arith.constant 0 : index
    %get3A_43 = arith.constant 0 : index
    %get3A_44 = vector.load %arg7[%get3A_42, %get3A_43] : memref<8x80xf32, #tpu.memory_space<vmem>>, vector<8x80xf32>
    %broadcast_in_dim3A_45 = vector.shape_cast %broadcast_in_dim3A_30 : vector<1x80xf32> to vector<1x80xf32>
    %broadcast_in_dim3A_46 = vector.broadcast %broadcast_in_dim3A_45 : vector<1x80xf32> to vector<8x80xf32>
    %add3A_47 = arith.addf %get3A_44, %broadcast_in_dim3A_46 : vector<8x80xf32>
    %swap3A_48 = arith.constant 0 : index
    %swap3A_49 = arith.constant 0 : index
    %swap3A_50 = vector.load %arg7[%swap3A_48, %swap3A_49] : memref<8x80xf32, #tpu.memory_space<vmem>>, vector<8x80xf32>
    tpu.vector_store %arg7[%swap3A_48, %swap3A_49], %add3A_47 {strides = array<i32>} : memref<8x80xf32, #tpu.memory_space<vmem>>, vector<8x80xf32>,
    return
  }
  func.func @transform_0(%arg0: i32, %arg1: i32) -> (i32, i32) {
    %c0_i32 = arith.constant 0 : i32
    %c0_i32_0 = arith.constant 0 : i32
    return %arg1, %c0_i32 : i32, i32
  }
  func.func @transform_1(%arg0: i32, %arg1: i32) -> (i32, i32) {
    %c0_i32 = arith.constant 0 : i32
    %c0_i32_0 = arith.constant 0 : i32
    %c0_i32_1 = arith.constant 0 : i32
    return %c0_i32, %c0_i32_0 : i32, i32
  }
  func.func @transform_2(%arg0: i32, %arg1: i32) -> (i32, i32) {
    %c0_i32 = arith.constant 0 : i32
    %c0_i32_0 = arith.constant 0 : i32
    %c0_i32_1 = arith.constant 0 : i32
    return %c0_i32, %c0_i32_0 : i32, i32
  }
  func.func @transform_3(%arg0: i32, %arg1: i32) -> (i32, i32) {
    %c0_i32 = arith.constant 0 : i32
    %c0_i32_0 = arith.constant 0 : i32
    return %arg1, %c0_i32 : i32, i32
  }
  func.func @transform_4(%arg0: i32, %arg1: i32) -> (i32, i32) {
    %c0_i32 = arith.constant 0 : i32
    %c0_i32_0 = arith.constant 0 : i32
    %c0_i32_1 = arith.constant 0 : i32
    return %c0_i32, %c0_i32_0 : i32, i32
  }
  func.func @transform_5(%arg0: i32, %arg1: i32) -> (i32, i32) {
    %c0_i32 = arith.constant 0 : i32
    %c0_i32_0 = arith.constant 0 : i32
    %c0_i32_1 = arith.constant 0 : i32
    return %c0_i32, %c0_i32_0 : i32, i32
  }
}

module attributes {stable_mosaic.version = 14 : i64} {
  func.func @_pass1_body(%arg0: i32, %arg1: i32, %arg2: memref<1x2048x128xf32, #tpu.memory_space<vmem>>, %arg3: memref<1x2048x128xf32, #tpu.memory_space<vmem>>, %arg4: memref<8x128xf32, #tpu.memory_space<vmem>>, %arg5: memref<2048x128xf32, #tpu.memory_space<vmem>>, %arg6: memref<8x128xf32, #tpu.memory_space<vmem>>, %arg7: memref<8x128xf32, #tpu.memory_space<vmem>>) attributes {dimension_semantics = [#tpu.dimension_semantics<arbitrary>, #tpu.dimension_semantics<arbitrary>], iteration_bounds = array<i64: 1, 168>, scalar_prefetch = 0 : i64, scratch_operands = 0 : i64, tpu.core_type = #tpu.core_type<tc>, window_params = [{transform_indices = @transform_0, window_bounds = array<i64: 1, 2048, 128>}, {transform_indices = @transform_1, window_bounds = array<i64: 1, 2048, 128>}, {pipeline_mode = #tpu.pipeline_mode<synchronous>, transform_indices = @transform_2, window_bounds = array<i64: 8, 128>}, {transform_indices = @transform_3, window_bounds = array<i64: 2048, 128>}, {pipeline_mode = #tpu.pipeline_mode<synchronous>, transform_indices = @transform_4, window_bounds = array<i64: 8, 128>}, {pipeline_mode = #tpu.pipeline_mode<synchronous>, transform_indices = @transform_5, window_bounds = array<i64: 8, 128>}]} {
    %get3A = arith.constant 0 : index
    %get3A_0 = arith.constant 0 : index
    %get3A_1 = arith.constant 0 : index
    %get3A_2 = vector.load %arg2[%get3A, %get3A_0, %get3A_1] : memref<1x2048x128xf32, #tpu.memory_space<vmem>>, vector<1x2048x128xf32>
    %get3A_3 = vector.shape_cast %get3A_2 : vector<1x2048x128xf32> to vector<2048x128xf32>
    %get3A_4 = arith.constant 0 : index
    %get3A_5 = arith.constant 0 : index
    %get3A_6 = arith.constant 0 : index
    %get3A_7 = vector.load %arg3[%get3A_4, %get3A_5, %get3A_6] : memref<1x2048x128xf32, #tpu.memory_space<vmem>>, vector<1x2048x128xf32>
    %get3A_8 = vector.shape_cast %get3A_7 : vector<1x2048x128xf32> to vector<2048x128xf32>
    %add3A = arith.addf %get3A_3, %get3A_8 : vector<2048x128xf32>
    %get3A_9 = arith.constant 0 : index
    %get3A_10 = arith.constant 0 : index
    %get3A_11 = vector.load %arg4[%get3A_9, %get3A_10] : memref<8x128xf32, #tpu.memory_space<vmem>>, vector<1x128xf32>
    %add3A_12 = vector.broadcast %get3A_11 : vector<1x128xf32> to vector<2048x128xf32>
    %add3A_13 = arith.addf %add3A, %add3A_12 : vector<2048x128xf32>
    %max3A = arith.constant 0.000000e+00 : f32
    %max3A_14 = vector.broadcast %max3A : f32 to vector<2048x128xf32>
    %max3A_15 = arith.maximumf %add3A_13, %max3A_14 : vector<2048x128xf32>
    %slice3A = vector.extract_strided_slice %add3A_13 {offsets = [0, 0], sizes = [2048, 1], strides = [1, 1]} : vector<2048x128xf32> to vector<2048x1xf32>
    %lt3A = arith.constant -1.000000e+29 : f32
    %lt3A_16 = vector.broadcast %lt3A : f32 to vector<2048x1xf32>
    %lt3A_17 = arith.cmpf olt, %slice3A, %lt3A_16 : vector<2048x1xf32>
    %jit3A = arith.constant -1.000000e+00 : f32
    %broadcast_in_dim3A = vector.shape_cast %lt3A_17 : vector<2048x1xi1> to vector<2048x1xi1>
    %broadcast_in_dim3A_18 = vector.broadcast %broadcast_in_dim3A : vector<2048x1xi1> to vector<2048x128xi1>
    %broadcast_in_dim3A_19 = vector.broadcast %jit3A : f32 to vector<2048x128xf32>
    %select_n3A = arith.select %broadcast_in_dim3A_18, %broadcast_in_dim3A_19, %max3A_15 : vector<2048x128xi1>, vector<2048x128xf32>
    %swap3A = arith.constant 0 : index
    %swap3A_20 = arith.constant 0 : index
    %swap3A_21 = vector.load %arg5[%swap3A, %swap3A_20] : memref<2048x128xf32, #tpu.memory_space<vmem>>, vector<2048x128xf32>
    tpu.vector_store %arg5[%swap3A, %swap3A_20], %select_n3A {strides = array<i32>} : memref<2048x128xf32, #tpu.memory_space<vmem>>, vector<2048x128xf32>,
    %reduce_sum3A = arith.constant dense<0.000000e+00> : vector<128xf32>
    %reduce_sum3A_22 = vector.multi_reduction <add>, %max3A_15, %reduce_sum3A [0] : vector<2048x128xf32> to vector<128xf32>
    %broadcast_in_dim3A_23 = vector.shape_cast %reduce_sum3A_22 : vector<128xf32> to vector<1x128xf32>
    %mul3A = arith.mulf %max3A_15, %max3A_15 : vector<2048x128xf32>
    %reduce_sum3A_24 = arith.constant dense<0.000000e+00> : vector<128xf32>
    %reduce_sum3A_25 = vector.multi_reduction <add>, %mul3A, %reduce_sum3A_24 [0] : vector<2048x128xf32> to vector<128xf32>
    %broadcast_in_dim3A_26 = vector.shape_cast %reduce_sum3A_25 : vector<128xf32> to vector<1x128xf32>
    %eq3A = arith.constant 0 : i32
    %eq3A_27 = arith.cmpi eq, %arg1, %eq3A : i32
    %convert_element_type3A = arith.extui %eq3A_27 : i1 to i32
    %cond3A = arith.constant 0 : i32
    %cond3A_28 = arith.cmpi ne, %convert_element_type3A, %cond3A : i32
    scf.if %cond3A_28 {
      %broadcast_in_dim3A_47 = arith.constant 0.000000e+00 : f32
      %broadcast_in_dim3A_48 = vector.broadcast %broadcast_in_dim3A_47 : f32 to vector<8x128xf32>
      %swap3A_49 = arith.constant 0 : index
      %swap3A_50 = arith.constant 0 : index
      %swap3A_51 = vector.load %arg6[%swap3A_49, %swap3A_50] : memref<8x128xf32, #tpu.memory_space<vmem>>, vector<8x128xf32>
      tpu.vector_store %arg6[%swap3A_49, %swap3A_50], %broadcast_in_dim3A_48 {strides = array<i32>} : memref<8x128xf32, #tpu.memory_space<vmem>>, vector<8x128xf32>,
      %broadcast_in_dim3A_52 = arith.constant 0.000000e+00 : f32
      %broadcast_in_dim3A_53 = vector.broadcast %broadcast_in_dim3A_52 : f32 to vector<8x128xf32>
      %swap3A_54 = arith.constant 0 : index
      %swap3A_55 = arith.constant 0 : index
      %swap3A_56 = vector.load %arg7[%swap3A_54, %swap3A_55] : memref<8x128xf32, #tpu.memory_space<vmem>>, vector<8x128xf32>
      tpu.vector_store %arg7[%swap3A_54, %swap3A_55], %broadcast_in_dim3A_53 {strides = array<i32>} : memref<8x128xf32, #tpu.memory_space<vmem>>, vector<8x128xf32>,
    } else {
    }
    %get3A_29 = arith.constant 0 : index
    %get3A_30 = arith.constant 0 : index
    %get3A_31 = vector.load %arg6[%get3A_29, %get3A_30] : memref<8x128xf32, #tpu.memory_space<vmem>>, vector<8x128xf32>
    %broadcast_in_dim3A_32 = vector.shape_cast %broadcast_in_dim3A_23 : vector<1x128xf32> to vector<1x128xf32>
    %broadcast_in_dim3A_33 = vector.broadcast %broadcast_in_dim3A_32 : vector<1x128xf32> to vector<8x128xf32>
    %add3A_34 = arith.addf %get3A_31, %broadcast_in_dim3A_33 : vector<8x128xf32>
    %swap3A_35 = arith.constant 0 : index
    %swap3A_36 = arith.constant 0 : index
    %swap3A_37 = vector.load %arg6[%swap3A_35, %swap3A_36] : memref<8x128xf32, #tpu.memory_space<vmem>>, vector<8x128xf32>
    tpu.vector_store %arg6[%swap3A_35, %swap3A_36], %add3A_34 {strides = array<i32>} : memref<8x128xf32, #tpu.memory_space<vmem>>, vector<8x128xf32>,
    %get3A_38 = arith.constant 0 : index
    %get3A_39 = arith.constant 0 : index
    %get3A_40 = vector.load %arg7[%get3A_38, %get3A_39] : memref<8x128xf32, #tpu.memory_space<vmem>>, vector<8x128xf32>
    %broadcast_in_dim3A_41 = vector.shape_cast %broadcast_in_dim3A_26 : vector<1x128xf32> to vector<1x128xf32>
    %broadcast_in_dim3A_42 = vector.broadcast %broadcast_in_dim3A_41 : vector<1x128xf32> to vector<8x128xf32>
    %add3A_43 = arith.addf %get3A_40, %broadcast_in_dim3A_42 : vector<8x128xf32>
    %swap3A_44 = arith.constant 0 : index
    %swap3A_45 = arith.constant 0 : index
    %swap3A_46 = vector.load %arg7[%swap3A_44, %swap3A_45] : memref<8x128xf32, #tpu.memory_space<vmem>>, vector<8x128xf32>
    tpu.vector_store %arg7[%swap3A_44, %swap3A_45], %add3A_43 {strides = array<i32>} : memref<8x128xf32, #tpu.memory_space<vmem>>, vector<8x128xf32>,
    return
  }
  func.func @transform_0(%arg0: i32, %arg1: i32) -> (i32, i32, i32) {
    %c2_i32 = arith.constant 2 : i32
    %c0_i32 = arith.constant 0 : i32
    %c0_i32_0 = arith.constant 0 : i32
    return %c2_i32, %arg1, %c0_i32 : i32, i32, i32
  }
  func.func @transform_1(%arg0: i32, %arg1: i32) -> (i32, i32, i32) {
    %c3_i32 = arith.constant 3 : i32
    %c0_i32 = arith.constant 0 : i32
    %c0_i32_0 = arith.constant 0 : i32
    return %c3_i32, %arg1, %c0_i32 : i32, i32, i32
  }
  func.func @transform_2(%arg0: i32, %arg1: i32) -> (i32, i32) {
    %c0_i32 = arith.constant 0 : i32
    %c0_i32_0 = arith.constant 0 : i32
    %c0_i32_1 = arith.constant 0 : i32
    return %c0_i32, %c0_i32_0 : i32, i32
  }
  func.func @transform_3(%arg0: i32, %arg1: i32) -> (i32, i32) {
    %c0_i32 = arith.constant 0 : i32
    %c0_i32_0 = arith.constant 0 : i32
    return %arg1, %c0_i32 : i32, i32
  }
  func.func @transform_4(%arg0: i32, %arg1: i32) -> (i32, i32) {
    %c0_i32 = arith.constant 0 : i32
    %c0_i32_0 = arith.constant 0 : i32
    %c0_i32_1 = arith.constant 0 : i32
    return %c0_i32, %c0_i32_0 : i32, i32
  }
  func.func @transform_5(%arg0: i32, %arg1: i32) -> (i32, i32) {
    %c0_i32 = arith.constant 0 : i32
    %c0_i32_0 = arith.constant 0 : i32
    %c0_i32_1 = arith.constant 0 : i32
    return %c0_i32, %c0_i32_0 : i32, i32
  }
}

</mosaic_0001>

<sc_bundles>
// kernel: kernel.7.cloned.1.call-start
scs
__scs_entry_jumppad:
0x0: {  	(pc) =	sbr.rel $0x88, $3  }
0x1: {  	(tag) =	ssettag $0x0;
	lr =	simm.s32 $0x1  }
0x2: {  	[smem:$0x3F79] =	sst lr;
	_ =	strace $0xD0000000  }
0x3: {  	_ = 	snop  }
0x4: {  	_ = 	snop  }
0x5: {  	_ = 	snop  }
0x6: {  	_ = 	snop  }
0x7: {  	_ = 	snop  }
__scs_overlays_trampoline_lowered:
0x8: {  	[smem:$0x3F88] =	sst s0  }
0x9: {  	[smem:$0x3F89] =	sst s1  }
0xa: {  	[smem:$0x3F8A] =	sst s2  }
0xb: {  	[smem:$0x3F8B] =	sst s3  }
0xc: {  	[smem:$0x3F8C] =	sst s4  }
0xd: {  	[smem:$0x3F8D] =	sst s5  }
0xe: {  	[smem:$0x3F8E] =	sst s6  }
0xf: {  	[smem:$0x3F8F] =	sst s7  }
0x10: {  	[smem:$0x3F90] =	sst s8  }
0x11: {  	[smem:$0x3F91] =	sst s9;
	s0 =	simm.s32 @!p0 $0x0  }
0x12: {  	s1 =	sld [smem:$0x3F77];
	s0 =	simm.s32 @p0 $0x1  }
0x13: {  	[smem:$0x3F92] =	sst s0;
	s0 =	simm.s32 @!p1 $0x0  }
0x14: {  	s2 =	sld [smem:$0x3F76];
	s0 =	simm.s32 @p1 $0x1  }
0x15: {  	[smem:$0x3F93] =	sst s0;
	s0 =	simm.s32 @!p2 $0x0  }
0x16: {  	s3 =	sld [smem:$0x3FDB];
	s0 =	simm.s32 @p2 $0x1  }
0x17: {  	s4 =	simm.s32 $0x1BF5;
	[smem:$0x3F95] =	sst s0  }
0x18: {  	s0 =	sld [smem:$0x3F78];
	_ =	swait.ge [sflag:s4], $0x0  }
0x19: {  	s7 =	sld [smem:$0x3F79]  }
0x1a: {  	s8 =	sadd.s32 $0xFFFFE003, lr  }
0x1b: {  	s9 =	sadd.s32 $0xFFFFFEF7, lr;
	s5 =	simm.s32 $0xFFFFFFFF;
	p2 =	slt.u32 s8, $0xFFFFF086  }
0x1c: {  	p1 =	slt.u32 s9, $0xF7A;
	s5 =	simm.s32 @!p2 $0x0  }
0x1d: {  	s5 =	simm.s32 @p1 $0x1;
	p0 =	seq.s32 s7, s2  }
0x1e: {  	s7 =	smul.u32 @!p0 $0xF7A, s2;
	p2 =	seq.s32 @!p0 s5, $0x0  }
0x1f: {  	s9 =	smul.u32 $0xF7A, s1;
	s8 =	simm.s32 @!p0 $0x1BF5;
	p2 =	por !p2, p0  }
0x20: {  	[sflag:s8] =	ssyncset.s32 @!p0 $0xFFFFF086;
	s6 =	sadd.s32 @!p0 s3, s7;
	s7 =	simm.s32 @!p0 $0x108  }
0x21: {  	s3 =	sadd.s32 s3, s9;
	s6 =	sadd.s32 @!p0 $0x88, s6;
	s7 =	simm.s32 @p2 $0x1082  }
0x22: {  	[simem:s7], [sflag:s8] =	dma.local @!p0 [hbm:s6], $0xF7A  }
0x23: {  	s9 =	sor.u32 $0xD0000000, s2;
	s6 =	simm.s32 $0x108;
	_ =	swait.ge @!p0 [sflag:s8], $0x0  }
0x24: {  	s3 =	sadd.s32 $0x88, s3;
	s6 =	simm.s32 @!p1 $0x1082;
	[sflag:s4] =	ssyncset.s32 $0xFFFFF086  }
0x25: {  	[simem:s6], [sflag:s4] =	dma.local [hbm:s3], $0xF7A  }
0x26: {  	[smem:$0x3F79] =	sst s1;
	(tag) =	ssettag s2;
	_ =	strace s9  }
0x27: {  	s1 =	sld [smem:$0x3F89]  }
0x28: {  	s2 =	sld [smem:$0x3F8A]  }
0x29: {  	s4 =	sld [smem:$0x3F8C]  }
0x2a: {  	p0 =	seq.s32 s5, $0x0;
	s5 =	sld [smem:$0x3F8D]  }
0x2b: {  	s6 =	sld [smem:$0x3F8E]  }
0x2c: {  	s7 =	sld [smem:$0x3F8F]  }
0x2d: {  	s3 =	simm.s32 $0x108;
	s8 =	sld [smem:$0x3F90]  }
0x2e: {  	s3 =	simm.s32 @!p0 $0x1082;
	s9 =	sld [smem:$0x3F91]  }
0x2f: {  	lr =	sadd.s32 s0, s3;
	s0 =	sld [smem:$0x3F88]  }
0x30: {  	s3 =	sld [smem:$0x3F8B]  }
0x31: {  	[smem:$0x3F94] =	sst s10  }
0x32: {  	s10 =	sld [smem:$0x3F92];
	_ =	sdelay $0x3  }
0x33: {  	p0 =	seq.s32 s10, $0x1;
	s10 =	sld [smem:$0x3F94];
	_ =	sdelay $0x3  }
0x34: {  	[smem:$0x3F94] =	sst s10  }
0x35: {  	s10 =	sld [smem:$0x3F93];
	_ =	sdelay $0x3  }
0x36: {  	p1 =	seq.s32 s10, $0x1;
	s10 =	sld [smem:$0x3F94];
	_ =	sdelay $0x3  }
0x37: {  	[smem:$0x3F94] =	sst s10  }
0x38: {  	s10 =	sld [smem:$0x3F95]  }
0x39: {  	_ = 	snop;
	(pc) =	sbr.ind lr, $3  }
0x3a: {  	_ = 	snop  }
0x3b: {  	_ = 	snop  }
0x3c: {  	p2 =	seq.s32 s10, $0x1;
	s10 =	sld [smem:$0x3F94]  }
0x3d: {  	_ =	shalt  }
0x3e: {  	_ =	shalt  }
0x3f: {  	_ =	shalt  }
0x40: {  	_ =	shalt  }
0x41: {  	_ =	shalt  }
0x42: {  	_ =	shalt  }
0x43: {  	_ =	shalt  }
0x44: {  	_ =	shalt  }
0x45: {  	_ =	shalt  }
0x46: {  	_ =	shalt  }
0x47: {  	_ =	shalt  }
0x48: {  	_ =	shalt  }
0x49: {  	_ =	shalt  }
0x4a: {  	_ =	shalt  }
0x4b: {  	_ =	shalt  }
0x4c: {  	_ =	shalt  }
0x4d: {  	_ =	shalt  }
0x4e: {  	_ =	shalt  }
0x4f: {  	_ =	shalt  }
0x50: {  	_ =	shalt  }
0x51: {  	_ =	shalt  }
0x52: {  	_ =	shalt  }
0x53: {  	_ =	shalt  }
0x54: {  	_ =	shalt  }
0x55: {  	_ =	shalt  }
0x56: {  	_ =	shalt  }
0x57: {  	_ =	shalt  }
0x58: {  	_ =	shalt  }
0x59: {  	_ =	shalt  }
0x5a: {  	_ =	shalt  }
0x5b: {  	_ =	shalt  }
0x5c: {  	_ =	shalt  }
0x5d: {  	_ =	shalt  }
0x5e: {  	_ =	shalt  }
0x5f: {  	_ =	shalt  }
0x60: {  	_ =	shalt  }
0x61: {  	_ =	shalt  }
0x62: {  	_ =	shalt  }
0x63: {  	_ =	shalt  }
0x64: {  	_ =	shalt  }
0x65: {  	_ =	shalt  }
0x66: {  	_ =	shalt  }
0x67: {  	_ =	shalt  }
0x68: {  	_ =	shalt  }
0x69: {  	_ =	shalt  }
0x6a: {  	_ =	shalt  }
0x6b: {  	_ =	shalt  }
0x6c: {  	_ =	shalt  }
0x6d: {  	_ =	shalt  }
0x6e: {  	_ =	shalt  }
0x6f: {  	_ =	shalt  }
0x70: {  	_ =	shalt  }
0x71: {  	_ =	shalt  }
0x72: {  	_ =	shalt  }
0x73: {  	_ =	shalt  }
0x74: {  	_ =	shalt  }
0x75: {  	_ =	shalt  }
0x76: {  	_ =	shalt  }
0x77: {  	_ =	shalt  }
0x78: {  	_ =	shalt  }
0x79: {  	_ =	shalt  }
0x7a: {  	_ =	shalt  }
0x7b: {  	_ =	shalt  }
0x7c: {  	_ =	shalt  }
0x7d: {  	_ =	shalt  }
0x7e: {  	_ =	shalt  }
0x7f: {  	_ =	shalt  }
0x80: {  	_ =	shalt  }
0x81: {  	_ =	shalt  }
0x82: {  	_ =	shalt  }
0x83: {  	_ =	shalt  }
0x84: {  	_ =	shalt  }
0x85: {  	_ =	shalt  }
0x86: {  	_ =	shalt  }
0x87: {  	_ =	shalt  }
.Lfunc_end0:
.L_simem_size_0:
called_computation.2_lowered:
.L_overlay_start_0:
0x88: {  	s2 =	sld [smem:$0x3FD9]  }
0x89: {  	s3 =	sld [smem:$0x3FFE];
	_ =	sdelay $0x1  }
0x8a: {  	s1 =	srdreg.scid  }
0x8b: {  	s0 =	sand.u32 $0x1, s1  }
0x8c: {  	s16 =	sshll.u32 s0, $0xA;
	s2 =	sadd.s32 s3, s2  }
0x8d: {  	s2 =	sadd.s32 s2, s16  }
0x8e: {  	[smem:$0x3FA0] =	sst s2  }
0x8f: {  	_ = 	snop  }
0x90: {  	(tm) =	ssettm $0x1  }
0x91: {  	s17 =	sld [smem:$0x3FFB];
	_ =	sdelay $0x3  }
0x92: {  	_ =	strace s17  }
0x93: {  	s2 =	sld [smem:$0x3FFC];
	_ =	sdelay $0x3  }
0x94: {  	_ =	strace s2  }
0x95: {  	s2 =	sld [smem:$0x3FFD];
	_ =	sdelay $0x3  }
0x96: {  	_ =	strace s2  }
0x97: {  	_ =	strace $0x8FFFFFFF  }
0x98: {  	s18 =	sld [smem:$0x3FDB];
	_ =	sdelay $0x1  }
0x99: {  	s19 =	simm.s32 $_scs_section_size  }
0x9a: {  	s4 =	simm.s32 $_size__tile_overlayer_lowered;
	s5 =	simm.s32 $_tile_overlayer_lowered  }
0x9b: {  	s22 =	simm.s32 $0x1BFF;
	s21 =	sshll.u32 s5, $0x1;
	s2 =	sadd.s32 s19, s18  }
0x9c: {  	s6 =	simm.s32 $0x0;
	s20 =	sshll.u32 s4, $0x1;
	s4 =	sadd.s32 s21, s2  }
0x9d: {  	[timem:s6], [sflag:s22] =	dma.local [hbm:s4], s20  }
0x9e: {  	_ =	swait.ge [sflag:s22], s20  }
0x9f: {  	s3 =	ssub.s32 $0x0, s20;
	[sflag:s22] =	ssyncset.done $0x0  }
0xa0: {  	[sflag:s22] =	ssyncadd.s32 s3;
	_ =	sdelay $0x1  }
0xa1: {  	s23 =	simm.s32 $0x1B8B  }
0xa2: {  	_ =	swait.ge [sflag:s23], $0x1  }
0xa3: {  	[sflag:s23] =	ssyncset.done $0x0  }
0xa4: {  	s25 =	simm.s32 $0x1B8E;
	s24 =	sld [smem:$0x3FFE];
	[sflag:s23] =	ssyncadd.s32 $0xFFFFFFFF  }
0xa5: {  	s26 =	simm.s32 $execute0_lowered;
	[smem:$0x3FD2] =	sst s25  }
0xa6: {  	s4 =	sshll.u32 s26, $0x1;
	_ =	strace $0x80000046;
	[dreg:$0x1] =	wrdreg $0xFFFFFFFF  }
0xa7: {  	s28 =	simm.s32 $_size_execute0_lowered;
	s2 =	sadd.s32 s2, s4;
	[dreg:$0x0] =	wrdreg $0x0  }
0xa8: {  	s4 =	sshll.u32 s28, $0x1;
	[dreg:$0x2] =	wrdreg s2  }
0xa9: {  	[dreg:$0x3] =	wrdreg s4  }
0xaa: {  	[dreg:$0x4] =	wrdreg $0xC0  }
0xab: {  	_ =	task [dreg:s6], $0x5FFFF  }
0xac: {  	[dreg:$0x1] =	wrdreg $0xFFFFFFFF  }
0xad: {  	[dreg:$0x0] =	wrdreg $0x60  }
0xae: {  	[dreg:$0x2] =	wrdreg s24  }
0xaf: {  	[dreg:$0x3] =	wrdreg $0x9  }
0xb0: {  	_ =	task.clear_ibuf [dreg:s6], $0x4FFFF;
	_ =	strace $0x90000046  }
0xb1: {  	s29 =	simm.s32 $0x9;
	_ =	strace $0x80000048  }
0xb2: {  	_ =	swait.ge [sflag:s29], $0x1  }
0xb3: {  	[sflag:s29] =	ssyncadd.s32 $0xFFFFFFFF  }
0xb4: {  	_ =	strace $0x90000048  }
0xb5: {  	_ =	sfence  }
0xb6: {  	s30 =	sld [smem:$0x0];
	_ =	sdelay $0x2  }
0xb7: {  	s31 =	sshll.u32 s1, $0xD;
	s1 =	sshrl.u32 s1, $0x2  }
0xb8: {  	s3 =	sand.u32 $0x4000, s31;
	s1 =	sadd.s32 s1, s30  }
0xb9: {  	s0 =	sor.u32 s3, s0;
	s1 =	sshll.u32 s1, $0x11  }
0xba: {  	s0 =	sor.u32 s1, s0  }
0xbb: {  	s0 =	sadd.s32 $0x8F2B, s0  }
0xbc: {  	[sflag:s0] =	ssyncadd.remote.s32 $0x1  }
0xbd: {  	_ =	sfence.sel $0xFFFF  }
0xbe: {  	[dreg:$0x0] =	wrdreg $0xFFFFFFFF;
	(pc) =	sbr.abs _section_cstart, $3  }
0xbf: {  	[dreg:$0x1] =	wrdreg $0xFFFFFFFF  }
0xc0: {  	_ =	task.clear_ibuf [dreg:s6], $0x2FFFF;
	_ =	strace $0x9FFFFFFF  }
0xc1: {  	(tm) =	ssettm $0x7FFFFFFF  }
tec
execute0_lowered:
.L_overlay_start_1:
0x0: {  	(tag) =	ssettag $0x1  }
0x1: {  	s7 =	rddreg [dreg:$0x0]  }
0x2: {  	s0 =	rddreg [dreg:$0x1]  }
0x3: {  	s2 =	simm.s32 $0x0;
	s3 =	srdreg.scid;
	s1 =	stileid.u32  }
0x4: {  	s13 =	simm.s32 $0x80;
	s14 =	simm.s32 $0x200;
	s15 =	simm.s32 $0x2  }
0x5: {  	s16 =	simm.s32 $0x1;
	s17 =	simm.s32 $0x0;
	s9 =	smul.u32 $0x5400, s1  }
0x6: {  	[smem:$0x7FF] =	sst s2;
	s8 =	sand.u32 $0x1, s3;
	s11 =	smul.u32 $0x54000, s1  }
0x7: {  	s3 =	sadd.s32 $0x6CE00, s7;
	s4 =	sadd.s32 $0x109600, s7;
	s10 =	smul.u32 $0x2A00, s8  }
0x8: {  	s5 =	sadd.s32 $0x94000, s7;
	s6 =	sadd.s32 $0xBB200, s7;
	s29 =	smul.u32 $0x2A000, s8  }
0x9: {  	_ =	strace $0x80000047;
	s8 =	ssub.s32 $0x2, s8;
	s11 =	sadd.s32 s11, s7  }
0xa: {  	s30 =	sshrl.u32 s8, $0x1;
	s9 =	sadd.s32 s10, s9;
	s12 =	sadd.s32 s29, s11  }
0xb: {  	s31 =	ssub.s32 s8, s30;
	s9 =	sshrl.u32 s9, $0x1;
	s10 =	sadd.s32 $0x69A800, s12  }
0xc: {  	s11 =	sadd.s32 $0xBDA800, s12;
	s9 =	sadd.s32 s9, s7;
	s7 =	sadd.s32 $0x15A800, s12  }
0xd: {  	s12 =	sadd.s32 $0x111A800, s12;
	s8 =	sadd.s32 $0x130800, s9;
	s9 =	smax.u32 s31, $0x1  }
.LBB2_1:
0xe: {  	s18 =	sadd.s32 $0x0, s8  }
0xf: {  	[tilespmem:s2], [sflag:$0x2] =	stream.strided.gather [hbm4b:s18+s13], $0x200, s14, s13, $0x38;
	[tilespmem:$0x10200] =	vst v63  }
0x10: {  	_ =	swait.ge [sflag:s15], $0x200  }
0x11: {  	[sflag:s15] =	ssyncset.done $0x0  }
0x12: {  	[sflag:s15] =	ssyncadd.s32 $0xFFFFFE00  }
0x13: {  	[tilespmem:s14], [sflag:$0x1] =	stream.indirect.gather [hbm4b:s3+s14], $0x80, s2, s14, $0xb8;
	[tilespmem:$0x10200] =	vst v63  }
0x14: {  	_ =	swait.ge [sflag:s16], $0x10000  }
0x15: {  	[sflag:s16] =	ssyncset.done $0x0  }
0x16: {  	[sflag:s16] =	ssyncadd.s32 $0xFFFF0000  }
0x17: {  	[hbm4b:s7+s2] =	stream.linear.scatter [tilespmem:s14], [sflag:$0x2], $0x10000, $0x38;
	[tilespmem:$0x10200] =	vst v63  }
0x18: {  	s19 =	simm.s32 $0x100;
	_ =	swait.ge [sflag:s15], $0x10000  }
0x19: {  	s20 =	simm.s32 $0x200;
	s18 =	sadd.s32 $0x2000, s7;
	[sflag:s15] =	ssyncset.done $0x0  }
.LBB2_2:
0x1a: {  	s21 =	sadd.s32 s19, s8  }
0x1b: {  	[sflag:s15] =	ssyncadd.s32 $0xFFFF0000;
	s19 =	smov.u32 s20;
	s22 =	sadd.s32 $0x100, s20  }
0x1c: {  	[tilespmem:s2], [sflag:$0x2] =	stream.strided.gather [hbm4b:s21+s13], $0x200, s14, s13, $0x38;
	[tilespmem:$0x10200] =	vst v63  }
0x1d: {  	p0 =	sne.s32 s20, $0x1400;
	_ =	swait.ge [sflag:s15], $0x200  }
0x1e: {  	[sflag:s15] =	ssyncset.done $0x0  }
0x1f: {  	[sflag:s15] =	ssyncadd.s32 $0xFFFFFE00  }
0x20: {  	[tilespmem:s14], [sflag:$0x1] =	stream.indirect.gather [hbm4b:s3+s14], $0x80, s2, s14, $0xb8;
	[tilespmem:$0x10200] =	vst v63  }
0x21: {  	_ =	swait.ge [sflag:s16], $0x10000  }
.Ltmp0:
0x22: {  	[sflag:s16] =	ssyncset.done $0x0;
	(pc) =	sbr.rel @p0 .LBB2_2-.Ltmp0, $4  }
0x23: {  	[sflag:s16] =	ssyncadd.s32 $0xFFFF0000  }
0x24: {  	[hbm4b:s18+s2] =	stream.linear.scatter [tilespmem:s14], [sflag:$0x2], $0x10000, $0x38;
	[tilespmem:$0x10200] =	vst v63  }
0x25: {  	_ =	swait.ge [sflag:s15], $0x10000  }
0x26: {  	s20 =	smov.u32 s22;
	s18 =	sadd.s32 $0x2000, s18;
	[sflag:s15] =	ssyncset.done $0x0  }
0x27: {  	s19 =	sadd.s32 s19, s8;
	[sflag:s15] =	ssyncadd.s32 $0xFFFF0000  }
0x28: {  	[tilespmem:s2], [sflag:$0x2] =	stream.strided.gather [hbm4b:s19+s13], $0x200, s14, s13, $0x38;
	[tilespmem:$0x10200] =	vst v63  }
0x29: {  	_ =	swait.ge [sflag:s15], $0x200  }
0x2a: {  	[sflag:s15] =	ssyncset.done $0x0  }
0x2b: {  	[sflag:s15] =	ssyncadd.s32 $0xFFFFFE00  }
0x2c: {  	[tilespmem:s14], [sflag:$0x1] =	stream.indirect.gather [hbm4b:s3+s14], $0x80, s2, s14, $0xb8;
	[tilespmem:$0x10200] =	vst v63  }
0x2d: {  	_ =	swait.ge [sflag:s16], $0x10000  }
0x2e: {  	[sflag:s16] =	ssyncset.done $0x0  }
0x2f: {  	[sflag:s16] =	ssyncadd.s32 $0xFFFF0000  }
0x30: {  	[hbm4b:s18+s2] =	stream.linear.scatter [tilespmem:s14], [sflag:$0x2], $0x10000, $0x38;
	[tilespmem:$0x10200] =	vst v63  }
0x31: {  	_ =	swait.ge [sflag:s15], $0x10000  }
0x32: {  	[sflag:s15] =	ssyncset.done $0x0  }
0x33: {  	s31 =	sadd.s32 $0x10, s8;
	[sflag:s15] =	ssyncadd.s32 $0xFFFF0000  }
0x34: {  	[tilespmem:s2], [sflag:$0x2] =	stream.strided.gather [hbm4b:s31+s13], $0x200, s14, s13, $0x38;
	[tilespmem:$0x10200] =	vst v63  }
0x35: {  	_ =	swait.ge [sflag:s15], $0x200  }
0x36: {  	[sflag:s15] =	ssyncset.done $0x0  }
0x37: {  	[sflag:s15] =	ssyncadd.s32 $0xFFFFFE00  }
0x38: {  	[tilespmem:s14], [sflag:$0x1] =	stream.indirect.gather [hbm4b:s4+s14], $0x80, s2, s14, $0xb8;
	[tilespmem:$0x10200] =	vst v63  }
0x39: {  	_ =	swait.ge [sflag:s16], $0x10000  }
0x3a: {  	[sflag:s16] =	ssyncset.done $0x0  }
0x3b: {  	[sflag:s16] =	ssyncadd.s32 $0xFFFF0000  }
0x3c: {  	[hbm4b:s10+s2] =	stream.linear.scatter [tilespmem:s14], [sflag:$0x2], $0x10000, $0x38;
	[tilespmem:$0x10200] =	vst v63  }
0x3d: {  	s20 =	simm.s32 $0x210;
	_ =	swait.ge [sflag:s15], $0x10000  }
0x3e: {  	s19 =	simm.s32 $0x110;
	s18 =	sadd.s32 $0x2000, s10;
	[sflag:s15] =	ssyncset.done $0x0  }
.LBB2_4:
0x3f: {  	s21 =	sadd.s32 s19, s8  }
0x40: {  	[sflag:s15] =	ssyncadd.s32 $0xFFFF0000;
	s19 =	smov.u32 s20;
	s22 =	sadd.s32 $0x100, s20  }
0x41: {  	[tilespmem:s2], [sflag:$0x2] =	stream.strided.gather [hbm4b:s21+s13], $0x200, s14, s13, $0x38;
	[tilespmem:$0x10200] =	vst v63  }
0x42: {  	p0 =	sne.s32 s20, $0x1410;
	_ =	swait.ge [sflag:s15], $0x200  }
0x43: {  	[sflag:s15] =	ssyncset.done $0x0  }
0x44: {  	[sflag:s15] =	ssyncadd.s32 $0xFFFFFE00  }
0x45: {  	[tilespmem:s14], [sflag:$0x1] =	stream.indirect.gather [hbm4b:s4+s14], $0x80, s2, s14, $0xb8;
	[tilespmem:$0x10200] =	vst v63  }
0x46: {  	_ =	swait.ge [sflag:s16], $0x10000  }
.Ltmp1:
0x47: {  	[sflag:s16] =	ssyncset.done $0x0;
	(pc) =	sbr.rel @p0 .LBB2_4-.Ltmp1, $4  }
0x48: {  	[sflag:s16] =	ssyncadd.s32 $0xFFFF0000  }
0x49: {  	[hbm4b:s18+s2] =	stream.linear.scatter [tilespmem:s14], [sflag:$0x2], $0x10000, $0x38;
	[tilespmem:$0x10200] =	vst v63  }
0x4a: {  	_ =	swait.ge [sflag:s15], $0x10000  }
0x4b: {  	s20 =	smov.u32 s22;
	s18 =	sadd.s32 $0x2000, s18;
	[sflag:s15] =	ssyncset.done $0x0  }
0x4c: {  	s19 =	sadd.s32 s19, s8;
	[sflag:s15] =	ssyncadd.s32 $0xFFFF0000  }
0x4d: {  	[tilespmem:s2], [sflag:$0x2] =	stream.strided.gather [hbm4b:s19+s13], $0x200, s14, s13, $0x38;
	[tilespmem:$0x10200] =	vst v63  }
0x4e: {  	_ =	swait.ge [sflag:s15], $0x200  }
0x4f: {  	[sflag:s15] =	ssyncset.done $0x0  }
0x50: {  	[sflag:s15] =	ssyncadd.s32 $0xFFFFFE00  }
0x51: {  	[tilespmem:s14], [sflag:$0x1] =	stream.indirect.gather [hbm4b:s4+s14], $0x80, s2, s14, $0xb8;
	[tilespmem:$0x10200] =	vst v63  }
0x52: {  	_ =	swait.ge [sflag:s16], $0x10000  }
0x53: {  	[sflag:s16] =	ssyncset.done $0x0  }
0x54: {  	[sflag:s16] =	ssyncadd.s32 $0xFFFF0000  }
0x55: {  	[hbm4b:s18+s2] =	stream.linear.scatter [tilespmem:s14], [sflag:$0x2], $0x10000, $0x38;
	[tilespmem:$0x10200] =	vst v63  }
0x56: {  	_ =	swait.ge [sflag:s15], $0x10000  }
0x57: {  	[sflag:s15] =	ssyncset.done $0x0  }
0x58: {  	s31 =	sadd.s32 $0x20, s8;
	[sflag:s15] =	ssyncadd.s32 $0xFFFF0000  }
0x59: {  	[tilespmem:s2], [sflag:$0x2] =	stream.strided.gather [hbm4b:s31+s13], $0x200, s14, s13, $0x38;
	[tilespmem:$0x10200] =	vst v63  }
0x5a: {  	_ =	swait.ge [sflag:s15], $0x200  }
0x5b: {  	[sflag:s15] =	ssyncset.done $0x0  }
0x5c: {  	[sflag:s15] =	ssyncadd.s32 $0xFFFFFE00  }
0x5d: {  	[tilespmem:s14], [sflag:$0x1] =	stream.indirect.gather [hbm4b:s5+s14], $0x80, s2, s14, $0xb8;
	[tilespmem:$0x10200] =	vst v63  }
0x5e: {  	_ =	swait.ge [sflag:s16], $0x10000  }
0x5f: {  	[sflag:s16] =	ssyncset.done $0x0  }
0x60: {  	[sflag:s16] =	ssyncadd.s32 $0xFFFF0000  }
0x61: {  	[hbm4b:s11+s2] =	stream.linear.scatter [tilespmem:s14], [sflag:$0x2], $0x10000, $0x38;
	[tilespmem:$0x10200] =	vst v63  }
0x62: {  	s20 =	simm.s32 $0x220;
	_ =	swait.ge [sflag:s15], $0x10000  }
0x63: {  	s19 =	simm.s32 $0x120;
	s18 =	sadd.s32 $0x2000, s11;
	[sflag:s15] =	ssyncset.done $0x0  }
.LBB2_6:
0x64: {  	s21 =	sadd.s32 s19, s8  }
0x65: {  	[sflag:s15] =	ssyncadd.s32 $0xFFFF0000;
	s19 =	smov.u32 s20;
	s22 =	sadd.s32 $0x100, s20  }
0x66: {  	[tilespmem:s2], [sflag:$0x2] =	stream.strided.gather [hbm4b:s21+s13], $0x200, s14, s13, $0x38;
	[tilespmem:$0x10200] =	vst v63  }
0x67: {  	p0 =	sne.s32 s20, $0x1420;
	_ =	swait.ge [sflag:s15], $0x200  }
0x68: {  	[sflag:s15] =	ssyncset.done $0x0  }
0x69: {  	[sflag:s15] =	ssyncadd.s32 $0xFFFFFE00  }
0x6a: {  	[tilespmem:s14], [sflag:$0x1] =	stream.indirect.gather [hbm4b:s5+s14], $0x80, s2, s14, $0xb8;
	[tilespmem:$0x10200] =	vst v63  }
0x6b: {  	_ =	swait.ge [sflag:s16], $0x10000  }
.Ltmp2:
0x6c: {  	[sflag:s16] =	ssyncset.done $0x0;
	(pc) =	sbr.rel @p0 .LBB2_6-.Ltmp2, $4  }
0x6d: {  	[sflag:s16] =	ssyncadd.s32 $0xFFFF0000  }
0x6e: {  	[hbm4b:s18+s2] =	stream.linear.scatter [tilespmem:s14], [sflag:$0x2], $0x10000, $0x38;
	[tilespmem:$0x10200] =	vst v63  }
0x6f: {  	_ =	swait.ge [sflag:s15], $0x10000  }
0x70: {  	s20 =	smov.u32 s22;
	s18 =	sadd.s32 $0x2000, s18;
	[sflag:s15] =	ssyncset.done $0x0  }
0x71: {  	s19 =	sadd.s32 s19, s8;
	[sflag:s15] =	ssyncadd.s32 $0xFFFF0000  }
0x72: {  	[tilespmem:s2], [sflag:$0x2] =	stream.strided.gather [hbm4b:s19+s13], $0x200, s14, s13, $0x38;
	[tilespmem:$0x10200] =	vst v63  }
0x73: {  	_ =	swait.ge [sflag:s15], $0x200  }
0x74: {  	[sflag:s15] =	ssyncset.done $0x0  }
0x75: {  	[sflag:s15] =	ssyncadd.s32 $0xFFFFFE00  }
0x76: {  	[tilespmem:s14], [sflag:$0x1] =	stream.indirect.gather [hbm4b:s5+s14], $0x80, s2, s14, $0xb8;
	[tilespmem:$0x10200] =	vst v63  }
0x77: {  	_ =	swait.ge [sflag:s16], $0x10000  }
0x78: {  	[sflag:s16] =	ssyncset.done $0x0  }
0x79: {  	[sflag:s16] =	ssyncadd.s32 $0xFFFF0000  }
0x7a: {  	[hbm4b:s18+s2] =	stream.linear.scatter [tilespmem:s14], [sflag:$0x2], $0x10000, $0x38;
	[tilespmem:$0x10200] =	vst v63  }
0x7b: {  	_ =	swait.ge [sflag:s15], $0x10000  }
0x7c: {  	[sflag:s15] =	ssyncset.done $0x0  }
0x7d: {  	s31 =	sadd.s32 $0x30, s8;
	[sflag:s15] =	ssyncadd.s32 $0xFFFF0000  }
0x7e: {  	[tilespmem:s2], [sflag:$0x2] =	stream.strided.gather [hbm4b:s31+s13], $0x200, s14, s13, $0x38;
	[tilespmem:$0x10200] =	vst v63  }
0x7f: {  	_ =	swait.ge [sflag:s15], $0x200  }
0x80: {  	[sflag:s15] =	ssyncset.done $0x0  }
0x81: {  	[sflag:s15] =	ssyncadd.s32 $0xFFFFFE00  }
0x82: {  	[tilespmem:s14], [sflag:$0x1] =	stream.indirect.gather [hbm4b:s6+s14], $0x80, s2, s14, $0xb8;
	[tilespmem:$0x10200] =	vst v63  }
0x83: {  	_ =	swait.ge [sflag:s16], $0x10000  }
0x84: {  	[sflag:s16] =	ssyncset.done $0x0  }
0x85: {  	[sflag:s16] =	ssyncadd.s32 $0xFFFF0000  }
0x86: {  	[hbm4b:s12+s2] =	stream.linear.scatter [tilespmem:s14], [sflag:$0x2], $0x10000, $0x38;
	[tilespmem:$0x10200] =	vst v63  }
0x87: {  	s20 =	simm.s32 $0x230;
	_ =	swait.ge [sflag:s15], $0x10000  }
0x88: {  	s19 =	simm.s32 $0x130;
	s18 =	sadd.s32 $0x2000, s12;
	[sflag:s15] =	ssyncset.done $0x0  }
.LBB2_8:
0x89: {  	s21 =	sadd.s32 s19, s8  }
0x8a: {  	[sflag:s15] =	ssyncadd.s32 $0xFFFF0000;
	s19 =	smov.u32 s20;
	s22 =	sadd.s32 $0x100, s20  }
0x8b: {  	[tilespmem:s2], [sflag:$0x2] =	stream.strided.gather [hbm4b:s21+s13], $0x200, s14, s13, $0x38;
	[tilespmem:$0x10200] =	vst v63  }
0x8c: {  	p0 =	sne.s32 s20, $0x1430;
	_ =	swait.ge [sflag:s15], $0x200  }
0x8d: {  	[sflag:s15] =	ssyncset.done $0x0  }
0x8e: {  	[sflag:s15] =	ssyncadd.s32 $0xFFFFFE00  }
0x8f: {  	[tilespmem:s14], [sflag:$0x1] =	stream.indirect.gather [hbm4b:s6+s14], $0x80, s2, s14, $0xb8;
	[tilespmem:$0x10200] =	vst v63  }
0x90: {  	_ =	swait.ge [sflag:s16], $0x10000  }
.Ltmp3:
0x91: {  	[sflag:s16] =	ssyncset.done $0x0;
	(pc) =	sbr.rel @p0 .LBB2_8-.Ltmp3, $4  }
0x92: {  	[sflag:s16] =	ssyncadd.s32 $0xFFFF0000  }
0x93: {  	[hbm4b:s18+s2] =	stream.linear.scatter [tilespmem:s14], [sflag:$0x2], $0x10000, $0x38;
	[tilespmem:$0x10200] =	vst v63  }
0x94: {  	_ =	swait.ge [sflag:s15], $0x10000  }
0x95: {  	s20 =	smov.u32 s22;
	s18 =	sadd.s32 $0x2000, s18;
	[sflag:s15] =	ssyncset.done $0x0  }
0x96: {  	s19 =	sadd.s32 s19, s8;
	[sflag:s15] =	ssyncadd.s32 $0xFFFF0000  }
0x97: {  	[tilespmem:s2], [sflag:$0x2] =	stream.strided.gather [hbm4b:s19+s13], $0x200, s14, s13, $0x38;
	[tilespmem:$0x10200] =	vst v63  }
0x98: {  	_ =	swait.ge [sflag:s15], $0x200  }
0x99: {  	[sflag:s15] =	ssyncset.done $0x0  }
0x9a: {  	[sflag:s15] =	ssyncadd.s32 $0xFFFFFE00  }
0x9b: {  	[tilespmem:s14], [sflag:$0x1] =	stream.indirect.gather [hbm4b:s6+s14], $0x80, s2, s14, $0xb8;
	[tilespmem:$0x10200] =	vst v63  }
0x9c: {  	s17 =	sadd.s32 $0x1, s17;
	_ =	swait.ge [sflag:s16], $0x10000  }
0x9d: {  	p0 =	sne.s32 s17, s9;
	[sflag:s16] =	ssyncset.done $0x0  }
.Ltmp4:
0x9e: {  	[sflag:s16] =	ssyncadd.s32 $0xFFFF0000;
	(pc) =	sbr.rel @p0 .LBB2_1-.Ltmp4, $4  }
0x9f: {  	[hbm4b:s18+s2] =	stream.linear.scatter [tilespmem:s14], [sflag:$0x2], $0x10000, $0x38;
	[tilespmem:$0x10200] =	vst v63  }
0xa0: {  	_ =	swait.ge [sflag:s15], $0x10000  }
0xa1: {  	[sflag:s15] =	ssyncset.done $0x0  }
0xa2: {  	[sflag:s15] =	ssyncadd.s32 $0xFFFF0000  }
0xa3: {  	_ =	sfence.sel $0x180000  }
0xa4: {  	[bflag:$0x0] =	sbarrier.arrive $0xFFFF  }
0xa5: {  	p0 =	sne.s32 s1, $0x0;
	_ =	strace $0x90000047  }
0xa6: {  	s0 =	sadd.s32 @!p0 $0x100000, s0;
	[bflag:$0x2] =	sbarrier.arrive $0xFFFF  }
0xa7: {  	[sflag:s0] =	ssyncadd.tile.s32 @!p0 $0x1;
	_ =	shalt  }
.Lfunc_end2:
_tile_overlayer_lowered:
.L_overlay_start_2:
0xa8: {  	(tag) =	ssettag $0x2  }
0xa9: {  	s0 =	rddreg [dreg:$0x0];
	s2 =	stileid.u32  }
0xaa: {  	s1 =	rddreg [dreg:$0x1];
	p0 =	sne.s32 s2, $0x0  }
0xab: {  	s3 =	rddreg [dreg:$0x2];
	[bflag:$0x3] =	sbarrier.arrive $0xFFFF;
	s2 =	simm.s32 @!p0 $0x1C02  }
0xac: {  	[timem:s3], [sflag:s2] =	dma.local @!p0 [hbm:s0], s1  }
0xad: {  	s0 =	simm.s32 @!p0 $0x2  }
0xae: {  	_ =	swait.ge @!p0 [sflag:s0], s1  }
0xaf: {  	s1 =	ssub.s32 @!p0 $0x0, s1;
	[sflag:s0] =	ssyncset.done @!p0 $0x0  }
0xb0: {  	[sflag:s0] =	ssyncadd.s32 @!p0 s1  }
0xb1: {  	[bflag:$0x3] =	sbarrier.arrive $0xFFFF  }
0xb2: {  	_ =	shalt  }

// kernel: scatter_offload_async_start.1
scs
__scs_entry_jumppad:
0x0: {  	(pc) =	sbr.rel $0x88, $3  }
0x1: {  	(tag) =	ssettag $0x0;
	lr =	simm.s32 $0x1  }
0x2: {  	[smem:$0x3F79] =	sst lr;
	_ =	strace $0xD0000000  }
0x3: {  	_ = 	snop  }
0x4: {  	_ = 	snop  }
0x5: {  	_ = 	snop  }
0x6: {  	_ = 	snop  }
0x7: {  	_ = 	snop  }
__scs_overlays_trampoline_lowered:
0x8: {  	[smem:$0x3F88] =	sst s0  }
0x9: {  	[smem:$0x3F89] =	sst s1  }
0xa: {  	[smem:$0x3F8A] =	sst s2  }
0xb: {  	[smem:$0x3F8B] =	sst s3  }
0xc: {  	[smem:$0x3F8C] =	sst s4  }
0xd: {  	[smem:$0x3F8D] =	sst s5  }
0xe: {  	[smem:$0x3F8E] =	sst s6  }
0xf: {  	[smem:$0x3F8F] =	sst s7  }
0x10: {  	[smem:$0x3F90] =	sst s8  }
0x11: {  	[smem:$0x3F91] =	sst s9;
	s0 =	simm.s32 @!p0 $0x0  }
0x12: {  	s1 =	sld [smem:$0x3F77];
	s0 =	simm.s32 @p0 $0x1  }
0x13: {  	[smem:$0x3F92] =	sst s0;
	s0 =	simm.s32 @!p1 $0x0  }
0x14: {  	s2 =	sld [smem:$0x3F76];
	s0 =	simm.s32 @p1 $0x1  }
0x15: {  	[smem:$0x3F93] =	sst s0;
	s0 =	simm.s32 @!p2 $0x0  }
0x16: {  	s3 =	sld [smem:$0x3FDB];
	s0 =	simm.s32 @p2 $0x1  }
0x17: {  	s4 =	simm.s32 $0x1BF5;
	[smem:$0x3F95] =	sst s0  }
0x18: {  	s0 =	sld [smem:$0x3F78];
	_ =	swait.ge [sflag:s4], $0x0  }
0x19: {  	s7 =	sld [smem:$0x3F79]  }
0x1a: {  	s8 =	sadd.s32 $0xFFFFE003, lr  }
0x1b: {  	s9 =	sadd.s32 $0xFFFFFEF7, lr;
	s5 =	simm.s32 $0xFFFFFFFF;
	p2 =	slt.u32 s8, $0xFFFFF086  }
0x1c: {  	p1 =	slt.u32 s9, $0xF7A;
	s5 =	simm.s32 @!p2 $0x0  }
0x1d: {  	s5 =	simm.s32 @p1 $0x1;
	p0 =	seq.s32 s7, s2  }
0x1e: {  	s7 =	smul.u32 @!p0 $0xF7A, s2;
	p2 =	seq.s32 @!p0 s5, $0x0  }
0x1f: {  	s9 =	smul.u32 $0xF7A, s1;
	s8 =	simm.s32 @!p0 $0x1BF5;
	p2 =	por !p2, p0  }
0x20: {  	[sflag:s8] =	ssyncset.s32 @!p0 $0xFFFFF086;
	s6 =	sadd.s32 @!p0 s3, s7;
	s7 =	simm.s32 @!p0 $0x108  }
0x21: {  	s3 =	sadd.s32 s3, s9;
	s6 =	sadd.s32 @!p0 $0x88, s6;
	s7 =	simm.s32 @p2 $0x1082  }
0x22: {  	[simem:s7], [sflag:s8] =	dma.local @!p0 [hbm:s6], $0xF7A  }
0x23: {  	s9 =	sor.u32 $0xD0000000, s2;
	s6 =	simm.s32 $0x108;
	_ =	swait.ge @!p0 [sflag:s8], $0x0  }
0x24: {  	s3 =	sadd.s32 $0x88, s3;
	s6 =	simm.s32 @!p1 $0x1082;
	[sflag:s4] =	ssyncset.s32 $0xFFFFF086  }
0x25: {  	[simem:s6], [sflag:s4] =	dma.local [hbm:s3], $0xF7A  }
0x26: {  	[smem:$0x3F79] =	sst s1;
	(tag) =	ssettag s2;
	_ =	strace s9  }
0x27: {  	s1 =	sld [smem:$0x3F89]  }
0x28: {  	s2 =	sld [smem:$0x3F8A]  }
0x29: {  	s4 =	sld [smem:$0x3F8C]  }
0x2a: {  	p0 =	seq.s32 s5, $0x0;
	s5 =	sld [smem:$0x3F8D]  }
0x2b: {  	s6 =	sld [smem:$0x3F8E]  }
0x2c: {  	s7 =	sld [smem:$0x3F8F]  }
0x2d: {  	s3 =	simm.s32 $0x108;
	s8 =	sld [smem:$0x3F90]  }
0x2e: {  	s3 =	simm.s32 @!p0 $0x1082;
	s9 =	sld [smem:$0x3F91]  }
0x2f: {  	lr =	sadd.s32 s0, s3;
	s0 =	sld [smem:$0x3F88]  }
0x30: {  	s3 =	sld [smem:$0x3F8B]  }
0x31: {  	[smem:$0x3F94] =	sst s10  }
0x32: {  	s10 =	sld [smem:$0x3F92];
	_ =	sdelay $0x3  }
0x33: {  	p0 =	seq.s32 s10, $0x1;
	s10 =	sld [smem:$0x3F94];
	_ =	sdelay $0x3  }
0x34: {  	[smem:$0x3F94] =	sst s10  }
0x35: {  	s10 =	sld [smem:$0x3F93];
	_ =	sdelay $0x3  }
0x36: {  	p1 =	seq.s32 s10, $0x1;
	s10 =	sld [smem:$0x3F94];
	_ =	sdelay $0x3  }
0x37: {  	[smem:$0x3F94] =	sst s10  }
0x38: {  	s10 =	sld [smem:$0x3F95]  }
0x39: {  	_ = 	snop;
	(pc) =	sbr.ind lr, $3  }
0x3a: {  	_ = 	snop  }
0x3b: {  	_ = 	snop  }
0x3c: {  	p2 =	seq.s32 s10, $0x1;
	s10 =	sld [smem:$0x3F94]  }
0x3d: {  	_ =	shalt  }
0x3e: {  	_ =	shalt  }
0x3f: {  	_ =	shalt  }
0x40: {  	_ =	shalt  }
0x41: {  	_ =	shalt  }
0x42: {  	_ =	shalt  }
0x43: {  	_ =	shalt  }
0x44: {  	_ =	shalt  }
0x45: {  	_ =	shalt  }
0x46: {  	_ =	shalt  }
0x47: {  	_ =	shalt  }
0x48: {  	_ =	shalt  }
0x49: {  	_ =	shalt  }
0x4a: {  	_ =	shalt  }
0x4b: {  	_ =	shalt  }
0x4c: {  	_ =	shalt  }
0x4d: {  	_ =	shalt  }
0x4e: {  	_ =	shalt  }
0x4f: {  	_ =	shalt  }
0x50: {  	_ =	shalt  }
0x51: {  	_ =	shalt  }
0x52: {  	_ =	shalt  }
0x53: {  	_ =	shalt  }
0x54: {  	_ =	shalt  }
0x55: {  	_ =	shalt  }
0x56: {  	_ =	shalt  }
0x57: {  	_ =	shalt  }
0x58: {  	_ =	shalt  }
0x59: {  	_ =	shalt  }
0x5a: {  	_ =	shalt  }
0x5b: {  	_ =	shalt  }
0x5c: {  	_ =	shalt  }
0x5d: {  	_ =	shalt  }
0x5e: {  	_ =	shalt  }
0x5f: {  	_ =	shalt  }
0x60: {  	_ =	shalt  }
0x61: {  	_ =	shalt  }
0x62: {  	_ =	shalt  }
0x63: {  	_ =	shalt  }
0x64: {  	_ =	shalt  }
0x65: {  	_ =	shalt  }
0x66: {  	_ =	shalt  }
0x67: {  	_ =	shalt  }
0x68: {  	_ =	shalt  }
0x69: {  	_ =	shalt  }
0x6a: {  	_ =	shalt  }
0x6b: {  	_ =	shalt  }
0x6c: {  	_ =	shalt  }
0x6d: {  	_ =	shalt  }
0x6e: {  	_ =	shalt  }
0x6f: {  	_ =	shalt  }
0x70: {  	_ =	shalt  }
0x71: {  	_ =	shalt  }
0x72: {  	_ =	shalt  }
0x73: {  	_ =	shalt  }
0x74: {  	_ =	shalt  }
0x75: {  	_ =	shalt  }
0x76: {  	_ =	shalt  }
0x77: {  	_ =	shalt  }
0x78: {  	_ =	shalt  }
0x79: {  	_ =	shalt  }
0x7a: {  	_ =	shalt  }
0x7b: {  	_ =	shalt  }
0x7c: {  	_ =	shalt  }
0x7d: {  	_ =	shalt  }
0x7e: {  	_ =	shalt  }
0x7f: {  	_ =	shalt  }
0x80: {  	_ =	shalt  }
0x81: {  	_ =	shalt  }
0x82: {  	_ =	shalt  }
0x83: {  	_ =	shalt  }
0x84: {  	_ =	shalt  }
0x85: {  	_ =	shalt  }
0x86: {  	_ =	shalt  }
0x87: {  	_ =	shalt  }
.Lfunc_end0:
.L_simem_size_0:
called_computation.1_lowered:
.L_overlay_start_0:
0x88: {  	s2 =	sld [smem:$0x3FD9]  }
0x89: {  	s3 =	sld [smem:$0x3FFE];
	_ =	sdelay $0x1  }
0x8a: {  	s1 =	srdreg.scid  }
0x8b: {  	s0 =	sand.u32 $0x1, s1  }
0x8c: {  	s12 =	sshll.u32 s0, $0xA;
	s2 =	sadd.s32 s3, s2  }
0x8d: {  	s2 =	sadd.s32 s2, s12  }
0x8e: {  	[smem:$0x3FA0] =	sst s2  }
0x8f: {  	_ = 	snop  }
0x90: {  	s4 =	sld [smem:$0x3FD0];
	(tm) =	ssettm $0x1  }
0x91: {  	s13 =	sld [smem:$0x3FFB];
	_ =	sdelay $0x3  }
0x92: {  	_ =	strace s13  }
0x93: {  	s2 =	sld [smem:$0x3FFC];
	_ =	sdelay $0x3  }
0x94: {  	_ =	strace s2  }
0x95: {  	s2 =	sld [smem:$0x3FFD];
	_ =	sdelay $0x3  }
0x96: {  	_ =	strace s2  }
0x97: {  	_ =	strace $0x8FFFFFFF  }
0x98: {  	s14 =	sld [smem:$0x3FDB];
	_ =	sdelay $0x1  }
0x99: {  	s15 =	simm.s32 $_scs_section_size  }
0x9a: {  	s5 =	simm.s32 $_size__tile_overlayer_lowered;
	s6 =	simm.s32 $_tile_overlayer_lowered  }
0x9b: {  	s19 =	simm.s32 $0x1BFF;
	s17 =	sshll.u32 s6, $0x1;
	s7 =	sadd.s32 s15, s14  }
0x9c: {  	s20 =	simm.s32 $0x0;
	s16 =	sshll.u32 s5, $0x1;
	s18 =	sadd.s32 s17, s7  }
0x9d: {  	[timem:s20], [sflag:s19] =	dma.local [hbm:s18], s16  }
0x9e: {  	_ =	swait.ge [sflag:s19], s16  }
0x9f: {  	s3 =	ssub.s32 $0x0, s16;
	[sflag:s19] =	ssyncset.done $0x0  }
0xa0: {  	[sflag:s19] =	ssyncadd.s32 s3;
	_ =	sdelay $0x1  }
0xa1: {  	s21 =	simm.s32 $0x1B8B  }
0xa2: {  	_ =	swait.ge [sflag:s21], $0x1  }
0xa3: {  	[sflag:s21] =	ssyncset.done $0x0  }
0xa4: {  	[sflag:s21] =	ssyncadd.s32 $0xFFFFFFFF  }
0xa5: {  	s3 =	sld [smem:$0x0]  }
0xa6: {  	s5 =	sand.u32 $0xFFFFFFFE, s1  }
0xa7: {  	p0 =	sne.s32 s1, s5  }
0xa8: {  	s5 =	sshll.u32 @p0 s5, $0xE  }
0xa9: {  	s6 =	sadd.s32 @p0 $0x11B8D, s5;
	s8 =	sshll.u32 @p0 s3, $0x11  }
0xaa: {  	s6 =	sor.u32 @p0 s8, s6  }
0xab: {  	[sflag:s6] =	ssyncadd.remote.s32 @p0 $0x1;
	_ =	sdelay $0x1  }
0xac: {  	s6 =	simm.s32 @p0 $0x1B8D  }
0xad: {  	_ =	swait.eq @p0 [sflag:s6], $0x1  }
0xae: {  	[sflag:s6] =	ssyncadd.s32 @p0 $0xFFFFFFFF  }
0xaf: {  	s8 =	sshll.u32 @!p0 s1, $0xE  }
0xb0: {  	s8 =	sor.u32 @!p0 $0x4000, s8;
	s6 =	simm.s32 @!p0 $0x1B8D  }
0xb1: {  	s10 =	sshll.u32 @!p0 s3, $0x11;
	s9 =	sadd.s32 @!p0 $0x11B8D, s8;
	_ =	swait.eq @!p0 [sflag:s6], $0x1  }
0xb2: {  	[sflag:s6] =	ssyncadd.s32 @!p0 $0xFFFFFFFF;
	s6 =	sor.u32 @!p0 s10, s9  }
0xb3: {  	s23 =	simm.s32 $0x1B8E;
	s22 =	sld [smem:$0x3FFE];
	[sflag:s6] =	ssyncadd.remote.s32 @!p0 $0x1  }
0xb4: {  	s24 =	simm.s32 $execute0_lowered;
	[smem:$0x3FD2] =	sst s23  }
0xb5: {  	s9 =	sshll.u32 s24, $0x1;
	_ =	strace $0x8000004F;
	[dreg:$0x1] =	wrdreg $0xFFFFFFFF  }
0xb6: {  	s25 =	simm.s32 $_size_execute0_lowered;
	s9 =	sadd.s32 s7, s9;
	[dreg:$0x0] =	wrdreg $0x0  }
0xb7: {  	s10 =	sshll.u32 s25, $0x1;
	[dreg:$0x2] =	wrdreg s9  }
0xb8: {  	[dreg:$0x3] =	wrdreg s10  }
0xb9: {  	[dreg:$0x4] =	wrdreg $0xC0  }
0xba: {  	s26 =	simm.s32 $execute1_lowered;
	_ =	task [dreg:s20], $0x5FFFF  }
0xbb: {  	s9 =	sshll.u32 s26, $0x1;
	[dreg:$0x1] =	wrdreg $0xFFFFFFFF  }
0xbc: {  	s7 =	sadd.s32 s7, s9;
	[dreg:$0x0] =	wrdreg $0x60  }
0xbd: {  	[dreg:$0x2] =	wrdreg s7  }
0xbe: {  	[dreg:$0x3] =	wrdreg s4  }
0xbf: {  	[dreg:$0x4] =	wrdreg s22  }
0xc0: {  	[dreg:$0x5] =	wrdreg $0xB  }
0xc1: {  	_ =	task.clear_ibuf [dreg:s20], $0x6FFFF;
	_ =	strace $0x9000004F  }
0xc2: {  	s28 =	simm.s32 $0xB;
	_ =	strace $0x80000051  }
0xc3: {  	_ =	swait.ge [sflag:s28], $0x1  }
0xc4: {  	[sflag:s28] =	ssyncadd.s32 $0xFFFFFFFF  }
0xc5: {  	_ =	strace $0x90000051  }
0xc6: {  	s4 =	sld [smem:$0x0];
	_ =	sdelay $0x3  }
0xc7: {  	s5 =	sadd.s32 @p0 $0x11BF3, s5;
	s7 =	sshll.u32 @p0 s4, $0x11  }
0xc8: {  	s5 =	sor.u32 @p0 s7, s5  }
0xc9: {  	[sflag:s5] =	ssyncadd.remote.s32 @p0 $0x1;
	_ =	sdelay $0x1  }
0xca: {  	s5 =	simm.s32 @p0 $0x1BF3  }
0xcb: {  	_ =	swait.eq @p0 [sflag:s5], $0x1  }
0xcc: {  	[sflag:s5] =	ssyncadd.s32 @p0 $0xFFFFFFFF;
	_ =	sdelay $0x1  }
0xcd: {  	s5 =	simm.s32 @!p0 $0x1BF3  }
0xce: {  	s4 =	sshll.u32 @!p0 s4, $0x11;
	s7 =	sadd.s32 @!p0 $0x11BF3, s8;
	_ =	swait.eq @!p0 [sflag:s5], $0x1  }
0xcf: {  	s4 =	sor.u32 @!p0 s4, s7;
	[sflag:s5] =	ssyncadd.s32 @!p0 $0xFFFFFFFF  }
0xd0: {  	[sflag:s4] =	ssyncadd.remote.s32 @!p0 $0x1  }
0xd1: {  	_ =	strace $0x80000052;
	[dreg:$0x1] =	wrdreg $0xFFFFFFFF  }
0xd2: {  	[dreg:$0x0] =	wrdreg $0x2030  }
0xd3: {  	[dreg:$0x2] =	wrdreg s22  }
0xd4: {  	[dreg:$0x3] =	wrdreg s1  }
0xd5: {  	[dreg:$0x4] =	wrdreg s3  }
0xd6: {  	[dreg:$0x5] =	wrdreg $0xC  }
0xd7: {  	_ =	task.clear_ibuf [dreg:s20], $0x6FFFF;
	_ =	strace $0x90000052  }
0xd8: {  	s29 =	simm.s32 $0xC;
	_ =	strace $0x80000054  }
0xd9: {  	_ =	swait.ge [sflag:s29], $0x1  }
0xda: {  	[sflag:s29] =	ssyncadd.s32 $0xFFFFFFFF  }
0xdb: {  	_ =	strace $0x90000054  }
0xdc: {  	_ =	sfence  }
0xdd: {  	s30 =	sld [smem:$0x0];
	_ =	sdelay $0x2  }
0xde: {  	s31 =	sshll.u32 s1, $0xD;
	s1 =	sshrl.u32 s1, $0x2  }
0xdf: {  	s4 =	sand.u32 $0x4000, s31;
	s1 =	sadd.s32 s1, s30  }
0xe0: {  	s0 =	sor.u32 s4, s0;
	s1 =	sshll.u32 s1, $0x11  }
0xe1: {  	s0 =	sor.u32 s1, s0  }
0xe2: {  	s0 =	sadd.s32 $0x8F2B, s0  }
0xe3: {  	[sflag:s0] =	ssyncadd.remote.s32 $0x1  }
0xe4: {  	_ =	sfence.sel $0xFFFF  }
0xe5: {  	[dreg:$0x0] =	wrdreg $0xFFFFFFFF;
	(pc) =	sbr.abs _section_cstart, $3  }
0xe6: {  	[dreg:$0x1] =	wrdreg $0xFFFFFFFF  }
0xe7: {  	_ =	task.clear_ibuf [dreg:s20], $0x2FFFF;
	_ =	strace $0x9FFFFFFF  }
0xe8: {  	(tm) =	ssettm $0x7FFFFFFF  }
0xe9: {  	_ =	shalt  }
tec
execute0_lowered:
.L_overlay_start_1:
0x0: {  	(tag) =	ssettag $0x1  }
0x1: {  	s3 =	rddreg [dreg:$0x0]  }
0x2: {  	s2 =	rddreg [dreg:$0x1]  }
0x3: {  	s4 =	rddreg [dreg:$0x2]  }
0x4: {  	s0 =	rddreg [dreg:$0x3]  }
0x5: {  	s5 =	stileid.u32;
	[bflag:$0x3] =	sbarrier.arrive $0xFFFF;
	s1 =	simm.s32 $_size_execute1_lowered  }
0x6: {  	s29 =	srdreg.scid;
	s31 =	simm.s32 $0x2;
	p0 =	sne.s32 s5, $0x0  }
0x7: {  	s1 =	sshll.u32 s1, $0x1;
	s6 =	simm.s32 @!p0 $0x1C3F;
	s7 =	simm.s32 @!p0 $0x4060  }
0x8: {  	[timem:s7], [sflag:s6] =	dma.local @!p0 [hbm:s3], s1  }
0x9: {  	s8 =	simm.s32 $0x0;
	s12 =	simm.s32 $0x0;
	s3 =	sshll.u32 s29, $0x7  }
.Ltmp0:
0xa: {  	s5 =	sshll.u32 s5, $0x8;
	s3 =	sand.u32 $0x80, s3;
	(pc) =	sbr.rel .LBB2_1-.Ltmp0, $4  }
0xb: {  	s10 =	simm.s32 $0x0;
	s11 =	simm.s32 $0x0;
	s3 =	sor.u32 s5, s3  }
0xc: {  	_ =	strace $0x80000050;
	s5 =	simm.s32 $0x1;
	s30 =	ssub.s32 $0x2700, s3  }
0xd: {  	s4 =	sadd.s32 $0x59FE00, s4;
	[sflag:s5] =	ssyncpa.u1 $0x0;
	s6 =	sshrl.u32 s30, $0xC  }
0xe: {  	s9 =	smov.u32 s3;
	[sflag:s31] =	ssyncpa.u1 $0x0;
	s7 =	sadd.s32 $0x2, s6  }
.LBB2_5:
0xf: {  	_ =	sdelay $0x3  }
0x10: {  	[tilespmem:v4+s18+$0x0 ss:$0x1] =	vst.idx.msk $0xffff, v1  }
0x11: {  	[tilespmem:v4+s16+$0x0 ss:$0x1] =	vst.idx.msk $0xffff, v2  }
0x12: {  	[tilespmem:v4+s15+$0x0 ss:$0x1] =	vst.idx.msk $0xffff, v3  }
0x13: {  	[tilespmem:v4+s17+$0x0 ss:$0x1] =	vst.idx.msk $0xffff, v5  }
0x14: {  	[tilespmem:v4+s19+$0x0 ss:$0x1] =	vst.idx.msk $0xffff, v6  }
.LBB2_6:
0x15: {  	s15 =	sand.u32 $0x1FFFFFF, s10  }
0x16: {  	s16 =	smulhi.u32 $0x1A36E2F, s15;
	_ =	sdelay $0x1  }
0x17: {  	s16 =	sshrl.u32 s16, $0x6  }
0x18: {  	s16 =	smul.u32 $0x2710, s16;
	_ =	sdelay $0x1  }
0x19: {  	s15 =	ssub.s32 s15, s16  }
0x1a: {  	s15 =	sshll.u32 s15, $0x4  }
0x1b: {  	s15 =	sadd.s32 s4, s15  }
0x1c: {  	[hbm4b:s15+s8] =	stream.linear.scatter [tilespmem:s14], [sflag:$0x2], s13, $0x38;
	[tilespmem:$0x10000] =	vst v63  }
.LBB2_7:
0x1d: {  	p1 =	slt.u32 s11, $0x2  }
0x1e: {  	p2 =	sgt.s32 @!p1 s12, $0x2690  }
0x1f: {  	s13 =	smov.u32 s12;
	s14 =	sshra.s32 @!p1 s12, $0x1F;
	p2 =	por !p2, p1  }
0x20: {  	s12 =	sand.u32 @!p1 s14, s12;
	s13 =	simm.s32 @p2 $0x2690  }
0x21: {  	s12 =	ssub.s32 @!p1 s13, s12  }
0x22: {  	s12 =	sadd.s32 @!p1 $0xFFFFD970, s12  }
0x23: {  	s13 =	sshll.u32 @!p1 s12, $0x9  }
0x24: {  	p2 =	sgt.s32 @!p1 s12, $0x7F;
	s12 =	ssub.s32 @!p1 $0x10000, s13  }
0x25: {  	s14 =	sadd.s32 $0x1000, s9;
	p2 =	por !p2, p1;
	s12 =	sshrl.u32 @!p1 s12, $0x2  }
0x26: {  	s12 =	simm.s32 @!p2 $0x0;
	p2 =	sgt.s32 s14, $0x270F  }
0x27: {  	s14 =	smov.u32 @p2 s3;
	p2 =	sne.s32 s11, s7  }
.Ltmp1:
0x28: {  	_ = 	snop;
	(pc) =	sbr.rel @!p2 .LBB2_8-.Ltmp1, $4  }
0x29: {  	s13 =	simm.s32 @!p1 $0x2  }
0x2a: {  	_ =	swait.ge @!p1 [sflag:s13], s12;
	s15 =	ssub.s32 @!p1 $0x0, s12  }
0x2b: {  	s12 =	smov.u32 s10;
	s11 =	sadd.s32 $0x1, s11;
	[sflag:s13] =	ssyncset.done @!p1 $0x0  }
0x2c: {  	s10 =	smov.u32 s9;
	s9 =	smov.u32 s14;
	[sflag:s13] =	ssyncadd.s32 @!p1 s15  }
.LBB2_1:
0x2d: {  	p1 =	sgt.u32 s11, s6  }
0x2e: {  	s13 =	sand.u32 @!p1 $0x1FFFFFF, s9  }
0x2f: {  	p2 =	sgt.s32 @!p1 s9, $0x2690;
	s14 =	smulhi.u32 @!p1 $0x1A36E2F, s13  }
0x30: {  	s15 =	smov.u32 s9;
	s16 =	sshra.s32 @!p1 s9, $0x1F;
	p2 =	por !p2, p1  }
0x31: {  	s16 =	sand.u32 @!p1 s16, s9;
	s15 =	simm.s32 @p2 $0x2690;
	s14 =	sshrl.u32 @!p1 s14, $0x6  }
0x32: {  	s15 =	ssub.s32 @!p1 s15, s16;
	s14 =	smul.u32 @!p1 $0x2710, s14  }
0x33: {  	s16 =	sxor.u32 @!p1 $0xFFFFFFFF, s11;
	s15 =	sadd.s32 @!p1 $0xFFFFD970, s15  }
0x34: {  	s16 =	sshll.u32 @!p1 s16, $0xE;
	s13 =	ssub.s32 @!p1 s13, s14;
	s14 =	sshll.u32 @!p1 s15, $0x9  }
0x35: {  	s16 =	sand.u32 @!p1 $0x4000, s16;
	p2 =	sgt.s32 @!p1 s15, $0x7F;
	s14 =	ssub.s32 @!p1 $0x10000, s14  }
0x36: {  	p2 =	por !p2, p1;
	s13 =	sshll.u32 @!p1 s13, $0x4;
	s14 =	sshrl.u32 @!p1 s14, $0x2  }
0x37: {  	s15 =	simm.s32 @!p1 $0x0;
	s13 =	sadd.s32 @!p1 s2, s13;
	s14 =	simm.s32 @!p2 $0x0  }
0x38: {  	[tilespmem:s16], [sflag:$0x1] =	stream.linear.gather @!p1 [hbm4b:s13+s15], s14, $0x38;
	[tilespmem:$0x10000] =	vst v63  }
0x39: {  	p1 =	seq.s32 s11, $0x0  }
0x3a: {  	p2 =	sge.u32 @!p1 s11, s7  }
0x3b: {  	p1 =	por p1, p2  }
.Ltmp2:
0x3c: {  	_ = 	snop;
	(pc) =	sbr.rel @p1 .LBB2_7-.Ltmp2, $1  }
0x3d: {  	_ =	sdelay $0x3  }
0x3e: {  	p1 =	sgt.s32 s10, $0x2690;
	s13 =	smov.u32 s10;
	s14 =	sshra.s32 s10, $0x1F  }
0x3f: {  	s13 =	simm.s32 @!p1 $0x2690;
	s14 =	sand.u32 s14, s10  }
0x40: {  	s13 =	ssub.s32 s13, s14  }
0x41: {  	s13 =	sadd.s32 $0xFFFFD970, s13  }
0x42: {  	s31 =	sshll.u32 s13, $0x9  }
0x43: {  	s14 =	ssub.s32 $0x10000, s31  }
0x44: {  	p1 =	sgt.s32 s13, $0x7F;
	s13 =	sshrl.u32 s14, $0x2;
	s14 =	sadd.s32 $0x80, s10  }
0x45: {  	s13 =	simm.s32 @p1 $0x0;
	p1 =	slt.s32 s14, $0x2710  }
0x46: {  	s14 =	simm.s32 @!p1 $0x2710  }
0x47: {  	s20 =	ssub.s32 s14, s10  }
0x48: {  	p1 =	slt.s32 s20, $0x1  }
.Ltmp3:
0x49: {  	_ = 	snop;
	(pc) =	sbr.rel @p1 .LBB2_6-.Ltmp3, $4  }
0x4a: {  	_ = 	snop  }
0x4b: {  	s15 =	sshll.u32 s11, $0xE;
	_ =	swait.ge [sflag:s5], s13  }
0x4c: {  	s15 =	sand.u32 $0x4000, s15;
	s16 =	ssub.s32 $0x0, s13;
	[sflag:s5] =	ssyncset.done $0x0  }
0x4d: {  	s14 =	sor.u32 $0x8000, s15;
	[sflag:s5] =	ssyncadd.s32 s16  }
0x4e: {  	v0 =	vmov s15;
	_ =	sdelay $0x2  }
0x4f: {  	s31 =	simm.s32 $0x0  }
0x50: {  	p1 =	sne.s32 s20, $0x1;
	s18 =	sand.u32 $0x3F80, s31  }
.Ltmp4:
0x51: {  	s16 =	sor.u32 $0x40, s18;
	v1 =	vld.idx.msk [tilespmem:v0+s18+$0x0 ss:$0x1], $0xffff;
	(pc) =	sbr.rel @!p1 .LBB2_5-.Ltmp4, $4  }
0x52: {  	s15 =	sor.u32 $0x10, s18;
	v2 =	vld.idx.msk [tilespmem:v0+s16+$0x0 ss:$0x1], $0xffff  }
0x53: {  	v4 =	vmov s14;
	s17 =	sor.u32 $0x20, s18;
	v3 =	vld.idx.msk [tilespmem:v0+s15+$0x0 ss:$0x1], $0xffff  }
0x54: {  	s19 =	sor.u32 $0x30, s18;
	v5 =	vld.idx.msk [tilespmem:v0+s17+$0x0 ss:$0x1], $0xffff  }
0x55: {  	s20 =	sadd.s32 $0xFFFFFFFF, s20;
	s21 =	simm.s32 $0x80;
	v6 =	vld.idx.msk [tilespmem:v0+s19+$0x0 ss:$0x1], $0xffff  }
.LBB2_4:
0x56: {  	s22 =	sand.u32 $0x3F80, s21  }
0x57: {  	p1 =	sne.s32 s20, $0x1;
	s20 =	sadd.s32 $0xFFFFFFFF, s20;
	s23 =	sor.u32 $0x10, s22  }
.Ltmp5:
0x58: {  	s24 =	sor.u32 $0x20, s22;
	s25 =	sor.u32 $0x40, s22;
	[tilespmem:v4+s18+$0x0 ss:$0x1] =	vst.idx.msk $0xffff, v1;
	v1 =	vld.idx.msk [tilespmem:v0+s22+$0x0 ss:$0x1], $0xffff;
	(pc) =	sbr.rel @p1 .LBB2_4-.Ltmp5, $4  }
0x59: {  	s26 =	sor.u32 $0x30, s22;
	s18 =	smov.u32 s22;
	[tilespmem:v4+s16+$0x0 ss:$0x1] =	vst.idx.msk $0xffff, v2;
	v2 =	vld.idx.msk [tilespmem:v0+s25+$0x0 ss:$0x1], $0xffff;
	s16 =	smov.u32 s25  }
0x5a: {  	[tilespmem:v4+s15+$0x0 ss:$0x1] =	vst.idx.msk $0xffff, v3;
	v3 =	vld.idx.msk [tilespmem:v0+s23+$0x0 ss:$0x1], $0xffff;
	s15 =	smov.u32 s23  }
0x5b: {  	[tilespmem:v4+s17+$0x0 ss:$0x1] =	vst.idx.msk $0xffff, v5;
	v5 =	vld.idx.msk [tilespmem:v0+s24+$0x0 ss:$0x1], $0xffff;
	s17 =	smov.u32 s24  }
0x5c: {  	s21 =	sadd.s32 $0x80, s21;
	[tilespmem:v4+s19+$0x0 ss:$0x1] =	vst.idx.msk $0xffff, v6;
	v6 =	vld.idx.msk [tilespmem:v0+s26+$0x0 ss:$0x1], $0xffff;
	s19 =	smov.u32 s26  }
.Ltmp6:
0x5d: {  	_ = 	snop;
	(pc) =	sbr.rel .LBB2_5-.Ltmp6, $1  }
0x5e: {  	_ =	sdelay $0x3  }
.LBB2_8:
0x5f: {  	_ =	sfence.sel $0x180000  }
0x60: {  	s2 =	simm.s32 $0x1;
	[bflag:$0x0] =	sbarrier.arrive $0xFFFF  }
0x61: {  	s31 =	simm.s32 $0x2;
	[sflag:s2] =	ssyncpa.u1 $0x1  }
0x62: {  	[sflag:s31] =	ssyncpa.u1 $0x1  }
0x63: {  	_ =	strace $0x90000050  }
0x64: {  	s0 =	sadd.s32 @!p0 $0x100000, s0;
	[bflag:$0x2] =	sbarrier.arrive $0xFFFF  }
0x65: {  	[sflag:s0] =	ssyncadd.tile.s32 @!p0 $0x1;
	s0 =	simm.s32 @!p0 $0x3F  }
0x66: {  	_ =	swait.ge @!p0 [sflag:s0], s1  }
0x67: {  	s1 =	ssub.s32 @!p0 $0x0, s1;
	[sflag:s0] =	ssyncset.done @!p0 $0x0  }
0x68: {  	[sflag:s0] =	ssyncadd.s32 @!p0 s1  }
0x69: {  	[bflag:$0x3] =	sbarrier.arrive $0xFFFF  }
0x6a: {  	_ =	shalt  }
.Lfunc_end2:
execute1_lowered:
.L_overlay_start_2:
0x6b: {  	(tag) =	ssettag $0x2  }
0x6c: {  	s4 =	rddreg [dreg:$0x0]  }
0x6d: {  	s2 =	rddreg [dreg:$0x1];
	_ =	strace $0x80000053;
	s3 =	simm.s32 $0x1  }
0x6e: {  	v0 =	vimm.s32 $0x0;
	[sflag:s3] =	ssyncpa.u1 $0x0  }
0x6f: {  	[tilespmem:$0xA8] =	vst v0  }
0x70: {  	[tilespmem:$0xB8] =	vst v0  }
0x71: {  	[tilespmem:$0xC8] =	vst v0  }
0x72: {  	[tilespmem:$0xD8] =	vst v0  }
0x73: {  	[tilespmem:$0xE8] =	vst v0  }
0x74: {  	[tilespmem:$0xF8] =	vst v0  }
0x75: {  	[tilespmem:$0x108] =	vst v0  }
0x76: {  	[tilespmem:$0x118] =	vst v0  }
0x77: {  	[tilespmem:$0x128] =	vst v0  }
0x78: {  	[tilespmem:$0x138] =	vst v0  }
0x79: {  	[tilespmem:$0x148] =	vst v0  }
0x7a: {  	[tilespmem:$0x158] =	vst v0  }
0x7b: {  	[tilespmem:$0x168] =	vst v0  }
0x7c: {  	[tilespmem:$0x178] =	vst v0  }
0x7d: {  	[tilespmem:$0x188] =	vst v0  }
0x7e: {  	[tilespmem:$0x198] =	vst v0  }
0x7f: {  	[tilespmem:$0x1A8] =	vst v0  }
0x80: {  	[tilespmem:$0x1B8] =	vst v0  }
0x81: {  	[tilespmem:$0x1C8] =	vst v0  }
0x82: {  	[tilespmem:$0x1D8] =	vst v0  }
0x83: {  	[tilespmem:$0x1E8] =	vst v0  }
0x84: {  	[tilespmem:$0x1F8] =	vst v0  }
0x85: {  	[tilespmem:$0x208] =	vst v0  }
0x86: {  	[tilespmem:$0x218] =	vst v0  }
0x87: {  	[tilespmem:$0x228] =	vst v0  }
0x88: {  	[tilespmem:$0x238] =	vst v0  }
0x89: {  	[tilespmem:$0x248] =	vst v0  }
0x8a: {  	[tilespmem:$0x258] =	vst v0  }
0x8b: {  	[tilespmem:$0x268] =	vst v0  }
0x8c: {  	[tilespmem:$0x278] =	vst v0  }
0x8d: {  	[tilespmem:$0x288] =	vst v0  }
0x8e: {  	[tilespmem:$0x298] =	vst v0  }
0x8f: {  	[tilespmem:$0x2A8] =	vst v0  }
0x90: {  	[tilespmem:$0x2B8] =	vst v0  }
0x91: {  	[tilespmem:$0x2C8] =	vst v0  }
0x92: {  	[tilespmem:$0x2D8] =	vst v0  }
0x93: {  	[tilespmem:$0x2E8] =	vst v0  }
0x94: {  	[tilespmem:$0x2F8] =	vst v0  }
0x95: {  	[tilespmem:$0x308] =	vst v0  }
0x96: {  	[tilespmem:$0x318] =	vst v0  }
0x97: {  	[tilespmem:$0x328] =	vst v0  }
0x98: {  	[tilespmem:$0x338] =	vst v0  }
0x99: {  	[tilespmem:$0x348] =	vst v0  }
0x9a: {  	[tilespmem:$0x358] =	vst v0  }
0x9b: {  	[tilespmem:$0x368] =	vst v0  }
0x9c: {  	[tilespmem:$0x378] =	vst v0  }
0x9d: {  	[tilespmem:$0x388] =	vst v0  }
0x9e: {  	[tilespmem:$0x398] =	vst v0  }
0x9f: {  	[tilespmem:$0x3A8] =	vst v0  }
0xa0: {  	[tilespmem:$0x3B8] =	vst v0  }
0xa1: {  	[tilespmem:$0x3C8] =	vst v0  }
0xa2: {  	[tilespmem:$0x3D8] =	vst v0  }
0xa3: {  	[tilespmem:$0x3E8] =	vst v0  }
0xa4: {  	[tilespmem:$0x3F8] =	vst v0  }
0xa5: {  	[tilespmem:$0x408] =	vst v0  }
0xa6: {  	[tilespmem:$0x418] =	vst v0  }
0xa7: {  	[tilespmem:$0x428] =	vst v0  }
0xa8: {  	[tilespmem:$0x438] =	vst v0  }
0xa9: {  	[tilespmem:$0x448] =	vst v0  }
0xaa: {  	[tilespmem:$0x458] =	vst v0  }
0xab: {  	[tilespmem:$0x468] =	vst v0  }
0xac: {  	[tilespmem:$0x478] =	vst v0  }
0xad: {  	[tilespmem:$0x488] =	vst v0  }
0xae: {  	[tilespmem:$0x498] =	vst v0  }
0xaf: {  	[tilespmem:$0x4A8] =	vst v0  }
0xb0: {  	[tilespmem:$0x4B8] =	vst v0  }
0xb1: {  	[tilespmem:$0x4C8] =	vst v0  }
0xb2: {  	[tilespmem:$0x4D8] =	vst v0  }
0xb3: {  	[tilespmem:$0x4E8] =	vst v0  }
0xb4: {  	[tilespmem:$0x4F8] =	vst v0  }
0xb5: {  	[tilespmem:$0x508] =	vst v0  }
0xb6: {  	[tilespmem:$0x518] =	vst v0  }
0xb7: {  	[tilespmem:$0x528] =	vst v0  }
0xb8: {  	[tilespmem:$0x538] =	vst v0  }
0xb9: {  	[tilespmem:$0x548] =	vst v0  }
0xba: {  	[tilespmem:$0x558] =	vst v0  }
0xbb: {  	[tilespmem:$0x568] =	vst v0  }
0xbc: {  	[tilespmem:$0x578] =	vst v0  }
0xbd: {  	[tilespmem:$0x588] =	vst v0  }
0xbe: {  	[tilespmem:$0x598] =	vst v0  }
0xbf: {  	[tilespmem:$0x5A8] =	vst v0  }
0xc0: {  	[tilespmem:$0x5B8] =	vst v0  }
0xc1: {  	[tilespmem:$0x5C8] =	vst v0  }
0xc2: {  	[tilespmem:$0x5D8] =	vst v0  }
0xc3: {  	[tilespmem:$0x5E8] =	vst v0  }
0xc4: {  	[tilespmem:$0x5F8] =	vst v0  }
0xc5: {  	[tilespmem:$0x608] =	vst v0  }
0xc6: {  	[tilespmem:$0x618] =	vst v0  }
0xc7: {  	[tilespmem:$0x628] =	vst v0  }
0xc8: {  	[tilespmem:$0x638] =	vst v0  }
0xc9: {  	[tilespmem:$0x648] =	vst v0  }
0xca: {  	[tilespmem:$0x658] =	vst v0  }
0xcb: {  	[tilespmem:$0x668] =	vst v0  }
0xcc: {  	[tilespmem:$0x678] =	vst v0  }
0xcd: {  	[tilespmem:$0x688] =	vst v0  }
0xce: {  	[tilespmem:$0x698] =	vst v0  }
0xcf: {  	[tilespmem:$0x6A8] =	vst v0  }
0xd0: {  	[tilespmem:$0x6B8] =	vst v0  }
0xd1: {  	[tilespmem:$0x6C8] =	vst v0  }
0xd2: {  	[tilespmem:$0x6D8] =	vst v0  }
0xd3: {  	[tilespmem:$0x6E8] =	vst v0  }
0xd4: {  	[tilespmem:$0x6F8] =	vst v0  }
0xd5: {  	[tilespmem:$0x708] =	vst v0  }
0xd6: {  	[tilespmem:$0x718] =	vst v0  }
0xd7: {  	[tilespmem:$0x728] =	vst v0  }
0xd8: {  	[tilespmem:$0x738] =	vst v0  }
0xd9: {  	[tilespmem:$0x748] =	vst v0  }
0xda: {  	[tilespmem:$0x758] =	vst v0  }
0xdb: {  	[tilespmem:$0x768] =	vst v0  }
0xdc: {  	[tilespmem:$0x778] =	vst v0  }
0xdd: {  	[tilespmem:$0x788] =	vst v0  }
0xde: {  	[tilespmem:$0x798] =	vst v0  }
0xdf: {  	[tilespmem:$0x7A8] =	vst v0  }
0xe0: {  	[tilespmem:$0x7B8] =	vst v0  }
0xe1: {  	[tilespmem:$0x7C8] =	vst v0  }
0xe2: {  	[tilespmem:$0x7D8] =	vst v0  }
0xe3: {  	[tilespmem:$0x7E8] =	vst v0  }
0xe4: {  	[tilespmem:$0x7F8] =	vst v0  }
0xe5: {  	[tilespmem:$0x808] =	vst v0  }
0xe6: {  	[tilespmem:$0x818] =	vst v0  }
0xe7: {  	[tilespmem:$0x828] =	vst v0  }
0xe8: {  	[tilespmem:$0x838] =	vst v0  }
0xe9: {  	[tilespmem:$0x848] =	vst v0  }
0xea: {  	[tilespmem:$0x858] =	vst v0  }
0xeb: {  	[tilespmem:$0x868] =	vst v0  }
0xec: {  	[tilespmem:$0x878] =	vst v0  }
0xed: {  	[tilespmem:$0x888] =	vst v0  }
0xee: {  	[tilespmem:$0x898] =	vst v0  }
0xef: {  	[tilespmem:$0x8A8] =	vst v0  }
0xf0: {  	[tilespmem:$0x8B8] =	vst v0  }
0xf1: {  	[tilespmem:$0x8C8] =	vst v0  }
0xf2: {  	[tilespmem:$0x8D8] =	vst v0  }
0xf3: {  	[tilespmem:$0x8E8] =	vst v0  }
0xf4: {  	[tilespmem:$0x8F8] =	vst v0  }
0xf5: {  	[tilespmem:$0x908] =	vst v0  }
0xf6: {  	[tilespmem:$0x918] =	vst v0  }
0xf7: {  	[tilespmem:$0x928] =	vst v0  }
0xf8: {  	[tilespmem:$0x938] =	vst v0  }
0xf9: {  	[tilespmem:$0x948] =	vst v0  }
0xfa: {  	[tilespmem:$0x958] =	vst v0  }
0xfb: {  	[tilespmem:$0x968] =	vst v0  }
0xfc: {  	[tilespmem:$0x978] =	vst v0  }
0xfd: {  	[tilespmem:$0x988] =	vst v0  }
0xfe: {  	[tilespmem:$0x998] =	vst v0  }
0xff: {  	[tilespmem:$0x9A8] =	vst v0  }
0x100: {  	[tilespmem:$0x9B8] =	vst v0  }
0x101: {  	[tilespmem:$0x9C8] =	vst v0  }
0x102: {  	[tilespmem:$0x9D8] =	vst v0  }
0x103: {  	[tilespmem:$0x9E8] =	vst v0  }
0x104: {  	[tilespmem:$0x9F8] =	vst v0  }
0x105: {  	[tilespmem:$0xA08] =	vst v0  }
0x106: {  	[tilespmem:$0xA18] =	vst v0  }
0x107: {  	[tilespmem:$0xA28] =	vst v0  }
0x108: {  	[tilespmem:$0xA38] =	vst v0  }
0x109: {  	[tilespmem:$0xA48] =	vst v0  }
0x10a: {  	[tilespmem:$0xA58] =	vst v0  }
0x10b: {  	[tilespmem:$0xA68] =	vst v0  }
0x10c: {  	[tilespmem:$0xA78] =	vst v0  }
0x10d: {  	[tilespmem:$0xA88] =	vst v0  }
0x10e: {  	[tilespmem:$0xA98] =	vst v0  }
0x10f: {  	[tilespmem:$0xAA8] =	vst v0  }
0x110: {  	[tilespmem:$0xAB8] =	vst v0  }
0x111: {  	[tilespmem:$0xAC8] =	vst v0  }
0x112: {  	[tilespmem:$0xAD8] =	vst v0  }
0x113: {  	[tilespmem:$0xAE8] =	vst v0  }
0x114: {  	[tilespmem:$0xAF8] =	vst v0  }
0x115: {  	[tilespmem:$0xB08] =	vst v0  }
0x116: {  	[tilespmem:$0xB18] =	vst v0  }
0x117: {  	[tilespmem:$0xB28] =	vst v0  }
0x118: {  	[tilespmem:$0xB38] =	vst v0  }
0x119: {  	[tilespmem:$0xB48] =	vst v0  }
0x11a: {  	[tilespmem:$0xB58] =	vst v0  }
0x11b: {  	[tilespmem:$0xB68] =	vst v0  }
0x11c: {  	[tilespmem:$0xB78] =	vst v0  }
0x11d: {  	[tilespmem:$0xB88] =	vst v0  }
0x11e: {  	[tilespmem:$0xB98] =	vst v0  }
0x11f: {  	[tilespmem:$0xBA8] =	vst v0  }
0x120: {  	[tilespmem:$0xBB8] =	vst v0  }
0x121: {  	[tilespmem:$0xBC8] =	vst v0  }
0x122: {  	[tilespmem:$0xBD8] =	vst v0  }
0x123: {  	[tilespmem:$0xBE8] =	vst v0  }
0x124: {  	[tilespmem:$0xBF8] =	vst v0  }
0x125: {  	[tilespmem:$0xC08] =	vst v0  }
0x126: {  	[tilespmem:$0xC18] =	vst v0  }
0x127: {  	[tilespmem:$0xC28] =	vst v0  }
0x128: {  	[tilespmem:$0xC38] =	vst v0  }
0x129: {  	[tilespmem:$0xC48] =	vst v0  }
0x12a: {  	[tilespmem:$0xC58] =	vst v0  }
0x12b: {  	[tilespmem:$0xC68] =	vst v0  }
0x12c: {  	[tilespmem:$0xC78] =	vst v0  }
0x12d: {  	[tilespmem:$0xC88] =	vst v0  }
0x12e: {  	[tilespmem:$0xC98] =	vst v0  }
0x12f: {  	[tilespmem:$0xCA8] =	vst v0  }
0x130: {  	[tilespmem:$0xCB8] =	vst v0  }
0x131: {  	[tilespmem:$0xCC8] =	vst v0  }
0x132: {  	[tilespmem:$0xCD8] =	vst v0  }
0x133: {  	[tilespmem:$0xCE8] =	vst v0  }
0x134: {  	[tilespmem:$0xCF8] =	vst v0  }
0x135: {  	[tilespmem:$0xD08] =	vst v0  }
0x136: {  	[tilespmem:$0xD18] =	vst v0  }
0x137: {  	[tilespmem:$0xD28] =	vst v0  }
0x138: {  	[tilespmem:$0xD38] =	vst v0  }
0x139: {  	[tilespmem:$0xD48] =	vst v0  }
0x13a: {  	[tilespmem:$0xD58] =	vst v0  }
0x13b: {  	[tilespmem:$0xD68] =	vst v0  }
0x13c: {  	[tilespmem:$0xD78] =	vst v0  }
0x13d: {  	[tilespmem:$0xD88] =	vst v0  }
0x13e: {  	[tilespmem:$0xD98] =	vst v0  }
0x13f: {  	[tilespmem:$0xDA8] =	vst v0  }
0x140: {  	[tilespmem:$0xDB8] =	vst v0  }
0x141: {  	[tilespmem:$0xDC8] =	vst v0  }
0x142: {  	[tilespmem:$0xDD8] =	vst v0  }
0x143: {  	[tilespmem:$0xDE8] =	vst v0  }
0x144: {  	[tilespmem:$0xDF8] =	vst v0  }
0x145: {  	[tilespmem:$0xE08] =	vst v0  }
0x146: {  	[tilespmem:$0xE18] =	vst v0  }
0x147: {  	[tilespmem:$0xE28] =	vst v0  }
0x148: {  	[tilespmem:$0xE38] =	vst v0  }
0x149: {  	[tilespmem:$0xE48] =	vst v0  }
0x14a: {  	[tilespmem:$0xE58] =	vst v0  }
0x14b: {  	[tilespmem:$0xE68] =	vst v0  }
0x14c: {  	[tilespmem:$0xE78] =	vst v0  }
0x14d: {  	[tilespmem:$0xE88] =	vst v0  }
0x14e: {  	[tilespmem:$0xE98] =	vst v0  }
0x14f: {  	[tilespmem:$0xEA8] =	vst v0  }
0x150: {  	[tilespmem:$0xEB8] =	vst v0  }
0x151: {  	[tilespmem:$0xEC8] =	vst v0  }
0x152: {  	[tilespmem:$0xED8] =	vst v0  }
0x153: {  	[tilespmem:$0xEE8] =	vst v0  }
0x154: {  	[tilespmem:$0xEF8] =	vst v0  }
0x155: {  	[tilespmem:$0xF08] =	vst v0  }
0x156: {  	[tilespmem:$0xF18] =	vst v0  }
0x157: {  	[tilespmem:$0xF28] =	vst v0  }
0x158: {  	[tilespmem:$0xF38] =	vst v0  }
0x159: {  	[tilespmem:$0xF48] =	vst v0  }
0x15a: {  	[tilespmem:$0xF58] =	vst v0  }
0x15b: {  	[tilespmem:$0xF68] =	vst v0  }
0x15c: {  	[tilespmem:$0xF78] =	vst v0  }
0x15d: {  	[tilespmem:$0xF88] =	vst v0  }
0x15e: {  	[tilespmem:$0xF98] =	vst v0  }
0x15f: {  	[tilespmem:$0xFA8] =	vst v0  }
0x160: {  	[tilespmem:$0xFB8] =	vst v0  }
0x161: {  	[tilespmem:$0xFC8] =	vst v0  }
0x162: {  	[tilespmem:$0xFD8] =	vst v0  }
0x163: {  	[tilespmem:$0xFE8] =	vst v0  }
0x164: {  	[tilespmem:$0xFF8] =	vst v0  }
0x165: {  	[tilespmem:$0x1008] =	vst v0  }
0x166: {  	[tilespmem:$0x1018] =	vst v0  }
0x167: {  	[tilespmem:$0x1028] =	vst v0  }
0x168: {  	[tilespmem:$0x1038] =	vst v0  }
0x169: {  	[tilespmem:$0x1048] =	vst v0  }
0x16a: {  	[tilespmem:$0x1058] =	vst v0  }
0x16b: {  	[tilespmem:$0x1068] =	vst v0  }
0x16c: {  	[tilespmem:$0x1078] =	vst v0  }
0x16d: {  	[tilespmem:$0x1088] =	vst v0  }
0x16e: {  	[tilespmem:$0x1098] =	vst v0  }
0x16f: {  	[tilespmem:$0x10A8] =	vst v0  }
0x170: {  	[tilespmem:$0x10B8] =	vst v0  }
0x171: {  	[tilespmem:$0x10C8] =	vst v0  }
0x172: {  	[tilespmem:$0x10D8] =	vst v0  }
0x173: {  	[tilespmem:$0x10E8] =	vst v0  }
0x174: {  	[tilespmem:$0x10F8] =	vst v0  }
0x175: {  	[tilespmem:$0x1108] =	vst v0  }
0x176: {  	[tilespmem:$0x1118] =	vst v0  }
0x177: {  	[tilespmem:$0x1128] =	vst v0  }
0x178: {  	[tilespmem:$0x1138] =	vst v0  }
0x179: {  	[tilespmem:$0x1148] =	vst v0  }
0x17a: {  	[tilespmem:$0x1158] =	vst v0  }
0x17b: {  	[tilespmem:$0x1168] =	vst v0  }
0x17c: {  	[tilespmem:$0x1178] =	vst v0  }
0x17d: {  	[tilespmem:$0x1188] =	vst v0  }
0x17e: {  	[tilespmem:$0x1198] =	vst v0  }
0x17f: {  	[tilespmem:$0x11A8] =	vst v0  }
0x180: {  	[tilespmem:$0x11B8] =	vst v0  }
0x181: {  	[tilespmem:$0x11C8] =	vst v0  }
0x182: {  	[tilespmem:$0x11D8] =	vst v0  }
0x183: {  	[tilespmem:$0x11E8] =	vst v0  }
0x184: {  	[tilespmem:$0x11F8] =	vst v0  }
0x185: {  	[tilespmem:$0x1208] =	vst v0  }
0x186: {  	[tilespmem:$0x1218] =	vst v0  }
0x187: {  	[tilespmem:$0x1228] =	vst v0  }
0x188: {  	[tilespmem:$0x1238] =	vst v0  }
0x189: {  	[tilespmem:$0x1248] =	vst v0  }
0x18a: {  	[tilespmem:$0x1258] =	vst v0  }
0x18b: {  	[tilespmem:$0x1268] =	vst v0  }
0x18c: {  	[tilespmem:$0x1278] =	vst v0  }
0x18d: {  	[tilespmem:$0x21A8] =	vst v0  }
0x18e: {  	[tilespmem:$0x21B8] =	vst v0  }
0x18f: {  	[tilespmem:$0x1288] =	vst v0  }
0x190: {  	[tilespmem:$0x1298] =	vst v0  }
0x191: {  	[tilespmem:$0x12A8] =	vst v0  }
0x192: {  	[tilespmem:$0x12B8] =	vst v0  }
0x193: {  	[tilespmem:$0x12C8] =	vst v0  }
0x194: {  	[tilespmem:$0x12D8] =	vst v0  }
0x195: {  	[tilespmem:$0x12E8] =	vst v0  }
0x196: {  	[tilespmem:$0x12F8] =	vst v0  }
0x197: {  	[tilespmem:$0x1308] =	vst v0  }
0x198: {  	[tilespmem:$0x1318] =	vst v0  }
0x199: {  	[tilespmem:$0x1328] =	vst v0  }
0x19a: {  	[tilespmem:$0x1338] =	vst v0  }
0x19b: {  	[tilespmem:$0x1348] =	vst v0  }
0x19c: {  	[tilespmem:$0x1358] =	vst v0  }
0x19d: {  	[tilespmem:$0x1368] =	vst v0  }
0x19e: {  	[tilespmem:$0x1378] =	vst v0  }
0x19f: {  	[tilespmem:$0x1388] =	vst v0  }
0x1a0: {  	[tilespmem:$0x1398] =	vst v0  }
0x1a1: {  	[tilespmem:$0x13A8] =	vst v0  }
0x1a2: {  	[tilespmem:$0x13B8] =	vst v0  }
0x1a3: {  	[tilespmem:$0x13C8] =	vst v0  }
0x1a4: {  	[tilespmem:$0x13D8] =	vst v0  }
0x1a5: {  	[tilespmem:$0x13E8] =	vst v0  }
0x1a6: {  	[tilespmem:$0x13F8] =	vst v0  }
0x1a7: {  	[tilespmem:$0x1408] =	vst v0  }
0x1a8: {  	[tilespmem:$0x1418] =	vst v0  }
0x1a9: {  	[tilespmem:$0x1428] =	vst v0  }
0x1aa: {  	[tilespmem:$0x1438] =	vst v0  }
0x1ab: {  	[tilespmem:$0x1448] =	vst v0  }
0x1ac: {  	[tilespmem:$0x1458] =	vst v0  }
0x1ad: {  	[tilespmem:$0x1468] =	vst v0  }
0x1ae: {  	[tilespmem:$0x1478] =	vst v0  }
0x1af: {  	[tilespmem:$0x1488] =	vst v0  }
0x1b0: {  	[tilespmem:$0x1498] =	vst v0  }
0x1b1: {  	[tilespmem:$0x14A8] =	vst v0  }
0x1b2: {  	[tilespmem:$0x14B8] =	vst v0  }
0x1b3: {  	[tilespmem:$0x14C8] =	vst v0  }
0x1b4: {  	[tilespmem:$0x14D8] =	vst v0  }
0x1b5: {  	[tilespmem:$0x14E8] =	vst v0  }
0x1b6: {  	[tilespmem:$0x14F8] =	vst v0  }
0x1b7: {  	[tilespmem:$0x1508] =	vst v0  }
0x1b8: {  	[tilespmem:$0x1518] =	vst v0  }
0x1b9: {  	[tilespmem:$0x1528] =	vst v0  }
0x1ba: {  	[tilespmem:$0x1538] =	vst v0  }
0x1bb: {  	[tilespmem:$0x1548] =	vst v0  }
0x1bc: {  	[tilespmem:$0x1558] =	vst v0  }
0x1bd: {  	[tilespmem:$0x1568] =	vst v0  }
0x1be: {  	[tilespmem:$0x1578] =	vst v0  }
0x1bf: {  	[tilespmem:$0x1588] =	vst v0  }
0x1c0: {  	[tilespmem:$0x1598] =	vst v0  }
0x1c1: {  	[tilespmem:$0x15A8] =	vst v0  }
0x1c2: {  	[tilespmem:$0x15B8] =	vst v0  }
0x1c3: {  	[tilespmem:$0x15C8] =	vst v0  }
0x1c4: {  	[tilespmem:$0x15D8] =	vst v0  }
0x1c5: {  	[tilespmem:$0x15E8] =	vst v0  }
0x1c6: {  	[tilespmem:$0x15F8] =	vst v0  }
0x1c7: {  	[tilespmem:$0x1608] =	vst v0  }
0x1c8: {  	[tilespmem:$0x1618] =	vst v0  }
0x1c9: {  	[tilespmem:$0x1628] =	vst v0  }
0x1ca: {  	[tilespmem:$0x1638] =	vst v0  }
0x1cb: {  	[tilespmem:$0x1648] =	vst v0  }
0x1cc: {  	[tilespmem:$0x1658] =	vst v0  }
0x1cd: {  	[tilespmem:$0x1668] =	vst v0  }
0x1ce: {  	[tilespmem:$0x1678] =	vst v0  }
0x1cf: {  	[tilespmem:$0x1688] =	vst v0  }
0x1d0: {  	[tilespmem:$0x1698] =	vst v0  }
0x1d1: {  	[tilespmem:$0x16A8] =	vst v0  }
0x1d2: {  	[tilespmem:$0x16B8] =	vst v0  }
0x1d3: {  	[tilespmem:$0x16C8] =	vst v0  }
0x1d4: {  	[tilespmem:$0x16D8] =	vst v0  }
0x1d5: {  	[tilespmem:$0x16E8] =	vst v0  }
0x1d6: {  	[tilespmem:$0x16F8] =	vst v0  }
0x1d7: {  	[tilespmem:$0x1708] =	vst v0  }
0x1d8: {  	[tilespmem:$0x1718] =	vst v0  }
0x1d9: {  	[tilespmem:$0x1728] =	vst v0  }
0x1da: {  	[tilespmem:$0x1738] =	vst v0  }
0x1db: {  	[tilespmem:$0x1748] =	vst v0  }
0x1dc: {  	[tilespmem:$0x1758] =	vst v0  }
0x1dd: {  	[tilespmem:$0x1768] =	vst v0  }
0x1de: {  	[tilespmem:$0x1778] =	vst v0  }
0x1df: {  	[tilespmem:$0x1788] =	vst v0  }
0x1e0: {  	[tilespmem:$0x1798] =	vst v0  }
0x1e1: {  	[tilespmem:$0x17A8] =	vst v0  }
0x1e2: {  	[tilespmem:$0x17B8] =	vst v0  }
0x1e3: {  	[tilespmem:$0x17C8] =	vst v0  }
0x1e4: {  	[tilespmem:$0x17D8] =	vst v0  }
0x1e5: {  	[tilespmem:$0x17E8] =	vst v0  }
0x1e6: {  	[tilespmem:$0x17F8] =	vst v0  }
0x1e7: {  	[tilespmem:$0x1808] =	vst v0  }
0x1e8: {  	[tilespmem:$0x1818] =	vst v0  }
0x1e9: {  	[tilespmem:$0x1828] =	vst v0  }
0x1ea: {  	[tilespmem:$0x1838] =	vst v0  }
0x1eb: {  	[tilespmem:$0x1848] =	vst v0  }
0x1ec: {  	[tilespmem:$0x1858] =	vst v0  }
0x1ed: {  	[tilespmem:$0x1868] =	vst v0  }
0x1ee: {  	[tilespmem:$0x1878] =	vst v0  }
0x1ef: {  	[tilespmem:$0x1888] =	vst v0  }
0x1f0: {  	[tilespmem:$0x1898] =	vst v0  }
0x1f1: {  	[tilespmem:$0x18A8] =	vst v0  }
0x1f2: {  	[tilespmem:$0x18B8] =	vst v0  }
0x1f3: {  	[tilespmem:$0x18C8] =	vst v0  }
0x1f4: {  	[tilespmem:$0x18D8] =	vst v0  }
0x1f5: {  	[tilespmem:$0x18E8] =	vst v0  }
0x1f6: {  	[tilespmem:$0x18F8] =	vst v0  }
0x1f7: {  	[tilespmem:$0x1908] =	vst v0  }
0x1f8: {  	[tilespmem:$0x1918] =	vst v0  }
0x1f9: {  	[tilespmem:$0x1928] =	vst v0  }
0x1fa: {  	[tilespmem:$0x1938] =	vst v0  }
0x1fb: {  	[tilespmem:$0x1948] =	vst v0  }
0x1fc: {  	[tilespmem:$0x1958] =	vst v0  }
0x1fd: {  	[tilespmem:$0x1968] =	vst v0  }
0x1fe: {  	[tilespmem:$0x1978] =	vst v0  }
0x1ff: {  	[tilespmem:$0x1988] =	vst v0  }
0x200: {  	[tilespmem:$0x1998] =	vst v0  }
0x201: {  	[tilespmem:$0x19A8] =	vst v0  }
0x202: {  	[tilespmem:$0x19B8] =	vst v0  }
0x203: {  	[tilespmem:$0x19C8] =	vst v0  }
0x204: {  	[tilespmem:$0x19D8] =	vst v0  }
0x205: {  	[tilespmem:$0x19E8] =	vst v0  }
0x206: {  	[tilespmem:$0x19F8] =	vst v0  }
0x207: {  	[tilespmem:$0x1A08] =	vst v0  }
0x208: {  	[tilespmem:$0x1A18] =	vst v0  }
0x209: {  	[tilespmem:$0x1A28] =	vst v0  }
0x20a: {  	[tilespmem:$0x1A38] =	vst v0  }
0x20b: {  	[tilespmem:$0x1A48] =	vst v0  }
0x20c: {  	[tilespmem:$0x1A58] =	vst v0  }
0x20d: {  	[tilespmem:$0x1A68] =	vst v0  }
0x20e: {  	[tilespmem:$0x1A78] =	vst v0  }
0x20f: {  	[tilespmem:$0x1A88] =	vst v0  }
0x210: {  	[tilespmem:$0x1A98] =	vst v0  }
0x211: {  	[tilespmem:$0x1AA8] =	vst v0  }
0x212: {  	[tilespmem:$0x1AB8] =	vst v0  }
0x213: {  	[tilespmem:$0x1AC8] =	vst v0  }
0x214: {  	[tilespmem:$0x1AD8] =	vst v0  }
0x215: {  	[tilespmem:$0x1AE8] =	vst v0  }
0x216: {  	[tilespmem:$0x1AF8] =	vst v0  }
0x217: {  	[tilespmem:$0x1B08] =	vst v0  }
0x218: {  	[tilespmem:$0x1B18] =	vst v0  }
0x219: {  	[tilespmem:$0x1B28] =	vst v0  }
0x21a: {  	[tilespmem:$0x1B38] =	vst v0  }
0x21b: {  	[tilespmem:$0x1B48] =	vst v0  }
0x21c: {  	[tilespmem:$0x1B58] =	vst v0  }
0x21d: {  	[tilespmem:$0x1B68] =	vst v0  }
0x21e: {  	[tilespmem:$0x1B78] =	vst v0  }
0x21f: {  	[tilespmem:$0x1B88] =	vst v0  }
0x220: {  	[tilespmem:$0x1B98] =	vst v0  }
0x221: {  	[tilespmem:$0x1BA8] =	vst v0  }
0x222: {  	[tilespmem:$0x1BB8] =	vst v0  }
0x223: {  	[tilespmem:$0x1BC8] =	vst v0  }
0x224: {  	[tilespmem:$0x1BD8] =	vst v0  }
0x225: {  	[tilespmem:$0x1BE8] =	vst v0  }
0x226: {  	[tilespmem:$0x1BF8] =	vst v0  }
0x227: {  	[tilespmem:$0x1C08] =	vst v0  }
0x228: {  	[tilespmem:$0x1C18] =	vst v0  }
0x229: {  	[tilespmem:$0x1C28] =	vst v0  }
0x22a: {  	[tilespmem:$0x1C38] =	vst v0  }
0x22b: {  	[tilespmem:$0x1C48] =	vst v0  }
0x22c: {  	[tilespmem:$0x1C58] =	vst v0  }
0x22d: {  	[tilespmem:$0x1C68] =	vst v0  }
0x22e: {  	[tilespmem:$0x1C78] =	vst v0  }
0x22f: {  	[tilespmem:$0x1C88] =	vst v0  }
0x230: {  	[tilespmem:$0x1C98] =	vst v0  }
0x231: {  	[tilespmem:$0x1CA8] =	vst v0  }
0x232: {  	[tilespmem:$0x1CB8] =	vst v0  }
0x233: {  	[tilespmem:$0x1CC8] =	vst v0  }
0x234: {  	[tilespmem:$0x1CD8] =	vst v0  }
0x235: {  	[tilespmem:$0x1CE8] =	vst v0  }
0x236: {  	[tilespmem:$0x1CF8] =	vst v0  }
0x237: {  	[tilespmem:$0x1D08] =	vst v0  }
0x238: {  	[tilespmem:$0x1D18] =	vst v0  }
0x239: {  	[tilespmem:$0x1D28] =	vst v0  }
0x23a: {  	[tilespmem:$0x1D38] =	vst v0  }
0x23b: {  	[tilespmem:$0x1D48] =	vst v0  }
0x23c: {  	[tilespmem:$0x1D58] =	vst v0  }
0x23d: {  	[tilespmem:$0x1D68] =	vst v0  }
0x23e: {  	[tilespmem:$0x1D78] =	vst v0  }
0x23f: {  	[tilespmem:$0x1D88] =	vst v0  }
0x240: {  	[tilespmem:$0x1D98] =	vst v0  }
0x241: {  	[tilespmem:$0x1DA8] =	vst v0  }
0x242: {  	[tilespmem:$0x1DB8] =	vst v0  }
0x243: {  	[tilespmem:$0x1DC8] =	vst v0  }
0x244: {  	[tilespmem:$0x1DD8] =	vst v0  }
0x245: {  	[tilespmem:$0x1DE8] =	vst v0  }
0x246: {  	[tilespmem:$0x1DF8] =	vst v0  }
0x247: {  	[tilespmem:$0x1E08] =	vst v0  }
0x248: {  	[tilespmem:$0x1E18] =	vst v0  }
0x249: {  	[tilespmem:$0x1E28] =	vst v0  }
0x24a: {  	[tilespmem:$0x1E38] =	vst v0  }
0x24b: {  	[tilespmem:$0x1E48] =	vst v0  }
0x24c: {  	[tilespmem:$0x1E58] =	vst v0  }
0x24d: {  	[tilespmem:$0x1E68] =	vst v0  }
0x24e: {  	[tilespmem:$0x1E78] =	vst v0  }
0x24f: {  	[tilespmem:$0x1E88] =	vst v0  }
0x250: {  	[tilespmem:$0x1E98] =	vst v0  }
0x251: {  	[tilespmem:$0x1EA8] =	vst v0  }
0x252: {  	[tilespmem:$0x1EB8] =	vst v0  }
0x253: {  	[tilespmem:$0x1EC8] =	vst v0  }
0x254: {  	[tilespmem:$0x1ED8] =	vst v0  }
0x255: {  	[tilespmem:$0x1EE8] =	vst v0  }
0x256: {  	[tilespmem:$0x1EF8] =	vst v0  }
0x257: {  	[tilespmem:$0x1F08] =	vst v0  }
0x258: {  	[tilespmem:$0x1F18] =	vst v0  }
0x259: {  	[tilespmem:$0x1F28] =	vst v0  }
0x25a: {  	[tilespmem:$0x1F38] =	vst v0  }
0x25b: {  	[tilespmem:$0x1F48] =	vst v0  }
0x25c: {  	[tilespmem:$0x1F58] =	vst v0  }
0x25d: {  	[tilespmem:$0x1F68] =	vst v0  }
0x25e: {  	[tilespmem:$0x1F78] =	vst v0  }
0x25f: {  	[tilespmem:$0x1F88] =	vst v0  }
0x260: {  	[tilespmem:$0x1F98] =	vst v0  }
0x261: {  	[tilespmem:$0x1FA8] =	vst v0  }
0x262: {  	[tilespmem:$0x1FB8] =	vst v0  }
0x263: {  	[tilespmem:$0x1FC8] =	vst v0  }
0x264: {  	[tilespmem:$0x1FD8] =	vst v0  }
0x265: {  	[tilespmem:$0x1FE8] =	vst v0  }
0x266: {  	[tilespmem:$0x1FF8] =	vst v0  }
0x267: {  	[tilespmem:$0x2008] =	vst v0  }
0x268: {  	[tilespmem:$0x2018] =	vst v0  }
0x269: {  	[tilespmem:$0x2028] =	vst v0  }
0x26a: {  	[tilespmem:$0x2038] =	vst v0  }
0x26b: {  	[tilespmem:$0x2048] =	vst v0  }
0x26c: {  	[tilespmem:$0x2058] =	vst v0  }
0x26d: {  	[tilespmem:$0x2068] =	vst v0  }
0x26e: {  	[tilespmem:$0x2078] =	vst v0  }
0x26f: {  	[tilespmem:$0x2088] =	vst v0  }
0x270: {  	[tilespmem:$0x2098] =	vst v0  }
0x271: {  	[tilespmem:$0x20A8] =	vst v0  }
0x272: {  	[tilespmem:$0x20B8] =	vst v0  }
0x273: {  	[tilespmem:$0x20C8] =	vst v0  }
0x274: {  	[tilespmem:$0x20D8] =	vst v0  }
0x275: {  	[tilespmem:$0x20E8] =	vst v0  }
0x276: {  	[tilespmem:$0x20F8] =	vst v0  }
0x277: {  	[tilespmem:$0x2108] =	vst v0  }
0x278: {  	[tilespmem:$0x2118] =	vst v0  }
0x279: {  	[tilespmem:$0x2128] =	vst v0  }
0x27a: {  	[tilespmem:$0x2138] =	vst v0  }
0x27b: {  	[tilespmem:$0x2148] =	vst v0  }
0x27c: {  	[tilespmem:$0x2158] =	vst v0  }
0x27d: {  	[tilespmem:$0x2168] =	vst v0  }
0x27e: {  	[tilespmem:$0x2178] =	vst v0  }
0x27f: {  	[tilespmem:$0x2188] =	vst v0  }
0x280: {  	[tilespmem:$0x2198] =	vst v0  }
0x281: {  	[tilespmem:$0x21C8] =	vst v0  }
0x282: {  	[tilespmem:$0x21D8] =	vst v0  }
0x283: {  	[tilespmem:$0x21E8] =	vst v0  }
0x284: {  	[tilespmem:$0x21F8] =	vst v0  }
0x285: {  	[tilespmem:$0x2208] =	vst v0  }
0x286: {  	[tilespmem:$0x2218] =	vst v0  }
0x287: {  	[tilespmem:$0x2228] =	vst v0  }
0x288: {  	[tilespmem:$0x2238] =	vst v0  }
0x289: {  	[tilespmem:$0x2248] =	vst v0  }
0x28a: {  	[tilespmem:$0x2258] =	vst v0  }
0x28b: {  	[tilespmem:$0x2268] =	vst v0  }
0x28c: {  	[tilespmem:$0x2278] =	vst v0  }
0x28d: {  	[tilespmem:$0x2288] =	vst v0  }
0x28e: {  	[tilespmem:$0x2298] =	vst v0  }
0x28f: {  	[tilespmem:$0x22A8] =	vst v0  }
0x290: {  	[tilespmem:$0x22B8] =	vst v0  }
0x291: {  	[tilespmem:$0x22C8] =	vst v0  }
0x292: {  	[tilespmem:$0x22D8] =	vst v0  }
0x293: {  	[tilespmem:$0x22E8] =	vst v0  }
0x294: {  	[tilespmem:$0x22F8] =	vst v0  }
0x295: {  	[tilespmem:$0x2308] =	vst v0  }
0x296: {  	[tilespmem:$0x2318] =	vst v0  }
0x297: {  	[tilespmem:$0x2328] =	vst v0  }
0x298: {  	[tilespmem:$0x2338] =	vst v0  }
0x299: {  	[tilespmem:$0x2348] =	vst v0  }
0x29a: {  	[tilespmem:$0x2358] =	vst v0  }
0x29b: {  	[tilespmem:$0x2368] =	vst v0  }
0x29c: {  	[tilespmem:$0x2378] =	vst v0  }
0x29d: {  	[tilespmem:$0x2388] =	vst v0  }
0x29e: {  	[tilespmem:$0x2398] =	vst v0  }
0x29f: {  	[tilespmem:$0x23A8] =	vst v0  }
0x2a0: {  	[tilespmem:$0x23B8] =	vst v0  }
0x2a1: {  	[tilespmem:$0x23C8] =	vst v0  }
0x2a2: {  	[tilespmem:$0x23D8] =	vst v0  }
0x2a3: {  	[tilespmem:$0x23E8] =	vst v0  }
0x2a4: {  	[tilespmem:$0x23F8] =	vst v0  }
0x2a5: {  	[tilespmem:$0x2408] =	vst v0  }
0x2a6: {  	[tilespmem:$0x2418] =	vst v0  }
0x2a7: {  	[tilespmem:$0x2428] =	vst v0  }
0x2a8: {  	[tilespmem:$0x2438] =	vst v0  }
0x2a9: {  	[tilespmem:$0x2448] =	vst v0  }
0x2aa: {  	[tilespmem:$0x2458] =	vst v0  }
0x2ab: {  	[tilespmem:$0x2468] =	vst v0  }
0x2ac: {  	[tilespmem:$0x2478] =	vst v0  }
0x2ad: {  	[tilespmem:$0x2488] =	vst v0  }
0x2ae: {  	[tilespmem:$0x2498] =	vst v0  }
0x2af: {  	[tilespmem:$0x24A8] =	vst v0  }
0x2b0: {  	[tilespmem:$0x24B8] =	vst v0  }
0x2b1: {  	[tilespmem:$0x24C8] =	vst v0  }
0x2b2: {  	[tilespmem:$0x24D8] =	vst v0  }
0x2b3: {  	[tilespmem:$0x24E8] =	vst v0  }
0x2b4: {  	[tilespmem:$0x24F8] =	vst v0  }
0x2b5: {  	[tilespmem:$0x2508] =	vst v0  }
0x2b6: {  	[tilespmem:$0x2518] =	vst v0  }
0x2b7: {  	[tilespmem:$0x2528] =	vst v0  }
0x2b8: {  	[tilespmem:$0x2538] =	vst v0  }
0x2b9: {  	[tilespmem:$0x2548] =	vst v0  }
0x2ba: {  	[tilespmem:$0x2558] =	vst v0  }
0x2bb: {  	[tilespmem:$0x2568] =	vst v0  }
0x2bc: {  	[tilespmem:$0x2578] =	vst v0  }
0x2bd: {  	[tilespmem:$0x2588] =	vst v0  }
0x2be: {  	[tilespmem:$0x2598] =	vst v0  }
0x2bf: {  	[tilespmem:$0x25A8] =	vst v0  }
0x2c0: {  	[tilespmem:$0x25B8] =	vst v0  }
0x2c1: {  	[tilespmem:$0x25C8] =	vst v0  }
0x2c2: {  	[tilespmem:$0x25D8] =	vst v0  }
0x2c3: {  	[tilespmem:$0x25E8] =	vst v0  }
0x2c4: {  	[tilespmem:$0x25F8] =	vst v0  }
0x2c5: {  	[tilespmem:$0x2608] =	vst v0  }
0x2c6: {  	[tilespmem:$0x2618] =	vst v0  }
0x2c7: {  	[tilespmem:$0x2628] =	vst v0  }
0x2c8: {  	[tilespmem:$0x2638] =	vst v0  }
0x2c9: {  	[tilespmem:$0x2648] =	vst v0  }
0x2ca: {  	[tilespmem:$0x2658] =	vst v0  }
0x2cb: {  	[tilespmem:$0x2668] =	vst v0  }
0x2cc: {  	[tilespmem:$0x2678] =	vst v0  }
0x2cd: {  	[tilespmem:$0x2688] =	vst v0  }
0x2ce: {  	[tilespmem:$0x2698] =	vst v0  }
0x2cf: {  	[tilespmem:$0x26A8] =	vst v0  }
0x2d0: {  	[tilespmem:$0x26B8] =	vst v0  }
0x2d1: {  	[tilespmem:$0x26C8] =	vst v0  }
0x2d2: {  	[tilespmem:$0x26D8] =	vst v0  }
0x2d3: {  	[tilespmem:$0x26E8] =	vst v0  }
0x2d4: {  	[tilespmem:$0x26F8] =	vst v0  }
0x2d5: {  	[tilespmem:$0x2708] =	vst v0  }
0x2d6: {  	[tilespmem:$0x2718] =	vst v0  }
0x2d7: {  	[tilespmem:$0x2728] =	vst v0  }
0x2d8: {  	[tilespmem:$0x2738] =	vst v0  }
0x2d9: {  	[tilespmem:$0x2748] =	vst v0  }
0x2da: {  	[tilespmem:$0x2758] =	vst v0  }
0x2db: {  	[tilespmem:$0x2768] =	vst v0  }
0x2dc: {  	[tilespmem:$0x2778] =	vst v0  }
0x2dd: {  	[tilespmem:$0x2788] =	vst v0  }
0x2de: {  	[tilespmem:$0x2798] =	vst v0  }
0x2df: {  	[tilespmem:$0x27A8] =	vst v0  }
0x2e0: {  	[tilespmem:$0x27B8] =	vst v0  }
0x2e1: {  	[tilespmem:$0x27C8] =	vst v0  }
0x2e2: {  	[tilespmem:$0x27D8] =	vst v0  }
0x2e3: {  	[tilespmem:$0x27E8] =	vst v0  }
0x2e4: {  	[tilespmem:$0x27F8] =	vst v0  }
0x2e5: {  	[tilespmem:$0x2808] =	vst v0  }
0x2e6: {  	[tilespmem:$0x2818] =	vst v0  }
0x2e7: {  	[tilespmem:$0x2828] =	vst v0  }
0x2e8: {  	[tilespmem:$0x2838] =	vst v0  }
0x2e9: {  	[tilespmem:$0x2848] =	vst v0  }
0x2ea: {  	[tilespmem:$0x2858] =	vst v0  }
0x2eb: {  	[tilespmem:$0x2868] =	vst v0  }
0x2ec: {  	[tilespmem:$0x2878] =	vst v0  }
0x2ed: {  	[tilespmem:$0x2888] =	vst v0  }
0x2ee: {  	[tilespmem:$0x2898] =	vst v0  }
0x2ef: {  	[tilespmem:$0x28A8] =	vst v0  }
0x2f0: {  	[tilespmem:$0x28B8] =	vst v0  }
0x2f1: {  	[tilespmem:$0x28C8] =	vst v0  }
0x2f2: {  	[tilespmem:$0x28D8] =	vst v0  }
0x2f3: {  	[tilespmem:$0x28E8] =	vst v0  }
0x2f4: {  	[tilespmem:$0x28F8] =	vst v0  }
0x2f5: {  	[tilespmem:$0x2908] =	vst v0  }
0x2f6: {  	[tilespmem:$0x2918] =	vst v0  }
0x2f7: {  	[tilespmem:$0x2928] =	vst v0  }
0x2f8: {  	[tilespmem:$0x2938] =	vst v0  }
0x2f9: {  	[tilespmem:$0x2948] =	vst v0  }
0x2fa: {  	[tilespmem:$0x2958] =	vst v0  }
0x2fb: {  	[tilespmem:$0x2968] =	vst v0  }
0x2fc: {  	[tilespmem:$0x2978] =	vst v0  }
0x2fd: {  	[tilespmem:$0x2988] =	vst v0  }
0x2fe: {  	[tilespmem:$0x2998] =	vst v0  }
0x2ff: {  	[tilespmem:$0x29A8] =	vst v0  }
0x300: {  	[tilespmem:$0x29B8] =	vst v0  }
0x301: {  	[tilespmem:$0x29C8] =	vst v0  }
0x302: {  	[tilespmem:$0x29D8] =	vst v0  }
0x303: {  	[tilespmem:$0x29E8] =	vst v0  }
0x304: {  	[tilespmem:$0x29F8] =	vst v0  }
0x305: {  	[tilespmem:$0x2A08] =	vst v0  }
0x306: {  	[tilespmem:$0x2A18] =	vst v0  }
0x307: {  	[tilespmem:$0x2A28] =	vst v0  }
0x308: {  	[tilespmem:$0x2A38] =	vst v0  }
0x309: {  	[tilespmem:$0x2A48] =	vst v0  }
0x30a: {  	[tilespmem:$0x2A58] =	vst v0  }
0x30b: {  	[tilespmem:$0x2A68] =	vst v0  }
0x30c: {  	[tilespmem:$0x2A78] =	vst v0  }
0x30d: {  	[tilespmem:$0x2A88] =	vst v0  }
0x30e: {  	[tilespmem:$0x2A98] =	vst v0  }
0x30f: {  	[tilespmem:$0x2AA8] =	vst v0  }
0x310: {  	[tilespmem:$0x2AB8] =	vst v0  }
0x311: {  	[tilespmem:$0x2AC8] =	vst v0  }
0x312: {  	[tilespmem:$0x2AD8] =	vst v0  }
0x313: {  	[tilespmem:$0x2AE8] =	vst v0  }
0x314: {  	[tilespmem:$0x2AF8] =	vst v0  }
0x315: {  	[tilespmem:$0x2B08] =	vst v0  }
0x316: {  	[tilespmem:$0x2B18] =	vst v0  }
0x317: {  	[tilespmem:$0x2B28] =	vst v0  }
0x318: {  	[tilespmem:$0x2B38] =	vst v0  }
0x319: {  	[tilespmem:$0x2B48] =	vst v0  }
0x31a: {  	[tilespmem:$0x2B58] =	vst v0  }
0x31b: {  	[tilespmem:$0x2B68] =	vst v0  }
0x31c: {  	[tilespmem:$0x2B78] =	vst v0  }
0x31d: {  	[tilespmem:$0x2B88] =	vst v0  }
0x31e: {  	[tilespmem:$0x2B98] =	vst v0  }
0x31f: {  	[tilespmem:$0x2BA8] =	vst v0  }
0x320: {  	[tilespmem:$0x2BB8] =	vst v0  }
0x321: {  	[tilespmem:$0x2BC8] =	vst v0  }
0x322: {  	[tilespmem:$0x2BD8] =	vst v0  }
0x323: {  	[tilespmem:$0x2BE8] =	vst v0  }
0x324: {  	[tilespmem:$0x2BF8] =	vst v0  }
0x325: {  	[tilespmem:$0x2C08] =	vst v0  }
0x326: {  	[tilespmem:$0x2C18] =	vst v0  }
0x327: {  	[tilespmem:$0x2C28] =	vst v0  }
0x328: {  	[tilespmem:$0x2C38] =	vst v0  }
0x329: {  	[tilespmem:$0x2C48] =	vst v0  }
0x32a: {  	[tilespmem:$0x2C58] =	vst v0  }
0x32b: {  	[tilespmem:$0x2C68] =	vst v0  }
0x32c: {  	[tilespmem:$0x2C78] =	vst v0  }
0x32d: {  	[tilespmem:$0x2C88] =	vst v0  }
0x32e: {  	[tilespmem:$0x2C98] =	vst v0  }
0x32f: {  	[tilespmem:$0x2CA8] =	vst v0  }
0x330: {  	[tilespmem:$0x2CB8] =	vst v0  }
0x331: {  	[tilespmem:$0x2CC8] =	vst v0  }
0x332: {  	[tilespmem:$0x2CD8] =	vst v0  }
0x333: {  	[tilespmem:$0x2CE8] =	vst v0  }
0x334: {  	[tilespmem:$0x2CF8] =	vst v0  }
0x335: {  	[tilespmem:$0x2D08] =	vst v0  }
0x336: {  	[tilespmem:$0x2D18] =	vst v0  }
0x337: {  	[tilespmem:$0x2D28] =	vst v0  }
0x338: {  	[tilespmem:$0x2D38] =	vst v0  }
0x339: {  	[tilespmem:$0x2D48] =	vst v0  }
0x33a: {  	[tilespmem:$0x2D58] =	vst v0  }
0x33b: {  	[tilespmem:$0x2D68] =	vst v0  }
0x33c: {  	[tilespmem:$0x2D78] =	vst v0  }
0x33d: {  	[tilespmem:$0x2D88] =	vst v0  }
0x33e: {  	[tilespmem:$0x2D98] =	vst v0  }
0x33f: {  	[tilespmem:$0x2DA8] =	vst v0  }
0x340: {  	[tilespmem:$0x2DB8] =	vst v0  }
0x341: {  	[tilespmem:$0x2DC8] =	vst v0  }
0x342: {  	[tilespmem:$0x2DD8] =	vst v0  }
0x343: {  	[tilespmem:$0x2DE8] =	vst v0  }
0x344: {  	[tilespmem:$0x2DF8] =	vst v0  }
0x345: {  	[tilespmem:$0x2E08] =	vst v0  }
0x346: {  	[tilespmem:$0x2E18] =	vst v0  }
0x347: {  	[tilespmem:$0x2E28] =	vst v0  }
0x348: {  	[tilespmem:$0x2E38] =	vst v0  }
0x349: {  	[tilespmem:$0x2E48] =	vst v0  }
0x34a: {  	[tilespmem:$0x2E58] =	vst v0  }
0x34b: {  	[tilespmem:$0x2E68] =	vst v0  }
0x34c: {  	[tilespmem:$0x2E78] =	vst v0  }
0x34d: {  	[tilespmem:$0x2E88] =	vst v0  }
0x34e: {  	[tilespmem:$0x2E98] =	vst v0  }
0x34f: {  	[tilespmem:$0x2EA8] =	vst v0  }
0x350: {  	[tilespmem:$0x2EB8] =	vst v0  }
0x351: {  	[tilespmem:$0x2EC8] =	vst v0  }
0x352: {  	[tilespmem:$0x2ED8] =	vst v0  }
0x353: {  	[tilespmem:$0x2EE8] =	vst v0  }
0x354: {  	[tilespmem:$0x2EF8] =	vst v0  }
0x355: {  	[tilespmem:$0x2F08] =	vst v0  }
0x356: {  	[tilespmem:$0x2F18] =	vst v0  }
0x357: {  	[tilespmem:$0x2F28] =	vst v0  }
0x358: {  	[tilespmem:$0x2F38] =	vst v0  }
0x359: {  	[tilespmem:$0x2F48] =	vst v0  }
0x35a: {  	[tilespmem:$0x2F58] =	vst v0  }
0x35b: {  	[tilespmem:$0x2F68] =	vst v0  }
0x35c: {  	[tilespmem:$0x2F78] =	vst v0  }
0x35d: {  	[tilespmem:$0x2F88] =	vst v0  }
0x35e: {  	[tilespmem:$0x2F98] =	vst v0  }
0x35f: {  	[tilespmem:$0x2FA8] =	vst v0  }
0x360: {  	[tilespmem:$0x2FB8] =	vst v0  }
0x361: {  	[tilespmem:$0x2FC8] =	vst v0  }
0x362: {  	[tilespmem:$0x2FD8] =	vst v0  }
0x363: {  	[tilespmem:$0x2FE8] =	vst v0  }
0x364: {  	[tilespmem:$0x2FF8] =	vst v0  }
0x365: {  	[tilespmem:$0x3008] =	vst v0  }
0x366: {  	[tilespmem:$0x3018] =	vst v0  }
0x367: {  	[tilespmem:$0x3028] =	vst v0  }
0x368: {  	[tilespmem:$0x3038] =	vst v0  }
0x369: {  	[tilespmem:$0x3048] =	vst v0  }
0x36a: {  	[tilespmem:$0x3058] =	vst v0  }
0x36b: {  	[tilespmem:$0x3068] =	vst v0  }
0x36c: {  	[tilespmem:$0x3078] =	vst v0  }
0x36d: {  	[tilespmem:$0x3088] =	vst v0  }
0x36e: {  	[tilespmem:$0x3098] =	vst v0  }
0x36f: {  	[tilespmem:$0x30A8] =	vst v0  }
0x370: {  	[tilespmem:$0x30B8] =	vst v0  }
0x371: {  	[tilespmem:$0x30C8] =	vst v0  }
0x372: {  	[tilespmem:$0x30D8] =	vst v0  }
0x373: {  	[tilespmem:$0x30E8] =	vst v0  }
0x374: {  	[tilespmem:$0x30F8] =	vst v0  }
0x375: {  	[tilespmem:$0x3108] =	vst v0  }
0x376: {  	[tilespmem:$0x3118] =	vst v0  }
0x377: {  	[tilespmem:$0x3128] =	vst v0  }
0x378: {  	[tilespmem:$0x3138] =	vst v0  }
0x379: {  	[tilespmem:$0x3148] =	vst v0  }
0x37a: {  	[tilespmem:$0x3158] =	vst v0  }
0x37b: {  	[tilespmem:$0x3168] =	vst v0  }
0x37c: {  	[tilespmem:$0x3178] =	vst v0  }
0x37d: {  	[tilespmem:$0x3188] =	vst v0  }
0x37e: {  	[tilespmem:$0x3198] =	vst v0  }
0x37f: {  	[tilespmem:$0x31A8] =	vst v0  }
0x380: {  	[tilespmem:$0x31B8] =	vst v0  }
0x381: {  	[tilespmem:$0x40E8] =	vst v0  }
0x382: {  	[tilespmem:$0x40F8] =	vst v0  }
0x383: {  	[tilespmem:$0x31C8] =	vst v0  }
0x384: {  	[tilespmem:$0x31D8] =	vst v0  }
0x385: {  	[tilespmem:$0x31E8] =	vst v0  }
0x386: {  	[tilespmem:$0x31F8] =	vst v0  }
0x387: {  	[tilespmem:$0x3208] =	vst v0  }
0x388: {  	[tilespmem:$0x3218] =	vst v0  }
0x389: {  	[tilespmem:$0x3228] =	vst v0  }
0x38a: {  	[tilespmem:$0x3238] =	vst v0  }
0x38b: {  	[tilespmem:$0x3248] =	vst v0  }
0x38c: {  	[tilespmem:$0x3258] =	vst v0  }
0x38d: {  	[tilespmem:$0x3268] =	vst v0  }
0x38e: {  	[tilespmem:$0x3278] =	vst v0  }
0x38f: {  	[tilespmem:$0x3288] =	vst v0  }
0x390: {  	[tilespmem:$0x3298] =	vst v0  }
0x391: {  	[tilespmem:$0x32A8] =	vst v0  }
0x392: {  	[tilespmem:$0x32B8] =	vst v0  }
0x393: {  	[tilespmem:$0x32C8] =	vst v0  }
0x394: {  	[tilespmem:$0x32D8] =	vst v0  }
0x395: {  	[tilespmem:$0x32E8] =	vst v0  }
0x396: {  	[tilespmem:$0x32F8] =	vst v0  }
0x397: {  	[tilespmem:$0x3308] =	vst v0  }
0x398: {  	[tilespmem:$0x3318] =	vst v0  }
0x399: {  	[tilespmem:$0x3328] =	vst v0  }
0x39a: {  	[tilespmem:$0x3338] =	vst v0  }
0x39b: {  	[tilespmem:$0x3348] =	vst v0  }
0x39c: {  	[tilespmem:$0x3358] =	vst v0  }
0x39d: {  	[tilespmem:$0x3368] =	vst v0  }
0x39e: {  	[tilespmem:$0x3378] =	vst v0  }
0x39f: {  	[tilespmem:$0x3388] =	vst v0  }
0x3a0: {  	[tilespmem:$0x3398] =	vst v0  }
0x3a1: {  	[tilespmem:$0x33A8] =	vst v0  }
0x3a2: {  	[tilespmem:$0x33B8] =	vst v0  }
0x3a3: {  	[tilespmem:$0x33C8] =	vst v0  }
0x3a4: {  	[tilespmem:$0x33D8] =	vst v0  }
0x3a5: {  	[tilespmem:$0x33E8] =	vst v0  }
0x3a6: {  	[tilespmem:$0x33F8] =	vst v0  }
0x3a7: {  	[tilespmem:$0x3408] =	vst v0  }
0x3a8: {  	[tilespmem:$0x3418] =	vst v0  }
0x3a9: {  	[tilespmem:$0x3428] =	vst v0  }
0x3aa: {  	[tilespmem:$0x3438] =	vst v0  }
0x3ab: {  	[tilespmem:$0x3448] =	vst v0  }
0x3ac: {  	[tilespmem:$0x3458] =	vst v0  }
0x3ad: {  	[tilespmem:$0x3468] =	vst v0  }
0x3ae: {  	[tilespmem:$0x3478] =	vst v0  }
0x3af: {  	[tilespmem:$0x3488] =	vst v0  }
0x3b0: {  	[tilespmem:$0x3498] =	vst v0  }
0x3b1: {  	[tilespmem:$0x34A8] =	vst v0  }
0x3b2: {  	[tilespmem:$0x34B8] =	vst v0  }
0x3b3: {  	[tilespmem:$0x34C8] =	vst v0  }
0x3b4: {  	[tilespmem:$0x34D8] =	vst v0  }
0x3b5: {  	[tilespmem:$0x34E8] =	vst v0  }
0x3b6: {  	[tilespmem:$0x34F8] =	vst v0  }
0x3b7: {  	[tilespmem:$0x3508] =	vst v0  }
0x3b8: {  	[tilespmem:$0x3518] =	vst v0  }
0x3b9: {  	[tilespmem:$0x3528] =	vst v0  }
0x3ba: {  	[tilespmem:$0x3538] =	vst v0  }
0x3bb: {  	[tilespmem:$0x3548] =	vst v0  }
0x3bc: {  	[tilespmem:$0x3558] =	vst v0  }
0x3bd: {  	[tilespmem:$0x3568] =	vst v0  }
0x3be: {  	[tilespmem:$0x3578] =	vst v0  }
0x3bf: {  	[tilespmem:$0x3588] =	vst v0  }
0x3c0: {  	[tilespmem:$0x3598] =	vst v0  }
0x3c1: {  	[tilespmem:$0x35A8] =	vst v0  }
0x3c2: {  	[tilespmem:$0x35B8] =	vst v0  }
0x3c3: {  	[tilespmem:$0x35C8] =	vst v0  }
0x3c4: {  	[tilespmem:$0x35D8] =	vst v0  }
0x3c5: {  	[tilespmem:$0x35E8] =	vst v0  }
0x3c6: {  	[tilespmem:$0x35F8] =	vst v0  }
0x3c7: {  	[tilespmem:$0x3608] =	vst v0  }
0x3c8: {  	[tilespmem:$0x3618] =	vst v0  }
0x3c9: {  	[tilespmem:$0x3628] =	vst v0  }
0x3ca: {  	[tilespmem:$0x3638] =	vst v0  }
0x3cb: {  	[tilespmem:$0x3648] =	vst v0  }
0x3cc: {  	[tilespmem:$0x3658] =	vst v0  }
0x3cd: {  	[tilespmem:$0x3668] =	vst v0  }
0x3ce: {  	[tilespmem:$0x3678] =	vst v0  }
0x3cf: {  	[tilespmem:$0x3688] =	vst v0  }
0x3d0: {  	[tilespmem:$0x3698] =	vst v0  }
0x3d1: {  	[tilespmem:$0x36A8] =	vst v0  }
0x3d2: {  	[tilespmem:$0x36B8] =	vst v0  }
0x3d3: {  	[tilespmem:$0x36C8] =	vst v0  }
0x3d4: {  	[tilespmem:$0x36D8] =	vst v0  }
0x3d5: {  	[tilespmem:$0x36E8] =	vst v0  }
0x3d6: {  	[tilespmem:$0x36F8] =	vst v0  }
0x3d7: {  	[tilespmem:$0x3708] =	vst v0  }
0x3d8: {  	[tilespmem:$0x3718] =	vst v0  }
0x3d9: {  	[tilespmem:$0x3728] =	vst v0  }
0x3da: {  	[tilespmem:$0x3738] =	vst v0  }
0x3db: {  	[tilespmem:$0x3748] =	vst v0  }
0x3dc: {  	[tilespmem:$0x3758] =	vst v0  }
0x3dd: {  	[tilespmem:$0x3768] =	vst v0  }
0x3de: {  	[tilespmem:$0x3778] =	vst v0  }
0x3df: {  	[tilespmem:$0x3788] =	vst v0  }
0x3e0: {  	[tilespmem:$0x3798] =	vst v0  }
0x3e1: {  	[tilespmem:$0x37A8] =	vst v0  }
0x3e2: {  	[tilespmem:$0x37B8] =	vst v0  }
0x3e3: {  	[tilespmem:$0x37C8] =	vst v0  }
0x3e4: {  	[tilespmem:$0x37D8] =	vst v0  }
0x3e5: {  	[tilespmem:$0x37E8] =	vst v0  }
0x3e6: {  	[tilespmem:$0x37F8] =	vst v0  }
0x3e7: {  	[tilespmem:$0x3808] =	vst v0  }
0x3e8: {  	[tilespmem:$0x3818] =	vst v0  }
0x3e9: {  	[tilespmem:$0x3828] =	vst v0  }
0x3ea: {  	[tilespmem:$0x3838] =	vst v0  }
0x3eb: {  	[tilespmem:$0x3848] =	vst v0  }
0x3ec: {  	[tilespmem:$0x3858] =	vst v0  }
0x3ed: {  	[tilespmem:$0x3868] =	vst v0  }
0x3ee: {  	[tilespmem:$0x3878] =	vst v0  }
0x3ef: {  	[tilespmem:$0x3888] =	vst v0  }
0x3f0: {  	[tilespmem:$0x3898] =	vst v0  }
0x3f1: {  	[tilespmem:$0x38A8] =	vst v0  }
0x3f2: {  	[tilespmem:$0x38B8] =	vst v0  }
0x3f3: {  	[tilespmem:$0x38C8] =	vst v0  }
0x3f4: {  	[tilespmem:$0x38D8] =	vst v0  }
0x3f5: {  	[tilespmem:$0x38E8] =	vst v0  }
0x3f6: {  	[tilespmem:$0x38F8] =	vst v0  }
0x3f7: {  	[tilespmem:$0x3908] =	vst v0  }
0x3f8: {  	[tilespmem:$0x3918] =	vst v0  }
0x3f9: {  	[tilespmem:$0x3928] =	vst v0  }
0x3fa: {  	[tilespmem:$0x3938] =	vst v0  }
0x3fb: {  	[tilespmem:$0x3948] =	vst v0  }
0x3fc: {  	[tilespmem:$0x3958] =	vst v0  }
0x3fd: {  	[tilespmem:$0x3968] =	vst v0  }
0x3fe: {  	[tilespmem:$0x3978] =	vst v0  }
0x3ff: {  	[tilespmem:$0x3988] =	vst v0  }
0x400: {  	[tilespmem:$0x3998] =	vst v0  }
0x401: {  	[tilespmem:$0x39A8] =	vst v0  }
0x402: {  	[tilespmem:$0x39B8] =	vst v0  }
0x403: {  	[tilespmem:$0x39C8] =	vst v0  }
0x404: {  	[tilespmem:$0x39D8] =	vst v0  }
0x405: {  	[tilespmem:$0x39E8] =	vst v0  }
0x406: {  	[tilespmem:$0x39F8] =	vst v0  }
0x407: {  	[tilespmem:$0x3A08] =	vst v0  }
0x408: {  	[tilespmem:$0x3A18] =	vst v0  }
0x409: {  	[tilespmem:$0x3A28] =	vst v0  }
0x40a: {  	[tilespmem:$0x3A38] =	vst v0  }
0x40b: {  	[tilespmem:$0x3A48] =	vst v0  }
0x40c: {  	[tilespmem:$0x3A58] =	vst v0  }
0x40d: {  	[tilespmem:$0x3A68] =	vst v0  }
0x40e: {  	[tilespmem:$0x3A78] =	vst v0  }
0x40f: {  	[tilespmem:$0x3A88] =	vst v0  }
0x410: {  	[tilespmem:$0x3A98] =	vst v0  }
0x411: {  	[tilespmem:$0x3AA8] =	vst v0  }
0x412: {  	[tilespmem:$0x3AB8] =	vst v0  }
0x413: {  	[tilespmem:$0x3AC8] =	vst v0  }
0x414: {  	[tilespmem:$0x3AD8] =	vst v0  }
0x415: {  	[tilespmem:$0x3AE8] =	vst v0  }
0x416: {  	[tilespmem:$0x3AF8] =	vst v0  }
0x417: {  	[tilespmem:$0x3B08] =	vst v0  }
0x418: {  	[tilespmem:$0x3B18] =	vst v0  }
0x419: {  	[tilespmem:$0x3B28] =	vst v0  }
0x41a: {  	[tilespmem:$0x3B38] =	vst v0  }
0x41b: {  	[tilespmem:$0x3B48] =	vst v0  }
0x41c: {  	[tilespmem:$0x3B58] =	vst v0  }
0x41d: {  	[tilespmem:$0x3B68] =	vst v0  }
0x41e: {  	[tilespmem:$0x3B78] =	vst v0  }
0x41f: {  	[tilespmem:$0x3B88] =	vst v0  }
0x420: {  	[tilespmem:$0x3B98] =	vst v0  }
0x421: {  	[tilespmem:$0x3BA8] =	vst v0  }
0x422: {  	[tilespmem:$0x3BB8] =	vst v0  }
0x423: {  	[tilespmem:$0x3BC8] =	vst v0  }
0x424: {  	[tilespmem:$0x3BD8] =	vst v0  }
0x425: {  	[tilespmem:$0x3BE8] =	vst v0  }
0x426: {  	[tilespmem:$0x3BF8] =	vst v0  }
0x427: {  	[tilespmem:$0x3C08] =	vst v0  }
0x428: {  	[tilespmem:$0x3C18] =	vst v0  }
0x429: {  	[tilespmem:$0x3C28] =	vst v0  }
0x42a: {  	[tilespmem:$0x3C38] =	vst v0  }
0x42b: {  	[tilespmem:$0x3C48] =	vst v0  }
0x42c: {  	[tilespmem:$0x3C58] =	vst v0  }
0x42d: {  	[tilespmem:$0x3C68] =	vst v0  }
0x42e: {  	[tilespmem:$0x3C78] =	vst v0  }
0x42f: {  	[tilespmem:$0x3C88] =	vst v0  }
0x430: {  	[tilespmem:$0x3C98] =	vst v0  }
0x431: {  	[tilespmem:$0x3CA8] =	vst v0  }
0x432: {  	[tilespmem:$0x3CB8] =	vst v0  }
0x433: {  	[tilespmem:$0x3CC8] =	vst v0  }
0x434: {  	[tilespmem:$0x3CD8] =	vst v0  }
0x435: {  	[tilespmem:$0x3CE8] =	vst v0  }
0x436: {  	[tilespmem:$0x3CF8] =	vst v0  }
0x437: {  	[tilespmem:$0x3D08] =	vst v0  }
0x438: {  	[tilespmem:$0x3D18] =	vst v0  }
0x439: {  	[tilespmem:$0x3D28] =	vst v0  }
0x43a: {  	[tilespmem:$0x3D38] =	vst v0  }
0x43b: {  	[tilespmem:$0x3D48] =	vst v0  }
0x43c: {  	[tilespmem:$0x3D58] =	vst v0  }
0x43d: {  	[tilespmem:$0x3D68] =	vst v0  }
0x43e: {  	[tilespmem:$0x3D78] =	vst v0  }
0x43f: {  	[tilespmem:$0x3D88] =	vst v0  }
0x440: {  	[tilespmem:$0x3D98] =	vst v0  }
0x441: {  	[tilespmem:$0x3DA8] =	vst v0  }
0x442: {  	[tilespmem:$0x3DB8] =	vst v0  }
0x443: {  	[tilespmem:$0x3DC8] =	vst v0  }
0x444: {  	[tilespmem:$0x3DD8] =	vst v0  }
0x445: {  	[tilespmem:$0x3DE8] =	vst v0  }
0x446: {  	[tilespmem:$0x3DF8] =	vst v0  }
0x447: {  	[tilespmem:$0x3E08] =	vst v0  }
0x448: {  	[tilespmem:$0x3E18] =	vst v0  }
0x449: {  	[tilespmem:$0x3E28] =	vst v0  }
0x44a: {  	[tilespmem:$0x3E38] =	vst v0  }
0x44b: {  	[tilespmem:$0x3E48] =	vst v0  }
0x44c: {  	[tilespmem:$0x3E58] =	vst v0  }
0x44d: {  	[tilespmem:$0x3E68] =	vst v0  }
0x44e: {  	[tilespmem:$0x3E78] =	vst v0  }
0x44f: {  	[tilespmem:$0x3E88] =	vst v0  }
0x450: {  	[tilespmem:$0x3E98] =	vst v0  }
0x451: {  	[tilespmem:$0x3EA8] =	vst v0  }
0x452: {  	[tilespmem:$0x3EB8] =	vst v0  }
0x453: {  	[tilespmem:$0x3EC8] =	vst v0  }
0x454: {  	[tilespmem:$0x3ED8] =	vst v0  }
0x455: {  	[tilespmem:$0x3EE8] =	vst v0  }
0x456: {  	[tilespmem:$0x3EF8] =	vst v0  }
0x457: {  	[tilespmem:$0x3F08] =	vst v0  }
0x458: {  	[tilespmem:$0x3F18] =	vst v0  }
0x459: {  	[tilespmem:$0x3F28] =	vst v0  }
0x45a: {  	[tilespmem:$0x3F38] =	vst v0  }
0x45b: {  	[tilespmem:$0x3F48] =	vst v0  }
0x45c: {  	[tilespmem:$0x3F58] =	vst v0  }
0x45d: {  	[tilespmem:$0x3F68] =	vst v0  }
0x45e: {  	[tilespmem:$0x3F78] =	vst v0  }
0x45f: {  	[tilespmem:$0x3F88] =	vst v0  }
0x460: {  	[tilespmem:$0x3F98] =	vst v0  }
0x461: {  	[tilespmem:$0x3FA8] =	vst v0  }
0x462: {  	[tilespmem:$0x3FB8] =	vst v0  }
0x463: {  	[tilespmem:$0x3FC8] =	vst v0  }
0x464: {  	[tilespmem:$0x3FD8] =	vst v0  }
0x465: {  	[tilespmem:$0x3FE8] =	vst v0  }
0x466: {  	[tilespmem:$0x3FF8] =	vst v0  }
0x467: {  	[tilespmem:$0x4008] =	vst v0  }
0x468: {  	[tilespmem:$0x4018] =	vst v0  }
0x469: {  	[tilespmem:$0x4028] =	vst v0  }
0x46a: {  	[tilespmem:$0x4038] =	vst v0  }
0x46b: {  	[tilespmem:$0x4048] =	vst v0  }
0x46c: {  	[tilespmem:$0x4058] =	vst v0  }
0x46d: {  	[tilespmem:$0x4068] =	vst v0  }
0x46e: {  	[tilespmem:$0x4078] =	vst v0  }
0x46f: {  	[tilespmem:$0x4088] =	vst v0  }
0x470: {  	[tilespmem:$0x4098] =	vst v0  }
0x471: {  	[tilespmem:$0x40A8] =	vst v0  }
0x472: {  	[tilespmem:$0x40B8] =	vst v0  }
0x473: {  	[tilespmem:$0x40C8] =	vst v0  }
0x474: {  	[tilespmem:$0x40D8] =	vst v0  }
0x475: {  	[tilespmem:$0x4108] =	vst v0  }
0x476: {  	[tilespmem:$0x4118] =	vst v0  }
0x477: {  	[tilespmem:$0x4128] =	vst v0  }
0x478: {  	[tilespmem:$0x4138] =	vst v0  }
0x479: {  	[tilespmem:$0x4148] =	vst v0  }
0x47a: {  	[tilespmem:$0x4158] =	vst v0  }
0x47b: {  	[tilespmem:$0x4168] =	vst v0  }
0x47c: {  	[tilespmem:$0x4178] =	vst v0  }
0x47d: {  	[tilespmem:$0x4188] =	vst v0  }
0x47e: {  	[tilespmem:$0x4198] =	vst v0  }
0x47f: {  	[tilespmem:$0x41A8] =	vst v0  }
0x480: {  	[tilespmem:$0x41B8] =	vst v0  }
0x481: {  	[tilespmem:$0x41C8] =	vst v0  }
0x482: {  	[tilespmem:$0x41D8] =	vst v0  }
0x483: {  	[tilespmem:$0x41E8] =	vst v0  }
0x484: {  	[tilespmem:$0x41F8] =	vst v0  }
0x485: {  	[tilespmem:$0x4208] =	vst v0  }
0x486: {  	[tilespmem:$0x4218] =	vst v0  }
0x487: {  	[tilespmem:$0x4228] =	vst v0  }
0x488: {  	[tilespmem:$0x4238] =	vst v0  }
0x489: {  	[tilespmem:$0x4248] =	vst v0  }
0x48a: {  	[tilespmem:$0x4258] =	vst v0  }
0x48b: {  	[tilespmem:$0x4268] =	vst v0  }
0x48c: {  	[tilespmem:$0x4278] =	vst v0  }
0x48d: {  	[tilespmem:$0x4288] =	vst v0  }
0x48e: {  	[tilespmem:$0x4298] =	vst v0  }
0x48f: {  	[tilespmem:$0x42A8] =	vst v0  }
0x490: {  	[tilespmem:$0x42B8] =	vst v0  }
0x491: {  	[tilespmem:$0x42C8] =	vst v0  }
0x492: {  	[tilespmem:$0x42D8] =	vst v0  }
0x493: {  	[tilespmem:$0x42E8] =	vst v0  }
0x494: {  	[tilespmem:$0x42F8] =	vst v0  }
0x495: {  	[tilespmem:$0x4308] =	vst v0  }
0x496: {  	[tilespmem:$0x4318] =	vst v0  }
0x497: {  	[tilespmem:$0x4328] =	vst v0  }
0x498: {  	[tilespmem:$0x4338] =	vst v0  }
0x499: {  	[tilespmem:$0x4348] =	vst v0  }
0x49a: {  	[tilespmem:$0x4358] =	vst v0  }
0x49b: {  	[tilespmem:$0x4368] =	vst v0  }
0x49c: {  	[tilespmem:$0x4378] =	vst v0  }
0x49d: {  	[tilespmem:$0x4388] =	vst v0  }
0x49e: {  	[tilespmem:$0x4398] =	vst v0  }
0x49f: {  	[tilespmem:$0x43A8] =	vst v0  }
0x4a0: {  	[tilespmem:$0x43B8] =	vst v0  }
0x4a1: {  	[tilespmem:$0x43C8] =	vst v0  }
0x4a2: {  	[tilespmem:$0x43D8] =	vst v0  }
0x4a3: {  	[tilespmem:$0x43E8] =	vst v0  }
0x4a4: {  	[tilespmem:$0x43F8] =	vst v0  }
0x4a5: {  	[tilespmem:$0x4408] =	vst v0  }
0x4a6: {  	[tilespmem:$0x4418] =	vst v0  }
0x4a7: {  	[tilespmem:$0x4428] =	vst v0  }
0x4a8: {  	[tilespmem:$0x4438] =	vst v0  }
0x4a9: {  	[tilespmem:$0x4448] =	vst v0  }
0x4aa: {  	[tilespmem:$0x4458] =	vst v0  }
0x4ab: {  	[tilespmem:$0x4468] =	vst v0  }
0x4ac: {  	[tilespmem:$0x4478] =	vst v0  }
0x4ad: {  	[tilespmem:$0x4488] =	vst v0  }
0x4ae: {  	[tilespmem:$0x4498] =	vst v0  }
0x4af: {  	[tilespmem:$0x44A8] =	vst v0  }
0x4b0: {  	[tilespmem:$0x44B8] =	vst v0  }
0x4b1: {  	[tilespmem:$0x44C8] =	vst v0  }
0x4b2: {  	[tilespmem:$0x44D8] =	vst v0  }
0x4b3: {  	[tilespmem:$0x44E8] =	vst v0  }
0x4b4: {  	[tilespmem:$0x44F8] =	vst v0  }
0x4b5: {  	[tilespmem:$0x4508] =	vst v0  }
0x4b6: {  	[tilespmem:$0x4518] =	vst v0  }
0x4b7: {  	[tilespmem:$0x4528] =	vst v0  }
0x4b8: {  	[tilespmem:$0x4538] =	vst v0  }
0x4b9: {  	[tilespmem:$0x4548] =	vst v0  }
0x4ba: {  	[tilespmem:$0x4558] =	vst v0  }
0x4bb: {  	[tilespmem:$0x4568] =	vst v0  }
0x4bc: {  	[tilespmem:$0x4578] =	vst v0  }
0x4bd: {  	[tilespmem:$0x4588] =	vst v0  }
0x4be: {  	[tilespmem:$0x4598] =	vst v0  }
0x4bf: {  	[tilespmem:$0x45A8] =	vst v0  }
0x4c0: {  	[tilespmem:$0x45B8] =	vst v0  }
0x4c1: {  	[tilespmem:$0x45C8] =	vst v0  }
0x4c2: {  	[tilespmem:$0x45D8] =	vst v0  }
0x4c3: {  	[tilespmem:$0x45E8] =	vst v0  }
0x4c4: {  	[tilespmem:$0x45F8] =	vst v0  }
0x4c5: {  	[tilespmem:$0x4608] =	vst v0  }
0x4c6: {  	[tilespmem:$0x4618] =	vst v0  }
0x4c7: {  	[tilespmem:$0x4628] =	vst v0  }
0x4c8: {  	[tilespmem:$0x4638] =	vst v0  }
0x4c9: {  	[tilespmem:$0x4648] =	vst v0  }
0x4ca: {  	[tilespmem:$0x4658] =	vst v0  }
0x4cb: {  	[tilespmem:$0x4668] =	vst v0  }
0x4cc: {  	[tilespmem:$0x4678] =	vst v0  }
0x4cd: {  	[tilespmem:$0x4688] =	vst v0  }
0x4ce: {  	[tilespmem:$0x4698] =	vst v0  }
0x4cf: {  	[tilespmem:$0x46A8] =	vst v0  }
0x4d0: {  	[tilespmem:$0x46B8] =	vst v0  }
0x4d1: {  	[tilespmem:$0x46C8] =	vst v0  }
0x4d2: {  	[tilespmem:$0x46D8] =	vst v0  }
0x4d3: {  	[tilespmem:$0x46E8] =	vst v0  }
0x4d4: {  	[tilespmem:$0x46F8] =	vst v0  }
0x4d5: {  	[tilespmem:$0x4708] =	vst v0  }
0x4d6: {  	[tilespmem:$0x4718] =	vst v0  }
0x4d7: {  	[tilespmem:$0x4728] =	vst v0  }
0x4d8: {  	[tilespmem:$0x4738] =	vst v0  }
0x4d9: {  	[tilespmem:$0x4748] =	vst v0  }
0x4da: {  	[tilespmem:$0x4758] =	vst v0  }
0x4db: {  	[tilespmem:$0x4768] =	vst v0  }
0x4dc: {  	[tilespmem:$0x4778] =	vst v0  }
0x4dd: {  	[tilespmem:$0x4788] =	vst v0  }
0x4de: {  	[tilespmem:$0x4798] =	vst v0  }
0x4df: {  	[tilespmem:$0x47A8] =	vst v0  }
0x4e0: {  	[tilespmem:$0x47B8] =	vst v0  }
0x4e1: {  	[tilespmem:$0x47C8] =	vst v0  }
0x4e2: {  	[tilespmem:$0x47D8] =	vst v0  }
0x4e3: {  	[tilespmem:$0x47E8] =	vst v0  }
0x4e4: {  	[tilespmem:$0x47F8] =	vst v0  }
0x4e5: {  	[tilespmem:$0x4808] =	vst v0  }
0x4e6: {  	[tilespmem:$0x4818] =	vst v0  }
0x4e7: {  	[tilespmem:$0x4828] =	vst v0  }
0x4e8: {  	[tilespmem:$0x4838] =	vst v0  }
0x4e9: {  	[tilespmem:$0x4848] =	vst v0  }
0x4ea: {  	[tilespmem:$0x4858] =	vst v0  }
0x4eb: {  	[tilespmem:$0x4868] =	vst v0  }
0x4ec: {  	[tilespmem:$0x4878] =	vst v0  }
0x4ed: {  	[tilespmem:$0x4888] =	vst v0  }
0x4ee: {  	[tilespmem:$0x4898] =	vst v0  }
0x4ef: {  	[tilespmem:$0x48A8] =	vst v0  }
0x4f0: {  	[tilespmem:$0x48B8] =	vst v0  }
0x4f1: {  	[tilespmem:$0x48C8] =	vst v0  }
0x4f2: {  	[tilespmem:$0x48D8] =	vst v0  }
0x4f3: {  	[tilespmem:$0x48E8] =	vst v0  }
0x4f4: {  	[tilespmem:$0x48F8] =	vst v0  }
0x4f5: {  	[tilespmem:$0x4908] =	vst v0  }
0x4f6: {  	[tilespmem:$0x4918] =	vst v0  }
0x4f7: {  	[tilespmem:$0x4928] =	vst v0  }
0x4f8: {  	[tilespmem:$0x4938] =	vst v0  }
0x4f9: {  	[tilespmem:$0x4948] =	vst v0  }
0x4fa: {  	[tilespmem:$0x4958] =	vst v0  }
0x4fb: {  	[tilespmem:$0x4968] =	vst v0  }
0x4fc: {  	[tilespmem:$0x4978] =	vst v0  }
0x4fd: {  	[tilespmem:$0x4988] =	vst v0  }
0x4fe: {  	[tilespmem:$0x4998] =	vst v0  }
0x4ff: {  	[tilespmem:$0x49A8] =	vst v0  }
0x500: {  	[tilespmem:$0x49B8] =	vst v0  }
0x501: {  	[tilespmem:$0x49C8] =	vst v0  }
0x502: {  	[tilespmem:$0x49D8] =	vst v0  }
0x503: {  	[tilespmem:$0x49E8] =	vst v0  }
0x504: {  	[tilespmem:$0x49F8] =	vst v0  }
0x505: {  	[tilespmem:$0x4A08] =	vst v0  }
0x506: {  	[tilespmem:$0x4A18] =	vst v0  }
0x507: {  	[tilespmem:$0x4A28] =	vst v0  }
0x508: {  	[tilespmem:$0x4A38] =	vst v0  }
0x509: {  	[tilespmem:$0x4A48] =	vst v0  }
0x50a: {  	[tilespmem:$0x4A58] =	vst v0  }
0x50b: {  	[tilespmem:$0x4A68] =	vst v0  }
0x50c: {  	[tilespmem:$0x4A78] =	vst v0  }
0x50d: {  	[tilespmem:$0x4A88] =	vst v0  }
0x50e: {  	[tilespmem:$0x4A98] =	vst v0  }
0x50f: {  	[tilespmem:$0x4AA8] =	vst v0  }
0x510: {  	[tilespmem:$0x4AB8] =	vst v0  }
0x511: {  	[tilespmem:$0x4AC8] =	vst v0  }
0x512: {  	[tilespmem:$0x4AD8] =	vst v0  }
0x513: {  	[tilespmem:$0x4AE8] =	vst v0  }
0x514: {  	[tilespmem:$0x4AF8] =	vst v0  }
0x515: {  	[tilespmem:$0x4B08] =	vst v0  }
0x516: {  	[tilespmem:$0x4B18] =	vst v0  }
0x517: {  	[tilespmem:$0x4B28] =	vst v0  }
0x518: {  	[tilespmem:$0x4B38] =	vst v0  }
0x519: {  	[tilespmem:$0x4B48] =	vst v0  }
0x51a: {  	[tilespmem:$0x4B58] =	vst v0  }
0x51b: {  	[tilespmem:$0x4B68] =	vst v0  }
0x51c: {  	[tilespmem:$0x4B78] =	vst v0  }
0x51d: {  	[tilespmem:$0x4B88] =	vst v0  }
0x51e: {  	[tilespmem:$0x4B98] =	vst v0  }
0x51f: {  	[tilespmem:$0x4BA8] =	vst v0  }
0x520: {  	[tilespmem:$0x4BB8] =	vst v0  }
0x521: {  	[tilespmem:$0x4BC8] =	vst v0  }
0x522: {  	[tilespmem:$0x4BD8] =	vst v0  }
0x523: {  	[tilespmem:$0x4BE8] =	vst v0  }
0x524: {  	[tilespmem:$0x4BF8] =	vst v0  }
0x525: {  	[tilespmem:$0x4C08] =	vst v0  }
0x526: {  	[tilespmem:$0x4C18] =	vst v0  }
0x527: {  	[tilespmem:$0x4C28] =	vst v0  }
0x528: {  	[tilespmem:$0x4C38] =	vst v0  }
0x529: {  	[tilespmem:$0x4C48] =	vst v0  }
0x52a: {  	[tilespmem:$0x4C58] =	vst v0  }
0x52b: {  	[tilespmem:$0x4C68] =	vst v0  }
0x52c: {  	[tilespmem:$0x4C78] =	vst v0  }
0x52d: {  	[tilespmem:$0x4C88] =	vst v0  }
0x52e: {  	[tilespmem:$0x4C98] =	vst v0  }
0x52f: {  	[tilespmem:$0x4CA8] =	vst v0  }
0x530: {  	[tilespmem:$0x4CB8] =	vst v0  }
0x531: {  	[tilespmem:$0x4CC8] =	vst v0  }
0x532: {  	[tilespmem:$0x4CD8] =	vst v0  }
0x533: {  	[tilespmem:$0x4CE8] =	vst v0  }
0x534: {  	[tilespmem:$0x4CF8] =	vst v0  }
0x535: {  	[tilespmem:$0x4D08] =	vst v0  }
0x536: {  	[tilespmem:$0x4D18] =	vst v0  }
0x537: {  	[tilespmem:$0x4D28] =	vst v0  }
0x538: {  	[tilespmem:$0x4D38] =	vst v0  }
0x539: {  	[tilespmem:$0x4D48] =	vst v0  }
0x53a: {  	[tilespmem:$0x4D58] =	vst v0  }
0x53b: {  	[tilespmem:$0x4D68] =	vst v0  }
0x53c: {  	[tilespmem:$0x4D78] =	vst v0  }
0x53d: {  	[tilespmem:$0x4D88] =	vst v0  }
0x53e: {  	[tilespmem:$0x4D98] =	vst v0  }
0x53f: {  	[tilespmem:$0x4DA8] =	vst v0  }
0x540: {  	[tilespmem:$0x4DB8] =	vst v0  }
0x541: {  	[tilespmem:$0x4DC8] =	vst v0  }
0x542: {  	[tilespmem:$0x4DD8] =	vst v0  }
0x543: {  	[tilespmem:$0x4DE8] =	vst v0  }
0x544: {  	[tilespmem:$0x4DF8] =	vst v0  }
0x545: {  	[tilespmem:$0x4E08] =	vst v0  }
0x546: {  	[tilespmem:$0x4E18] =	vst v0  }
0x547: {  	[tilespmem:$0x4E28] =	vst v0  }
0x548: {  	[tilespmem:$0x4E38] =	vst v0  }
0x549: {  	[tilespmem:$0x4E48] =	vst v0  }
0x54a: {  	[tilespmem:$0x4E58] =	vst v0  }
0x54b: {  	[tilespmem:$0x4E68] =	vst v0  }
0x54c: {  	[tilespmem:$0x4E78] =	vst v0  }
0x54d: {  	[tilespmem:$0x4E88] =	vst v0  }
0x54e: {  	[tilespmem:$0x4E98] =	vst v0  }
0x54f: {  	[tilespmem:$0x4EA8] =	vst v0  }
0x550: {  	[tilespmem:$0x4EB8] =	vst v0  }
0x551: {  	[tilespmem:$0x4EC8] =	vst v0  }
0x552: {  	[tilespmem:$0x4ED8] =	vst v0  }
0x553: {  	[tilespmem:$0x4EE8] =	vst v0  }
0x554: {  	[tilespmem:$0x4EF8] =	vst v0  }
0x555: {  	[tilespmem:$0x4F08] =	vst v0  }
0x556: {  	[tilespmem:$0x4F18] =	vst v0  }
0x557: {  	[tilespmem:$0x4F28] =	vst v0  }
0x558: {  	[tilespmem:$0x4F38] =	vst v0  }
0x559: {  	[tilespmem:$0x4F48] =	vst v0  }
0x55a: {  	[tilespmem:$0x4F58] =	vst v0  }
0x55b: {  	[tilespmem:$0x4F68] =	vst v0  }
0x55c: {  	[tilespmem:$0x4F78] =	vst v0  }
0x55d: {  	[tilespmem:$0x4F88] =	vst v0  }
0x55e: {  	[tilespmem:$0x4F98] =	vst v0  }
0x55f: {  	[tilespmem:$0x4FA8] =	vst v0  }
0x560: {  	[tilespmem:$0x4FB8] =	vst v0  }
0x561: {  	[tilespmem:$0x4FC8] =	vst v0  }
0x562: {  	[tilespmem:$0x4FD8] =	vst v0  }
0x563: {  	[tilespmem:$0x4FE8] =	vst v0  }
0x564: {  	[tilespmem:$0x4FF8] =	vst v0  }
0x565: {  	[tilespmem:$0x5008] =	vst v0  }
0x566: {  	[tilespmem:$0x5018] =	vst v0  }
0x567: {  	[tilespmem:$0x5028] =	vst v0  }
0x568: {  	[tilespmem:$0x5038] =	vst v0  }
0x569: {  	[tilespmem:$0x5048] =	vst v0  }
0x56a: {  	[tilespmem:$0x5058] =	vst v0  }
0x56b: {  	[tilespmem:$0x5068] =	vst v0  }
0x56c: {  	[tilespmem:$0x5078] =	vst v0  }
0x56d: {  	[tilespmem:$0x5088] =	vst v0  }
0x56e: {  	[tilespmem:$0x5098] =	vst v0  }
0x56f: {  	[tilespmem:$0x50A8] =	vst v0  }
0x570: {  	[tilespmem:$0x50B8] =	vst v0  }
0x571: {  	[tilespmem:$0x50C8] =	vst v0  }
0x572: {  	[tilespmem:$0x50D8] =	vst v0  }
0x573: {  	[tilespmem:$0x50E8] =	vst v0  }
0x574: {  	[tilespmem:$0x50F8] =	vst v0  }
0x575: {  	[tilespmem:$0x51A8] =	vst v0  }
0x576: {  	[tilespmem:$0x5FE8] =	vst v0  }
0x577: {  	[tilespmem:$0x5FD8] =	vst v0  }
0x578: {  	[tilespmem:$0x5FC8] =	vst v0  }
0x579: {  	[tilespmem:$0x5FB8] =	vst v0  }
0x57a: {  	[tilespmem:$0x5FA8] =	vst v0  }
0x57b: {  	[tilespmem:$0x5F98] =	vst v0  }
0x57c: {  	[tilespmem:$0x5F88] =	vst v0  }
0x57d: {  	[tilespmem:$0x5F78] =	vst v0  }
0x57e: {  	[tilespmem:$0x5F68] =	vst v0  }
0x57f: {  	[tilespmem:$0x5F58] =	vst v0  }
0x580: {  	[tilespmem:$0x5F48] =	vst v0  }
0x581: {  	[tilespmem:$0x5F38] =	vst v0  }
0x582: {  	[tilespmem:$0x5F28] =	vst v0  }
0x583: {  	[tilespmem:$0x5F18] =	vst v0  }
0x584: {  	[tilespmem:$0x5F08] =	vst v0  }
0x585: {  	[tilespmem:$0x5EF8] =	vst v0  }
0x586: {  	[tilespmem:$0x5EE8] =	vst v0  }
0x587: {  	[tilespmem:$0x5ED8] =	vst v0  }
0x588: {  	[tilespmem:$0x5EC8] =	vst v0  }
0x589: {  	[tilespmem:$0x5EB8] =	vst v0  }
0x58a: {  	[tilespmem:$0x5EA8] =	vst v0  }
0x58b: {  	[tilespmem:$0x5E98] =	vst v0  }
0x58c: {  	[tilespmem:$0x5E88] =	vst v0  }
0x58d: {  	[tilespmem:$0x5E78] =	vst v0  }
0x58e: {  	[tilespmem:$0x5E68] =	vst v0  }
0x58f: {  	[tilespmem:$0x5E58] =	vst v0  }
0x590: {  	[tilespmem:$0x5E48] =	vst v0  }
0x591: {  	[tilespmem:$0x5E38] =	vst v0  }
0x592: {  	[tilespmem:$0x5E28] =	vst v0  }
0x593: {  	[tilespmem:$0x5E18] =	vst v0  }
0x594: {  	[tilespmem:$0x5E08] =	vst v0  }
0x595: {  	[tilespmem:$0x5DF8] =	vst v0  }
0x596: {  	[tilespmem:$0x5DE8] =	vst v0  }
0x597: {  	[tilespmem:$0x5DD8] =	vst v0  }
0x598: {  	[tilespmem:$0x5DC8] =	vst v0  }
0x599: {  	[tilespmem:$0x5DB8] =	vst v0  }
0x59a: {  	[tilespmem:$0x5DA8] =	vst v0  }
0x59b: {  	[tilespmem:$0x5D98] =	vst v0  }
0x59c: {  	[tilespmem:$0x5D88] =	vst v0  }
0x59d: {  	[tilespmem:$0x5D78] =	vst v0  }
0x59e: {  	[tilespmem:$0x5D68] =	vst v0  }
0x59f: {  	[tilespmem:$0x5D58] =	vst v0  }
0x5a0: {  	[tilespmem:$0x5D48] =	vst v0  }
0x5a1: {  	[tilespmem:$0x5D38] =	vst v0  }
0x5a2: {  	[tilespmem:$0x5D28] =	vst v0  }
0x5a3: {  	[tilespmem:$0x5D18] =	vst v0  }
0x5a4: {  	[tilespmem:$0x5D08] =	vst v0  }
0x5a5: {  	[tilespmem:$0x5CF8] =	vst v0  }
0x5a6: {  	[tilespmem:$0x5CE8] =	vst v0  }
0x5a7: {  	[tilespmem:$0x5CD8] =	vst v0  }
0x5a8: {  	[tilespmem:$0x5CC8] =	vst v0  }
0x5a9: {  	[tilespmem:$0x5CB8] =	vst v0  }
0x5aa: {  	[tilespmem:$0x5CA8] =	vst v0  }
0x5ab: {  	[tilespmem:$0x5C98] =	vst v0  }
0x5ac: {  	[tilespmem:$0x5C88] =	vst v0  }
0x5ad: {  	[tilespmem:$0x5C78] =	vst v0  }
0x5ae: {  	[tilespmem:$0x5C68] =	vst v0  }
0x5af: {  	[tilespmem:$0x5C58] =	vst v0  }
0x5b0: {  	[tilespmem:$0x5C48] =	vst v0  }
0x5b1: {  	[tilespmem:$0x5C38] =	vst v0  }
0x5b2: {  	[tilespmem:$0x5C28] =	vst v0  }
0x5b3: {  	[tilespmem:$0x5C18] =	vst v0  }
0x5b4: {  	[tilespmem:$0x5C08] =	vst v0  }
0x5b5: {  	[tilespmem:$0x5BF8] =	vst v0  }
0x5b6: {  	[tilespmem:$0x5BE8] =	vst v0  }
0x5b7: {  	[tilespmem:$0x5BD8] =	vst v0  }
0x5b8: {  	[tilespmem:$0x5BC8] =	vst v0  }
0x5b9: {  	[tilespmem:$0x5BB8] =	vst v0  }
0x5ba: {  	[tilespmem:$0x5BA8] =	vst v0  }
0x5bb: {  	[tilespmem:$0x5B98] =	vst v0  }
0x5bc: {  	[tilespmem:$0x5B88] =	vst v0  }
0x5bd: {  	[tilespmem:$0x5B78] =	vst v0  }
0x5be: {  	[tilespmem:$0x5B68] =	vst v0  }
0x5bf: {  	[tilespmem:$0x5B58] =	vst v0  }
0x5c0: {  	[tilespmem:$0x5B48] =	vst v0  }
0x5c1: {  	[tilespmem:$0x5B38] =	vst v0  }
0x5c2: {  	[tilespmem:$0x5B28] =	vst v0  }
0x5c3: {  	[tilespmem:$0x5B18] =	vst v0  }
0x5c4: {  	[tilespmem:$0x5B08] =	vst v0  }
0x5c5: {  	[tilespmem:$0x5AF8] =	vst v0  }
0x5c6: {  	[tilespmem:$0x5AE8] =	vst v0  }
0x5c7: {  	[tilespmem:$0x5AD8] =	vst v0  }
0x5c8: {  	[tilespmem:$0x5AC8] =	vst v0  }
0x5c9: {  	[tilespmem:$0x5AB8] =	vst v0  }
0x5ca: {  	[tilespmem:$0x5AA8] =	vst v0  }
0x5cb: {  	[tilespmem:$0x5A98] =	vst v0  }
0x5cc: {  	[tilespmem:$0x5A88] =	vst v0  }
0x5cd: {  	[tilespmem:$0x5A78] =	vst v0  }
0x5ce: {  	[tilespmem:$0x5A68] =	vst v0  }
0x5cf: {  	[tilespmem:$0x5A58] =	vst v0  }
0x5d0: {  	[tilespmem:$0x5A48] =	vst v0  }
0x5d1: {  	[tilespmem:$0x5A38] =	vst v0  }
0x5d2: {  	[tilespmem:$0x5A28] =	vst v0  }
0x5d3: {  	[tilespmem:$0x5A18] =	vst v0  }
0x5d4: {  	[tilespmem:$0x5A08] =	vst v0  }
0x5d5: {  	[tilespmem:$0x59F8] =	vst v0  }
0x5d6: {  	[tilespmem:$0x59E8] =	vst v0  }
0x5d7: {  	[tilespmem:$0x59D8] =	vst v0  }
0x5d8: {  	[tilespmem:$0x59C8] =	vst v0  }
0x5d9: {  	[tilespmem:$0x59B8] =	vst v0  }
0x5da: {  	[tilespmem:$0x59A8] =	vst v0  }
0x5db: {  	[tilespmem:$0x5998] =	vst v0  }
0x5dc: {  	[tilespmem:$0x5988] =	vst v0  }
0x5dd: {  	[tilespmem:$0x5978] =	vst v0  }
0x5de: {  	[tilespmem:$0x5968] =	vst v0  }
0x5df: {  	[tilespmem:$0x5958] =	vst v0  }
0x5e0: {  	[tilespmem:$0x5948] =	vst v0  }
0x5e1: {  	[tilespmem:$0x5938] =	vst v0  }
0x5e2: {  	[tilespmem:$0x5928] =	vst v0  }
0x5e3: {  	[tilespmem:$0x5918] =	vst v0  }
0x5e4: {  	[tilespmem:$0x5908] =	vst v0  }
0x5e5: {  	[tilespmem:$0x58F8] =	vst v0  }
0x5e6: {  	[tilespmem:$0x58E8] =	vst v0  }
0x5e7: {  	[tilespmem:$0x58D8] =	vst v0  }
0x5e8: {  	[tilespmem:$0x58C8] =	vst v0  }
0x5e9: {  	[tilespmem:$0x58B8] =	vst v0  }
0x5ea: {  	[tilespmem:$0x58A8] =	vst v0  }
0x5eb: {  	[tilespmem:$0x5898] =	vst v0  }
0x5ec: {  	[tilespmem:$0x5888] =	vst v0  }
0x5ed: {  	[tilespmem:$0x5878] =	vst v0  }
0x5ee: {  	[tilespmem:$0x5868] =	vst v0  }
0x5ef: {  	[tilespmem:$0x5858] =	vst v0  }
0x5f0: {  	[tilespmem:$0x5848] =	vst v0  }
0x5f1: {  	[tilespmem:$0x5838] =	vst v0  }
0x5f2: {  	[tilespmem:$0x5828] =	vst v0  }
0x5f3: {  	[tilespmem:$0x5818] =	vst v0  }
0x5f4: {  	[tilespmem:$0x5808] =	vst v0  }
0x5f5: {  	[tilespmem:$0x57F8] =	vst v0  }
0x5f6: {  	[tilespmem:$0x57E8] =	vst v0  }
0x5f7: {  	[tilespmem:$0x57D8] =	vst v0  }
0x5f8: {  	[tilespmem:$0x57C8] =	vst v0  }
0x5f9: {  	[tilespmem:$0x57B8] =	vst v0  }
0x5fa: {  	[tilespmem:$0x57A8] =	vst v0  }
0x5fb: {  	[tilespmem:$0x5798] =	vst v0  }
0x5fc: {  	[tilespmem:$0x5788] =	vst v0  }
0x5fd: {  	[tilespmem:$0x5778] =	vst v0  }
0x5fe: {  	[tilespmem:$0x5768] =	vst v0  }
0x5ff: {  	[tilespmem:$0x5758] =	vst v0  }
0x600: {  	[tilespmem:$0x5748] =	vst v0  }
0x601: {  	[tilespmem:$0x5738] =	vst v0  }
0x602: {  	[tilespmem:$0x5728] =	vst v0  }
0x603: {  	[tilespmem:$0x5718] =	vst v0  }
0x604: {  	[tilespmem:$0x5708] =	vst v0  }
0x605: {  	[tilespmem:$0x56F8] =	vst v0  }
0x606: {  	[tilespmem:$0x56E8] =	vst v0  }
0x607: {  	[tilespmem:$0x56D8] =	vst v0  }
0x608: {  	[tilespmem:$0x56C8] =	vst v0  }
0x609: {  	[tilespmem:$0x56B8] =	vst v0  }
0x60a: {  	[tilespmem:$0x56A8] =	vst v0  }
0x60b: {  	[tilespmem:$0x5698] =	vst v0  }
0x60c: {  	[tilespmem:$0x5688] =	vst v0  }
0x60d: {  	[tilespmem:$0x5678] =	vst v0  }
0x60e: {  	[tilespmem:$0x5668] =	vst v0  }
0x60f: {  	[tilespmem:$0x5658] =	vst v0  }
0x610: {  	[tilespmem:$0x5648] =	vst v0  }
0x611: {  	[tilespmem:$0x5638] =	vst v0  }
0x612: {  	[tilespmem:$0x5628] =	vst v0  }
0x613: {  	[tilespmem:$0x5618] =	vst v0  }
0x614: {  	[tilespmem:$0x5608] =	vst v0  }
0x615: {  	[tilespmem:$0x55F8] =	vst v0  }
0x616: {  	[tilespmem:$0x55E8] =	vst v0  }
0x617: {  	[tilespmem:$0x55D8] =	vst v0  }
0x618: {  	[tilespmem:$0x55C8] =	vst v0  }
0x619: {  	[tilespmem:$0x55B8] =	vst v0  }
0x61a: {  	[tilespmem:$0x55A8] =	vst v0  }
0x61b: {  	[tilespmem:$0x5598] =	vst v0  }
0x61c: {  	[tilespmem:$0x5588] =	vst v0  }
0x61d: {  	[tilespmem:$0x5578] =	vst v0  }
0x61e: {  	[tilespmem:$0x5568] =	vst v0  }
0x61f: {  	[tilespmem:$0x5558] =	vst v0  }
0x620: {  	[tilespmem:$0x5548] =	vst v0  }
0x621: {  	[tilespmem:$0x5538] =	vst v0  }
0x622: {  	[tilespmem:$0x5528] =	vst v0  }
0x623: {  	[tilespmem:$0x5518] =	vst v0  }
0x624: {  	[tilespmem:$0x5508] =	vst v0  }
0x625: {  	[tilespmem:$0x54F8] =	vst v0  }
0x626: {  	[tilespmem:$0x54E8] =	vst v0  }
0x627: {  	[tilespmem:$0x54D8] =	vst v0  }
0x628: {  	[tilespmem:$0x54C8] =	vst v0  }
0x629: {  	[tilespmem:$0x54B8] =	vst v0  }
0x62a: {  	[tilespmem:$0x54A8] =	vst v0  }
0x62b: {  	[tilespmem:$0x5498] =	vst v0  }
0x62c: {  	[tilespmem:$0x5488] =	vst v0  }
0x62d: {  	[tilespmem:$0x5478] =	vst v0  }
0x62e: {  	[tilespmem:$0x5468] =	vst v0  }
0x62f: {  	[tilespmem:$0x5458] =	vst v0  }
0x630: {  	[tilespmem:$0x5448] =	vst v0  }
0x631: {  	[tilespmem:$0x5438] =	vst v0  }
0x632: {  	[tilespmem:$0x5428] =	vst v0  }
0x633: {  	[tilespmem:$0x5418] =	vst v0  }
0x634: {  	[tilespmem:$0x5408] =	vst v0  }
0x635: {  	[tilespmem:$0x53F8] =	vst v0  }
0x636: {  	[tilespmem:$0x53E8] =	vst v0  }
0x637: {  	[tilespmem:$0x53D8] =	vst v0  }
0x638: {  	[tilespmem:$0x53C8] =	vst v0  }
0x639: {  	[tilespmem:$0x53B8] =	vst v0  }
0x63a: {  	[tilespmem:$0x53A8] =	vst v0  }
0x63b: {  	[tilespmem:$0x5398] =	vst v0  }
0x63c: {  	[tilespmem:$0x5388] =	vst v0  }
0x63d: {  	[tilespmem:$0x5378] =	vst v0  }
0x63e: {  	[tilespmem:$0x5368] =	vst v0  }
0x63f: {  	[tilespmem:$0x5358] =	vst v0  }
0x640: {  	[tilespmem:$0x5348] =	vst v0  }
0x641: {  	[tilespmem:$0x5338] =	vst v0  }
0x642: {  	[tilespmem:$0x5328] =	vst v0  }
0x643: {  	[tilespmem:$0x5318] =	vst v0  }
0x644: {  	[tilespmem:$0x5308] =	vst v0  }
0x645: {  	[tilespmem:$0x52F8] =	vst v0  }
0x646: {  	[tilespmem:$0x52E8] =	vst v0  }
0x647: {  	[tilespmem:$0x52D8] =	vst v0  }
0x648: {  	[tilespmem:$0x52C8] =	vst v0  }
0x649: {  	[tilespmem:$0x52B8] =	vst v0  }
0x64a: {  	[tilespmem:$0x52A8] =	vst v0  }
0x64b: {  	[tilespmem:$0x5298] =	vst v0  }
0x64c: {  	[tilespmem:$0x5288] =	vst v0  }
0x64d: {  	[tilespmem:$0x5278] =	vst v0  }
0x64e: {  	[tilespmem:$0x5268] =	vst v0  }
0x64f: {  	[tilespmem:$0x5258] =	vst v0  }
0x650: {  	[tilespmem:$0x5248] =	vst v0  }
0x651: {  	[tilespmem:$0x5238] =	vst v0  }
0x652: {  	[tilespmem:$0x5228] =	vst v0  }
0x653: {  	[tilespmem:$0x5218] =	vst v0  }
0x654: {  	[tilespmem:$0x5208] =	vst v0  }
0x655: {  	[tilespmem:$0x51F8] =	vst v0  }
0x656: {  	[tilespmem:$0x51E8] =	vst v0  }
0x657: {  	s10 =	stileid.u32;
	[tilespmem:$0x51D8] =	vst v0  }
0x658: {  	s0 =	smul.u32 $0x23, s10;
	[tilespmem:$0x51C8] =	vst v0  }
0x659: {  	s1 =	smin.u32 s10, $0x6;
	[tilespmem:$0x51B8] =	vst v0  }
0x65a: {  	[tilespmem:$0x5188] =	vst v0;
	s0 =	sadd.s32 s1, s0  }
0x65b: {  	p0 =	slt.u32 s10, $0x6;
	[tilespmem:$0x5198] =	vst v0;
	s1 =	simm.s32 $0x2AC0;
	s8 =	smul.u32 $0x130, s0  }
0x65c: {  	s1 =	simm.s32 @!p0 $0x2990;
	[tilespmem:$0x5178] =	vst v0  }
0x65d: {  	[tilespmem:$0x5118] =	vst v0;
	s0 =	sadd.s32 s1, s8  }
0x65e: {  	s6 =	simm.s32 $0x2;
	s29 =	simm.s32 $0x9;
	[tilespmem:$0x5168] =	vst v0;
	s9 =	smin.u32 s0, $0x2A000  }
0x65f: {  	s30 =	simm.s32 $0xA;
	s12 =	simm.s32 $0xB;
	[tilespmem:$0x5158] =	vst v0;
	s0 =	ssub.s32 s9, s8  }
0x660: {  	s18 =	simm.s32 $0x0;
	p1 =	por $0x0, $0x0;
	[tilespmem:$0x5148] =	vst v0;
	p0 =	sgt.s32 s0, $0x0  }
0x661: {  	s19 =	simm.s32 $0xC;
	s23 =	simm.s32 $0x0;
	[tilespmem:$0x5138] =	vst v0;
	s0 =	simm.s32 @!p0 $0x0  }
0x662: {  	s20 =	simm.s32 $0x0;
	s22 =	simm.s32 $0x0;
	[tilespmem:$0x5128] =	vst v0;
	s28 =	smulhi.u32 $0x6BCA1AF3, s0  }
0x663: {  	s2 =	sand.u32 $0x1, s2;
	s31 =	smul.u32 $0x280, s10;
	[tilespmem:$0x5108] =	vst v0;
	[sflag:s6] =	ssyncpa.u1 $0x0  }
0x664: {  	v0 =	vimm.s32 $0xFFFFFFFF;
	[dreg:$0x4] =	wrdreg s2;
	s2 =	smul.u32 $0x5400, s2;
	s1 =	sshrl.u32 s28, $0x7  }
0x665: {  	s5 =	sadd.s32 $0x59FE00, s4;
	[tilespmem:$0xBF48] =	vst v0;
	[sflag:s29] =	ssyncpa.u1 $0x0;
	s7 =	smul.u32 $0x130, s1  }
.Ltmp7:
0x666: {  	s16 =	sshrl.u32 s31, $0x2;
	s2 =	sadd.s32 s2, s4;
	(pc) =	sbr.rel .LBB3_1-.Ltmp7, $4  }
0x667: {  	[sflag:s30] =	ssyncpa.u1 $0x0;
	p0 =	sne.s32 s0, s7;
	s0 =	simm.s32 $0x1  }
0x668: {  	s4 =	sadd.s32 $0x5FE00, s4;
	[sflag:s12] =	ssyncpa.u1 $0x0;
	s0 =	simm.s32 @!p0 $0x0  }
0x669: {  	s14 =	sadd.s32 $0x55600, s2;
	s15 =	sadd.s32 $0x3A400, s2;
	s13 =	sadd.s32 s0, s1  }
0x66a: {  	v0 =	vlaneseq.u32;
	s21 =	smov.u32 s8;
	p0 =	por $0x1, $0x1;
	s17 =	sadd.s32 $0x1, s13  }
.LBB3_22:
0x66b: {  	s0 =	sshrl.u32 s0, $0x2  }
.LBB3_24:
0x66c: {  	_ =	swait.ge [sflag:s19], s0  }
0x66d: {  	s30 =	ssub.s32 $0x0, s0;
	v1 =	vmov s25;
	vm0 =	veq.s32 v0, $0x0;
	[sflag:s19] =	ssyncset.done $0x0  }
0x66e: {  	vm15 =	veq.s32 v0, $0x2;
	v1 =	vsel vm0, s31, v1;
	[sflag:s19] =	ssyncadd.s32 s30  }
0x66f: {  	v1 =	vsel vm15, s23, v1;
	[sflag:s19] =	ssyncpa.u1 $0x1  }
0x670: {  	[tilespmem:$0xBF48] =	vst v1  }
.LBB3_25:
0x671: {  	s0 =	sadd.s32 $0x130, s21  }
0x672: {  	s1 =	smov.u32 s8;
	p2 =	slt.s32 s0, s9  }
0x673: {  	s1 =	smov.u32 @p2 s0;
	p2 =	sne.s32 s22, s17  }
.Ltmp8:
0x674: {  	_ = 	snop;
	(pc) =	sbr.rel @!p2 .LBB3_26-.Ltmp8, $4  }
0x675: {  	_ = 	snop  }
0x676: {  	s23 =	smov.u32 s20  }
0x677: {  	s31 =	sadd.s32 $0x1, s22;
	s20 =	smov.u32 s21;
	p0 =	por !p0, !p0  }
0x678: {  	p1 =	por !p1, !p1;
	s22 =	smov.u32 s31;
	s21 =	smov.u32 s1  }
.LBB3_1:
0x679: {  	p2 =	sge.u32 s22, s13  }
0x67a: {  	s0 =	smulhi.u32 @!p2 $0xAAAAAAAB, s22  }
0x67b: {  	s1 =	smov.u32 s21;
	p3 =	sgt.s32 @!p2 s21, $0x29ED0  }
0x67c: {  	s2 =	sshra.s32 @!p2 s21, $0x1F;
	p3 =	por !p3, p2;
	s0 =	sshrl.u32 @!p2 s0, $0x1  }
0x67d: {  	s2 =	sand.u32 @!p2 s2, s21;
	s1 =	simm.s32 @p3 $0x29ED0;
	s0 =	smul.u32 @!p2 $0x3, s0  }
0x67e: {  	s1 =	ssub.s32 @!p2 s1, s2  }
0x67f: {  	s1 =	sadd.s32 @!p2 $0xFFFD6130, s1;
	s0 =	ssub.s32 @!p2 s22, s0  }
0x680: {  	s2 =	sshll.u32 @!p2 s1, $0x2;
	p3 =	sgt.s32 @!p2 s1, $0x12F;
	s0 =	smul.u32 @!p2 $0x4C0, s0  }
0x681: {  	s6 =	sand.u32 @!p2 $0x7, s21;
	s1 =	ssub.s32 @!p2 $0x4C0, s2;
	p3 =	por !p3, p2  }
0x682: {  	s2 =	sshrl.u32 @!p2 s21, $0x3;
	s1 =	sshrl.u32 @!p2 s1, $0x2;
	s0 =	sshrl.u32 @!p2 s0, $0x2  }
0x683: {  	s2 =	sadd.s32 @!p2 s2, s14;
	s1 =	simm.s32 @!p3 $0x0;
	s0 =	sadd.s32 @!p2 $0xC988, s0  }
0x684: {  	[tilespmem:s0], [sflag:$0xA] =	stream.linear.gather @!p2 [hbm4b:s2+s6], s1, $0x38;
	[tilespmem:$0x1FF78] =	vst v63  }
0x685: {  	s1 =	sadd.s32 $0xFFFFFFFF, s22  }
0x686: {  	p2 =	sge.u32 s1, s13  }
0x687: {  	p3 =	sgt.s32 @!p2 s20, $0x29ED0  }
0x688: {  	s0 =	smov.u32 s20;
	s2 =	sshra.s32 @!p2 s20, $0x1F;
	p3 =	por !p3, p2  }
0x689: {  	s2 =	sand.u32 @!p2 s2, s20;
	s0 =	simm.s32 @p3 $0x29ED0  }
0x68a: {  	s0 =	ssub.s32 @!p2 s0, s2  }
0x68b: {  	s0 =	sadd.s32 @!p2 $0xFFFD6130, s0  }
0x68c: {  	s2 =	sshll.u32 @!p2 s0, $0x2  }
0x68d: {  	p3 =	sgt.s32 @!p2 s0, $0x12F;
	s0 =	ssub.s32 @!p2 $0x4C0, s2  }
0x68e: {  	p3 =	por !p3, p2;
	s0 =	sshrl.u32 @!p2 s0, $0x2  }
0x68f: {  	s6 =	simm.s32 @!p2 $0xA;
	s2 =	sand.u32 @!p2 $0x1, s1;
	s0 =	simm.s32 @!p3 $0x0  }
0x690: {  	s2 =	smul.u32 @!p2 $0x4C0, s2;
	_ =	swait.ge @!p2 [sflag:s6], s0  }
0x691: {  	s7 =	ssub.s32 @!p2 $0x0, s0;
	[sflag:s6] =	ssyncset.done @!p2 $0x0  }
0x692: {  	s2 =	sshrl.u32 @!p2 s2, $0x2;
	[sflag:s6] =	ssyncadd.s32 @!p2 s7;
	s6 =	sshrl.u32 @!p2 s20, $0x3  }
0x693: {  	s2 =	sadd.s32 @!p2 $0xCD18, s2;
	s7 =	sand.u32 @!p2 $0x7, s20;
	s6 =	sadd.s32 @!p2 s6, s15  }
0x694: {  	[tilespmem:s2], [sflag:$0xB] =	stream.linear.gather @!p2 [hbm4b:s6+s7], s0, $0x38;
	[tilespmem:$0x1FF78] =	vst v63  }
0x695: {  	s0 =	ssub.s32 @!p2 $0x2A000, s20  }
0x696: {  	p3 =	slt.s32 @!p2 s0, $0x1  }
0x697: {  	p3 =	por p2, p3  }
.Ltmp9:
0x698: {  	_ = 	snop;
	(pc) =	sbr.rel @p3 .LBB3_7-.Ltmp9, $1  }
0x699: {  	_ =	sdelay $0x3  }
0x69a: {  	s2 =	smulhi.u32 $0xAAAAAAAB, s1;
	_ =	sdelay $0x1  }
0x69b: {  	s2 =	sshrl.u32 s2, $0x1  }
0x69c: {  	s2 =	smul.u32 $0x3, s2;
	_ =	sdelay $0x1  }
0x69d: {  	s29 =	ssub.s32 s1, s2  }
0x69e: {  	s6 =	simm.s32 $0x1;
	s1 =	smul.u32 $0x4C0, s29  }
.Ltmp10:
0x69f: {  	s6 =	simm.s32 @!p0 $0x0;
	(pc) =	sbr.rel .LBB3_4-.Ltmp10, $4  }
0x6a0: {  	s30 =	smul.u32 $0x26000, s6  }
0x6a1: {  	p3 =	slt.s32 @!p2 s0, $0x130;
	s1 =	sshrl.u32 s1, $0x2  }
0x6a2: {  	p2 =	por !p3, p2;
	s2 =	sshrl.u32 s30, $0x2;
	s31 =	sadd.s32 $0xC988, s1  }
0x6a3: {  	s24 =	simm.s32 $0x0;
	s0 =	simm.s32 @p2 $0x130;
	s1 =	sadd.s32 $0xCF78, s2;
	v1 =	vmov s31  }
.LBB3_3:
0x6a4: {  	p2 =	sge.s32 s24, s0  }
.Ltmp11:
0x6a5: {  	_ = 	snop;
	(pc) =	sbr.rel @p2 .LBB3_7-.Ltmp11, $2  }
0x6a6: {  	_ =	sdelay $0x2  }
0x6a7: {  	s1 =	sadd.s32 $0x800, s1  }
.LBB3_4:
0x6a8: {  	p2 =	sle.s32 s0, s24  }
.Ltmp12:
0x6a9: {  	_ = 	snop;
	(pc) =	sbr.rel @p2 .LBB3_3-.Ltmp12, $2  }
0x6aa: {  	_ =	sdelay $0x2  }
0x6ab: {  	s2 =	smov.u32 s24;
	s24 =	sadd.s32 $0x10, s24  }
0x6ac: {  	s6 =	ssub.s32 s0, s2  }
0x6ad: {  	p2 =	slt.s32 s6, $0x10  }
0x6ae: {  	s6 =	simm.s32 @!p2 $0x10  }
0x6af: {  	v2 =	vmov s6  }
0x6b0: {  	vm0 =	vgt.s32 v2, v0;
	_ =	sdelay $0x5  }
0x6b1: {  	v2 =	vld.idx.msk [tilespmem:v1+s2+$0x0 ss:$0x1], vm0;
	_ =	sdelay $0x2  }
0x6b2: {  	s7 =	smov.u32 s0;
	p2 =	slt.s32 s24, s0  }
0x6b3: {  	s25 =	simm.s32 $0x0;
	s7 =	smov.u32 @p2 s24;
	s6 =	smov.u32 s1  }
.LBB3_6:
0x6b4: {  	(v2sf) =	vpush v2, s25;
	_ =	sdelay $0xc  }
0x6b5: {  	s25 =	sadd.s32 $0x1, s25  }
0x6b6: {  	s31 =	sadd.s32 s25, s2  }
0x6b7: {  	p2 =	slt.s32 s31, s7;
	s10 =	spop (v2sf)  }
.Ltmp13:
0x6b8: {  	s10 =	sshll.u32 s10, $0x4;
	(pc) =	sbr.rel @p2 .LBB3_6-.Ltmp13, $4  }
0x6b9: {  	s10 =	sand.u32 $0x1FFFFFF0, s10  }
0x6ba: {  	s10 =	sadd.s32 s4, s10  }
0x6bb: {  	[tilespmem:s6], [sflag:$0x9] =	stream.linear.gather [hbm4b:s10+s18], $0x50, $0x38;
	[tilespmem:$0x1FF78] =	vst v63  }
0x6bc: {  	s6 =	sadd.s32 $0x80, s6  }
.Ltmp14:
0x6bd: {  	_ = 	snop;
	(pc) =	sbr.rel .LBB3_3-.Ltmp14, $1  }
0x6be: {  	_ =	sdelay $0x3  }
.LBB3_7:
0x6bf: {  	p2 =	slt.u32 s22, $0x2  }
.Ltmp15:
0x6c0: {  	_ = 	snop;
	(pc) =	sbr.rel @p2 .LBB3_25-.Ltmp15, $1  }
0x6c1: {  	_ =	sdelay $0x3  }
0x6c2: {  	s0 =	ssub.s32 $0x2A000, s23;
	p2 =	sgt.s32 s23, $0x29ED0  }
0x6c3: {  	s1 =	smov.u32 s23;
	s2 =	sshra.s32 s23, $0x1F;
	p3 =	slt.s32 s0, $0x130  }
0x6c4: {  	s1 =	simm.s32 @!p2 $0x29ED0;
	s2 =	sand.u32 s2, s23;
	s0 =	simm.s32 @!p3 $0x130  }
0x6c5: {  	s1 =	ssub.s32 s1, s2;
	s0 =	smul.u32 $0x140, s0  }
0x6c6: {  	s1 =	sadd.s32 $0xFFFD6130, s1  }
0x6c7: {  	s25 =	simm.s32 $0x9;
	s11 =	sshll.u32 s1, $0x2;
	s0 =	sshrl.u32 s0, $0x2  }
0x6c8: {  	p2 =	sgt.s32 s1, $0x12F;
	s24 =	ssub.s32 $0x4C0, s11;
	_ =	swait.ge [sflag:s25], s0  }
0x6c9: {  	s0 =	ssub.s32 $0x0, s0;
	s1 =	sshrl.u32 s24, $0x2;
	[sflag:s25] =	ssyncset.done $0x0  }
0x6ca: {  	s1 =	simm.s32 @p2 $0x0;
	[sflag:s25] =	ssyncadd.s32 s0  }
0x6cb: {  	_ =	swait.ge [sflag:s12], s1  }
0x6cc: {  	s26 =	ssub.s32 $0x0, s1;
	[sflag:s12] =	ssyncset.done $0x0  }
0x6cd: {  	[sflag:s12] =	ssyncadd.s32 s26  }
0x6ce: {  	v1 =	vld [tilespmem:$0xBF48];
	_ =	sdelay $0x4  }
0x6cf: {  	(v2sf) =	vpush v1, $0x0  }
0x6d0: {  	(v2sf) =	vpush v1, $0x1  }
0x6d1: {  	(v2sf) =	vpush v1, $0x2;
	_ =	sdelay $0x3  }
0x6d2: {  	s0 =	sadd.s32 $0x130, s23  }
0x6d3: {  	p2 =	slt.s32 s9, s0;
	s1 =	ssub.s32 $0x54000, s23  }
0x6d4: {  	s0 =	smov.u32 @p2 s9;
	p2 =	sgt.s32 s1, $0x0  }
0x6d5: {  	s0 =	ssub.s32 s0, s23;
	s1 =	simm.s32 @!p2 $0x0  }
0x6d6: {  	p2 =	slt.s32 s1, s0  }
0x6d7: {  	s0 =	smov.u32 @p2 s1  }
0x6d8: {  	s26 =	simm.s32 $0x1;
	p2 =	slt.s32 s0, $0x1  }
.Ltmp16:
0x6d9: {  	s26 =	simm.s32 @!p1 $0x0;
	(pc) =	sbr.rel @p2 .LBB3_12-.Ltmp16, $4  }
0x6da: {  	s30 =	smul.u32 $0x4C0, s26  }
0x6db: {  	s28 =	spop (v2sf)  }
0x6dc: {  	s31 =	sshrl.u32 s30, $0x2;
	s29 =	spop (v2sf)  }
0x6dd: {  	s24 =	sadd.s32 $0xCD18, s31;
	s23 =	spop (v2sf)  }
0x6de: {  	s1 =	smin.u32 s0, $0x10  }
0x6df: {  	v1 =	vmov s1  }
0x6e0: {  	p3 =	sgt.s32 s0, $0x10;
	vm1 =	vgt.u32 v1, v0  }
.Ltmp17:
0x6e1: {  	_ = 	snop;
	(pc) =	sbr.rel @!p3 .LBB3_11-.Ltmp17, $2  }
0x6e2: {  	_ =	sdelay $0x2  }
0x6e3: {  	s2 =	simm.s32 $0x10;
	s25 =	sadd.s32 $0xFFFFFFF0, s0;
	s1 =	smov.u32 s24;
	vm0 =	vmmov vm1  }
.LBB3_10:
0x6e4: {  	s6 =	smin.u32 s25, $0x10;
	s2 =	sadd.s32 $0x10, s2;
	v1 =	vld.msk [tilespmem:s1+$0x0 ss:$0x1], vm1  }
0x6e5: {  	v2 =	vmov s6;
	p3 =	slt.s32 s2, s0  }
0x6e6: {  	vm1 =	vgt.u32 v2, v0  }
.Ltmp18:
0x6e7: {  	(pc) =	sbr.rel @p3 .LBB3_10-.Ltmp18, $3  }
0x6e8: {  	_ =	sdelay $0x1  }
0x6e9: {  	v1 =	vshll.u32 v1, $0x4  }
0x6ea: {  	s25 =	sadd.s32 $0xFFFFFFF0, s25;
	[tilespmem:s1+$0x0] =	vst.msk vm0, v1;
	s1 =	sadd.s32 $0x10, s1;
	vm0 =	vmmov vm1  }
.LBB3_11:
0x6eb: {  	_ =	sdelay $0x4  }
0x6ec: {  	v1 =	vld.msk [tilespmem:s1+$0x0 ss:$0x1], vm1;
	_ =	sdelay $0x4  }
0x6ed: {  	v1 =	vshll.u32 v1, $0x4  }
0x6ee: {  	[tilespmem:s1+$0x0] =	vst.msk vm0, v1  }
.LBB3_12:
0x6ef: {  	s1 =	sand.u32 $0x1, s22  }
0x6f0: {  	s2 =	smul.u32 $0x9800, s1  }
0x6f1: {  	p3 =	sne.s32 s29, $0xFFFFFFFF  }
0x6f2: {  	v1 =	vld @!p3 [tilespmem:s2+$0xCF78];
	_ =	sdelay $0x2  }
0x6f3: {  	s1 =	smul.u32 $0x130, s1;
	_ =	sdelay $0x1  }
0x6f4: {  	v2 =	vld.msk @!p3 [tilespmem:s1+$0xCD18], $0x1;
	[tilespmem:$0xA8] =	vst @!p3 v1  }
0x6f5: {  	v1 =	vld @!p3 [tilespmem:s2+$0xCF88];
	_ =	sdelay $0x4  }
0x6f6: {  	[tilespmem:$0xB8] =	vst @!p3 v1  }
0x6f7: {  	(v2sf) =	vpush @!p3 v2, $0x0;
	v1 =	vld @!p3 [tilespmem:s2+$0xCF98];
	_ =	sdelay $0x4  }
0x6f8: {  	[tilespmem:$0xC8] =	vst @!p3 v1  }
0x6f9: {  	v1 =	vld @!p3 [tilespmem:s2+$0xCFA8];
	_ =	sdelay $0x4  }
0x6fa: {  	[tilespmem:$0xD8] =	vst @!p3 v1  }
0x6fb: {  	v1 =	vld @!p3 [tilespmem:s2+$0xCFB8]  }
.Ltmp19:
0x6fc: {  	_ = 	snop;
	(pc) =	sbr.rel @p2 .LBB3_23-.Ltmp19, $4  }
0x6fd: {  	_ = 	snop  }
0x6fe: {  	s30 =	spop @!p3 (v2sf)  }
0x6ff: {  	s23 =	simm.s32 @!p3 $0x0;
	s25 =	smov.u32 s30  }
0x700: {  	s30 =	smov.u32 @p3 s28;
	s25 =	smov.u32 @p3 s29;
	[tilespmem:$0xE8] =	vst @!p3 v1;
	[sflag:s19] =	ssyncpa.u1 $0x0  }
0x701: {  	v1 =	vld.msk [tilespmem:s24+$0x0], $0x1;
	_ =	sdelay $0x4  }
0x702: {  	(v2sf) =	vpush v1, $0x0;
	_ =	sdelay $0xd  }
0x703: {  	s2 =	smul.u32 $0x26000, s26  }
0x704: {  	s26 =	ssub.s32 $0x0, s0;
	s28 =	simm.s32 $0x0;
	s1 =	spop (v2sf)  }
0x705: {  	s7 =	smov.u32 s30;
	s0 =	sadd.s32 $0x1, s26;
	p2 =	seq.s32 s30, s1  }
0x706: {  	p4 =	seq.s32 s0, $0x0;
	p3 =	sgt.s32 @!p2 s30, $0x0;
	s6 =	smul.u32 @!p2 $0x140, s28  }
.Ltmp20:
0x707: {  	s2 =	sshrl.u32 s2, $0x2;
	p3 =	por !p3, p2;
	(pc) =	sbr.rel @p4 .LBB3_15-.Ltmp20, $4  }
0x708: {  	s29 =	sadd.s32 $0xCF98, s2;
	s7 =	simm.s32 @p3 $0x0  }
0x709: {  	s2 =	simm.s32 @!p2 $0x1;
	s6 =	sshra.s32 @!p2 s6, $0x2;
	s10 =	smin.u32 @!p2 s7, $0x270F6  }
0x70a: {  	s2 =	smov.u32 @p2 s28;
	s7 =	sadd.s32 @!p2 $0x5FF8, s6;
	s31 =	sand.u32 @!p2 $0x3FFF8, s10  }
0x70b: {  	s6 =	sand.u32 @!p2 $0x7, s10;
	s10 =	sadd.s32 @!p2 s5, s31;
	s31 =	sadd.s32 $0x1, s24  }
.LBB3_14:
0x70c: {  	s11 =	smov.u32 s2  }
0x70d: {  	[tilespmem:s7], [sflag:$0x2] =	stream.linear.gather @!p2 [hbm4b:s10+s6], $0x50, $0x38;
	[tilespmem:$0x1FF78] =	vst v63  }
0x70e: {  	s0 =	sadd.s32 $0x1, s0;
	s6 =	smov.u32 s1;
	v1 =	vld.msk [tilespmem:s31+$0x0], $0x1  }
0x70f: {  	p3 =	seq.s32 s0, $0x0;
	_ =	sdelay $0x3  }
0x710: {  	(v2sf) =	vpush v1, $0x0;
	_ =	sdelay $0xe  }
0x711: {  	s1 =	spop (v2sf)  }
0x712: {  	p2 =	seq.s32 s6, s1  }
0x713: {  	p4 =	sgt.s32 @!p2 s6, $0x0;
	s7 =	smul.u32 @!p2 $0x140, s2;
	s2 =	sadd.s32 @!p2 $0x1, s2  }
.Ltmp21:
0x714: {  	p4 =	por !p4, p2;
	s2 =	smov.u32 @p2 s11;
	(pc) =	sbr.rel @!p3 .LBB3_14-.Ltmp21, $4  }
0x715: {  	s6 =	simm.s32 @p4 $0x0;
	s7 =	sshra.s32 @!p2 s7, $0x2  }
0x716: {  	s6 =	smin.u32 @!p2 s6, $0x270F6;
	s7 =	sadd.s32 @!p2 $0x5FF8, s7  }
0x717: {  	s10 =	sand.u32 @!p2 $0x3FFF8, s6;
	s6 =	sand.u32 @!p2 $0x7, s6  }
0x718: {  	s31 =	sadd.s32 $0x1, s31;
	s10 =	sadd.s32 @!p2 s5, s10  }
.LBB3_15:
0x719: {  	s0 =	smul.u32 $0x140, s2  }
0x71a: {  	[tilespmem:s7], [sflag:$0x2] =	stream.linear.gather @!p2 [hbm4b:s10+s6], $0x50, $0x38;
	[tilespmem:$0x1FF78] =	vst v63  }
.Ltmp22:
0x71b: {  	_ = 	snop;
	(pc) =	sbr.rel .LBB3_16-.Ltmp22, $4  }
0x71c: {  	s1 =	simm.s32 $0x2;
	s0 =	sshrl.u32 s0, $0x2  }
0x71d: {  	_ =	swait.ge [sflag:s1], s0  }
0x71e: {  	s0 =	ssub.s32 $0x0, s0;
	[sflag:s1] =	ssyncset.done $0x0  }
0x71f: {  	[sflag:s1] =	ssyncadd.s32 s0;
	s0 =	simm.s32 $0x0  }
.LBB3_17:
0x720: {  	v1 =	vld [tilespmem:s29+$0xFFFFFFE0]  }
0x721: {  	v2 =	vld [tilespmem:s1+$0xA8];
	_ =	sdelay $0x4  }
0x722: {  	v1 =	vmax.f32 v1, v2  }
0x723: {  	v2 =	vld [tilespmem:s1+$0xB8];
	[tilespmem:s1+$0xA8] =	vst v1  }
0x724: {  	v1 =	vld [tilespmem:s29+$0xFFFFFFF0];
	_ =	sdelay $0x4  }
0x725: {  	v1 =	vmax.f32 v1, v2  }
0x726: {  	v2 =	vld [tilespmem:s1+$0xC8];
	[tilespmem:s1+$0xB8] =	vst v1  }
0x727: {  	v1 =	vld [tilespmem:s29+$0x0];
	_ =	sdelay $0x4  }
0x728: {  	v1 =	vmax.f32 v1, v2  }
0x729: {  	v2 =	vld [tilespmem:s1+$0xD8];
	[tilespmem:s1+$0xC8] =	vst v1  }
0x72a: {  	v1 =	vld [tilespmem:s29+$0x10];
	_ =	sdelay $0x4  }
0x72b: {  	v1 =	vmax.f32 v1, v2  }
0x72c: {  	v2 =	vld [tilespmem:s1+$0xE8];
	[tilespmem:s1+$0xD8] =	vst v1  }
0x72d: {  	v1 =	vld [tilespmem:s29+$0x20];
	_ =	sdelay $0x4  }
0x72e: {  	v1 =	vmax.f32 v1, v2  }
0x72f: {  	[tilespmem:s1+$0xE8] =	vst v1  }
.LBB3_21:
0x730: {  	s26 =	sadd.s32 $0x1, s26  }
0x731: {  	p2 =	seq.s32 s26, $0x0  }
.Ltmp23:
0x732: {  	_ = 	snop;
	(pc) =	sbr.rel @p2 .LBB3_22-.Ltmp23, $2  }
0x733: {  	_ =	sdelay $0x2  }
0x734: {  	s24 =	sadd.s32 $0x1, s24;
	s29 =	sadd.s32 $0x80, s29;
	s30 =	smov.u32 s31  }
.LBB3_16:
0x735: {  	v1 =	vld.msk [tilespmem:s24+$0x0], $0x1;
	_ =	sdelay $0x4  }
0x736: {  	(v2sf) =	vpush v1, $0x0;
	_ =	sdelay $0xe  }
0x737: {  	s31 =	spop (v2sf)  }
0x738: {  	p2 =	sne.s32 s30, s31  }
.Ltmp24:
0x739: {  	_ = 	snop;
	(pc) =	sbr.rel @!p2 .LBB3_17-.Ltmp24, $3  }
0x73a: {  	_ = 	snop  }
0x73b: {  	s1 =	smul.u32 $0x140, s23;
	_ =	sdelay $0x1  }
0x73c: {  	s1 =	sshra.s32 s1, $0x2  }
0x73d: {  	p2 =	seq.s32 s30, s25  }
.Ltmp25:
0x73e: {  	_ = 	snop;
	(pc) =	sbr.rel @!p2 .LBB3_19-.Ltmp25, $1  }
0x73f: {  	_ =	sdelay $0x3  }
.Ltmp26:
0x740: {  	s1 =	sadd.s32 $0xA8, s1;
	(pc) =	sbr.rel .LBB3_20-.Ltmp26, $4  }
0x741: {  	[spmem:s16] =	stream.linear.scatter [tilespmem:s1], [sflag:$0x1], $0x50, $0x38;
	[tilespmem:$0x1FF78] =	vst v63  }
0x742: {  	_ =	swait.ge [sflag:s3], $0x50  }
0x743: {  	[sflag:s3] =	ssyncset.done $0x0  }
0x744: {  	[sflag:s3] =	ssyncadd.s32 $0xFFFFFFB0  }
.LBB3_19:
0x745: {  	s2 =	smul.u32 $0x140, s28;
	_ =	sdelay $0x1  }
0x746: {  	v2 =	vld [tilespmem:s1+$0xA8];
	s2 =	sshra.s32 s2, $0x2  }
0x747: {  	v1 =	vld [tilespmem:s2+$0x5FF8];
	_ =	sdelay $0x4  }
0x748: {  	v1 =	vmax.f32 v1, v2  }
0x749: {  	v2 =	vld [tilespmem:s1+$0xB8];
	[tilespmem:s1+$0xA8] =	vst v1  }
0x74a: {  	v1 =	vld [tilespmem:s2+$0x6008];
	_ =	sdelay $0x4  }
0x74b: {  	v1 =	vmax.f32 v1, v2  }
0x74c: {  	v2 =	vld [tilespmem:s1+$0xC8];
	[tilespmem:s1+$0xB8] =	vst v1  }
0x74d: {  	v1 =	vld [tilespmem:s2+$0x6018];
	_ =	sdelay $0x4  }
0x74e: {  	v1 =	vmax.f32 v1, v2  }
0x74f: {  	v2 =	vld [tilespmem:s1+$0xD8];
	[tilespmem:s1+$0xC8] =	vst v1  }
0x750: {  	v1 =	vld [tilespmem:s2+$0x6028];
	_ =	sdelay $0x4  }
0x751: {  	v1 =	vmax.f32 v1, v2  }
0x752: {  	v2 =	vld [tilespmem:s1+$0xE8];
	[tilespmem:s1+$0xD8] =	vst v1  }
0x753: {  	v1 =	vld [tilespmem:s2+$0x6038];
	_ =	sdelay $0x3  }
0x754: {  	p2 =	sgt.u32 s30, $0x270F6  }
0x755: {  	s2 =	sand.u32 @!p2 $0x3FFF8, s30;
	v1 =	vmax.f32 v1, v2  }
0x756: {  	s6 =	sadd.s32 $0xA8, s1;
	[tilespmem:s1+$0xE8] =	vst v1;
	s1 =	sadd.s32 @!p2 s5, s2;
	s2 =	sand.u32 @!p2 $0x7, s30  }
0x757: {  	[hbm4b:s1+s2] =	stream.linear.scatter @!p2 [tilespmem:s6], [sflag:$0xC], $0x50, $0x38;
	[tilespmem:$0x1FF78] =	vst v63  }
0x758: {  	s1 =	simm.s32 $0x0  }
0x759: {  	s1 =	simm.s32 @!p2 $0x140  }
0x75a: {  	s0 =	sadd.s32 s1, s0  }
.LBB3_20:
0x75b: {  	s1 =	sadd.s32 $0x1, s23  }
0x75c: {  	s2 =	sshrl.u32 s1, $0x4  }
0x75d: {  	s2 =	smulhi.u32 $0xD79435F, s2;
	_ =	sdelay $0x1  }
0x75e: {  	s2 =	smul.u32 $0x130, s2  }
0x75f: {  	v1 =	vld [tilespmem:s29+$0xFFFFFFE0]  }
0x760: {  	s23 =	ssub.s32 s1, s2  }
0x761: {  	s1 =	smul.u32 $0x140, s23;
	_ =	sdelay $0x1  }
0x762: {  	s1 =	sshrl.u32 s1, $0x2  }
0x763: {  	[tilespmem:s1+$0xA8] =	vst v1  }
0x764: {  	v1 =	vld [tilespmem:s29+$0xFFFFFFF0];
	_ =	sdelay $0x4  }
0x765: {  	[tilespmem:s1+$0xB8] =	vst v1  }
0x766: {  	v1 =	vld [tilespmem:s29+$0x0];
	_ =	sdelay $0x4  }
0x767: {  	[tilespmem:s1+$0xC8] =	vst v1  }
0x768: {  	v1 =	vld [tilespmem:s29+$0x10];
	_ =	sdelay $0x4  }
0x769: {  	[tilespmem:s1+$0xD8] =	vst v1  }
0x76a: {  	v1 =	vld [tilespmem:s29+$0x20]  }
.Ltmp27:
0x76b: {  	_ = 	snop;
	(pc) =	sbr.rel .LBB3_21-.Ltmp27, $2  }
0x76c: {  	_ =	sdelay $0x2  }
0x76d: {  	s28 =	sadd.s32 $0x1, s28;
	[tilespmem:s1+$0xE8] =	vst v1  }
.LBB3_23:
.Ltmp28:
0x76e: {  	(pc) =	sbr.rel .LBB3_24-.Ltmp28, $4  }
0x76f: {  	_ = 	snop  }
0x770: {  	s0 =	simm.s32 $0x2  }
0x771: {  	_ =	swait.ge [sflag:s0], $0x0  }
0x772: {  	s31 =	smov.u32 s30;
	[sflag:s0] =	ssyncset.done $0x0;
	s0 =	simm.s32 $0x0  }
.LBB3_26:
0x773: {  	_ =	sfence.sel $0x180000  }
0x774: {  	s0 =	simm.s32 $0x9;
	[bflag:$0x0] =	sbarrier.arrive $0xFFFF  }
0x775: {  	s24 =	simm.s32 $0xA;
	[sflag:s0] =	ssyncpa.u1 $0x1  }
0x776: {  	s25 =	simm.s32 $0xB;
	[sflag:s24] =	ssyncpa.u1 $0x1  }
0x777: {  	s26 =	simm.s32 $0x2;
	[sflag:s25] =	ssyncpa.u1 $0x1  }
0x778: {  	[sflag:s26] =	ssyncpa.u1 $0x1  }
0x779: {  	v0 =	vld [tilespmem:$0xBF48];
	_ =	sdelay $0x4  }
0x77a: {  	(v2sf) =	vpush v0, $0x0  }
0x77b: {  	(v2sf) =	vpush v0, $0x1  }
0x77c: {  	(v2sf) =	vpush v0, $0x2;
	_ =	sdelay $0xc  }
0x77d: {  	s0 =	spop (v2sf)  }
0x77e: {  	s1 =	spop (v2sf)  }
0x77f: {  	s2 =	smov.u32 s0;
	p0 =	sne.s32 s0, s1;
	s3 =	spop (v2sf)  }
0x780: {  	s2 =	simm.s32 @!p0 $0xFFFFFFFF;
	p0 =	seq.s32 s3, $0xFFFFFFFF  }
0x781: {  	v2 =	vimm.s32 $0x1;
	v3 =	vlaneseq.u32;
	v1 =	vmov s2;
	p1 =	sne.s32 @!p0 s0, s1  }
0x782: {  	s14 =	stileid.u32;
	v0 =	vperm.xlane v0, v2;
	s0 =	simm.s32 @!p0 $0x1;
	v1 =	vperm.xlane v1, v3;
	p1 =	por !p1, p0  }
0x783: {  	vm0 =	vcmask $0x3F04;
	s2 =	sshll.u32 s14, $0x1;
	s1 =	smul.u32 @!p0 $0x140, s3;
	s0 =	simm.s32 @p1 $0x0  }
0x784: {  	s6 =	simm.s32 $0xBF48;
	v0 =	vsel vm0, v1, v0;
	s0 =	sor.u32 @!p0 s0, s2  }
0x785: {  	s4 =	sor.u32 $0xA00, s2;
	s1 =	sshra.s32 @!p0 s1, $0x2;
	[tilespmem:$0xBF48] =	vst v0;
	s0 =	smul.u32 @!p0 $0x140, s0  }
0x786: {  	[spmem:s4] =	stream.linear.scatter [tilespmem:s6], [sflag:$0x1], $0x2, $0x38;
	[tilespmem:$0x1FF78] =	vst v63  }
0x787: {  	s1 =	sadd.s32 @!p0 $0xA8, s1;
	s0 =	sshrl.u32 @!p0 s0, $0x2  }
0x788: {  	[spmem:s0] =	stream.linear.scatter @!p0 [tilespmem:s1], [sflag:$0x1], $0x50, $0x38;
	[tilespmem:$0x1FF78] =	vst v63  }
0x789: {  	s0 =	simm.s32 @!p0 $0x52  }
0x78a: {  	s28 =	simm.s32 $0x1;
	s0 =	simm.s32 @p0 $0x2  }
0x78b: {  	_ =	swait.ge [sflag:s28], s0  }
0x78c: {  	s0 =	ssub.s32 $0x0, s0;
	[sflag:s28] =	ssyncset.done $0x0  }
0x78d: {  	p0 =	sne.s32 s14, $0x0;
	[sflag:s28] =	ssyncadd.s32 s0  }
.Ltmp29:
0x78e: {  	_ =	sfence.stream.spmem;
	(pc) =	sbr.rel @p0 .LBB3_43-.Ltmp29, $4  }
0x78f: {  	s29 =	simm.s32 $0x3;
	[bflag:$0x0] =	sbarrier.arrive $0xFFFF  }
0x790: {  	s30 =	simm.s32 $0x4;
	[sflag:s29] =	ssyncpa.u1 $0x1  }
0x791: {  	s31 =	simm.s32 $0x3C;
	[sflag:s30] =	ssyncpa.u1 $0x1  }
0x792: {  	s15 =	rddreg [dreg:$0x4];
	[sflag:s31] =	ssyncpa.u1 $0x1  }
0x793: {  	_ =	sfence.stream.spmem;
	s0 =	simm.s32 $0x5  }
0x794: {  	s1 =	simm.s32 $0xA00;
	s2 =	simm.s32 $0xBF58;
	[sflag:s0] =	ssyncpa.u1 $0x0  }
0x795: {  	[tilespmem:s2], [sflag:$0x5] =	stream.linear.gather [spmem:s1], $0x20, $0x38;
	[tilespmem:$0x1FF78] =	vst v63  }
0x796: {  	s26 =	simm.s32 $0x0;
	s28 =	simm.s32 $0xBF78  }
0x797: {  	[tilespmem:s28], [sflag:$0x5] =	stream.linear.gather [spmem:s26], $0xA00, $0x38;
	[tilespmem:$0x1FF78] =	vst v63  }
0x798: {  	_ =	swait.ge [sflag:s0], $0xA20  }
0x799: {  	[sflag:s0] =	ssyncset.done $0x0  }
0x79a: {  	s29 =	simm.s32 $0x0;
	[sflag:s0] =	ssyncadd.s32 $0xFFFFF5E0  }
0x79b: {  	v0 =	vld.msk [tilespmem:s29+$0xBF58], $0x1;
	_ =	sdelay $0x1  }
0x79c: {  	s30 =	simm.s32 $0x1  }
0x79d: {  	v1 =	vld.msk [tilespmem:s30+$0xBF58], $0x1;
	_ =	sdelay $0x1  }
0x79e: {  	(v2sf) =	vpush v0, $0x0;
	_ =	sdelay $0x2  }
0x79f: {  	(v2sf) =	vpush v1, $0x0;
	_ =	sdelay $0x2  }
0x7a0: {  	s31 =	simm.s32 $0x2  }
0x7a1: {  	v0 =	vld.msk [tilespmem:s31+$0xBF58], $0x1;
	_ =	sdelay $0x2  }
0x7a2: {  	s1 =	simm.s32 $0xFFFFFFFF;
	s2 =	simm.s32 $0xFFFFFFFF;
	s0 =	simm.s32 $0xC  }
.LBB3_28:
0x7a3: {  	s3 =	smov.u32 s2;
	s4 =	smov.u32 s1  }
0x7a4: {  	s1 =	sshra.s32 s0, $0x2;
	p1 =	sne.s32 s0, $0x7C;
	s0 =	sadd.s32 $0x4, s0;
	(v2sf) =	vpush v0, $0x0  }
0x7a5: {  	v0 =	vld.msk [tilespmem:s1+$0xBF58], $0x1  }
.Ltmp30:
0x7a6: {  	(pc) =	sbr.rel @p1 .LBB3_28-.Ltmp30, $4  }
0x7a7: {  	s2 =	spop (v2sf)  }
0x7a8: {  	p2 =	sne.s32 s4, $0xFFFFFFFF;
	s1 =	smov.u32 s2  }
0x7a9: {  	p3 =	seq.s32 s2, $0xFFFFFFFF;
	s1 =	smov.u32 @p2 s4  }
0x7aa: {  	s2 =	smov.u32 @p3 s3;
	s1 =	smov.u32 @p3 s4  }
0x7ab: {  	(v2sf) =	vpush v0, $0x0;
	_ =	sdelay $0x8  }
0x7ac: {  	s0 =	spop (v2sf)  }
0x7ad: {  	p1 =	sne.s32 s1, $0xFFFFFFFF;
	s3 =	smov.u32 s0  }
0x7ae: {  	s9 =	simm.s32 $0x6;
	p2 =	seq.s32 s0, $0xFFFFFFFF;
	s3 =	smov.u32 @p1 s1  }
0x7af: {  	s10 =	simm.s32 $0xBEF8;
	s3 =	smov.u32 @p2 s1;
	s1 =	spop (v2sf)  }
0x7b0: {  	s0 =	smov.u32 @p2 s2;
	p1 =	sne.s32 s3, $0xFFFFFFFF;
	s6 =	smov.u32 s1  }
.Ltmp31:
0x7b1: {  	p2 =	seq.s32 s1, $0xFFFFFFFF;
	s6 =	smov.u32 @p1 s3;
	(pc) =	sbr.rel .LBB3_30-.Ltmp31, $4  }
0x7b2: {  	s11 =	simm.s32 $0x0;
	s6 =	smov.u32 @p2 s3;
	s4 =	spop (v2sf)  }
0x7b3: {  	[sflag:s9] =	ssyncpa.u1 $0x0;
	p1 =	sne.s32 s6, $0xFFFFFFFF;
	s8 =	smov.u32 s4  }
0x7b4: {  	s1 =	smov.u32 @p2 s0;
	p2 =	seq.s32 s4, $0xFFFFFFFF;
	s8 =	smov.u32 @p1 s6  }
0x7b5: {  	s3 =	simm.s32 $0x0;
	s4 =	smov.u32 @p2 s1;
	s8 =	smov.u32 @p2 s6  }
.LBB3_36:
0x7b6: {  	p1 =	sgt.u32 s0, $0x270F6  }
0x7b7: {  	p2 =	seq.s32 @!p1 s0, s8  }
0x7b8: {  	p1 =	por p1, p2  }
0x7b9: {  	p2 =	sne.s32 @!p1 s0, s4  }
0x7ba: {  	p1 =	por p1, !p2  }
0x7bb: {  	s0 =	smul.u32 @p1 $0x140, s11;
	_ =	sdelay $0x1  }
0x7bc: {  	s1 =	sand.u32 @!p1 $0x3FFF8, s0  }
0x7bd: {  	s0 =	sand.u32 @!p1 $0x7, s0;
	s1 =	sadd.s32 @!p1 s5, s1  }
0x7be: {  	[tilespmem:s10], [sflag:$0x6] =	stream.linear.gather @!p1 [hbm4b:s1+s0], $0x50, $0x38;
	[tilespmem:$0x1FF78] =	vst v63  }
0x7bf: {  	_ =	swait.ge @!p1 [sflag:s9], $0x50  }
0x7c0: {  	s0 =	smul.u32 @!p1 $0x140, s11;
	[sflag:s9] =	ssyncset.done @!p1 $0x0  }
0x7c1: {  	[sflag:s9] =	ssyncadd.s32 @!p1 $0xFFFFFFB0  }
0x7c2: {  	s1 =	sshra.s32 @!p1 s0, $0x2;
	v1 =	vld @!p1 [tilespmem:$0xBEF8]  }
0x7c3: {  	v2 =	vld @!p1 [tilespmem:s1+$0xBF78];
	_ =	sdelay $0x4  }
0x7c4: {  	v1 =	vmax.f32 @!p1 v1, v2  }
0x7c5: {  	v2 =	vld @!p1 [tilespmem:s1+$0xBF88];
	[tilespmem:s1+$0xBF78] =	vst @!p1 v1  }
0x7c6: {  	v1 =	vld @!p1 [tilespmem:$0xBF08];
	_ =	sdelay $0x4  }
0x7c7: {  	v1 =	vmax.f32 @!p1 v1, v2  }
0x7c8: {  	v2 =	vld @!p1 [tilespmem:s1+$0xBF98];
	[tilespmem:s1+$0xBF88] =	vst @!p1 v1  }
0x7c9: {  	v1 =	vld @!p1 [tilespmem:$0xBF18];
	_ =	sdelay $0x4  }
0x7ca: {  	v1 =	vmax.f32 @!p1 v1, v2  }
0x7cb: {  	v2 =	vld @!p1 [tilespmem:s1+$0xBFA8];
	[tilespmem:s1+$0xBF98] =	vst @!p1 v1  }
0x7cc: {  	v1 =	vld @!p1 [tilespmem:$0xBF28];
	_ =	sdelay $0x4  }
0x7cd: {  	v1 =	vmax.f32 @!p1 v1, v2  }
0x7ce: {  	v2 =	vld @!p1 [tilespmem:s1+$0xBFB8];
	[tilespmem:s1+$0xBFA8] =	vst @!p1 v1  }
0x7cf: {  	v1 =	vld @!p1 [tilespmem:$0xBF38];
	_ =	sdelay $0x4  }
0x7d0: {  	v1 =	vmax.f32 @!p1 v1, v2  }
0x7d1: {  	[tilespmem:s1+$0xBFB8] =	vst @!p1 v1  }
0x7d2: {  	s0 =	sshra.s32 s0, $0x2;
	[tilespmem:s3+$0xBF58] =	vst.msk $0x1, v0  }
0x7d3: {  	v0 =	vld [tilespmem:s0+$0xBF78];
	_ =	sdelay $0x1  }
0x7d4: {  	s31 =	smul.u32 $0x140, s3;
	_ =	sdelay $0x1  }
0x7d5: {  	s1 =	sshra.s32 s31, $0x2  }
0x7d6: {  	[tilespmem:s1+$0xBF78] =	vst v0  }
0x7d7: {  	v0 =	vld [tilespmem:s0+$0xBF88];
	_ =	sdelay $0x4  }
0x7d8: {  	[tilespmem:s1+$0xBF88] =	vst v0  }
0x7d9: {  	v0 =	vld [tilespmem:s0+$0xBF98];
	_ =	sdelay $0x4  }
0x7da: {  	[tilespmem:s1+$0xBF98] =	vst v0  }
0x7db: {  	v0 =	vld [tilespmem:s0+$0xBFA8];
	_ =	sdelay $0x4  }
0x7dc: {  	[tilespmem:s1+$0xBFA8] =	vst v0  }
0x7dd: {  	v0 =	vld [tilespmem:s0+$0xBFB8];
	_ =	sdelay $0x4  }
0x7de: {  	s3 =	sadd.s32 $0x1, s3;
	[tilespmem:s1+$0xBFB8] =	vst v0  }
.LBB3_37:
0x7df: {  	s11 =	sadd.s32 $0x1, s11  }
0x7e0: {  	p1 =	sne.s32 s11, $0x20  }
.Ltmp32:
0x7e1: {  	_ = 	snop;
	(pc) =	sbr.rel @!p1 .LBB3_38-.Ltmp32, $1  }
0x7e2: {  	_ =	sdelay $0x3  }
.LBB3_30:
0x7e3: {  	v0 =	vld.msk [tilespmem:s11+$0xBF58], $0x1;
	_ =	sdelay $0x4  }
0x7e4: {  	(v2sf) =	vpush v0, $0x0;
	_ =	sdelay $0xe  }
0x7e5: {  	s0 =	spop (v2sf)  }
0x7e6: {  	p1 =	seq.s32 s0, $0xFFFFFFFF  }
.Ltmp33:
0x7e7: {  	_ = 	snop;
	(pc) =	sbr.rel @p1 .LBB3_37-.Ltmp33, $1  }
0x7e8: {  	_ =	sdelay $0x3  }
0x7e9: {  	p1 =	slt.s32 s3, $0x1  }
.Ltmp34:
0x7ea: {  	_ = 	snop;
	(pc) =	sbr.rel @p1 .LBB3_36-.Ltmp34, $1  }
0x7eb: {  	_ =	sdelay $0x3  }
0x7ec: {  	s12 =	simm.s32 $0xBF58;
	p1 =	por $0x0, $0x0  }
0x7ed: {  	v1 =	vld.msk @!p1 [tilespmem:s12+$0x0], $0x1;
	_ =	sdelay $0x4  }
0x7ee: {  	(v2sf) =	vpush @!p1 v1, $0x0;
	_ =	sdelay $0xd  }
0x7ef: {  	p3 =	sne.s32 s3, $0x1  }
.Ltmp35:
0x7f0: {  	s1 =	spop @!p1 (v2sf);
	(pc) =	sbr.rel @!p3 .LBB3_34-.Ltmp35, $4  }
0x7f1: {  	p2 =	seq.s32 @!p1 s0, s1  }
0x7f2: {  	s1 =	simm.s32 $0x0;
	p2 =	por !p2, p1  }
0x7f3: {  	s2 =	simm.s32 $0xFFFFFFFF;
	s1 =	simm.s32 @p2 $0xFFFFFFFF  }
0x7f4: {  	s13 =	simm.s32 $0x1;
	s1 =	smov.u32 @p1 s2  }
.LBB3_33:
0x7f5: {  	s2 =	smov.u32 s1;
	p1 =	sne.s32 s1, $0xFFFFFFFF  }
0x7f6: {  	s12 =	sadd.s32 $0x1, s12;
	s1 =	smov.u32 s13;
	s13 =	sadd.s32 $0x1, s13  }
0x7f7: {  	p2 =	sne.s32 s3, s13;
	v1 =	vld.msk @!p1 [tilespmem:s12+$0x0], $0x1;
	_ =	sdelay $0x4  }
0x7f8: {  	(v2sf) =	vpush @!p1 v1, $0x0;
	_ =	sdelay $0xe  }
.Ltmp36:
0x7f9: {  	s6 =	spop @!p1 (v2sf);
	(pc) =	sbr.rel @p2 .LBB3_33-.Ltmp36, $4  }
0x7fa: {  	p3 =	seq.s32 @!p1 s0, s6  }
0x7fb: {  	p3 =	por !p3, p1  }
0x7fc: {  	s1 =	simm.s32 @p3 $0xFFFFFFFF  }
0x7fd: {  	s1 =	smov.u32 @p1 s2  }
.LBB3_34:
0x7fe: {  	p1 =	seq.s32 s1, $0xFFFFFFFF  }
.Ltmp37:
0x7ff: {  	_ = 	snop;
	(pc) =	sbr.rel @p1 .LBB3_36-.Ltmp37, $1  }
0x800: {  	_ =	sdelay $0x3  }
0x801: {  	s0 =	smul.u32 $0x140, s11  }
0x802: {  	s1 =	smul.u32 $0x140, s1  }
0x803: {  	s0 =	sshra.s32 s0, $0x2  }
0x804: {  	s1 =	sshra.s32 s1, $0x2;
	v0 =	vld [tilespmem:s0+$0xBF78]  }
0x805: {  	v1 =	vld [tilespmem:s1+$0xBF78];
	_ =	sdelay $0x4  }
0x806: {  	v0 =	vmax.f32 v0, v1  }
0x807: {  	v60 =	vld [tilespmem:s1+$0xBF88];
	[tilespmem:s1+$0xBF78] =	vst v0  }
0x808: {  	v0 =	vld [tilespmem:s0+$0xBF88];
	_ =	sdelay $0x4  }
0x809: {  	v0 =	vmax.f32 v0, v60  }
0x80a: {  	v61 =	vld [tilespmem:s1+$0xBF98];
	[tilespmem:s1+$0xBF88] =	vst v0  }
0x80b: {  	v0 =	vld [tilespmem:s0+$0xBF98];
	_ =	sdelay $0x4  }
0x80c: {  	v0 =	vmax.f32 v0, v61  }
0x80d: {  	v62 =	vld [tilespmem:s1+$0xBFA8];
	[tilespmem:s1+$0xBF98] =	vst v0  }
0x80e: {  	v0 =	vld [tilespmem:s0+$0xBFA8];
	_ =	sdelay $0x4  }
0x80f: {  	v0 =	vmax.f32 v0, v62  }
0x810: {  	v63 =	vld [tilespmem:s1+$0xBFB8];
	[tilespmem:s1+$0xBFA8] =	vst v0  }
0x811: {  	v0 =	vld [tilespmem:s0+$0xBFB8];
	_ =	sdelay $0x1  }
.Ltmp38:
0x812: {  	_ = 	snop;
	(pc) =	sbr.rel .LBB3_37-.Ltmp38, $3  }
0x813: {  	_ =	sdelay $0x1  }
0x814: {  	v0 =	vmax.f32 v0, v63  }
0x815: {  	[tilespmem:s1+$0xBFB8] =	vst v0  }
.LBB3_38:
0x816: {  	s0 =	simm.s32 $0x6;
	p1 =	seq.s32 s3, $0x0  }
0x817: {  	[sflag:s0] =	ssyncpa.u1 $0x1;
	v0 =	vimm.s32 @p1 $0xFFFFFFFF  }
0x818: {  	s0 =	sadd.s32 $0xFFFFFFFF, s3;
	[tilespmem:$0xC978] =	vst @p1 v0  }
0x819: {  	v0 =	vld.msk @!p1 [tilespmem:s0+$0xBF58], $0x1;
	_ =	sdelay $0x1  }
0x81a: {  	v1 =	vld.msk @!p1 [tilespmem:$0xBF58], $0x1;
	_ =	sdelay $0x2  }
0x81b: {  	p2 =	seq.s32 @!p1 s0, $0x0;
	v0 =	vbroadcast @!p1 v0, $0x0  }
0x81c: {  	vm0 =	vmmov @!p1 $0x1;
	p3 =	por !p2, p1  }
0x81d: {  	p2 =	sne.s32 @!p1 s8, s4;
	v1 =	vnsel @!p1 vm0, $0xFFFFFFFF, v1;
	vm0 =	vcmask @!p1 $0x308;
	v0 =	vpsel !p3, $0xFFFFFFFF, v0  }
0x81e: {  	p3 =	por !p2, p1;
	v0 =	vsel @!p1 vm0, v1, v0  }
0x81f: {  	s1 =	simm.s32 @!p1 $0xBF78;
	s2 =	simm.s32 @!p1 $0x0;
	s4 =	smul.u32 @!p3 $0x140, s0;
	[tilespmem:$0xC978] =	vst @!p1 v0  }
0x820: {  	[spmem:s2] =	stream.linear.scatter @!p1 [tilespmem:s1], [sflag:$0x1], $0x50, $0x38;
	[tilespmem:$0x1FF78] =	vst v63  }
0x821: {  	s1 =	sshra.s32 @!p3 s4, $0x2  }
0x822: {  	s2 =	simm.s32 @!p3 $0x50;
	s1 =	sadd.s32 @!p3 $0xBF78, s1  }
0x823: {  	[spmem:s2] =	stream.linear.scatter @!p3 [tilespmem:s1], [sflag:$0x1], $0x50, $0x38;
	[tilespmem:$0x1FF78] =	vst v63  }
0x824: {  	s1 =	simm.s32 @!p3 $0x1  }
0x825: {  	_ =	swait.ge @!p3 [sflag:s1], $0xA0  }
0x826: {  	p1 =	por p2, p1;
	[sflag:s1] =	ssyncset.done @!p3 $0x0  }
0x827: {  	[sflag:s1] =	ssyncadd.s32 @!p3 $0xFFFFFF60;
	s1 =	simm.s32 @!p1 $0x1  }
0x828: {  	_ =	swait.ge @!p1 [sflag:s1], $0x50  }
0x829: {  	s29 =	simm.s32 $0xC978;
	[sflag:s1] =	ssyncset.done @!p1 $0x0  }
0x82a: {  	s30 =	simm.s32 $0xA00;
	s31 =	simm.s32 $0x1;
	[sflag:s1] =	ssyncadd.s32 @!p1 $0xFFFFFFB0  }
0x82b: {  	[spmem:s30] =	stream.linear.scatter [tilespmem:s29], [sflag:$0x1], $0x10, $0x38;
	[tilespmem:$0x1FF78] =	vst v63  }
0x82c: {  	_ =	swait.ge [sflag:s31], $0x10  }
0x82d: {  	[sflag:s31] =	ssyncset.done $0x0  }
0x82e: {  	p1 =	seq.s32 s15, $0x0;
	s9 =	rddreg [dreg:$0x1];
	[sflag:s31] =	ssyncadd.s32 $0xFFFFFFF0  }
0x82f: {  	s2 =	sshll.u32 @p1 s9, $0xE;
	s8 =	rddreg [dreg:$0x2]  }
0x830: {  	s1 =	sadd.s32 @p1 $0x15C3C, s2;
	s2 =	sshll.u32 @p1 s8, $0x11  }
0x831: {  	_ =	sfence.stream.spmem;
	s1 =	sor.u32 @p1 s2, s1  }
0x832: {  	[sflag:s1] =	ssyncadd.remote.s32 @p1 $0x1;
	s1 =	simm.s32 @p1 $0x4  }
0x833: {  	s4 =	simm.s32 @!p1 $0x3C;
	s2 =	sand.u32 $0xFFFFFFFE, s9;
	_ =	swait.ge @p1 [sflag:s1], $0x16  }
0x834: {  	s6 =	simm.s32 @!p1 $0x0;
	s2 =	sadd.s32 @!p1 $0x4, s2;
	[sflag:s1] =	ssyncset.done @p1 $0x0  }
0x835: {  	s7 =	simm.s32 @!p1 $0xA0;
	[sflag:s1] =	ssyncadd.s32 @p1 $0xFFFFFFEA;
	s1 =	sshll.u32 @!p1 s2, $0x1A  }
0x836: {  	s2 =	sshll.u32 @!p1 s2, $0xD;
	s1 =	sor.u32 @!p1 s1, s8;
	_ =	swait.eq @!p1 [sflag:s4], $0x1  }
0x837: {  	s2 =	sor.u32 @!p1 $0x1C04, s2;
	s4 =	simm.s32 @!p1 $0x1C03;
	s1 =	sor.u32 @!p1 $0x80004000, s1  }
0x838: {  	[spmem:s7], [sflag:s2] =	dma.general @!p1 [spmem:s6], [sflag:s4], length:$0x14, [dreg:$0x0], stride_count:$0x0, ici_dest:s1, dma_misc:DstOpCode:WRITE  }
0x839: {  	p2 =	slt.s32 s0, $0x2;
	s6 =	simm.s32 @!p1 $0x140;
	s7 =	simm.s32 @!p1 $0x142  }
0x83a: {  	[spmem:s7], [sflag:s2] =	dma.general @!p1 [spmem:s6], [sflag:s4], length:$0x2, [dreg:$0x0], stride_count:$0x0, ici_dest:s1, dma_misc:DstOpCode:WRITE  }
.Ltmp39:
0x83b: {  	s1 =	simm.s32 @!p1 $0x3;
	(pc) =	sbr.rel @p2 .LBB3_42-.Ltmp39, $4  }
0x83c: {  	s2 =	sshll.u32 @!p1 s9, $0xE;
	_ =	swait.ge @!p1 [sflag:s1], $0x16  }
0x83d: {  	s4 =	sshll.u32 @!p1 s8, $0x11;
	s2 =	sadd.s32 @!p1 $0x11C3C, s2;
	[sflag:s1] =	ssyncset.done @!p1 $0x0  }
0x83e: {  	[sflag:s1] =	ssyncadd.s32 @!p1 $0xFFFFFFEA;
	s1 =	sor.u32 @!p1 s4, s2  }
0x83f: {  	s0 =	simm.s32 $0x0;
	[sflag:s1] =	ssyncadd.remote.s32 @!p1 $0xFFFFFFFF  }
0x840: {  	s0 =	simm.s32 $0xBF59  }
0x841: {  	v0 =	vld.msk [tilespmem:s0+$0x0], $0x1;
	_ =	sdelay $0x4  }
0x842: {  	(v2sf) =	vpush v0, $0x0;
	_ =	sdelay $0xc  }
0x843: {  	s1 =	sadd.s32 $0xFFFFFFFE, s3  }
0x844: {  	s1 =	sadd.s32 $0xFFFFFFFF, s1  }
0x845: {  	p2 =	sne.s32 s1, $0x0;
	s2 =	spop (v2sf)  }
.Ltmp40:
0x846: {  	p1 =	sgt.u32 s2, $0x270F6;
	(pc) =	sbr.rel @!p2 .LBB3_41-.Ltmp40, $4  }
0x847: {  	s4 =	simm.s32 $0x0;
	s3 =	sand.u32 @!p1 $0x3FFF8, s2  }
0x848: {  	s0 =	simm.s32 $0xBFC8;
	s2 =	sand.u32 @!p1 $0x7, s2;
	s3 =	sadd.s32 @!p1 s5, s3  }
0x849: {  	[hbm4b:s3+s2] =	stream.linear.scatter @!p1 [tilespmem:s0], [sflag:$0x5], $0x50, $0x38;
	[tilespmem:$0x1FF78] =	vst v63  }
0x84a: {  	s4 =	simm.s32 @!p1 $0x140;
	s2 =	simm.s32 $0x0;
	s3 =	simm.s32 $0xBF5A  }
.LBB3_40:
0x84b: {  	v0 =	vld.msk [tilespmem:s3+$0x0], $0x1;
	s1 =	sadd.s32 $0xFFFFFFFF, s1;
	s2 =	sadd.s32 s2, s4  }
0x84c: {  	p1 =	sne.s32 s1, $0x0;
	_ =	sdelay $0x3  }
0x84d: {  	(v2sf) =	vpush v0, $0x0;
	_ =	sdelay $0xe  }
.Ltmp41:
0x84e: {  	s6 =	spop (v2sf);
	(pc) =	sbr.rel @p1 .LBB3_40-.Ltmp41, $4  }
0x84f: {  	s4 =	simm.s32 $0x0;
	p2 =	sgt.u32 s6, $0x270F6  }
0x850: {  	s0 =	sadd.s32 $0x50, s0;
	s4 =	simm.s32 @!p2 $0x140;
	s7 =	sand.u32 @!p2 $0x3FFF8, s6  }
0x851: {  	s3 =	sadd.s32 $0x1, s3;
	s6 =	sand.u32 @!p2 $0x7, s6;
	s7 =	sadd.s32 @!p2 s5, s7  }
0x852: {  	[hbm4b:s7+s6] =	stream.linear.scatter @!p2 [tilespmem:s0], [sflag:$0x5], $0x50, $0x38;
	[tilespmem:$0x1FF78] =	vst v63  }
.LBB3_41:
0x853: {  	s0 =	sadd.s32 s2, s4  }
0x854: {  	s0 =	sshrl.u32 s0, $0x2  }
.LBB3_42:
0x855: {  	s1 =	simm.s32 $0x5  }
0x856: {  	_ =	swait.ge [sflag:s1], s0  }
0x857: {  	s31 =	ssub.s32 $0x0, s0;
	[sflag:s1] =	ssyncset.done $0x0  }
0x858: {  	[sflag:s1] =	ssyncadd.s32 s31  }
0x859: {  	[sflag:s1] =	ssyncpa.u1 $0x1  }
.LBB3_43:
0x85a: {  	s0 =	sor.u32 s15, s14  }
0x85b: {  	p1 =	sne.s32 s0, $0x0  }
.Ltmp42:
0x85c: {  	_ = 	snop;
	(pc) =	sbr.rel @p1 .LBB3_58-.Ltmp42, $3  }
0x85d: {  	_ =	sdelay $0x1  }
0x85e: {  	[bflag:$0x0] =	sbarrier.arrive $0xFFFF  }
0x85f: {  	_ =	sfence  }
0x860: {  	s0 =	simm.s32 $0x7  }
0x861: {  	s1 =	simm.s32 $0xA00;
	s2 =	simm.s32 $0xBF58;
	[sflag:s0] =	ssyncpa.u1 $0x0  }
0x862: {  	[tilespmem:s2], [sflag:$0x7] =	stream.linear.gather [spmem:s1], $0x20, $0x38;
	[tilespmem:$0x1FF78] =	vst v63  }
0x863: {  	s30 =	simm.s32 $0xBF78;
	s1 =	simm.s32 $0x0  }
0x864: {  	[tilespmem:s30], [sflag:$0x7] =	stream.linear.gather [spmem:s1], $0xA00, $0x38;
	[tilespmem:$0x1FF78] =	vst v63  }
.Ltmp43:
0x865: {  	_ = 	snop;
	(pc) =	sbr.rel .LBB3_45-.Ltmp43, $4  }
0x866: {  	_ =	swait.ge [sflag:s0], $0xA20  }
0x867: {  	[sflag:s0] =	ssyncset.done $0x0  }
0x868: {  	s31 =	simm.s32 $0x8;
	[sflag:s0] =	ssyncadd.s32 $0xFFFFF5E0  }
0x869: {  	s2 =	simm.s32 $0x0;
	[sflag:s31] =	ssyncpa.u1 $0x0  }
.LBB3_51:
0x86a: {  	p1 =	slt.u32 s0, $0x270F7  }
0x86b: {  	s3 =	sand.u32 @p1 $0x3FFF8, s0  }
0x86c: {  	s0 =	sand.u32 @p1 $0x7, s0;
	s4 =	simm.s32 @p1 $0xBEF8;
	s3 =	sadd.s32 @p1 s5, s3  }
0x86d: {  	[tilespmem:s4], [sflag:$0x8] =	stream.linear.gather @p1 [hbm4b:s3+s0], $0x50, $0x38;
	[tilespmem:$0x1FF78] =	vst v63  }
0x86e: {  	s0 =	simm.s32 @p1 $0x8  }
0x86f: {  	_ =	swait.ge @p1 [sflag:s0], $0x50  }
0x870: {  	s3 =	smul.u32 @p1 $0x140, s2;
	[sflag:s0] =	ssyncset.done @p1 $0x0  }
0x871: {  	[sflag:s0] =	ssyncadd.s32 @p1 $0xFFFFFFB0  }
0x872: {  	s0 =	sshra.s32 @p1 s3, $0x2;
	v1 =	vld @p1 [tilespmem:$0xBEF8]  }
0x873: {  	v2 =	vld @p1 [tilespmem:s0+$0xBF78];
	_ =	sdelay $0x4  }
0x874: {  	v1 =	vmax.f32 @p1 v1, v2  }
0x875: {  	v2 =	vld @p1 [tilespmem:s0+$0xBF88];
	[tilespmem:s0+$0xBF78] =	vst @p1 v1  }
0x876: {  	v1 =	vld @p1 [tilespmem:$0xBF08];
	_ =	sdelay $0x4  }
0x877: {  	v1 =	vmax.f32 @p1 v1, v2  }
0x878: {  	v2 =	vld @p1 [tilespmem:s0+$0xBF98];
	[tilespmem:s0+$0xBF88] =	vst @p1 v1  }
0x879: {  	v1 =	vld @p1 [tilespmem:$0xBF18];
	_ =	sdelay $0x4  }
0x87a: {  	v1 =	vmax.f32 @p1 v1, v2  }
0x87b: {  	v2 =	vld @p1 [tilespmem:s0+$0xBFA8];
	[tilespmem:s0+$0xBF98] =	vst @p1 v1  }
0x87c: {  	v1 =	vld @p1 [tilespmem:$0xBF28];
	_ =	sdelay $0x4  }
0x87d: {  	v1 =	vmax.f32 @p1 v1, v2  }
0x87e: {  	v2 =	vld @p1 [tilespmem:s0+$0xBFB8];
	[tilespmem:s0+$0xBFA8] =	vst @p1 v1  }
0x87f: {  	v1 =	vld @p1 [tilespmem:$0xBF38];
	_ =	sdelay $0x3  }
0x880: {  	s4 =	smul.u32 @!p1 $0x140, s2  }
0x881: {  	v1 =	vmax.f32 @p1 v1, v2  }
0x882: {  	s4 =	smov.u32 @p1 s3;
	[tilespmem:s0+$0xBFB8] =	vst @p1 v1  }
0x883: {  	s30 =	sshra.s32 s4, $0x2;
	[tilespmem:s1+$0xBF58] =	vst.msk $0x1, v0  }
0x884: {  	v0 =	vld [tilespmem:s30+$0xBF78];
	_ =	sdelay $0x1  }
0x885: {  	s31 =	smul.u32 $0x140, s1;
	_ =	sdelay $0x1  }
0x886: {  	s3 =	sshra.s32 s31, $0x2  }
0x887: {  	[tilespmem:s3+$0xBF78] =	vst v0  }
0x888: {  	v0 =	vld [tilespmem:s30+$0xBF88];
	_ =	sdelay $0x4  }
0x889: {  	[tilespmem:s3+$0xBF88] =	vst v0  }
0x88a: {  	v0 =	vld [tilespmem:s30+$0xBF98];
	_ =	sdelay $0x4  }
0x88b: {  	[tilespmem:s3+$0xBF98] =	vst v0  }
0x88c: {  	v0 =	vld [tilespmem:s30+$0xBFA8];
	_ =	sdelay $0x4  }
0x88d: {  	[tilespmem:s3+$0xBFA8] =	vst v0  }
0x88e: {  	v0 =	vld [tilespmem:s30+$0xBFB8];
	_ =	sdelay $0x4  }
0x88f: {  	s1 =	sadd.s32 $0x1, s1;
	[tilespmem:s3+$0xBFB8] =	vst v0  }
.LBB3_52:
0x890: {  	s2 =	sadd.s32 $0x1, s2  }
0x891: {  	p1 =	sne.s32 s2, $0x20  }
.Ltmp44:
0x892: {  	_ = 	snop;
	(pc) =	sbr.rel @!p1 .LBB3_53-.Ltmp44, $1  }
0x893: {  	_ =	sdelay $0x3  }
.LBB3_45:
0x894: {  	v0 =	vld.msk [tilespmem:s2+$0xBF58], $0x1;
	_ =	sdelay $0x4  }
0x895: {  	(v2sf) =	vpush v0, $0x0;
	_ =	sdelay $0xe  }
0x896: {  	s0 =	spop (v2sf)  }
0x897: {  	p1 =	seq.s32 s0, $0xFFFFFFFF  }
.Ltmp45:
0x898: {  	_ = 	snop;
	(pc) =	sbr.rel @p1 .LBB3_52-.Ltmp45, $1  }
0x899: {  	_ =	sdelay $0x3  }
0x89a: {  	p1 =	slt.s32 s1, $0x1  }
.Ltmp46:
0x89b: {  	_ = 	snop;
	(pc) =	sbr.rel @p1 .LBB3_51-.Ltmp46, $1  }
0x89c: {  	_ =	sdelay $0x3  }
0x89d: {  	s3 =	simm.s32 $0xBF58;
	p1 =	por $0x0, $0x0  }
0x89e: {  	v1 =	vld.msk @!p1 [tilespmem:s3+$0x0], $0x1;
	_ =	sdelay $0x4  }
0x89f: {  	(v2sf) =	vpush @!p1 v1, $0x0;
	_ =	sdelay $0xd  }
0x8a0: {  	p3 =	sne.s32 s1, $0x1  }
.Ltmp47:
0x8a1: {  	s4 =	spop @!p1 (v2sf);
	(pc) =	sbr.rel @!p3 .LBB3_49-.Ltmp47, $4  }
0x8a2: {  	p2 =	seq.s32 @!p1 s0, s4  }
0x8a3: {  	s4 =	simm.s32 $0x0;
	p2 =	por !p2, p1  }
0x8a4: {  	s7 =	simm.s32 $0xFFFFFFFF;
	s4 =	simm.s32 @p2 $0xFFFFFFFF  }
0x8a5: {  	s6 =	simm.s32 $0x1;
	s4 =	smov.u32 @p1 s7  }
.LBB3_48:
0x8a6: {  	s7 =	smov.u32 s4;
	p1 =	sne.s32 s4, $0xFFFFFFFF  }
0x8a7: {  	s3 =	sadd.s32 $0x1, s3;
	s4 =	smov.u32 s6;
	s6 =	sadd.s32 $0x1, s6  }
0x8a8: {  	p2 =	sne.s32 s1, s6;
	v1 =	vld.msk @!p1 [tilespmem:s3+$0x0], $0x1;
	_ =	sdelay $0x4  }
0x8a9: {  	(v2sf) =	vpush @!p1 v1, $0x0;
	_ =	sdelay $0xe  }
.Ltmp48:
0x8aa: {  	s8 =	spop @!p1 (v2sf);
	(pc) =	sbr.rel @p2 .LBB3_48-.Ltmp48, $4  }
0x8ab: {  	p3 =	seq.s32 @!p1 s0, s8  }
0x8ac: {  	p3 =	por !p3, p1  }
0x8ad: {  	s4 =	simm.s32 @p3 $0xFFFFFFFF  }
0x8ae: {  	s4 =	smov.u32 @p1 s7  }
.LBB3_49:
0x8af: {  	p1 =	seq.s32 s4, $0xFFFFFFFF  }
.Ltmp49:
0x8b0: {  	_ = 	snop;
	(pc) =	sbr.rel @p1 .LBB3_51-.Ltmp49, $1  }
0x8b1: {  	_ =	sdelay $0x3  }
0x8b2: {  	s0 =	smul.u32 $0x140, s2  }
0x8b3: {  	s3 =	smul.u32 $0x140, s4  }
0x8b4: {  	s0 =	sshra.s32 s0, $0x2  }
0x8b5: {  	s3 =	sshra.s32 s3, $0x2;
	v0 =	vld [tilespmem:s0+$0xBF78]  }
0x8b6: {  	v1 =	vld [tilespmem:s3+$0xBF78];
	_ =	sdelay $0x4  }
0x8b7: {  	v0 =	vmax.f32 v0, v1  }
0x8b8: {  	v60 =	vld [tilespmem:s3+$0xBF88];
	[tilespmem:s3+$0xBF78] =	vst v0  }
0x8b9: {  	v0 =	vld [tilespmem:s0+$0xBF88];
	_ =	sdelay $0x4  }
0x8ba: {  	v0 =	vmax.f32 v0, v60  }
0x8bb: {  	v61 =	vld [tilespmem:s3+$0xBF98];
	[tilespmem:s3+$0xBF88] =	vst v0  }
0x8bc: {  	v0 =	vld [tilespmem:s0+$0xBF98];
	_ =	sdelay $0x4  }
0x8bd: {  	v0 =	vmax.f32 v0, v61  }
0x8be: {  	v62 =	vld [tilespmem:s3+$0xBFA8];
	[tilespmem:s3+$0xBF98] =	vst v0  }
0x8bf: {  	v0 =	vld [tilespmem:s0+$0xBFA8];
	_ =	sdelay $0x4  }
0x8c0: {  	v0 =	vmax.f32 v0, v62  }
0x8c1: {  	v63 =	vld [tilespmem:s3+$0xBFB8];
	[tilespmem:s3+$0xBFA8] =	vst v0  }
0x8c2: {  	v0 =	vld [tilespmem:s0+$0xBFB8];
	_ =	sdelay $0x1  }
.Ltmp50:
0x8c3: {  	_ = 	snop;
	(pc) =	sbr.rel .LBB3_52-.Ltmp50, $3  }
0x8c4: {  	_ =	sdelay $0x1  }
0x8c5: {  	v0 =	vmax.f32 v0, v63  }
0x8c6: {  	[tilespmem:s3+$0xBFB8] =	vst v0  }
.LBB3_53:
0x8c7: {  	p1 =	slt.s32 s1, $0x1  }
.Ltmp51:
0x8c8: {  	_ = 	snop;
	(pc) =	sbr.rel @p1 .LBB3_57-.Ltmp51, $3  }
0x8c9: {  	_ =	sdelay $0x1  }
0x8ca: {  	s0 =	simm.s32 $0x8  }
0x8cb: {  	[sflag:s0] =	ssyncpa.u1 $0x1;
	s0 =	simm.s32 $0x0  }
0x8cc: {  	s2 =	simm.s32 $0xBF58  }
0x8cd: {  	v0 =	vld.msk [tilespmem:s2+$0x0], $0x1;
	_ =	sdelay $0x4  }
0x8ce: {  	(v2sf) =	vpush v0, $0x0;
	_ =	sdelay $0xe  }
0x8cf: {  	s1 =	sadd.s32 $0xFFFFFFFF, s1;
	s3 =	spop (v2sf)  }
0x8d0: {  	p2 =	sne.s32 s1, $0x0;
	p1 =	sgt.u32 s3, $0x270F6  }
.Ltmp52:
0x8d1: {  	s4 =	sand.u32 @!p1 $0x3FFF8, s3;
	(pc) =	sbr.rel @!p2 .LBB3_56-.Ltmp52, $4  }
0x8d2: {  	s2 =	simm.s32 $0xBF78;
	s3 =	sand.u32 @!p1 $0x7, s3;
	s4 =	sadd.s32 @!p1 s5, s4  }
0x8d3: {  	[hbm4b:s4+s3] =	stream.linear.scatter @!p1 [tilespmem:s2], [sflag:$0x7], $0x50, $0x38;
	[tilespmem:$0x1FF78] =	vst v63  }
0x8d4: {  	s4 =	simm.s32 $0x0  }
0x8d5: {  	s3 =	simm.s32 $0xBF59;
	s4 =	simm.s32 @!p1 $0x140  }
.LBB3_55:
0x8d6: {  	v0 =	vld.msk [tilespmem:s3+$0x0], $0x1;
	s1 =	sadd.s32 $0xFFFFFFFF, s1;
	s0 =	sadd.s32 s0, s4  }
0x8d7: {  	p1 =	sne.s32 s1, $0x0;
	_ =	sdelay $0x3  }
0x8d8: {  	(v2sf) =	vpush v0, $0x0;
	_ =	sdelay $0xe  }
.Ltmp53:
0x8d9: {  	s6 =	spop (v2sf);
	(pc) =	sbr.rel @p1 .LBB3_55-.Ltmp53, $4  }
0x8da: {  	s4 =	simm.s32 $0x0;
	p2 =	sgt.u32 s6, $0x270F6  }
0x8db: {  	s2 =	sadd.s32 $0x50, s2;
	s4 =	simm.s32 @!p2 $0x140;
	s7 =	sand.u32 @!p2 $0x3FFF8, s6  }
0x8dc: {  	s3 =	sadd.s32 $0x1, s3;
	s6 =	sand.u32 @!p2 $0x7, s6;
	s7 =	sadd.s32 @!p2 s5, s7  }
0x8dd: {  	[hbm4b:s7+s6] =	stream.linear.scatter @!p2 [tilespmem:s2], [sflag:$0x7], $0x50, $0x38;
	[tilespmem:$0x1FF78] =	vst v63  }
.LBB3_56:
0x8de: {  	s0 =	sadd.s32 s0, s4  }
0x8df: {  	s0 =	sshrl.u32 s0, $0x2  }
.LBB3_57:
0x8e0: {  	s1 =	simm.s32 $0x7  }
0x8e1: {  	_ =	swait.ge [sflag:s1], s0  }
0x8e2: {  	s31 =	ssub.s32 $0x0, s0;
	[sflag:s1] =	ssyncset.done $0x0  }
0x8e3: {  	[sflag:s1] =	ssyncadd.s32 s31  }
0x8e4: {  	[sflag:s1] =	ssyncpa.u1 $0x1  }
.LBB3_58:
0x8e5: {  	_ =	sfence;
	s0 =	simm.s32 $0x1  }
0x8e6: {  	[sflag:s0] =	ssyncpa.u1 $0x1  }
0x8e7: {  	_ =	strace $0x90000053  }
0x8e8: {  	[bflag:$0x2] =	sbarrier.arrive $0xFFFF  }
0x8e9: {  	s0 =	rddreg [dreg:$0x3]  }
0x8ea: {  	s0 =	sadd.s32 @!p0 $0x100000, s0  }
0x8eb: {  	[sflag:s0] =	ssyncadd.tile.s32 @!p0 $0x1;
	_ =	shalt  }
.Lfunc_end3:
_tile_overlayer_lowered:
.L_overlay_start_3:
0x8ec: {  	(tag) =	ssettag $0x3  }
0x8ed: {  	s0 =	rddreg [dreg:$0x0];
	s2 =	stileid.u32  }
0x8ee: {  	s1 =	rddreg [dreg:$0x1];
	p0 =	sne.s32 s2, $0x0  }
0x8ef: {  	s3 =	rddreg [dreg:$0x2];
	[bflag:$0x3] =	sbarrier.arrive $0xFFFF;
	s2 =	simm.s32 @!p0 $0x1C01  }
0x8f0: {  	[timem:s3], [sflag:s2] =	dma.local @!p0 [hbm:s0], s1  }
0x8f1: {  	s0 =	simm.s32 @!p0 $0x1  }
0x8f2: {  	_ =	swait.ge @!p0 [sflag:s0], s1  }
0x8f3: {  	s1 =	ssub.s32 @!p0 $0x0, s1;
	[sflag:s0] =	ssyncset.done @!p0 $0x0  }
0x8f4: {  	[sflag:s0] =	ssyncadd.s32 @!p0 s1  }
0x8f5: {  	[bflag:$0x3] =	sbarrier.arrive $0xFFFF  }
0x8f6: {  	_ =	shalt  }

// kernel: scatter_offload_async_start
scs
__scs_entry_jumppad:
0x0: {  	(pc) =	sbr.rel $0x88, $3  }
0x1: {  	(tag) =	ssettag $0x0;
	lr =	simm.s32 $0x1  }
0x2: {  	[smem:$0x3F79] =	sst lr;
	_ =	strace $0xD0000000  }
0x3: {  	_ = 	snop  }
0x4: {  	_ = 	snop  }
0x5: {  	_ = 	snop  }
0x6: {  	_ = 	snop  }
0x7: {  	_ = 	snop  }
__scs_overlays_trampoline_lowered:
0x8: {  	[smem:$0x3F88] =	sst s0  }
0x9: {  	[smem:$0x3F89] =	sst s1  }
0xa: {  	[smem:$0x3F8A] =	sst s2  }
0xb: {  	[smem:$0x3F8B] =	sst s3  }
0xc: {  	[smem:$0x3F8C] =	sst s4  }
0xd: {  	[smem:$0x3F8D] =	sst s5  }
0xe: {  	[smem:$0x3F8E] =	sst s6  }
0xf: {  	[smem:$0x3F8F] =	sst s7  }
0x10: {  	[smem:$0x3F90] =	sst s8  }
0x11: {  	[smem:$0x3F91] =	sst s9;
	s0 =	simm.s32 @!p0 $0x0  }
0x12: {  	s1 =	sld [smem:$0x3F77];
	s0 =	simm.s32 @p0 $0x1  }
0x13: {  	[smem:$0x3F92] =	sst s0;
	s0 =	simm.s32 @!p1 $0x0  }
0x14: {  	s2 =	sld [smem:$0x3F76];
	s0 =	simm.s32 @p1 $0x1  }
0x15: {  	[smem:$0x3F93] =	sst s0;
	s0 =	simm.s32 @!p2 $0x0  }
0x16: {  	s3 =	sld [smem:$0x3FDB];
	s0 =	simm.s32 @p2 $0x1  }
0x17: {  	s4 =	simm.s32 $0x1BF5;
	[smem:$0x3F95] =	sst s0  }
0x18: {  	s0 =	sld [smem:$0x3F78];
	_ =	swait.ge [sflag:s4], $0x0  }
0x19: {  	s7 =	sld [smem:$0x3F79]  }
0x1a: {  	s8 =	sadd.s32 $0xFFFFE003, lr  }
0x1b: {  	s9 =	sadd.s32 $0xFFFFFEF7, lr;
	s5 =	simm.s32 $0xFFFFFFFF;
	p2 =	slt.u32 s8, $0xFFFFF086  }
0x1c: {  	p1 =	slt.u32 s9, $0xF7A;
	s5 =	simm.s32 @!p2 $0x0  }
0x1d: {  	s5 =	simm.s32 @p1 $0x1;
	p0 =	seq.s32 s7, s2  }
0x1e: {  	s7 =	smul.u32 @!p0 $0xF7A, s2;
	p2 =	seq.s32 @!p0 s5, $0x0  }
0x1f: {  	s9 =	smul.u32 $0xF7A, s1;
	s8 =	simm.s32 @!p0 $0x1BF5;
	p2 =	por !p2, p0  }
0x20: {  	[sflag:s8] =	ssyncset.s32 @!p0 $0xFFFFF086;
	s6 =	sadd.s32 @!p0 s3, s7;
	s7 =	simm.s32 @!p0 $0x108  }
0x21: {  	s3 =	sadd.s32 s3, s9;
	s6 =	sadd.s32 @!p0 $0x88, s6;
	s7 =	simm.s32 @p2 $0x1082  }
0x22: {  	[simem:s7], [sflag:s8] =	dma.local @!p0 [hbm:s6], $0xF7A  }
0x23: {  	s9 =	sor.u32 $0xD0000000, s2;
	s6 =	simm.s32 $0x108;
	_ =	swait.ge @!p0 [sflag:s8], $0x0  }
0x24: {  	s3 =	sadd.s32 $0x88, s3;
	s6 =	simm.s32 @!p1 $0x1082;
	[sflag:s4] =	ssyncset.s32 $0xFFFFF086  }
0x25: {  	[simem:s6], [sflag:s4] =	dma.local [hbm:s3], $0xF7A  }
0x26: {  	[smem:$0x3F79] =	sst s1;
	(tag) =	ssettag s2;
	_ =	strace s9  }
0x27: {  	s1 =	sld [smem:$0x3F89]  }
0x28: {  	s2 =	sld [smem:$0x3F8A]  }
0x29: {  	s4 =	sld [smem:$0x3F8C]  }
0x2a: {  	p0 =	seq.s32 s5, $0x0;
	s5 =	sld [smem:$0x3F8D]  }
0x2b: {  	s6 =	sld [smem:$0x3F8E]  }
0x2c: {  	s7 =	sld [smem:$0x3F8F]  }
0x2d: {  	s3 =	simm.s32 $0x108;
	s8 =	sld [smem:$0x3F90]  }
0x2e: {  	s3 =	simm.s32 @!p0 $0x1082;
	s9 =	sld [smem:$0x3F91]  }
0x2f: {  	lr =	sadd.s32 s0, s3;
	s0 =	sld [smem:$0x3F88]  }
0x30: {  	s3 =	sld [smem:$0x3F8B]  }
0x31: {  	[smem:$0x3F94] =	sst s10  }
0x32: {  	s10 =	sld [smem:$0x3F92];
	_ =	sdelay $0x3  }
0x33: {  	p0 =	seq.s32 s10, $0x1;
	s10 =	sld [smem:$0x3F94];
	_ =	sdelay $0x3  }
0x34: {  	[smem:$0x3F94] =	sst s10  }
0x35: {  	s10 =	sld [smem:$0x3F93];
	_ =	sdelay $0x3  }
0x36: {  	p1 =	seq.s32 s10, $0x1;
	s10 =	sld [smem:$0x3F94];
	_ =	sdelay $0x3  }
0x37: {  	[smem:$0x3F94] =	sst s10  }
0x38: {  	s10 =	sld [smem:$0x3F95]  }
0x39: {  	_ = 	snop;
	(pc) =	sbr.ind lr, $3  }
0x3a: {  	_ = 	snop  }
0x3b: {  	_ = 	snop  }
0x3c: {  	p2 =	seq.s32 s10, $0x1;
	s10 =	sld [smem:$0x3F94]  }
0x3d: {  	_ =	shalt  }
0x3e: {  	_ =	shalt  }
0x3f: {  	_ =	shalt  }
0x40: {  	_ =	shalt  }
0x41: {  	_ =	shalt  }
0x42: {  	_ =	shalt  }
0x43: {  	_ =	shalt  }
0x44: {  	_ =	shalt  }
0x45: {  	_ =	shalt  }
0x46: {  	_ =	shalt  }
0x47: {  	_ =	shalt  }
0x48: {  	_ =	shalt  }
0x49: {  	_ =	shalt  }
0x4a: {  	_ =	shalt  }
0x4b: {  	_ =	shalt  }
0x4c: {  	_ =	shalt  }
0x4d: {  	_ =	shalt  }
0x4e: {  	_ =	shalt  }
0x4f: {  	_ =	shalt  }
0x50: {  	_ =	shalt  }
0x51: {  	_ =	shalt  }
0x52: {  	_ =	shalt  }
0x53: {  	_ =	shalt  }
0x54: {  	_ =	shalt  }
0x55: {  	_ =	shalt  }
0x56: {  	_ =	shalt  }
0x57: {  	_ =	shalt  }
0x58: {  	_ =	shalt  }
0x59: {  	_ =	shalt  }
0x5a: {  	_ =	shalt  }
0x5b: {  	_ =	shalt  }
0x5c: {  	_ =	shalt  }
0x5d: {  	_ =	shalt  }
0x5e: {  	_ =	shalt  }
0x5f: {  	_ =	shalt  }
0x60: {  	_ =	shalt  }
0x61: {  	_ =	shalt  }
0x62: {  	_ =	shalt  }
0x63: {  	_ =	shalt  }
0x64: {  	_ =	shalt  }
0x65: {  	_ =	shalt  }
0x66: {  	_ =	shalt  }
0x67: {  	_ =	shalt  }
0x68: {  	_ =	shalt  }
0x69: {  	_ =	shalt  }
0x6a: {  	_ =	shalt  }
0x6b: {  	_ =	shalt  }
0x6c: {  	_ =	shalt  }
0x6d: {  	_ =	shalt  }
0x6e: {  	_ =	shalt  }
0x6f: {  	_ =	shalt  }
0x70: {  	_ =	shalt  }
0x71: {  	_ =	shalt  }
0x72: {  	_ =	shalt  }
0x73: {  	_ =	shalt  }
0x74: {  	_ =	shalt  }
0x75: {  	_ =	shalt  }
0x76: {  	_ =	shalt  }
0x77: {  	_ =	shalt  }
0x78: {  	_ =	shalt  }
0x79: {  	_ =	shalt  }
0x7a: {  	_ =	shalt  }
0x7b: {  	_ =	shalt  }
0x7c: {  	_ =	shalt  }
0x7d: {  	_ =	shalt  }
0x7e: {  	_ =	shalt  }
0x7f: {  	_ =	shalt  }
0x80: {  	_ =	shalt  }
0x81: {  	_ =	shalt  }
0x82: {  	_ =	shalt  }
0x83: {  	_ =	shalt  }
0x84: {  	_ =	shalt  }
0x85: {  	_ =	shalt  }
0x86: {  	_ =	shalt  }
0x87: {  	_ =	shalt  }
.Lfunc_end0:
.L_simem_size_0:
called_computation_lowered:
.L_overlay_start_0:
0x88: {  	s2 =	sld [smem:$0x3FD9]  }
0x89: {  	s3 =	sld [smem:$0x3FFE];
	_ =	sdelay $0x1  }
0x8a: {  	s1 =	srdreg.scid  }
0x8b: {  	s0 =	sand.u32 $0x1, s1  }
0x8c: {  	s15 =	sshll.u32 s0, $0xA;
	s2 =	sadd.s32 s3, s2  }
0x8d: {  	s2 =	sadd.s32 s2, s15  }
0x8e: {  	[smem:$0x3FA0] =	sst s2  }
0x8f: {  	_ = 	snop  }
0x90: {  	s16 =	sld [smem:$0x3FD0];
	(tm) =	ssettm $0x1  }
0x91: {  	s17 =	sld [smem:$0x3FFB];
	_ =	sdelay $0x3  }
0x92: {  	_ =	strace s17  }
0x93: {  	s2 =	sld [smem:$0x3FFC];
	_ =	sdelay $0x3  }
0x94: {  	_ =	strace s2  }
0x95: {  	s2 =	sld [smem:$0x3FFD];
	_ =	sdelay $0x3  }
0x96: {  	_ =	strace s2  }
0x97: {  	_ =	strace $0x8FFFFFFF  }
0x98: {  	s18 =	sld [smem:$0x3FDB];
	_ =	sdelay $0x1  }
0x99: {  	s4 =	simm.s32 $_scs_section_size  }
0x9a: {  	s5 =	simm.s32 $_size__tile_overlayer_lowered;
	s6 =	simm.s32 $_tile_overlayer_lowered  }
0x9b: {  	s7 =	simm.s32 $0x1BFF;
	s19 =	sshll.u32 s6, $0x1;
	s4 =	sadd.s32 s4, s18  }
0x9c: {  	s20 =	simm.s32 $0x0;
	s5 =	sshll.u32 s5, $0x1;
	s6 =	sadd.s32 s19, s4  }
0x9d: {  	[timem:s20], [sflag:s7] =	dma.local [hbm:s6], s5  }
0x9e: {  	_ =	swait.ge [sflag:s7], s5  }
0x9f: {  	s5 =	ssub.s32 $0x0, s5;
	[sflag:s7] =	ssyncset.done $0x0  }
0xa0: {  	[sflag:s7] =	ssyncadd.s32 s5;
	_ =	sdelay $0x1  }
0xa1: {  	s21 =	simm.s32 $0x1B8B  }
0xa2: {  	_ =	swait.ge [sflag:s21], $0x1  }
0xa3: {  	[sflag:s21] =	ssyncset.done $0x0  }
0xa4: {  	s22 =	sld [smem:$0x3FFE];
	[sflag:s21] =	ssyncadd.s32 $0xFFFFFFFF  }
0xa5: {  	s24 =	simm.s32 $0x1B8E;
	s23 =	sld [smem:$0x0]  }
0xa6: {  	s25 =	simm.s32 $execute0_lowered;
	[smem:$0x3FD2] =	sst s24  }
0xa7: {  	s7 =	sshll.u32 s25, $0x1;
	_ =	strace $0x80000049;
	[dreg:$0x1] =	wrdreg $0xFFFFFFFF  }
0xa8: {  	s8 =	simm.s32 $_size_execute0_lowered;
	s7 =	sadd.s32 s4, s7;
	[dreg:$0x0] =	wrdreg $0x0  }
0xa9: {  	s8 =	sshll.u32 s8, $0x1;
	[dreg:$0x2] =	wrdreg s7  }
0xaa: {  	[dreg:$0x3] =	wrdreg s8  }
0xab: {  	[dreg:$0x4] =	wrdreg $0xC0  }
0xac: {  	s26 =	simm.s32 $execute1_lowered;
	_ =	task [dreg:s20], $0x5FFFF  }
0xad: {  	s7 =	sshll.u32 s26, $0x1;
	[dreg:$0x1] =	wrdreg $0xFFFFFFFF  }
0xae: {  	s4 =	sadd.s32 s4, s7;
	[dreg:$0x0] =	wrdreg $0x60  }
0xaf: {  	[dreg:$0x2] =	wrdreg s4  }
0xb0: {  	[dreg:$0x3] =	wrdreg s16  }
0xb1: {  	[dreg:$0x4] =	wrdreg s22  }
0xb2: {  	[dreg:$0x5] =	wrdreg $0x9  }
0xb3: {  	_ =	task.clear_ibuf [dreg:s20], $0x6FFFF;
	_ =	strace $0x90000049  }
0xb4: {  	s28 =	simm.s32 $0x9;
	_ =	strace $0x8000004B  }
0xb5: {  	_ =	swait.ge [sflag:s28], $0x1  }
0xb6: {  	[sflag:s28] =	ssyncadd.s32 $0xFFFFFFFF  }
0xb7: {  	_ =	strace $0x9000004B  }
0xb8: {  	s3 =	sld [smem:$0x0]  }
0xb9: {  	s4 =	sand.u32 $0xFFFFFFFE, s1  }
0xba: {  	p0 =	sne.s32 s1, s4  }
0xbb: {  	s4 =	sshll.u32 @p0 s4, $0xE  }
0xbc: {  	s4 =	sadd.s32 @p0 $0x11BF3, s4;
	s7 =	sshll.u32 @p0 s3, $0x11  }
0xbd: {  	s4 =	sor.u32 @p0 s7, s4  }
0xbe: {  	[sflag:s4] =	ssyncadd.remote.s32 @p0 $0x1;
	_ =	sdelay $0x1  }
0xbf: {  	s4 =	simm.s32 @p0 $0x1BF3  }
0xc0: {  	_ =	swait.eq @p0 [sflag:s4], $0x1  }
0xc1: {  	[sflag:s4] =	ssyncadd.s32 @p0 $0xFFFFFFFF  }
0xc2: {  	s7 =	sshll.u32 @!p0 s1, $0xE  }
0xc3: {  	s7 =	sor.u32 @!p0 $0x4000, s7;
	s4 =	simm.s32 @!p0 $0x1BF3  }
0xc4: {  	s3 =	sshll.u32 @!p0 s3, $0x11;
	s7 =	sadd.s32 @!p0 $0x11BF3, s7;
	_ =	swait.eq @!p0 [sflag:s4], $0x1  }
0xc5: {  	s3 =	sor.u32 @!p0 s3, s7;
	[sflag:s4] =	ssyncadd.s32 @!p0 $0xFFFFFFFF  }
0xc6: {  	[sflag:s3] =	ssyncadd.remote.s32 @!p0 $0x1  }
0xc7: {  	_ =	strace $0x8000004C;
	[dreg:$0x1] =	wrdreg $0xFFFFFFFF  }
0xc8: {  	[dreg:$0x0] =	wrdreg $0x2030  }
0xc9: {  	[dreg:$0x2] =	wrdreg s22  }
0xca: {  	[dreg:$0x3] =	wrdreg s1  }
0xcb: {  	[dreg:$0x4] =	wrdreg s23  }
0xcc: {  	[dreg:$0x5] =	wrdreg $0xA  }
0xcd: {  	_ =	task.clear_ibuf [dreg:s20], $0x6FFFF;
	_ =	strace $0x9000004C  }
0xce: {  	s29 =	simm.s32 $0xA;
	_ =	strace $0x8000004E  }
0xcf: {  	_ =	swait.ge [sflag:s29], $0x1  }
0xd0: {  	[sflag:s29] =	ssyncadd.s32 $0xFFFFFFFF  }
0xd1: {  	_ =	strace $0x9000004E  }
0xd2: {  	_ =	sfence  }
0xd3: {  	s30 =	sld [smem:$0x0];
	_ =	sdelay $0x2  }
0xd4: {  	s31 =	sshll.u32 s1, $0xD;
	s1 =	sshrl.u32 s1, $0x2  }
0xd5: {  	s4 =	sand.u32 $0x4000, s31;
	s1 =	sadd.s32 s1, s30  }
0xd6: {  	s0 =	sor.u32 s4, s0;
	s1 =	sshll.u32 s1, $0x11  }
0xd7: {  	s0 =	sor.u32 s1, s0  }
0xd8: {  	s0 =	sadd.s32 $0x8F2B, s0  }
0xd9: {  	[sflag:s0] =	ssyncadd.remote.s32 $0x1  }
0xda: {  	_ =	sfence.sel $0xFFFF  }
0xdb: {  	[dreg:$0x0] =	wrdreg $0xFFFFFFFF;
	(pc) =	sbr.abs _section_cstart, $3  }
0xdc: {  	[dreg:$0x1] =	wrdreg $0xFFFFFFFF  }
0xdd: {  	_ =	task.clear_ibuf [dreg:s20], $0x2FFFF;
	_ =	strace $0x9FFFFFFF  }
0xde: {  	(tm) =	ssettm $0x7FFFFFFF  }
0xdf: {  	_ =	shalt  }
tec
execute0_lowered:
.L_overlay_start_1:
0x0: {  	(tag) =	ssettag $0x1  }
0x1: {  	s3 =	rddreg [dreg:$0x0]  }
0x2: {  	s2 =	rddreg [dreg:$0x1]  }
0x3: {  	s4 =	rddreg [dreg:$0x2]  }
0x4: {  	s0 =	rddreg [dreg:$0x3]  }
0x5: {  	s5 =	stileid.u32;
	[bflag:$0x3] =	sbarrier.arrive $0xFFFF;
	s1 =	simm.s32 $_size_execute1_lowered  }
0x6: {  	s29 =	srdreg.scid;
	s31 =	simm.s32 $0x2;
	p0 =	sne.s32 s5, $0x0  }
0x7: {  	s1 =	sshll.u32 s1, $0x1;
	s6 =	simm.s32 @!p0 $0x1C3F;
	s7 =	simm.s32 @!p0 $0x4060  }
0x8: {  	[timem:s7], [sflag:s6] =	dma.local @!p0 [hbm:s3], s1  }
0x9: {  	s8 =	simm.s32 $0x0;
	s12 =	simm.s32 $0x0;
	s3 =	sshll.u32 s29, $0x7  }
.Ltmp0:
0xa: {  	s5 =	sshll.u32 s5, $0x8;
	s3 =	sand.u32 $0x80, s3;
	(pc) =	sbr.rel .LBB2_1-.Ltmp0, $4  }
0xb: {  	s10 =	simm.s32 $0x0;
	s11 =	simm.s32 $0x0;
	s3 =	sor.u32 s5, s3  }
0xc: {  	_ =	strace $0x8000004A;
	s5 =	simm.s32 $0x1;
	s30 =	ssub.s32 $0x2700, s3  }
0xd: {  	s4 =	sadd.s32 $0x5E00, s4;
	[sflag:s5] =	ssyncpa.u1 $0x0;
	s6 =	sshrl.u32 s30, $0xC  }
0xe: {  	s9 =	smov.u32 s3;
	[sflag:s31] =	ssyncpa.u1 $0x0;
	s7 =	sadd.s32 $0x2, s6  }
.LBB2_5:
0xf: {  	_ =	sdelay $0x3  }
0x10: {  	[tilespmem:v4+s18+$0x0 ss:$0x1] =	vst.idx.msk $0xffff, v1  }
0x11: {  	[tilespmem:v4+s16+$0x0 ss:$0x1] =	vst.idx.msk $0xffff, v2  }
0x12: {  	[tilespmem:v4+s15+$0x0 ss:$0x1] =	vst.idx.msk $0xffff, v3  }
0x13: {  	[tilespmem:v4+s17+$0x0 ss:$0x1] =	vst.idx.msk $0xffff, v5  }
0x14: {  	[tilespmem:v4+s19+$0x0 ss:$0x1] =	vst.idx.msk $0xffff, v6  }
.LBB2_6:
0x15: {  	s15 =	sand.u32 $0x1FFFFFF, s10  }
0x16: {  	s16 =	smulhi.u32 $0x1A36E2F, s15;
	_ =	sdelay $0x1  }
0x17: {  	s16 =	sshrl.u32 s16, $0x6  }
0x18: {  	s16 =	smul.u32 $0x2710, s16;
	_ =	sdelay $0x1  }
0x19: {  	s15 =	ssub.s32 s15, s16  }
0x1a: {  	s15 =	sshll.u32 s15, $0x4  }
0x1b: {  	s15 =	sadd.s32 s4, s15  }
0x1c: {  	[hbm4b:s15+s8] =	stream.linear.scatter [tilespmem:s14], [sflag:$0x2], s13, $0x38;
	[tilespmem:$0x10000] =	vst v63  }
.LBB2_7:
0x1d: {  	p1 =	slt.u32 s11, $0x2  }
0x1e: {  	p2 =	sgt.s32 @!p1 s12, $0x2690  }
0x1f: {  	s13 =	smov.u32 s12;
	s14 =	sshra.s32 @!p1 s12, $0x1F;
	p2 =	por !p2, p1  }
0x20: {  	s12 =	sand.u32 @!p1 s14, s12;
	s13 =	simm.s32 @p2 $0x2690  }
0x21: {  	s12 =	ssub.s32 @!p1 s13, s12  }
0x22: {  	s12 =	sadd.s32 @!p1 $0xFFFFD970, s12  }
0x23: {  	s13 =	sshll.u32 @!p1 s12, $0x9  }
0x24: {  	p2 =	sgt.s32 @!p1 s12, $0x7F;
	s12 =	ssub.s32 @!p1 $0x10000, s13  }
0x25: {  	s14 =	sadd.s32 $0x1000, s9;
	p2 =	por !p2, p1;
	s12 =	sshrl.u32 @!p1 s12, $0x2  }
0x26: {  	s12 =	simm.s32 @!p2 $0x0;
	p2 =	sgt.s32 s14, $0x270F  }
0x27: {  	s14 =	smov.u32 @p2 s3;
	p2 =	sne.s32 s11, s7  }
.Ltmp1:
0x28: {  	_ = 	snop;
	(pc) =	sbr.rel @!p2 .LBB2_8-.Ltmp1, $4  }
0x29: {  	s13 =	simm.s32 @!p1 $0x2  }
0x2a: {  	_ =	swait.ge @!p1 [sflag:s13], s12;
	s15 =	ssub.s32 @!p1 $0x0, s12  }
0x2b: {  	s12 =	smov.u32 s10;
	s11 =	sadd.s32 $0x1, s11;
	[sflag:s13] =	ssyncset.done @!p1 $0x0  }
0x2c: {  	s10 =	smov.u32 s9;
	s9 =	smov.u32 s14;
	[sflag:s13] =	ssyncadd.s32 @!p1 s15  }
.LBB2_1:
0x2d: {  	p1 =	sgt.u32 s11, s6  }
0x2e: {  	s13 =	sand.u32 @!p1 $0x1FFFFFF, s9  }
0x2f: {  	p2 =	sgt.s32 @!p1 s9, $0x2690;
	s14 =	smulhi.u32 @!p1 $0x1A36E2F, s13  }
0x30: {  	s15 =	smov.u32 s9;
	s16 =	sshra.s32 @!p1 s9, $0x1F;
	p2 =	por !p2, p1  }
0x31: {  	s16 =	sand.u32 @!p1 s16, s9;
	s15 =	simm.s32 @p2 $0x2690;
	s14 =	sshrl.u32 @!p1 s14, $0x6  }
0x32: {  	s15 =	ssub.s32 @!p1 s15, s16;
	s14 =	smul.u32 @!p1 $0x2710, s14  }
0x33: {  	s16 =	sxor.u32 @!p1 $0xFFFFFFFF, s11;
	s15 =	sadd.s32 @!p1 $0xFFFFD970, s15  }
0x34: {  	s16 =	sshll.u32 @!p1 s16, $0xE;
	s13 =	ssub.s32 @!p1 s13, s14;
	s14 =	sshll.u32 @!p1 s15, $0x9  }
0x35: {  	s16 =	sand.u32 @!p1 $0x4000, s16;
	p2 =	sgt.s32 @!p1 s15, $0x7F;
	s14 =	ssub.s32 @!p1 $0x10000, s14  }
0x36: {  	p2 =	por !p2, p1;
	s13 =	sshll.u32 @!p1 s13, $0x4;
	s14 =	sshrl.u32 @!p1 s14, $0x2  }
0x37: {  	s15 =	simm.s32 @!p1 $0x0;
	s13 =	sadd.s32 @!p1 s2, s13;
	s14 =	simm.s32 @!p2 $0x0  }
0x38: {  	[tilespmem:s16], [sflag:$0x1] =	stream.linear.gather @!p1 [hbm4b:s13+s15], s14, $0x38;
	[tilespmem:$0x10000] =	vst v63  }
0x39: {  	p1 =	seq.s32 s11, $0x0  }
0x3a: {  	p2 =	sge.u32 @!p1 s11, s7  }
0x3b: {  	p1 =	por p1, p2  }
.Ltmp2:
0x3c: {  	_ = 	snop;
	(pc) =	sbr.rel @p1 .LBB2_7-.Ltmp2, $1  }
0x3d: {  	_ =	sdelay $0x3  }
0x3e: {  	p1 =	sgt.s32 s10, $0x2690;
	s13 =	smov.u32 s10;
	s14 =	sshra.s32 s10, $0x1F  }
0x3f: {  	s13 =	simm.s32 @!p1 $0x2690;
	s14 =	sand.u32 s14, s10  }
0x40: {  	s13 =	ssub.s32 s13, s14  }
0x41: {  	s13 =	sadd.s32 $0xFFFFD970, s13  }
0x42: {  	s31 =	sshll.u32 s13, $0x9  }
0x43: {  	s14 =	ssub.s32 $0x10000, s31  }
0x44: {  	p1 =	sgt.s32 s13, $0x7F;
	s13 =	sshrl.u32 s14, $0x2;
	s14 =	sadd.s32 $0x80, s10  }
0x45: {  	s13 =	simm.s32 @p1 $0x0;
	p1 =	slt.s32 s14, $0x2710  }
0x46: {  	s14 =	simm.s32 @!p1 $0x2710  }
0x47: {  	s20 =	ssub.s32 s14, s10  }
0x48: {  	p1 =	slt.s32 s20, $0x1  }
.Ltmp3:
0x49: {  	_ = 	snop;
	(pc) =	sbr.rel @p1 .LBB2_6-.Ltmp3, $4  }
0x4a: {  	_ = 	snop  }
0x4b: {  	s15 =	sshll.u32 s11, $0xE;
	_ =	swait.ge [sflag:s5], s13  }
0x4c: {  	s15 =	sand.u32 $0x4000, s15;
	s16 =	ssub.s32 $0x0, s13;
	[sflag:s5] =	ssyncset.done $0x0  }
0x4d: {  	s14 =	sor.u32 $0x8000, s15;
	[sflag:s5] =	ssyncadd.s32 s16  }
0x4e: {  	v0 =	vmov s15;
	_ =	sdelay $0x2  }
0x4f: {  	s31 =	simm.s32 $0x0  }
0x50: {  	p1 =	sne.s32 s20, $0x1;
	s18 =	sand.u32 $0x3F80, s31  }
.Ltmp4:
0x51: {  	s16 =	sor.u32 $0x40, s18;
	v1 =	vld.idx.msk [tilespmem:v0+s18+$0x0 ss:$0x1], $0xffff;
	(pc) =	sbr.rel @!p1 .LBB2_5-.Ltmp4, $4  }
0x52: {  	s15 =	sor.u32 $0x10, s18;
	v2 =	vld.idx.msk [tilespmem:v0+s16+$0x0 ss:$0x1], $0xffff  }
0x53: {  	v4 =	vmov s14;
	s17 =	sor.u32 $0x20, s18;
	v3 =	vld.idx.msk [tilespmem:v0+s15+$0x0 ss:$0x1], $0xffff  }
0x54: {  	s19 =	sor.u32 $0x30, s18;
	v5 =	vld.idx.msk [tilespmem:v0+s17+$0x0 ss:$0x1], $0xffff  }
0x55: {  	s20 =	sadd.s32 $0xFFFFFFFF, s20;
	s21 =	simm.s32 $0x80;
	v6 =	vld.idx.msk [tilespmem:v0+s19+$0x0 ss:$0x1], $0xffff  }
.LBB2_4:
0x56: {  	s22 =	sand.u32 $0x3F80, s21  }
0x57: {  	p1 =	sne.s32 s20, $0x1;
	s20 =	sadd.s32 $0xFFFFFFFF, s20;
	s23 =	sor.u32 $0x10, s22  }
.Ltmp5:
0x58: {  	s24 =	sor.u32 $0x20, s22;
	s25 =	sor.u32 $0x40, s22;
	[tilespmem:v4+s18+$0x0 ss:$0x1] =	vst.idx.msk $0xffff, v1;
	v1 =	vld.idx.msk [tilespmem:v0+s22+$0x0 ss:$0x1], $0xffff;
	(pc) =	sbr.rel @p1 .LBB2_4-.Ltmp5, $4  }
0x59: {  	s26 =	sor.u32 $0x30, s22;
	s18 =	smov.u32 s22;
	[tilespmem:v4+s16+$0x0 ss:$0x1] =	vst.idx.msk $0xffff, v2;
	v2 =	vld.idx.msk [tilespmem:v0+s25+$0x0 ss:$0x1], $0xffff;
	s16 =	smov.u32 s25  }
0x5a: {  	[tilespmem:v4+s15+$0x0 ss:$0x1] =	vst.idx.msk $0xffff, v3;
	v3 =	vld.idx.msk [tilespmem:v0+s23+$0x0 ss:$0x1], $0xffff;
	s15 =	smov.u32 s23  }
0x5b: {  	[tilespmem:v4+s17+$0x0 ss:$0x1] =	vst.idx.msk $0xffff, v5;
	v5 =	vld.idx.msk [tilespmem:v0+s24+$0x0 ss:$0x1], $0xffff;
	s17 =	smov.u32 s24  }
0x5c: {  	s21 =	sadd.s32 $0x80, s21;
	[tilespmem:v4+s19+$0x0 ss:$0x1] =	vst.idx.msk $0xffff, v6;
	v6 =	vld.idx.msk [tilespmem:v0+s26+$0x0 ss:$0x1], $0xffff;
	s19 =	smov.u32 s26  }
.Ltmp6:
0x5d: {  	_ = 	snop;
	(pc) =	sbr.rel .LBB2_5-.Ltmp6, $1  }
0x5e: {  	_ =	sdelay $0x3  }
.LBB2_8:
0x5f: {  	_ =	sfence.sel $0x180000  }
0x60: {  	s2 =	simm.s32 $0x1;
	[bflag:$0x0] =	sbarrier.arrive $0xFFFF  }
0x61: {  	s31 =	simm.s32 $0x2;
	[sflag:s2] =	ssyncpa.u1 $0x1  }
0x62: {  	[sflag:s31] =	ssyncpa.u1 $0x1  }
0x63: {  	_ =	strace $0x9000004A  }
0x64: {  	s0 =	sadd.s32 @!p0 $0x100000, s0;
	[bflag:$0x2] =	sbarrier.arrive $0xFFFF  }
0x65: {  	[sflag:s0] =	ssyncadd.tile.s32 @!p0 $0x1;
	s0 =	simm.s32 @!p0 $0x3F  }
0x66: {  	_ =	swait.ge @!p0 [sflag:s0], s1  }
0x67: {  	s1 =	ssub.s32 @!p0 $0x0, s1;
	[sflag:s0] =	ssyncset.done @!p0 $0x0  }
0x68: {  	[sflag:s0] =	ssyncadd.s32 @!p0 s1  }
0x69: {  	[bflag:$0x3] =	sbarrier.arrive $0xFFFF  }
0x6a: {  	_ =	shalt  }
.Lfunc_end2:
execute1_lowered:
.L_overlay_start_2:
0x6b: {  	(tag) =	ssettag $0x2  }
0x6c: {  	s4 =	rddreg [dreg:$0x0]  }
0x6d: {  	s2 =	rddreg [dreg:$0x1];
	_ =	strace $0x8000004D;
	s3 =	simm.s32 $0x1  }
0x6e: {  	v0 =	vimm.s32 $0x0;
	[sflag:s3] =	ssyncpa.u1 $0x0  }
0x6f: {  	[tilespmem:$0xA8] =	vst v0  }
0x70: {  	[tilespmem:$0xB8] =	vst v0  }
0x71: {  	[tilespmem:$0xC8] =	vst v0  }
0x72: {  	[tilespmem:$0xD8] =	vst v0  }
0x73: {  	[tilespmem:$0xE8] =	vst v0  }
0x74: {  	[tilespmem:$0xF8] =	vst v0  }
0x75: {  	[tilespmem:$0x108] =	vst v0  }
0x76: {  	[tilespmem:$0x118] =	vst v0  }
0x77: {  	[tilespmem:$0x128] =	vst v0  }
0x78: {  	[tilespmem:$0x138] =	vst v0  }
0x79: {  	[tilespmem:$0x148] =	vst v0  }
0x7a: {  	[tilespmem:$0x158] =	vst v0  }
0x7b: {  	[tilespmem:$0x168] =	vst v0  }
0x7c: {  	[tilespmem:$0x178] =	vst v0  }
0x7d: {  	[tilespmem:$0x188] =	vst v0  }
0x7e: {  	[tilespmem:$0x198] =	vst v0  }
0x7f: {  	[tilespmem:$0x1A8] =	vst v0  }
0x80: {  	[tilespmem:$0x1B8] =	vst v0  }
0x81: {  	[tilespmem:$0x1C8] =	vst v0  }
0x82: {  	[tilespmem:$0x1D8] =	vst v0  }
0x83: {  	[tilespmem:$0x1E8] =	vst v0  }
0x84: {  	[tilespmem:$0x1F8] =	vst v0  }
0x85: {  	[tilespmem:$0x208] =	vst v0  }
0x86: {  	[tilespmem:$0x218] =	vst v0  }
0x87: {  	[tilespmem:$0x228] =	vst v0  }
0x88: {  	[tilespmem:$0x238] =	vst v0  }
0x89: {  	[tilespmem:$0x248] =	vst v0  }
0x8a: {  	[tilespmem:$0x258] =	vst v0  }
0x8b: {  	[tilespmem:$0x268] =	vst v0  }
0x8c: {  	[tilespmem:$0x278] =	vst v0  }
0x8d: {  	[tilespmem:$0x288] =	vst v0  }
0x8e: {  	[tilespmem:$0x298] =	vst v0  }
0x8f: {  	[tilespmem:$0x2A8] =	vst v0  }
0x90: {  	[tilespmem:$0x2B8] =	vst v0  }
0x91: {  	[tilespmem:$0x2C8] =	vst v0  }
0x92: {  	[tilespmem:$0x2D8] =	vst v0  }
0x93: {  	[tilespmem:$0x2E8] =	vst v0  }
0x94: {  	[tilespmem:$0x2F8] =	vst v0  }
0x95: {  	[tilespmem:$0x308] =	vst v0  }
0x96: {  	[tilespmem:$0x318] =	vst v0  }
0x97: {  	[tilespmem:$0x328] =	vst v0  }
0x98: {  	[tilespmem:$0x338] =	vst v0  }
0x99: {  	[tilespmem:$0x348] =	vst v0  }
0x9a: {  	[tilespmem:$0x358] =	vst v0  }
0x9b: {  	[tilespmem:$0x368] =	vst v0  }
0x9c: {  	[tilespmem:$0x378] =	vst v0  }
0x9d: {  	[tilespmem:$0x388] =	vst v0  }
0x9e: {  	[tilespmem:$0x398] =	vst v0  }
0x9f: {  	[tilespmem:$0x3A8] =	vst v0  }
0xa0: {  	[tilespmem:$0x3B8] =	vst v0  }
0xa1: {  	[tilespmem:$0x3C8] =	vst v0  }
0xa2: {  	[tilespmem:$0x3D8] =	vst v0  }
0xa3: {  	[tilespmem:$0x3E8] =	vst v0  }
0xa4: {  	[tilespmem:$0x3F8] =	vst v0  }
0xa5: {  	[tilespmem:$0x408] =	vst v0  }
0xa6: {  	[tilespmem:$0x418] =	vst v0  }
0xa7: {  	[tilespmem:$0x428] =	vst v0  }
0xa8: {  	[tilespmem:$0x438] =	vst v0  }
0xa9: {  	[tilespmem:$0x448] =	vst v0  }
0xaa: {  	[tilespmem:$0x458] =	vst v0  }
0xab: {  	[tilespmem:$0x468] =	vst v0  }
0xac: {  	[tilespmem:$0x478] =	vst v0  }
0xad: {  	[tilespmem:$0x488] =	vst v0  }
0xae: {  	[tilespmem:$0x498] =	vst v0  }
0xaf: {  	[tilespmem:$0x4A8] =	vst v0  }
0xb0: {  	[tilespmem:$0x4B8] =	vst v0  }
0xb1: {  	[tilespmem:$0x4C8] =	vst v0  }
0xb2: {  	[tilespmem:$0x4D8] =	vst v0  }
0xb3: {  	[tilespmem:$0x4E8] =	vst v0  }
0xb4: {  	[tilespmem:$0x4F8] =	vst v0  }
0xb5: {  	[tilespmem:$0x508] =	vst v0  }
0xb6: {  	[tilespmem:$0x518] =	vst v0  }
0xb7: {  	[tilespmem:$0x528] =	vst v0  }
0xb8: {  	[tilespmem:$0x538] =	vst v0  }
0xb9: {  	[tilespmem:$0x548] =	vst v0  }
0xba: {  	[tilespmem:$0x558] =	vst v0  }
0xbb: {  	[tilespmem:$0x568] =	vst v0  }
0xbc: {  	[tilespmem:$0x578] =	vst v0  }
0xbd: {  	[tilespmem:$0x588] =	vst v0  }
0xbe: {  	[tilespmem:$0x598] =	vst v0  }
0xbf: {  	[tilespmem:$0x5A8] =	vst v0  }
0xc0: {  	[tilespmem:$0x5B8] =	vst v0  }
0xc1: {  	[tilespmem:$0x5C8] =	vst v0  }
0xc2: {  	[tilespmem:$0x5D8] =	vst v0  }
0xc3: {  	[tilespmem:$0x5E8] =	vst v0  }
0xc4: {  	[tilespmem:$0x5F8] =	vst v0  }
0xc5: {  	[tilespmem:$0x608] =	vst v0  }
0xc6: {  	[tilespmem:$0x618] =	vst v0  }
0xc7: {  	[tilespmem:$0x628] =	vst v0  }
0xc8: {  	[tilespmem:$0x638] =	vst v0  }
0xc9: {  	[tilespmem:$0x648] =	vst v0  }
0xca: {  	[tilespmem:$0x658] =	vst v0  }
0xcb: {  	[tilespmem:$0x668] =	vst v0  }
0xcc: {  	[tilespmem:$0x678] =	vst v0  }
0xcd: {  	[tilespmem:$0x688] =	vst v0  }
0xce: {  	[tilespmem:$0x698] =	vst v0  }
0xcf: {  	[tilespmem:$0x6A8] =	vst v0  }
0xd0: {  	[tilespmem:$0x6B8] =	vst v0  }
0xd1: {  	[tilespmem:$0x6C8] =	vst v0  }
0xd2: {  	[tilespmem:$0x6D8] =	vst v0  }
0xd3: {  	[tilespmem:$0x6E8] =	vst v0  }
0xd4: {  	[tilespmem:$0x6F8] =	vst v0  }
0xd5: {  	[tilespmem:$0x708] =	vst v0  }
0xd6: {  	[tilespmem:$0x718] =	vst v0  }
0xd7: {  	[tilespmem:$0x728] =	vst v0  }
0xd8: {  	[tilespmem:$0x738] =	vst v0  }
0xd9: {  	[tilespmem:$0x748] =	vst v0  }
0xda: {  	[tilespmem:$0x758] =	vst v0  }
0xdb: {  	[tilespmem:$0x768] =	vst v0  }
0xdc: {  	[tilespmem:$0x778] =	vst v0  }
0xdd: {  	[tilespmem:$0x788] =	vst v0  }
0xde: {  	[tilespmem:$0x798] =	vst v0  }
0xdf: {  	[tilespmem:$0x7A8] =	vst v0  }
0xe0: {  	[tilespmem:$0x7B8] =	vst v0  }
0xe1: {  	[tilespmem:$0x7C8] =	vst v0  }
0xe2: {  	[tilespmem:$0x7D8] =	vst v0  }
0xe3: {  	[tilespmem:$0x7E8] =	vst v0  }
0xe4: {  	[tilespmem:$0x7F8] =	vst v0  }
0xe5: {  	[tilespmem:$0x808] =	vst v0  }
0xe6: {  	[tilespmem:$0x818] =	vst v0  }
0xe7: {  	[tilespmem:$0x828] =	vst v0  }
0xe8: {  	[tilespmem:$0x838] =	vst v0  }
0xe9: {  	[tilespmem:$0x848] =	vst v0  }
0xea: {  	[tilespmem:$0x858] =	vst v0  }
0xeb: {  	[tilespmem:$0x868] =	vst v0  }
0xec: {  	[tilespmem:$0x878] =	vst v0  }
0xed: {  	[tilespmem:$0x888] =	vst v0  }
0xee: {  	[tilespmem:$0x898] =	vst v0  }
0xef: {  	[tilespmem:$0x8A8] =	vst v0  }
0xf0: {  	[tilespmem:$0x8B8] =	vst v0  }
0xf1: {  	[tilespmem:$0x8C8] =	vst v0  }
0xf2: {  	[tilespmem:$0x8D8] =	vst v0  }
0xf3: {  	[tilespmem:$0x8E8] =	vst v0  }
0xf4: {  	[tilespmem:$0x8F8] =	vst v0  }
0xf5: {  	[tilespmem:$0x908] =	vst v0  }
0xf6: {  	[tilespmem:$0x918] =	vst v0  }
0xf7: {  	[tilespmem:$0x928] =	vst v0  }
0xf8: {  	[tilespmem:$0x938] =	vst v0  }
0xf9: {  	[tilespmem:$0x948] =	vst v0  }
0xfa: {  	[tilespmem:$0x958] =	vst v0  }
0xfb: {  	[tilespmem:$0x968] =	vst v0  }
0xfc: {  	[tilespmem:$0x978] =	vst v0  }
0xfd: {  	[tilespmem:$0x988] =	vst v0  }
0xfe: {  	[tilespmem:$0x998] =	vst v0  }
0xff: {  	[tilespmem:$0x9A8] =	vst v0  }
0x100: {  	[tilespmem:$0x9B8] =	vst v0  }
0x101: {  	[tilespmem:$0x9C8] =	vst v0  }
0x102: {  	[tilespmem:$0x9D8] =	vst v0  }
0x103: {  	[tilespmem:$0x9E8] =	vst v0  }
0x104: {  	[tilespmem:$0x9F8] =	vst v0  }
0x105: {  	[tilespmem:$0xA08] =	vst v0  }
0x106: {  	[tilespmem:$0xA18] =	vst v0  }
0x107: {  	[tilespmem:$0xA28] =	vst v0  }
0x108: {  	[tilespmem:$0xA38] =	vst v0  }
0x109: {  	[tilespmem:$0xA48] =	vst v0  }
0x10a: {  	[tilespmem:$0xA58] =	vst v0  }
0x10b: {  	[tilespmem:$0xA68] =	vst v0  }
0x10c: {  	[tilespmem:$0xA78] =	vst v0  }
0x10d: {  	[tilespmem:$0xA88] =	vst v0  }
0x10e: {  	[tilespmem:$0xA98] =	vst v0  }
0x10f: {  	[tilespmem:$0xAA8] =	vst v0  }
0x110: {  	[tilespmem:$0xAB8] =	vst v0  }
0x111: {  	[tilespmem:$0xAC8] =	vst v0  }
0x112: {  	[tilespmem:$0xAD8] =	vst v0  }
0x113: {  	[tilespmem:$0xAE8] =	vst v0  }
0x114: {  	[tilespmem:$0xAF8] =	vst v0  }
0x115: {  	[tilespmem:$0xB08] =	vst v0  }
0x116: {  	[tilespmem:$0xB18] =	vst v0  }
0x117: {  	[tilespmem:$0xB28] =	vst v0  }
0x118: {  	[tilespmem:$0xB38] =	vst v0  }
0x119: {  	[tilespmem:$0xB48] =	vst v0  }
0x11a: {  	[tilespmem:$0xB58] =	vst v0  }
0x11b: {  	[tilespmem:$0xB68] =	vst v0  }
0x11c: {  	[tilespmem:$0xB78] =	vst v0  }
0x11d: {  	[tilespmem:$0xB88] =	vst v0  }
0x11e: {  	[tilespmem:$0xB98] =	vst v0  }
0x11f: {  	[tilespmem:$0xBA8] =	vst v0  }
0x120: {  	[tilespmem:$0xBB8] =	vst v0  }
0x121: {  	[tilespmem:$0xBC8] =	vst v0  }
0x122: {  	[tilespmem:$0xBD8] =	vst v0  }
0x123: {  	[tilespmem:$0xBE8] =	vst v0  }
0x124: {  	[tilespmem:$0xBF8] =	vst v0  }
0x125: {  	[tilespmem:$0xC08] =	vst v0  }
0x126: {  	[tilespmem:$0xC18] =	vst v0  }
0x127: {  	[tilespmem:$0xC28] =	vst v0  }
0x128: {  	[tilespmem:$0xC38] =	vst v0  }
0x129: {  	[tilespmem:$0xC48] =	vst v0  }
0x12a: {  	[tilespmem:$0xC58] =	vst v0  }
0x12b: {  	[tilespmem:$0xC68] =	vst v0  }
0x12c: {  	[tilespmem:$0xC78] =	vst v0  }
0x12d: {  	[tilespmem:$0xC88] =	vst v0  }
0x12e: {  	[tilespmem:$0xC98] =	vst v0  }
0x12f: {  	[tilespmem:$0xCA8] =	vst v0  }
0x130: {  	[tilespmem:$0xCB8] =	vst v0  }
0x131: {  	[tilespmem:$0xCC8] =	vst v0  }
0x132: {  	[tilespmem:$0xCD8] =	vst v0  }
0x133: {  	[tilespmem:$0xCE8] =	vst v0  }
0x134: {  	[tilespmem:$0xCF8] =	vst v0  }
0x135: {  	[tilespmem:$0xD08] =	vst v0  }
0x136: {  	[tilespmem:$0xD18] =	vst v0  }
0x137: {  	[tilespmem:$0xD28] =	vst v0  }
0x138: {  	[tilespmem:$0xD38] =	vst v0  }
0x139: {  	[tilespmem:$0xD48] =	vst v0  }
0x13a: {  	[tilespmem:$0xD58] =	vst v0  }
0x13b: {  	[tilespmem:$0xD68] =	vst v0  }
0x13c: {  	[tilespmem:$0xD78] =	vst v0  }
0x13d: {  	[tilespmem:$0xD88] =	vst v0  }
0x13e: {  	[tilespmem:$0xD98] =	vst v0  }
0x13f: {  	[tilespmem:$0xDA8] =	vst v0  }
0x140: {  	[tilespmem:$0xDB8] =	vst v0  }
0x141: {  	[tilespmem:$0xDC8] =	vst v0  }
0x142: {  	[tilespmem:$0xDD8] =	vst v0  }
0x143: {  	[tilespmem:$0xDE8] =	vst v0  }
0x144: {  	[tilespmem:$0xDF8] =	vst v0  }
0x145: {  	[tilespmem:$0xE08] =	vst v0  }
0x146: {  	[tilespmem:$0xE18] =	vst v0  }
0x147: {  	[tilespmem:$0xE28] =	vst v0  }
0x148: {  	[tilespmem:$0xE38] =	vst v0  }
0x149: {  	[tilespmem:$0xE48] =	vst v0  }
0x14a: {  	[tilespmem:$0xE58] =	vst v0  }
0x14b: {  	[tilespmem:$0xE68] =	vst v0  }
0x14c: {  	[tilespmem:$0xE78] =	vst v0  }
0x14d: {  	[tilespmem:$0xE88] =	vst v0  }
0x14e: {  	[tilespmem:$0xE98] =	vst v0  }
0x14f: {  	[tilespmem:$0xEA8] =	vst v0  }
0x150: {  	[tilespmem:$0xEB8] =	vst v0  }
0x151: {  	[tilespmem:$0xEC8] =	vst v0  }
0x152: {  	[tilespmem:$0xED8] =	vst v0  }
0x153: {  	[tilespmem:$0xEE8] =	vst v0  }
0x154: {  	[tilespmem:$0xEF8] =	vst v0  }
0x155: {  	[tilespmem:$0xF08] =	vst v0  }
0x156: {  	[tilespmem:$0xF18] =	vst v0  }
0x157: {  	[tilespmem:$0xF28] =	vst v0  }
0x158: {  	[tilespmem:$0xF38] =	vst v0  }
0x159: {  	[tilespmem:$0xF48] =	vst v0  }
0x15a: {  	[tilespmem:$0xF58] =	vst v0  }
0x15b: {  	[tilespmem:$0xF68] =	vst v0  }
0x15c: {  	[tilespmem:$0xF78] =	vst v0  }
0x15d: {  	[tilespmem:$0xF88] =	vst v0  }
0x15e: {  	[tilespmem:$0xF98] =	vst v0  }
0x15f: {  	[tilespmem:$0xFA8] =	vst v0  }
0x160: {  	[tilespmem:$0xFB8] =	vst v0  }
0x161: {  	[tilespmem:$0xFC8] =	vst v0  }
0x162: {  	[tilespmem:$0xFD8] =	vst v0  }
0x163: {  	[tilespmem:$0xFE8] =	vst v0  }
0x164: {  	[tilespmem:$0xFF8] =	vst v0  }
0x165: {  	[tilespmem:$0x1008] =	vst v0  }
0x166: {  	[tilespmem:$0x1018] =	vst v0  }
0x167: {  	[tilespmem:$0x1028] =	vst v0  }
0x168: {  	[tilespmem:$0x1038] =	vst v0  }
0x169: {  	[tilespmem:$0x1048] =	vst v0  }
0x16a: {  	[tilespmem:$0x1058] =	vst v0  }
0x16b: {  	[tilespmem:$0x1068] =	vst v0  }
0x16c: {  	[tilespmem:$0x1078] =	vst v0  }
0x16d: {  	[tilespmem:$0x1088] =	vst v0  }
0x16e: {  	[tilespmem:$0x1098] =	vst v0  }
0x16f: {  	[tilespmem:$0x10A8] =	vst v0  }
0x170: {  	[tilespmem:$0x10B8] =	vst v0  }
0x171: {  	[tilespmem:$0x10C8] =	vst v0  }
0x172: {  	[tilespmem:$0x10D8] =	vst v0  }
0x173: {  	[tilespmem:$0x10E8] =	vst v0  }
0x174: {  	[tilespmem:$0x10F8] =	vst v0  }
0x175: {  	[tilespmem:$0x1108] =	vst v0  }
0x176: {  	[tilespmem:$0x1118] =	vst v0  }
0x177: {  	[tilespmem:$0x1128] =	vst v0  }
0x178: {  	[tilespmem:$0x1138] =	vst v0  }
0x179: {  	[tilespmem:$0x1148] =	vst v0  }
0x17a: {  	[tilespmem:$0x1158] =	vst v0  }
0x17b: {  	[tilespmem:$0x1168] =	vst v0  }
0x17c: {  	[tilespmem:$0x1178] =	vst v0  }
0x17d: {  	[tilespmem:$0x1188] =	vst v0  }
0x17e: {  	[tilespmem:$0x1198] =	vst v0  }
0x17f: {  	[tilespmem:$0x11A8] =	vst v0  }
0x180: {  	[tilespmem:$0x11B8] =	vst v0  }
0x181: {  	[tilespmem:$0x11C8] =	vst v0  }
0x182: {  	[tilespmem:$0x11D8] =	vst v0  }
0x183: {  	[tilespmem:$0x11E8] =	vst v0  }
0x184: {  	[tilespmem:$0x11F8] =	vst v0  }
0x185: {  	[tilespmem:$0x1208] =	vst v0  }
0x186: {  	[tilespmem:$0x1218] =	vst v0  }
0x187: {  	[tilespmem:$0x1228] =	vst v0  }
0x188: {  	[tilespmem:$0x1238] =	vst v0  }
0x189: {  	[tilespmem:$0x1248] =	vst v0  }
0x18a: {  	[tilespmem:$0x1258] =	vst v0  }
0x18b: {  	[tilespmem:$0x1268] =	vst v0  }
0x18c: {  	[tilespmem:$0x1278] =	vst v0  }
0x18d: {  	[tilespmem:$0x21A8] =	vst v0  }
0x18e: {  	[tilespmem:$0x21B8] =	vst v0  }
0x18f: {  	[tilespmem:$0x1288] =	vst v0  }
0x190: {  	[tilespmem:$0x1298] =	vst v0  }
0x191: {  	[tilespmem:$0x12A8] =	vst v0  }
0x192: {  	[tilespmem:$0x12B8] =	vst v0  }
0x193: {  	[tilespmem:$0x12C8] =	vst v0  }
0x194: {  	[tilespmem:$0x12D8] =	vst v0  }
0x195: {  	[tilespmem:$0x12E8] =	vst v0  }
0x196: {  	[tilespmem:$0x12F8] =	vst v0  }
0x197: {  	[tilespmem:$0x1308] =	vst v0  }
0x198: {  	[tilespmem:$0x1318] =	vst v0  }
0x199: {  	[tilespmem:$0x1328] =	vst v0  }
0x19a: {  	[tilespmem:$0x1338] =	vst v0  }
0x19b: {  	[tilespmem:$0x1348] =	vst v0  }
0x19c: {  	[tilespmem:$0x1358] =	vst v0  }
0x19d: {  	[tilespmem:$0x1368] =	vst v0  }
0x19e: {  	[tilespmem:$0x1378] =	vst v0  }
0x19f: {  	[tilespmem:$0x1388] =	vst v0  }
0x1a0: {  	[tilespmem:$0x1398] =	vst v0  }
0x1a1: {  	[tilespmem:$0x13A8] =	vst v0  }
0x1a2: {  	[tilespmem:$0x13B8] =	vst v0  }
0x1a3: {  	[tilespmem:$0x13C8] =	vst v0  }
0x1a4: {  	[tilespmem:$0x13D8] =	vst v0  }
0x1a5: {  	[tilespmem:$0x13E8] =	vst v0  }
0x1a6: {  	[tilespmem:$0x13F8] =	vst v0  }
0x1a7: {  	[tilespmem:$0x1408] =	vst v0  }
0x1a8: {  	[tilespmem:$0x1418] =	vst v0  }
0x1a9: {  	[tilespmem:$0x1428] =	vst v0  }
0x1aa: {  	[tilespmem:$0x1438] =	vst v0  }
0x1ab: {  	[tilespmem:$0x1448] =	vst v0  }
0x1ac: {  	[tilespmem:$0x1458] =	vst v0  }
0x1ad: {  	[tilespmem:$0x1468] =	vst v0  }
0x1ae: {  	[tilespmem:$0x1478] =	vst v0  }
0x1af: {  	[tilespmem:$0x1488] =	vst v0  }
0x1b0: {  	[tilespmem:$0x1498] =	vst v0  }
0x1b1: {  	[tilespmem:$0x14A8] =	vst v0  }
0x1b2: {  	[tilespmem:$0x14B8] =	vst v0  }
0x1b3: {  	[tilespmem:$0x14C8] =	vst v0  }
0x1b4: {  	[tilespmem:$0x14D8] =	vst v0  }
0x1b5: {  	[tilespmem:$0x14E8] =	vst v0  }
0x1b6: {  	[tilespmem:$0x14F8] =	vst v0  }
0x1b7: {  	[tilespmem:$0x1508] =	vst v0  }
0x1b8: {  	[tilespmem:$0x1518] =	vst v0  }
0x1b9: {  	[tilespmem:$0x1528] =	vst v0  }
0x1ba: {  	[tilespmem:$0x1538] =	vst v0  }
0x1bb: {  	[tilespmem:$0x1548] =	vst v0  }
0x1bc: {  	[tilespmem:$0x1558] =	vst v0  }
0x1bd: {  	[tilespmem:$0x1568] =	vst v0  }
0x1be: {  	[tilespmem:$0x1578] =	vst v0  }
0x1bf: {  	[tilespmem:$0x1588] =	vst v0  }
0x1c0: {  	[tilespmem:$0x1598] =	vst v0  }
0x1c1: {  	[tilespmem:$0x15A8] =	vst v0  }
0x1c2: {  	[tilespmem:$0x15B8] =	vst v0  }
0x1c3: {  	[tilespmem:$0x15C8] =	vst v0  }
0x1c4: {  	[tilespmem:$0x15D8] =	vst v0  }
0x1c5: {  	[tilespmem:$0x15E8] =	vst v0  }
0x1c6: {  	[tilespmem:$0x15F8] =	vst v0  }
0x1c7: {  	[tilespmem:$0x1608] =	vst v0  }
0x1c8: {  	[tilespmem:$0x1618] =	vst v0  }
0x1c9: {  	[tilespmem:$0x1628] =	vst v0  }
0x1ca: {  	[tilespmem:$0x1638] =	vst v0  }
0x1cb: {  	[tilespmem:$0x1648] =	vst v0  }
0x1cc: {  	[tilespmem:$0x1658] =	vst v0  }
0x1cd: {  	[tilespmem:$0x1668] =	vst v0  }
0x1ce: {  	[tilespmem:$0x1678] =	vst v0  }
0x1cf: {  	[tilespmem:$0x1688] =	vst v0  }
0x1d0: {  	[tilespmem:$0x1698] =	vst v0  }
0x1d1: {  	[tilespmem:$0x16A8] =	vst v0  }
0x1d2: {  	[tilespmem:$0x16B8] =	vst v0  }
0x1d3: {  	[tilespmem:$0x16C8] =	vst v0  }
0x1d4: {  	[tilespmem:$0x16D8] =	vst v0  }
0x1d5: {  	[tilespmem:$0x16E8] =	vst v0  }
0x1d6: {  	[tilespmem:$0x16F8] =	vst v0  }
0x1d7: {  	[tilespmem:$0x1708] =	vst v0  }
0x1d8: {  	[tilespmem:$0x1718] =	vst v0  }
0x1d9: {  	[tilespmem:$0x1728] =	vst v0  }
0x1da: {  	[tilespmem:$0x1738] =	vst v0  }
0x1db: {  	[tilespmem:$0x1748] =	vst v0  }
0x1dc: {  	[tilespmem:$0x1758] =	vst v0  }
0x1dd: {  	[tilespmem:$0x1768] =	vst v0  }
0x1de: {  	[tilespmem:$0x1778] =	vst v0  }
0x1df: {  	[tilespmem:$0x1788] =	vst v0  }
0x1e0: {  	[tilespmem:$0x1798] =	vst v0  }
0x1e1: {  	[tilespmem:$0x17A8] =	vst v0  }
0x1e2: {  	[tilespmem:$0x17B8] =	vst v0  }
0x1e3: {  	[tilespmem:$0x17C8] =	vst v0  }
0x1e4: {  	[tilespmem:$0x17D8] =	vst v0  }
0x1e5: {  	[tilespmem:$0x17E8] =	vst v0  }
0x1e6: {  	[tilespmem:$0x17F8] =	vst v0  }
0x1e7: {  	[tilespmem:$0x1808] =	vst v0  }
0x1e8: {  	[tilespmem:$0x1818] =	vst v0  }
0x1e9: {  	[tilespmem:$0x1828] =	vst v0  }
0x1ea: {  	[tilespmem:$0x1838] =	vst v0  }
0x1eb: {  	[tilespmem:$0x1848] =	vst v0  }
0x1ec: {  	[tilespmem:$0x1858] =	vst v0  }
0x1ed: {  	[tilespmem:$0x1868] =	vst v0  }
0x1ee: {  	[tilespmem:$0x1878] =	vst v0  }
0x1ef: {  	[tilespmem:$0x1888] =	vst v0  }
0x1f0: {  	[tilespmem:$0x1898] =	vst v0  }
0x1f1: {  	[tilespmem:$0x18A8] =	vst v0  }
0x1f2: {  	[tilespmem:$0x18B8] =	vst v0  }
0x1f3: {  	[tilespmem:$0x18C8] =	vst v0  }
0x1f4: {  	[tilespmem:$0x18D8] =	vst v0  }
0x1f5: {  	[tilespmem:$0x18E8] =	vst v0  }
0x1f6: {  	[tilespmem:$0x18F8] =	vst v0  }
0x1f7: {  	[tilespmem:$0x1908] =	vst v0  }
0x1f8: {  	[tilespmem:$0x1918] =	vst v0  }
0x1f9: {  	[tilespmem:$0x1928] =	vst v0  }
0x1fa: {  	[tilespmem:$0x1938] =	vst v0  }
0x1fb: {  	[tilespmem:$0x1948] =	vst v0  }
0x1fc: {  	[tilespmem:$0x1958] =	vst v0  }
0x1fd: {  	[tilespmem:$0x1968] =	vst v0  }
0x1fe: {  	[tilespmem:$0x1978] =	vst v0  }
0x1ff: {  	[tilespmem:$0x1988] =	vst v0  }
0x200: {  	[tilespmem:$0x1998] =	vst v0  }
0x201: {  	[tilespmem:$0x19A8] =	vst v0  }
0x202: {  	[tilespmem:$0x19B8] =	vst v0  }
0x203: {  	[tilespmem:$0x19C8] =	vst v0  }
0x204: {  	[tilespmem:$0x19D8] =	vst v0  }
0x205: {  	[tilespmem:$0x19E8] =	vst v0  }
0x206: {  	[tilespmem:$0x19F8] =	vst v0  }
0x207: {  	[tilespmem:$0x1A08] =	vst v0  }
0x208: {  	[tilespmem:$0x1A18] =	vst v0  }
0x209: {  	[tilespmem:$0x1A28] =	vst v0  }
0x20a: {  	[tilespmem:$0x1A38] =	vst v0  }
0x20b: {  	[tilespmem:$0x1A48] =	vst v0  }
0x20c: {  	[tilespmem:$0x1A58] =	vst v0  }
0x20d: {  	[tilespmem:$0x1A68] =	vst v0  }
0x20e: {  	[tilespmem:$0x1A78] =	vst v0  }
0x20f: {  	[tilespmem:$0x1A88] =	vst v0  }
0x210: {  	[tilespmem:$0x1A98] =	vst v0  }
0x211: {  	[tilespmem:$0x1AA8] =	vst v0  }
0x212: {  	[tilespmem:$0x1AB8] =	vst v0  }
0x213: {  	[tilespmem:$0x1AC8] =	vst v0  }
0x214: {  	[tilespmem:$0x1AD8] =	vst v0  }
0x215: {  	[tilespmem:$0x1AE8] =	vst v0  }
0x216: {  	[tilespmem:$0x1AF8] =	vst v0  }
0x217: {  	[tilespmem:$0x1B08] =	vst v0  }
0x218: {  	[tilespmem:$0x1B18] =	vst v0  }
0x219: {  	[tilespmem:$0x1B28] =	vst v0  }
0x21a: {  	[tilespmem:$0x1B38] =	vst v0  }
0x21b: {  	[tilespmem:$0x1B48] =	vst v0  }
0x21c: {  	[tilespmem:$0x1B58] =	vst v0  }
0x21d: {  	[tilespmem:$0x1B68] =	vst v0  }
0x21e: {  	[tilespmem:$0x1B78] =	vst v0  }
0x21f: {  	[tilespmem:$0x1B88] =	vst v0  }
0x220: {  	[tilespmem:$0x1B98] =	vst v0  }
0x221: {  	[tilespmem:$0x1BA8] =	vst v0  }
0x222: {  	[tilespmem:$0x1BB8] =	vst v0  }
0x223: {  	[tilespmem:$0x1BC8] =	vst v0  }
0x224: {  	[tilespmem:$0x1BD8] =	vst v0  }
0x225: {  	[tilespmem:$0x1BE8] =	vst v0  }
0x226: {  	[tilespmem:$0x1BF8] =	vst v0  }
0x227: {  	[tilespmem:$0x1C08] =	vst v0  }
0x228: {  	[tilespmem:$0x1C18] =	vst v0  }
0x229: {  	[tilespmem:$0x1C28] =	vst v0  }
0x22a: {  	[tilespmem:$0x1C38] =	vst v0  }
0x22b: {  	[tilespmem:$0x1C48] =	vst v0  }
0x22c: {  	[tilespmem:$0x1C58] =	vst v0  }
0x22d: {  	[tilespmem:$0x1C68] =	vst v0  }
0x22e: {  	[tilespmem:$0x1C78] =	vst v0  }
0x22f: {  	[tilespmem:$0x1C88] =	vst v0  }
0x230: {  	[tilespmem:$0x1C98] =	vst v0  }
0x231: {  	[tilespmem:$0x1CA8] =	vst v0  }
0x232: {  	[tilespmem:$0x1CB8] =	vst v0  }
0x233: {  	[tilespmem:$0x1CC8] =	vst v0  }
0x234: {  	[tilespmem:$0x1CD8] =	vst v0  }
0x235: {  	[tilespmem:$0x1CE8] =	vst v0  }
0x236: {  	[tilespmem:$0x1CF8] =	vst v0  }
0x237: {  	[tilespmem:$0x1D08] =	vst v0  }
0x238: {  	[tilespmem:$0x1D18] =	vst v0  }
0x239: {  	[tilespmem:$0x1D28] =	vst v0  }
0x23a: {  	[tilespmem:$0x1D38] =	vst v0  }
0x23b: {  	[tilespmem:$0x1D48] =	vst v0  }
0x23c: {  	[tilespmem:$0x1D58] =	vst v0  }
0x23d: {  	[tilespmem:$0x1D68] =	vst v0  }
0x23e: {  	[tilespmem:$0x1D78] =	vst v0  }
0x23f: {  	[tilespmem:$0x1D88] =	vst v0  }
0x240: {  	[tilespmem:$0x1D98] =	vst v0  }
0x241: {  	[tilespmem:$0x1DA8] =	vst v0  }
0x242: {  	[tilespmem:$0x1DB8] =	vst v0  }
0x243: {  	[tilespmem:$0x1DC8] =	vst v0  }
0x244: {  	[tilespmem:$0x1DD8] =	vst v0  }
0x245: {  	[tilespmem:$0x1DE8] =	vst v0  }
0x246: {  	[tilespmem:$0x1DF8] =	vst v0  }
0x247: {  	[tilespmem:$0x1E08] =	vst v0  }
0x248: {  	[tilespmem:$0x1E18] =	vst v0  }
0x249: {  	[tilespmem:$0x1E28] =	vst v0  }
0x24a: {  	[tilespmem:$0x1E38] =	vst v0  }
0x24b: {  	[tilespmem:$0x1E48] =	vst v0  }
0x24c: {  	[tilespmem:$0x1E58] =	vst v0  }
0x24d: {  	[tilespmem:$0x1E68] =	vst v0  }
0x24e: {  	[tilespmem:$0x1E78] =	vst v0  }
0x24f: {  	[tilespmem:$0x1E88] =	vst v0  }
0x250: {  	[tilespmem:$0x1E98] =	vst v0  }
0x251: {  	[tilespmem:$0x1EA8] =	vst v0  }
0x252: {  	[tilespmem:$0x1EB8] =	vst v0  }
0x253: {  	[tilespmem:$0x1EC8] =	vst v0  }
0x254: {  	[tilespmem:$0x1ED8] =	vst v0  }
0x255: {  	[tilespmem:$0x1EE8] =	vst v0  }
0x256: {  	[tilespmem:$0x1EF8] =	vst v0  }
0x257: {  	[tilespmem:$0x1F08] =	vst v0  }
0x258: {  	[tilespmem:$0x1F18] =	vst v0  }
0x259: {  	[tilespmem:$0x1F28] =	vst v0  }
0x25a: {  	[tilespmem:$0x1F38] =	vst v0  }
0x25b: {  	[tilespmem:$0x1F48] =	vst v0  }
0x25c: {  	[tilespmem:$0x1F58] =	vst v0  }
0x25d: {  	[tilespmem:$0x1F68] =	vst v0  }
0x25e: {  	[tilespmem:$0x1F78] =	vst v0  }
0x25f: {  	[tilespmem:$0x1F88] =	vst v0  }
0x260: {  	[tilespmem:$0x1F98] =	vst v0  }
0x261: {  	[tilespmem:$0x1FA8] =	vst v0  }
0x262: {  	[tilespmem:$0x1FB8] =	vst v0  }
0x263: {  	[tilespmem:$0x1FC8] =	vst v0  }
0x264: {  	[tilespmem:$0x1FD8] =	vst v0  }
0x265: {  	[tilespmem:$0x1FE8] =	vst v0  }
0x266: {  	[tilespmem:$0x1FF8] =	vst v0  }
0x267: {  	[tilespmem:$0x2008] =	vst v0  }
0x268: {  	[tilespmem:$0x2018] =	vst v0  }
0x269: {  	[tilespmem:$0x2028] =	vst v0  }
0x26a: {  	[tilespmem:$0x2038] =	vst v0  }
0x26b: {  	[tilespmem:$0x2048] =	vst v0  }
0x26c: {  	[tilespmem:$0x2058] =	vst v0  }
0x26d: {  	[tilespmem:$0x2068] =	vst v0  }
0x26e: {  	[tilespmem:$0x2078] =	vst v0  }
0x26f: {  	[tilespmem:$0x2088] =	vst v0  }
0x270: {  	[tilespmem:$0x2098] =	vst v0  }
0x271: {  	[tilespmem:$0x20A8] =	vst v0  }
0x272: {  	[tilespmem:$0x20B8] =	vst v0  }
0x273: {  	[tilespmem:$0x20C8] =	vst v0  }
0x274: {  	[tilespmem:$0x20D8] =	vst v0  }
0x275: {  	[tilespmem:$0x20E8] =	vst v0  }
0x276: {  	[tilespmem:$0x20F8] =	vst v0  }
0x277: {  	[tilespmem:$0x2108] =	vst v0  }
0x278: {  	[tilespmem:$0x2118] =	vst v0  }
0x279: {  	[tilespmem:$0x2128] =	vst v0  }
0x27a: {  	[tilespmem:$0x2138] =	vst v0  }
0x27b: {  	[tilespmem:$0x2148] =	vst v0  }
0x27c: {  	[tilespmem:$0x2158] =	vst v0  }
0x27d: {  	[tilespmem:$0x2168] =	vst v0  }
0x27e: {  	[tilespmem:$0x2178] =	vst v0  }
0x27f: {  	[tilespmem:$0x2188] =	vst v0  }
0x280: {  	[tilespmem:$0x2198] =	vst v0  }
0x281: {  	[tilespmem:$0x21C8] =	vst v0  }
0x282: {  	[tilespmem:$0x21D8] =	vst v0  }
0x283: {  	[tilespmem:$0x21E8] =	vst v0  }
0x284: {  	[tilespmem:$0x21F8] =	vst v0  }
0x285: {  	[tilespmem:$0x2208] =	vst v0  }
0x286: {  	[tilespmem:$0x2218] =	vst v0  }
0x287: {  	[tilespmem:$0x2228] =	vst v0  }
0x288: {  	[tilespmem:$0x2238] =	vst v0  }
0x289: {  	[tilespmem:$0x2248] =	vst v0  }
0x28a: {  	[tilespmem:$0x2258] =	vst v0  }
0x28b: {  	[tilespmem:$0x2268] =	vst v0  }
0x28c: {  	[tilespmem:$0x2278] =	vst v0  }
0x28d: {  	[tilespmem:$0x2288] =	vst v0  }
0x28e: {  	[tilespmem:$0x2298] =	vst v0  }
0x28f: {  	[tilespmem:$0x22A8] =	vst v0  }
0x290: {  	[tilespmem:$0x22B8] =	vst v0  }
0x291: {  	[tilespmem:$0x22C8] =	vst v0  }
0x292: {  	[tilespmem:$0x22D8] =	vst v0  }
0x293: {  	[tilespmem:$0x22E8] =	vst v0  }
0x294: {  	[tilespmem:$0x22F8] =	vst v0  }
0x295: {  	[tilespmem:$0x2308] =	vst v0  }
0x296: {  	[tilespmem:$0x2318] =	vst v0  }
0x297: {  	[tilespmem:$0x2328] =	vst v0  }
0x298: {  	[tilespmem:$0x2338] =	vst v0  }
0x299: {  	[tilespmem:$0x2348] =	vst v0  }
0x29a: {  	[tilespmem:$0x2358] =	vst v0  }
0x29b: {  	[tilespmem:$0x2368] =	vst v0  }
0x29c: {  	[tilespmem:$0x2378] =	vst v0  }
0x29d: {  	[tilespmem:$0x2388] =	vst v0  }
0x29e: {  	[tilespmem:$0x2398] =	vst v0  }
0x29f: {  	[tilespmem:$0x23A8] =	vst v0  }
0x2a0: {  	[tilespmem:$0x23B8] =	vst v0  }
0x2a1: {  	[tilespmem:$0x23C8] =	vst v0  }
0x2a2: {  	[tilespmem:$0x23D8] =	vst v0  }
0x2a3: {  	[tilespmem:$0x23E8] =	vst v0  }
0x2a4: {  	[tilespmem:$0x23F8] =	vst v0  }
0x2a5: {  	[tilespmem:$0x2408] =	vst v0  }
0x2a6: {  	[tilespmem:$0x2418] =	vst v0  }
0x2a7: {  	[tilespmem:$0x2428] =	vst v0  }
0x2a8: {  	[tilespmem:$0x2438] =	vst v0  }
0x2a9: {  	[tilespmem:$0x2448] =	vst v0  }
0x2aa: {  	[tilespmem:$0x2458] =	vst v0  }
0x2ab: {  	[tilespmem:$0x2468] =	vst v0  }
0x2ac: {  	[tilespmem:$0x2478] =	vst v0  }
0x2ad: {  	[tilespmem:$0x2488] =	vst v0  }
0x2ae: {  	[tilespmem:$0x2498] =	vst v0  }
0x2af: {  	[tilespmem:$0x24A8] =	vst v0  }
0x2b0: {  	[tilespmem:$0x24B8] =	vst v0  }
0x2b1: {  	[tilespmem:$0x24C8] =	vst v0  }
0x2b2: {  	[tilespmem:$0x24D8] =	vst v0  }
0x2b3: {  	[tilespmem:$0x24E8] =	vst v0  }
0x2b4: {  	[tilespmem:$0x24F8] =	vst v0  }
0x2b5: {  	[tilespmem:$0x2508] =	vst v0  }
0x2b6: {  	[tilespmem:$0x2518] =	vst v0  }
0x2b7: {  	[tilespmem:$0x2528] =	vst v0  }
0x2b8: {  	[tilespmem:$0x2538] =	vst v0  }
0x2b9: {  	[tilespmem:$0x2548] =	vst v0  }
0x2ba: {  	[tilespmem:$0x2558] =	vst v0  }
0x2bb: {  	[tilespmem:$0x2568] =	vst v0  }
0x2bc: {  	[tilespmem:$0x2578] =	vst v0  }
0x2bd: {  	[tilespmem:$0x2588] =	vst v0  }
0x2be: {  	[tilespmem:$0x2598] =	vst v0  }
0x2bf: {  	[tilespmem:$0x25A8] =	vst v0  }
0x2c0: {  	[tilespmem:$0x25B8] =	vst v0  }
0x2c1: {  	[tilespmem:$0x25C8] =	vst v0  }
0x2c2: {  	[tilespmem:$0x25D8] =	vst v0  }
0x2c3: {  	[tilespmem:$0x25E8] =	vst v0  }
0x2c4: {  	[tilespmem:$0x25F8] =	vst v0  }
0x2c5: {  	[tilespmem:$0x2608] =	vst v0  }
0x2c6: {  	[tilespmem:$0x2618] =	vst v0  }
0x2c7: {  	[tilespmem:$0x2628] =	vst v0  }
0x2c8: {  	[tilespmem:$0x2638] =	vst v0  }
0x2c9: {  	[tilespmem:$0x2648] =	vst v0  }
0x2ca: {  	[tilespmem:$0x2658] =	vst v0  }
0x2cb: {  	[tilespmem:$0x2668] =	vst v0  }
0x2cc: {  	[tilespmem:$0x2678] =	vst v0  }
0x2cd: {  	[tilespmem:$0x2688] =	vst v0  }
0x2ce: {  	[tilespmem:$0x2698] =	vst v0  }
0x2cf: {  	[tilespmem:$0x26A8] =	vst v0  }
0x2d0: {  	[tilespmem:$0x26B8] =	vst v0  }
0x2d1: {  	[tilespmem:$0x26C8] =	vst v0  }
0x2d2: {  	[tilespmem:$0x26D8] =	vst v0  }
0x2d3: {  	[tilespmem:$0x26E8] =	vst v0  }
0x2d4: {  	[tilespmem:$0x26F8] =	vst v0  }
0x2d5: {  	[tilespmem:$0x2708] =	vst v0  }
0x2d6: {  	[tilespmem:$0x2718] =	vst v0  }
0x2d7: {  	[tilespmem:$0x2728] =	vst v0  }
0x2d8: {  	[tilespmem:$0x2738] =	vst v0  }
0x2d9: {  	[tilespmem:$0x2748] =	vst v0  }
0x2da: {  	[tilespmem:$0x2758] =	vst v0  }
0x2db: {  	[tilespmem:$0x2768] =	vst v0  }
0x2dc: {  	[tilespmem:$0x2778] =	vst v0  }
0x2dd: {  	[tilespmem:$0x2788] =	vst v0  }
0x2de: {  	[tilespmem:$0x2798] =	vst v0  }
0x2df: {  	[tilespmem:$0x27A8] =	vst v0  }
0x2e0: {  	[tilespmem:$0x27B8] =	vst v0  }
0x2e1: {  	[tilespmem:$0x27C8] =	vst v0  }
0x2e2: {  	[tilespmem:$0x27D8] =	vst v0  }
0x2e3: {  	[tilespmem:$0x27E8] =	vst v0  }
0x2e4: {  	[tilespmem:$0x27F8] =	vst v0  }
0x2e5: {  	[tilespmem:$0x2808] =	vst v0  }
0x2e6: {  	[tilespmem:$0x2818] =	vst v0  }
0x2e7: {  	[tilespmem:$0x2828] =	vst v0  }
0x2e8: {  	[tilespmem:$0x2838] =	vst v0  }
0x2e9: {  	[tilespmem:$0x2848] =	vst v0  }
0x2ea: {  	[tilespmem:$0x2858] =	vst v0  }
0x2eb: {  	[tilespmem:$0x2868] =	vst v0  }
0x2ec: {  	[tilespmem:$0x2878] =	vst v0  }
0x2ed: {  	[tilespmem:$0x2888] =	vst v0  }
0x2ee: {  	[tilespmem:$0x2898] =	vst v0  }
0x2ef: {  	[tilespmem:$0x28A8] =	vst v0  }
0x2f0: {  	[tilespmem:$0x28B8] =	vst v0  }
0x2f1: {  	[tilespmem:$0x28C8] =	vst v0  }
0x2f2: {  	[tilespmem:$0x28D8] =	vst v0  }
0x2f3: {  	[tilespmem:$0x28E8] =	vst v0  }
0x2f4: {  	[tilespmem:$0x28F8] =	vst v0  }
0x2f5: {  	[tilespmem:$0x2908] =	vst v0  }
0x2f6: {  	[tilespmem:$0x2918] =	vst v0  }
0x2f7: {  	[tilespmem:$0x2928] =	vst v0  }
0x2f8: {  	[tilespmem:$0x2938] =	vst v0  }
0x2f9: {  	[tilespmem:$0x2948] =	vst v0  }
0x2fa: {  	[tilespmem:$0x2958] =	vst v0  }
0x2fb: {  	[tilespmem:$0x2968] =	vst v0  }
0x2fc: {  	[tilespmem:$0x2978] =	vst v0  }
0x2fd: {  	[tilespmem:$0x2988] =	vst v0  }
0x2fe: {  	[tilespmem:$0x2998] =	vst v0  }
0x2ff: {  	[tilespmem:$0x29A8] =	vst v0  }
0x300: {  	[tilespmem:$0x29B8] =	vst v0  }
0x301: {  	[tilespmem:$0x29C8] =	vst v0  }
0x302: {  	[tilespmem:$0x29D8] =	vst v0  }
0x303: {  	[tilespmem:$0x29E8] =	vst v0  }
0x304: {  	[tilespmem:$0x29F8] =	vst v0  }
0x305: {  	[tilespmem:$0x2A08] =	vst v0  }
0x306: {  	[tilespmem:$0x2A18] =	vst v0  }
0x307: {  	[tilespmem:$0x2A28] =	vst v0  }
0x308: {  	[tilespmem:$0x2A38] =	vst v0  }
0x309: {  	[tilespmem:$0x2A48] =	vst v0  }
0x30a: {  	[tilespmem:$0x2A58] =	vst v0  }
0x30b: {  	[tilespmem:$0x2A68] =	vst v0  }
0x30c: {  	[tilespmem:$0x2A78] =	vst v0  }
0x30d: {  	[tilespmem:$0x2A88] =	vst v0  }
0x30e: {  	[tilespmem:$0x2A98] =	vst v0  }
0x30f: {  	[tilespmem:$0x2AA8] =	vst v0  }
0x310: {  	[tilespmem:$0x2AB8] =	vst v0  }
0x311: {  	[tilespmem:$0x2AC8] =	vst v0  }
0x312: {  	[tilespmem:$0x2AD8] =	vst v0  }
0x313: {  	[tilespmem:$0x2AE8] =	vst v0  }
0x314: {  	[tilespmem:$0x2AF8] =	vst v0  }
0x315: {  	[tilespmem:$0x2B08] =	vst v0  }
0x316: {  	[tilespmem:$0x2B18] =	vst v0  }
0x317: {  	[tilespmem:$0x2B28] =	vst v0  }
0x318: {  	[tilespmem:$0x2B38] =	vst v0  }
0x319: {  	[tilespmem:$0x2B48] =	vst v0  }
0x31a: {  	[tilespmem:$0x2B58] =	vst v0  }
0x31b: {  	[tilespmem:$0x2B68] =	vst v0  }
0x31c: {  	[tilespmem:$0x2B78] =	vst v0  }
0x31d: {  	[tilespmem:$0x2B88] =	vst v0  }
0x31e: {  	[tilespmem:$0x2B98] =	vst v0  }
0x31f: {  	[tilespmem:$0x2BA8] =	vst v0  }
0x320: {  	[tilespmem:$0x2BB8] =	vst v0  }
0x321: {  	[tilespmem:$0x2BC8] =	vst v0  }
0x322: {  	[tilespmem:$0x2BD8] =	vst v0  }
0x323: {  	[tilespmem:$0x2BE8] =	vst v0  }
0x324: {  	[tilespmem:$0x2BF8] =	vst v0  }
0x325: {  	[tilespmem:$0x2C08] =	vst v0  }
0x326: {  	[tilespmem:$0x2C18] =	vst v0  }
0x327: {  	[tilespmem:$0x2C28] =	vst v0  }
0x328: {  	[tilespmem:$0x2C38] =	vst v0  }
0x329: {  	[tilespmem:$0x2C48] =	vst v0  }
0x32a: {  	[tilespmem:$0x2C58] =	vst v0  }
0x32b: {  	[tilespmem:$0x2C68] =	vst v0  }
0x32c: {  	[tilespmem:$0x2C78] =	vst v0  }
0x32d: {  	[tilespmem:$0x2C88] =	vst v0  }
0x32e: {  	[tilespmem:$0x2C98] =	vst v0  }
0x32f: {  	[tilespmem:$0x2CA8] =	vst v0  }
0x330: {  	[tilespmem:$0x2CB8] =	vst v0  }
0x331: {  	[tilespmem:$0x2CC8] =	vst v0  }
0x332: {  	[tilespmem:$0x2CD8] =	vst v0  }
0x333: {  	[tilespmem:$0x2CE8] =	vst v0  }
0x334: {  	[tilespmem:$0x2CF8] =	vst v0  }
0x335: {  	[tilespmem:$0x2D08] =	vst v0  }
0x336: {  	[tilespmem:$0x2D18] =	vst v0  }
0x337: {  	[tilespmem:$0x2D28] =	vst v0  }
0x338: {  	[tilespmem:$0x2D38] =	vst v0  }
0x339: {  	[tilespmem:$0x2D48] =	vst v0  }
0x33a: {  	[tilespmem:$0x2D58] =	vst v0  }
0x33b: {  	[tilespmem:$0x2D68] =	vst v0  }
0x33c: {  	[tilespmem:$0x2D78] =	vst v0  }
0x33d: {  	[tilespmem:$0x2D88] =	vst v0  }
0x33e: {  	[tilespmem:$0x2D98] =	vst v0  }
0x33f: {  	[tilespmem:$0x2DA8] =	vst v0  }
0x340: {  	[tilespmem:$0x2DB8] =	vst v0  }
0x341: {  	[tilespmem:$0x2DC8] =	vst v0  }
0x342: {  	[tilespmem:$0x2DD8] =	vst v0  }
0x343: {  	[tilespmem:$0x2DE8] =	vst v0  }
0x344: {  	[tilespmem:$0x2DF8] =	vst v0  }
0x345: {  	[tilespmem:$0x2E08] =	vst v0  }
0x346: {  	[tilespmem:$0x2E18] =	vst v0  }
0x347: {  	[tilespmem:$0x2E28] =	vst v0  }
0x348: {  	[tilespmem:$0x2E38] =	vst v0  }
0x349: {  	[tilespmem:$0x2E48] =	vst v0  }
0x34a: {  	[tilespmem:$0x2E58] =	vst v0  }
0x34b: {  	[tilespmem:$0x2E68] =	vst v0  }
0x34c: {  	[tilespmem:$0x2E78] =	vst v0  }
0x34d: {  	[tilespmem:$0x2E88] =	vst v0  }
0x34e: {  	[tilespmem:$0x2E98] =	vst v0  }
0x34f: {  	[tilespmem:$0x2EA8] =	vst v0  }
0x350: {  	[tilespmem:$0x2EB8] =	vst v0  }
0x351: {  	[tilespmem:$0x2EC8] =	vst v0  }
0x352: {  	[tilespmem:$0x2ED8] =	vst v0  }
0x353: {  	[tilespmem:$0x2EE8] =	vst v0  }
0x354: {  	[tilespmem:$0x2EF8] =	vst v0  }
0x355: {  	[tilespmem:$0x2F08] =	vst v0  }
0x356: {  	[tilespmem:$0x2F18] =	vst v0  }
0x357: {  	[tilespmem:$0x2F28] =	vst v0  }
0x358: {  	[tilespmem:$0x2F38] =	vst v0  }
0x359: {  	[tilespmem:$0x2F48] =	vst v0  }
0x35a: {  	[tilespmem:$0x2F58] =	vst v0  }
0x35b: {  	[tilespmem:$0x2F68] =	vst v0  }
0x35c: {  	[tilespmem:$0x2F78] =	vst v0  }
0x35d: {  	[tilespmem:$0x2F88] =	vst v0  }
0x35e: {  	[tilespmem:$0x2F98] =	vst v0  }
0x35f: {  	[tilespmem:$0x2FA8] =	vst v0  }
0x360: {  	[tilespmem:$0x2FB8] =	vst v0  }
0x361: {  	[tilespmem:$0x2FC8] =	vst v0  }
0x362: {  	[tilespmem:$0x2FD8] =	vst v0  }
0x363: {  	[tilespmem:$0x2FE8] =	vst v0  }
0x364: {  	[tilespmem:$0x2FF8] =	vst v0  }
0x365: {  	[tilespmem:$0x3008] =	vst v0  }
0x366: {  	[tilespmem:$0x3018] =	vst v0  }
0x367: {  	[tilespmem:$0x3028] =	vst v0  }
0x368: {  	[tilespmem:$0x3038] =	vst v0  }
0x369: {  	[tilespmem:$0x3048] =	vst v0  }
0x36a: {  	[tilespmem:$0x3058] =	vst v0  }
0x36b: {  	[tilespmem:$0x3068] =	vst v0  }
0x36c: {  	[tilespmem:$0x3078] =	vst v0  }
0x36d: {  	[tilespmem:$0x3088] =	vst v0  }
0x36e: {  	[tilespmem:$0x3098] =	vst v0  }
0x36f: {  	[tilespmem:$0x30A8] =	vst v0  }
0x370: {  	[tilespmem:$0x30B8] =	vst v0  }
0x371: {  	[tilespmem:$0x30C8] =	vst v0  }
0x372: {  	[tilespmem:$0x30D8] =	vst v0  }
0x373: {  	[tilespmem:$0x30E8] =	vst v0  }
0x374: {  	[tilespmem:$0x30F8] =	vst v0  }
0x375: {  	[tilespmem:$0x3108] =	vst v0  }
0x376: {  	[tilespmem:$0x3118] =	vst v0  }
0x377: {  	[tilespmem:$0x3128] =	vst v0  }
0x378: {  	[tilespmem:$0x3138] =	vst v0  }
0x379: {  	[tilespmem:$0x3148] =	vst v0  }
0x37a: {  	[tilespmem:$0x3158] =	vst v0  }
0x37b: {  	[tilespmem:$0x3168] =	vst v0  }
0x37c: {  	[tilespmem:$0x3178] =	vst v0  }
0x37d: {  	[tilespmem:$0x3188] =	vst v0  }
0x37e: {  	[tilespmem:$0x3198] =	vst v0  }
0x37f: {  	[tilespmem:$0x31A8] =	vst v0  }
0x380: {  	[tilespmem:$0x31B8] =	vst v0  }
0x381: {  	[tilespmem:$0x40E8] =	vst v0  }
0x382: {  	[tilespmem:$0x40F8] =	vst v0  }
0x383: {  	[tilespmem:$0x31C8] =	vst v0  }
0x384: {  	[tilespmem:$0x31D8] =	vst v0  }
0x385: {  	[tilespmem:$0x31E8] =	vst v0  }
0x386: {  	[tilespmem:$0x31F8] =	vst v0  }
0x387: {  	[tilespmem:$0x3208] =	vst v0  }
0x388: {  	[tilespmem:$0x3218] =	vst v0  }
0x389: {  	[tilespmem:$0x3228] =	vst v0  }
0x38a: {  	[tilespmem:$0x3238] =	vst v0  }
0x38b: {  	[tilespmem:$0x3248] =	vst v0  }
0x38c: {  	[tilespmem:$0x3258] =	vst v0  }
0x38d: {  	[tilespmem:$0x3268] =	vst v0  }
0x38e: {  	[tilespmem:$0x3278] =	vst v0  }
0x38f: {  	[tilespmem:$0x3288] =	vst v0  }
0x390: {  	[tilespmem:$0x3298] =	vst v0  }
0x391: {  	[tilespmem:$0x32A8] =	vst v0  }
0x392: {  	[tilespmem:$0x32B8] =	vst v0  }
0x393: {  	[tilespmem:$0x32C8] =	vst v0  }
0x394: {  	[tilespmem:$0x32D8] =	vst v0  }
0x395: {  	[tilespmem:$0x32E8] =	vst v0  }
0x396: {  	[tilespmem:$0x32F8] =	vst v0  }
0x397: {  	[tilespmem:$0x3308] =	vst v0  }
0x398: {  	[tilespmem:$0x3318] =	vst v0  }
0x399: {  	[tilespmem:$0x3328] =	vst v0  }
0x39a: {  	[tilespmem:$0x3338] =	vst v0  }
0x39b: {  	[tilespmem:$0x3348] =	vst v0  }
0x39c: {  	[tilespmem:$0x3358] =	vst v0  }
0x39d: {  	[tilespmem:$0x3368] =	vst v0  }
0x39e: {  	[tilespmem:$0x3378] =	vst v0  }
0x39f: {  	[tilespmem:$0x3388] =	vst v0  }
0x3a0: {  	[tilespmem:$0x3398] =	vst v0  }
0x3a1: {  	[tilespmem:$0x33A8] =	vst v0  }
0x3a2: {  	[tilespmem:$0x33B8] =	vst v0  }
0x3a3: {  	[tilespmem:$0x33C8] =	vst v0  }
0x3a4: {  	[tilespmem:$0x33D8] =	vst v0  }
0x3a5: {  	[tilespmem:$0x33E8] =	vst v0  }
0x3a6: {  	[tilespmem:$0x33F8] =	vst v0  }
0x3a7: {  	[tilespmem:$0x3408] =	vst v0  }
0x3a8: {  	[tilespmem:$0x3418] =	vst v0  }
0x3a9: {  	[tilespmem:$0x3428] =	vst v0  }
0x3aa: {  	[tilespmem:$0x3438] =	vst v0  }
0x3ab: {  	[tilespmem:$0x3448] =	vst v0  }
0x3ac: {  	[tilespmem:$0x3458] =	vst v0  }
0x3ad: {  	[tilespmem:$0x3468] =	vst v0  }
0x3ae: {  	[tilespmem:$0x3478] =	vst v0  }
0x3af: {  	[tilespmem:$0x3488] =	vst v0  }
0x3b0: {  	[tilespmem:$0x3498] =	vst v0  }
0x3b1: {  	[tilespmem:$0x34A8] =	vst v0  }
0x3b2: {  	[tilespmem:$0x34B8] =	vst v0  }
0x3b3: {  	[tilespmem:$0x34C8] =	vst v0  }
0x3b4: {  	[tilespmem:$0x34D8] =	vst v0  }
0x3b5: {  	[tilespmem:$0x34E8] =	vst v0  }
0x3b6: {  	[tilespmem:$0x34F8] =	vst v0  }
0x3b7: {  	[tilespmem:$0x3508] =	vst v0  }
0x3b8: {  	[tilespmem:$0x3518] =	vst v0  }
0x3b9: {  	[tilespmem:$0x3528] =	vst v0  }
0x3ba: {  	[tilespmem:$0x3538] =	vst v0  }
0x3bb: {  	[tilespmem:$0x3548] =	vst v0  }
0x3bc: {  	[tilespmem:$0x3558] =	vst v0  }
0x3bd: {  	[tilespmem:$0x3568] =	vst v0  }
0x3be: {  	[tilespmem:$0x3578] =	vst v0  }
0x3bf: {  	[tilespmem:$0x3588] =	vst v0  }
0x3c0: {  	[tilespmem:$0x3598] =	vst v0  }
0x3c1: {  	[tilespmem:$0x35A8] =	vst v0  }
0x3c2: {  	[tilespmem:$0x35B8] =	vst v0  }
0x3c3: {  	[tilespmem:$0x35C8] =	vst v0  }
0x3c4: {  	[tilespmem:$0x35D8] =	vst v0  }
0x3c5: {  	[tilespmem:$0x35E8] =	vst v0  }
0x3c6: {  	[tilespmem:$0x35F8] =	vst v0  }
0x3c7: {  	[tilespmem:$0x3608] =	vst v0  }
0x3c8: {  	[tilespmem:$0x3618] =	vst v0  }
0x3c9: {  	[tilespmem:$0x3628] =	vst v0  }
0x3ca: {  	[tilespmem:$0x3638] =	vst v0  }
0x3cb: {  	[tilespmem:$0x3648] =	vst v0  }
0x3cc: {  	[tilespmem:$0x3658] =	vst v0  }
0x3cd: {  	[tilespmem:$0x3668] =	vst v0  }
0x3ce: {  	[tilespmem:$0x3678] =	vst v0  }
0x3cf: {  	[tilespmem:$0x3688] =	vst v0  }
0x3d0: {  	[tilespmem:$0x3698] =	vst v0  }
0x3d1: {  	[tilespmem:$0x36A8] =	vst v0  }
0x3d2: {  	[tilespmem:$0x36B8] =	vst v0  }
0x3d3: {  	[tilespmem:$0x36C8] =	vst v0  }
0x3d4: {  	[tilespmem:$0x36D8] =	vst v0  }
0x3d5: {  	[tilespmem:$0x36E8] =	vst v0  }
0x3d6: {  	[tilespmem:$0x36F8] =	vst v0  }
0x3d7: {  	[tilespmem:$0x3708] =	vst v0  }
0x3d8: {  	[tilespmem:$0x3718] =	vst v0  }
0x3d9: {  	[tilespmem:$0x3728] =	vst v0  }
0x3da: {  	[tilespmem:$0x3738] =	vst v0  }
0x3db: {  	[tilespmem:$0x3748] =	vst v0  }
0x3dc: {  	[tilespmem:$0x3758] =	vst v0  }
0x3dd: {  	[tilespmem:$0x3768] =	vst v0  }
0x3de: {  	[tilespmem:$0x3778] =	vst v0  }
0x3df: {  	[tilespmem:$0x3788] =	vst v0  }
0x3e0: {  	[tilespmem:$0x3798] =	vst v0  }
0x3e1: {  	[tilespmem:$0x37A8] =	vst v0  }
0x3e2: {  	[tilespmem:$0x37B8] =	vst v0  }
0x3e3: {  	[tilespmem:$0x37C8] =	vst v0  }
0x3e4: {  	[tilespmem:$0x37D8] =	vst v0  }
0x3e5: {  	[tilespmem:$0x37E8] =	vst v0  }
0x3e6: {  	[tilespmem:$0x37F8] =	vst v0  }
0x3e7: {  	[tilespmem:$0x3808] =	vst v0  }
0x3e8: {  	[tilespmem:$0x3818] =	vst v0  }
0x3e9: {  	[tilespmem:$0x3828] =	vst v0  }
0x3ea: {  	[tilespmem:$0x3838] =	vst v0  }
0x3eb: {  	[tilespmem:$0x3848] =	vst v0  }
0x3ec: {  	[tilespmem:$0x3858] =	vst v0  }
0x3ed: {  	[tilespmem:$0x3868] =	vst v0  }
0x3ee: {  	[tilespmem:$0x3878] =	vst v0  }
0x3ef: {  	[tilespmem:$0x3888] =	vst v0  }
0x3f0: {  	[tilespmem:$0x3898] =	vst v0  }
0x3f1: {  	[tilespmem:$0x38A8] =	vst v0  }
0x3f2: {  	[tilespmem:$0x38B8] =	vst v0  }
0x3f3: {  	[tilespmem:$0x38C8] =	vst v0  }
0x3f4: {  	[tilespmem:$0x38D8] =	vst v0  }
0x3f5: {  	[tilespmem:$0x38E8] =	vst v0  }
0x3f6: {  	[tilespmem:$0x38F8] =	vst v0  }
0x3f7: {  	[tilespmem:$0x3908] =	vst v0  }
0x3f8: {  	[tilespmem:$0x3918] =	vst v0  }
0x3f9: {  	[tilespmem:$0x3928] =	vst v0  }
0x3fa: {  	[tilespmem:$0x3938] =	vst v0  }
0x3fb: {  	[tilespmem:$0x3948] =	vst v0  }
0x3fc: {  	[tilespmem:$0x3958] =	vst v0  }
0x3fd: {  	[tilespmem:$0x3968] =	vst v0  }
0x3fe: {  	[tilespmem:$0x3978] =	vst v0  }
0x3ff: {  	[tilespmem:$0x3988] =	vst v0  }
0x400: {  	[tilespmem:$0x3998] =	vst v0  }
0x401: {  	[tilespmem:$0x39A8] =	vst v0  }
0x402: {  	[tilespmem:$0x39B8] =	vst v0  }
0x403: {  	[tilespmem:$0x39C8] =	vst v0  }
0x404: {  	[tilespmem:$0x39D8] =	vst v0  }
0x405: {  	[tilespmem:$0x39E8] =	vst v0  }
0x406: {  	[tilespmem:$0x39F8] =	vst v0  }
0x407: {  	[tilespmem:$0x3A08] =	vst v0  }
0x408: {  	[tilespmem:$0x3A18] =	vst v0  }
0x409: {  	[tilespmem:$0x3A28] =	vst v0  }
0x40a: {  	[tilespmem:$0x3A38] =	vst v0  }
0x40b: {  	[tilespmem:$0x3A48] =	vst v0  }
0x40c: {  	[tilespmem:$0x3A58] =	vst v0  }
0x40d: {  	[tilespmem:$0x3A68] =	vst v0  }
0x40e: {  	[tilespmem:$0x3A78] =	vst v0  }
0x40f: {  	[tilespmem:$0x3A88] =	vst v0  }
0x410: {  	[tilespmem:$0x3A98] =	vst v0  }
0x411: {  	[tilespmem:$0x3AA8] =	vst v0  }
0x412: {  	[tilespmem:$0x3AB8] =	vst v0  }
0x413: {  	[tilespmem:$0x3AC8] =	vst v0  }
0x414: {  	[tilespmem:$0x3AD8] =	vst v0  }
0x415: {  	[tilespmem:$0x3AE8] =	vst v0  }
0x416: {  	[tilespmem:$0x3AF8] =	vst v0  }
0x417: {  	[tilespmem:$0x3B08] =	vst v0  }
0x418: {  	[tilespmem:$0x3B18] =	vst v0  }
0x419: {  	[tilespmem:$0x3B28] =	vst v0  }
0x41a: {  	[tilespmem:$0x3B38] =	vst v0  }
0x41b: {  	[tilespmem:$0x3B48] =	vst v0  }
0x41c: {  	[tilespmem:$0x3B58] =	vst v0  }
0x41d: {  	[tilespmem:$0x3B68] =	vst v0  }
0x41e: {  	[tilespmem:$0x3B78] =	vst v0  }
0x41f: {  	[tilespmem:$0x3B88] =	vst v0  }
0x420: {  	[tilespmem:$0x3B98] =	vst v0  }
0x421: {  	[tilespmem:$0x3BA8] =	vst v0  }
0x422: {  	[tilespmem:$0x3BB8] =	vst v0  }
0x423: {  	[tilespmem:$0x3BC8] =	vst v0  }
0x424: {  	[tilespmem:$0x3BD8] =	vst v0  }
0x425: {  	[tilespmem:$0x3BE8] =	vst v0  }
0x426: {  	[tilespmem:$0x3BF8] =	vst v0  }
0x427: {  	[tilespmem:$0x3C08] =	vst v0  }
0x428: {  	[tilespmem:$0x3C18] =	vst v0  }
0x429: {  	[tilespmem:$0x3C28] =	vst v0  }
0x42a: {  	[tilespmem:$0x3C38] =	vst v0  }
0x42b: {  	[tilespmem:$0x3C48] =	vst v0  }
0x42c: {  	[tilespmem:$0x3C58] =	vst v0  }
0x42d: {  	[tilespmem:$0x3C68] =	vst v0  }
0x42e: {  	[tilespmem:$0x3C78] =	vst v0  }
0x42f: {  	[tilespmem:$0x3C88] =	vst v0  }
0x430: {  	[tilespmem:$0x3C98] =	vst v0  }
0x431: {  	[tilespmem:$0x3CA8] =	vst v0  }
0x432: {  	[tilespmem:$0x3CB8] =	vst v0  }
0x433: {  	[tilespmem:$0x3CC8] =	vst v0  }
0x434: {  	[tilespmem:$0x3CD8] =	vst v0  }
0x435: {  	[tilespmem:$0x3CE8] =	vst v0  }
0x436: {  	[tilespmem:$0x3CF8] =	vst v0  }
0x437: {  	[tilespmem:$0x3D08] =	vst v0  }
0x438: {  	[tilespmem:$0x3D18] =	vst v0  }
0x439: {  	[tilespmem:$0x3D28] =	vst v0  }
0x43a: {  	[tilespmem:$0x3D38] =	vst v0  }
0x43b: {  	[tilespmem:$0x3D48] =	vst v0  }
0x43c: {  	[tilespmem:$0x3D58] =	vst v0  }
0x43d: {  	[tilespmem:$0x3D68] =	vst v0  }
0x43e: {  	[tilespmem:$0x3D78] =	vst v0  }
0x43f: {  	[tilespmem:$0x3D88] =	vst v0  }
0x440: {  	[tilespmem:$0x3D98] =	vst v0  }
0x441: {  	[tilespmem:$0x3DA8] =	vst v0  }
0x442: {  	[tilespmem:$0x3DB8] =	vst v0  }
0x443: {  	[tilespmem:$0x3DC8] =	vst v0  }
0x444: {  	[tilespmem:$0x3DD8] =	vst v0  }
0x445: {  	[tilespmem:$0x3DE8] =	vst v0  }
0x446: {  	[tilespmem:$0x3DF8] =	vst v0  }
0x447: {  	[tilespmem:$0x3E08] =	vst v0  }
0x448: {  	[tilespmem:$0x3E18] =	vst v0  }
0x449: {  	[tilespmem:$0x3E28] =	vst v0  }
0x44a: {  	[tilespmem:$0x3E38] =	vst v0  }
0x44b: {  	[tilespmem:$0x3E48] =	vst v0  }
0x44c: {  	[tilespmem:$0x3E58] =	vst v0  }
0x44d: {  	[tilespmem:$0x3E68] =	vst v0  }
0x44e: {  	[tilespmem:$0x3E78] =	vst v0  }
0x44f: {  	[tilespmem:$0x3E88] =	vst v0  }
0x450: {  	[tilespmem:$0x3E98] =	vst v0  }
0x451: {  	[tilespmem:$0x3EA8] =	vst v0  }
0x452: {  	[tilespmem:$0x3EB8] =	vst v0  }
0x453: {  	[tilespmem:$0x3EC8] =	vst v0  }
0x454: {  	[tilespmem:$0x3ED8] =	vst v0  }
0x455: {  	[tilespmem:$0x3EE8] =	vst v0  }
0x456: {  	[tilespmem:$0x3EF8] =	vst v0  }
0x457: {  	[tilespmem:$0x3F08] =	vst v0  }
0x458: {  	[tilespmem:$0x3F18] =	vst v0  }
0x459: {  	[tilespmem:$0x3F28] =	vst v0  }
0x45a: {  	[tilespmem:$0x3F38] =	vst v0  }
0x45b: {  	[tilespmem:$0x3F48] =	vst v0  }
0x45c: {  	[tilespmem:$0x3F58] =	vst v0  }
0x45d: {  	[tilespmem:$0x3F68] =	vst v0  }
0x45e: {  	[tilespmem:$0x3F78] =	vst v0  }
0x45f: {  	[tilespmem:$0x3F88] =	vst v0  }
0x460: {  	[tilespmem:$0x3F98] =	vst v0  }
0x461: {  	[tilespmem:$0x3FA8] =	vst v0  }
0x462: {  	[tilespmem:$0x3FB8] =	vst v0  }
0x463: {  	[tilespmem:$0x3FC8] =	vst v0  }
0x464: {  	[tilespmem:$0x3FD8] =	vst v0  }
0x465: {  	[tilespmem:$0x3FE8] =	vst v0  }
0x466: {  	[tilespmem:$0x3FF8] =	vst v0  }
0x467: {  	[tilespmem:$0x4008] =	vst v0  }
0x468: {  	[tilespmem:$0x4018] =	vst v0  }
0x469: {  	[tilespmem:$0x4028] =	vst v0  }
0x46a: {  	[tilespmem:$0x4038] =	vst v0  }
0x46b: {  	[tilespmem:$0x4048] =	vst v0  }
0x46c: {  	[tilespmem:$0x4058] =	vst v0  }
0x46d: {  	[tilespmem:$0x4068] =	vst v0  }
0x46e: {  	[tilespmem:$0x4078] =	vst v0  }
0x46f: {  	[tilespmem:$0x4088] =	vst v0  }
0x470: {  	[tilespmem:$0x4098] =	vst v0  }
0x471: {  	[tilespmem:$0x40A8] =	vst v0  }
0x472: {  	[tilespmem:$0x40B8] =	vst v0  }
0x473: {  	[tilespmem:$0x40C8] =	vst v0  }
0x474: {  	[tilespmem:$0x40D8] =	vst v0  }
0x475: {  	[tilespmem:$0x4108] =	vst v0  }
0x476: {  	[tilespmem:$0x4118] =	vst v0  }
0x477: {  	[tilespmem:$0x4128] =	vst v0  }
0x478: {  	[tilespmem:$0x4138] =	vst v0  }
0x479: {  	[tilespmem:$0x4148] =	vst v0  }
0x47a: {  	[tilespmem:$0x4158] =	vst v0  }
0x47b: {  	[tilespmem:$0x4168] =	vst v0  }
0x47c: {  	[tilespmem:$0x4178] =	vst v0  }
0x47d: {  	[tilespmem:$0x4188] =	vst v0  }
0x47e: {  	[tilespmem:$0x4198] =	vst v0  }
0x47f: {  	[tilespmem:$0x41A8] =	vst v0  }
0x480: {  	[tilespmem:$0x41B8] =	vst v0  }
0x481: {  	[tilespmem:$0x41C8] =	vst v0  }
0x482: {  	[tilespmem:$0x41D8] =	vst v0  }
0x483: {  	[tilespmem:$0x41E8] =	vst v0  }
0x484: {  	[tilespmem:$0x41F8] =	vst v0  }
0x485: {  	[tilespmem:$0x4208] =	vst v0  }
0x486: {  	[tilespmem:$0x4218] =	vst v0  }
0x487: {  	[tilespmem:$0x4228] =	vst v0  }
0x488: {  	[tilespmem:$0x4238] =	vst v0  }
0x489: {  	[tilespmem:$0x4248] =	vst v0  }
0x48a: {  	[tilespmem:$0x4258] =	vst v0  }
0x48b: {  	[tilespmem:$0x4268] =	vst v0  }
0x48c: {  	[tilespmem:$0x4278] =	vst v0  }
0x48d: {  	[tilespmem:$0x4288] =	vst v0  }
0x48e: {  	[tilespmem:$0x4298] =	vst v0  }
0x48f: {  	[tilespmem:$0x42A8] =	vst v0  }
0x490: {  	[tilespmem:$0x42B8] =	vst v0  }
0x491: {  	[tilespmem:$0x42C8] =	vst v0  }
0x492: {  	[tilespmem:$0x42D8] =	vst v0  }
0x493: {  	[tilespmem:$0x42E8] =	vst v0  }
0x494: {  	[tilespmem:$0x42F8] =	vst v0  }
0x495: {  	[tilespmem:$0x4308] =	vst v0  }
0x496: {  	[tilespmem:$0x4318] =	vst v0  }
0x497: {  	[tilespmem:$0x4328] =	vst v0  }
0x498: {  	[tilespmem:$0x4338] =	vst v0  }
0x499: {  	[tilespmem:$0x4348] =	vst v0  }
0x49a: {  	[tilespmem:$0x4358] =	vst v0  }
0x49b: {  	[tilespmem:$0x4368] =	vst v0  }
0x49c: {  	[tilespmem:$0x4378] =	vst v0  }
0x49d: {  	[tilespmem:$0x4388] =	vst v0  }
0x49e: {  	[tilespmem:$0x4398] =	vst v0  }
0x49f: {  	[tilespmem:$0x43A8] =	vst v0  }
0x4a0: {  	[tilespmem:$0x43B8] =	vst v0  }
0x4a1: {  	[tilespmem:$0x43C8] =	vst v0  }
0x4a2: {  	[tilespmem:$0x43D8] =	vst v0  }
0x4a3: {  	[tilespmem:$0x43E8] =	vst v0  }
0x4a4: {  	[tilespmem:$0x43F8] =	vst v0  }
0x4a5: {  	[tilespmem:$0x4408] =	vst v0  }
0x4a6: {  	[tilespmem:$0x4418] =	vst v0  }
0x4a7: {  	[tilespmem:$0x4428] =	vst v0  }
0x4a8: {  	[tilespmem:$0x4438] =	vst v0  }
0x4a9: {  	[tilespmem:$0x4448] =	vst v0  }
0x4aa: {  	[tilespmem:$0x4458] =	vst v0  }
0x4ab: {  	[tilespmem:$0x4468] =	vst v0  }
0x4ac: {  	[tilespmem:$0x4478] =	vst v0  }
0x4ad: {  	[tilespmem:$0x4488] =	vst v0  }
0x4ae: {  	[tilespmem:$0x4498] =	vst v0  }
0x4af: {  	[tilespmem:$0x44A8] =	vst v0  }
0x4b0: {  	[tilespmem:$0x44B8] =	vst v0  }
0x4b1: {  	[tilespmem:$0x44C8] =	vst v0  }
0x4b2: {  	[tilespmem:$0x44D8] =	vst v0  }
0x4b3: {  	[tilespmem:$0x44E8] =	vst v0  }
0x4b4: {  	[tilespmem:$0x44F8] =	vst v0  }
0x4b5: {  	[tilespmem:$0x4508] =	vst v0  }
0x4b6: {  	[tilespmem:$0x4518] =	vst v0  }
0x4b7: {  	[tilespmem:$0x4528] =	vst v0  }
0x4b8: {  	[tilespmem:$0x4538] =	vst v0  }
0x4b9: {  	[tilespmem:$0x4548] =	vst v0  }
0x4ba: {  	[tilespmem:$0x4558] =	vst v0  }
0x4bb: {  	[tilespmem:$0x4568] =	vst v0  }
0x4bc: {  	[tilespmem:$0x4578] =	vst v0  }
0x4bd: {  	[tilespmem:$0x4588] =	vst v0  }
0x4be: {  	[tilespmem:$0x4598] =	vst v0  }
0x4bf: {  	[tilespmem:$0x45A8] =	vst v0  }
0x4c0: {  	[tilespmem:$0x45B8] =	vst v0  }
0x4c1: {  	[tilespmem:$0x45C8] =	vst v0  }
0x4c2: {  	[tilespmem:$0x45D8] =	vst v0  }
0x4c3: {  	[tilespmem:$0x45E8] =	vst v0  }
0x4c4: {  	[tilespmem:$0x45F8] =	vst v0  }
0x4c5: {  	[tilespmem:$0x4608] =	vst v0  }
0x4c6: {  	[tilespmem:$0x4618] =	vst v0  }
0x4c7: {  	[tilespmem:$0x4628] =	vst v0  }
0x4c8: {  	[tilespmem:$0x4638] =	vst v0  }
0x4c9: {  	[tilespmem:$0x4648] =	vst v0  }
0x4ca: {  	[tilespmem:$0x4658] =	vst v0  }
0x4cb: {  	[tilespmem:$0x4668] =	vst v0  }
0x4cc: {  	[tilespmem:$0x4678] =	vst v0  }
0x4cd: {  	[tilespmem:$0x4688] =	vst v0  }
0x4ce: {  	[tilespmem:$0x4698] =	vst v0  }
0x4cf: {  	[tilespmem:$0x46A8] =	vst v0  }
0x4d0: {  	[tilespmem:$0x46B8] =	vst v0  }
0x4d1: {  	[tilespmem:$0x46C8] =	vst v0  }
0x4d2: {  	[tilespmem:$0x46D8] =	vst v0  }
0x4d3: {  	[tilespmem:$0x46E8] =	vst v0  }
0x4d4: {  	[tilespmem:$0x46F8] =	vst v0  }
0x4d5: {  	[tilespmem:$0x4708] =	vst v0  }
0x4d6: {  	[tilespmem:$0x4718] =	vst v0  }
0x4d7: {  	[tilespmem:$0x4728] =	vst v0  }
0x4d8: {  	[tilespmem:$0x4738] =	vst v0  }
0x4d9: {  	[tilespmem:$0x4748] =	vst v0  }
0x4da: {  	[tilespmem:$0x4758] =	vst v0  }
0x4db: {  	[tilespmem:$0x4768] =	vst v0  }
0x4dc: {  	[tilespmem:$0x4778] =	vst v0  }
0x4dd: {  	[tilespmem:$0x4788] =	vst v0  }
0x4de: {  	[tilespmem:$0x4798] =	vst v0  }
0x4df: {  	[tilespmem:$0x47A8] =	vst v0  }
0x4e0: {  	[tilespmem:$0x47B8] =	vst v0  }
0x4e1: {  	[tilespmem:$0x47C8] =	vst v0  }
0x4e2: {  	[tilespmem:$0x47D8] =	vst v0  }
0x4e3: {  	[tilespmem:$0x47E8] =	vst v0  }
0x4e4: {  	[tilespmem:$0x47F8] =	vst v0  }
0x4e5: {  	[tilespmem:$0x4808] =	vst v0  }
0x4e6: {  	[tilespmem:$0x4818] =	vst v0  }
0x4e7: {  	[tilespmem:$0x4828] =	vst v0  }
0x4e8: {  	[tilespmem:$0x4838] =	vst v0  }
0x4e9: {  	[tilespmem:$0x4848] =	vst v0  }
0x4ea: {  	[tilespmem:$0x4858] =	vst v0  }
0x4eb: {  	[tilespmem:$0x4868] =	vst v0  }
0x4ec: {  	[tilespmem:$0x4878] =	vst v0  }
0x4ed: {  	[tilespmem:$0x4888] =	vst v0  }
0x4ee: {  	[tilespmem:$0x4898] =	vst v0  }
0x4ef: {  	[tilespmem:$0x48A8] =	vst v0  }
0x4f0: {  	[tilespmem:$0x48B8] =	vst v0  }
0x4f1: {  	[tilespmem:$0x48C8] =	vst v0  }
0x4f2: {  	[tilespmem:$0x48D8] =	vst v0  }
0x4f3: {  	[tilespmem:$0x48E8] =	vst v0  }
0x4f4: {  	[tilespmem:$0x48F8] =	vst v0  }
0x4f5: {  	[tilespmem:$0x4908] =	vst v0  }
0x4f6: {  	[tilespmem:$0x4918] =	vst v0  }
0x4f7: {  	[tilespmem:$0x4928] =	vst v0  }
0x4f8: {  	[tilespmem:$0x4938] =	vst v0  }
0x4f9: {  	[tilespmem:$0x4948] =	vst v0  }
0x4fa: {  	[tilespmem:$0x4958] =	vst v0  }
0x4fb: {  	[tilespmem:$0x4968] =	vst v0  }
0x4fc: {  	[tilespmem:$0x4978] =	vst v0  }
0x4fd: {  	[tilespmem:$0x4988] =	vst v0  }
0x4fe: {  	[tilespmem:$0x4998] =	vst v0  }
0x4ff: {  	[tilespmem:$0x49A8] =	vst v0  }
0x500: {  	[tilespmem:$0x49B8] =	vst v0  }
0x501: {  	[tilespmem:$0x49C8] =	vst v0  }
0x502: {  	[tilespmem:$0x49D8] =	vst v0  }
0x503: {  	[tilespmem:$0x49E8] =	vst v0  }
0x504: {  	[tilespmem:$0x49F8] =	vst v0  }
0x505: {  	[tilespmem:$0x4A08] =	vst v0  }
0x506: {  	[tilespmem:$0x4A18] =	vst v0  }
0x507: {  	[tilespmem:$0x4A28] =	vst v0  }
0x508: {  	[tilespmem:$0x4A38] =	vst v0  }
0x509: {  	[tilespmem:$0x4A48] =	vst v0  }
0x50a: {  	[tilespmem:$0x4A58] =	vst v0  }
0x50b: {  	[tilespmem:$0x4A68] =	vst v0  }
0x50c: {  	[tilespmem:$0x4A78] =	vst v0  }
0x50d: {  	[tilespmem:$0x4A88] =	vst v0  }
0x50e: {  	[tilespmem:$0x4A98] =	vst v0  }
0x50f: {  	[tilespmem:$0x4AA8] =	vst v0  }
0x510: {  	[tilespmem:$0x4AB8] =	vst v0  }
0x511: {  	[tilespmem:$0x4AC8] =	vst v0  }
0x512: {  	[tilespmem:$0x4AD8] =	vst v0  }
0x513: {  	[tilespmem:$0x4AE8] =	vst v0  }
0x514: {  	[tilespmem:$0x4AF8] =	vst v0  }
0x515: {  	[tilespmem:$0x4B08] =	vst v0  }
0x516: {  	[tilespmem:$0x4B18] =	vst v0  }
0x517: {  	[tilespmem:$0x4B28] =	vst v0  }
0x518: {  	[tilespmem:$0x4B38] =	vst v0  }
0x519: {  	[tilespmem:$0x4B48] =	vst v0  }
0x51a: {  	[tilespmem:$0x4B58] =	vst v0  }
0x51b: {  	[tilespmem:$0x4B68] =	vst v0  }
0x51c: {  	[tilespmem:$0x4B78] =	vst v0  }
0x51d: {  	[tilespmem:$0x4B88] =	vst v0  }
0x51e: {  	[tilespmem:$0x4B98] =	vst v0  }
0x51f: {  	[tilespmem:$0x4BA8] =	vst v0  }
0x520: {  	[tilespmem:$0x4BB8] =	vst v0  }
0x521: {  	[tilespmem:$0x4BC8] =	vst v0  }
0x522: {  	[tilespmem:$0x4BD8] =	vst v0  }
0x523: {  	[tilespmem:$0x4BE8] =	vst v0  }
0x524: {  	[tilespmem:$0x4BF8] =	vst v0  }
0x525: {  	[tilespmem:$0x4C08] =	vst v0  }
0x526: {  	[tilespmem:$0x4C18] =	vst v0  }
0x527: {  	[tilespmem:$0x4C28] =	vst v0  }
0x528: {  	[tilespmem:$0x4C38] =	vst v0  }
0x529: {  	[tilespmem:$0x4C48] =	vst v0  }
0x52a: {  	[tilespmem:$0x4C58] =	vst v0  }
0x52b: {  	[tilespmem:$0x4C68] =	vst v0  }
0x52c: {  	[tilespmem:$0x4C78] =	vst v0  }
0x52d: {  	[tilespmem:$0x4C88] =	vst v0  }
0x52e: {  	[tilespmem:$0x4C98] =	vst v0  }
0x52f: {  	[tilespmem:$0x4CA8] =	vst v0  }
0x530: {  	[tilespmem:$0x4CB8] =	vst v0  }
0x531: {  	[tilespmem:$0x4CC8] =	vst v0  }
0x532: {  	[tilespmem:$0x4CD8] =	vst v0  }
0x533: {  	[tilespmem:$0x4CE8] =	vst v0  }
0x534: {  	[tilespmem:$0x4CF8] =	vst v0  }
0x535: {  	[tilespmem:$0x4D08] =	vst v0  }
0x536: {  	[tilespmem:$0x4D18] =	vst v0  }
0x537: {  	[tilespmem:$0x4D28] =	vst v0  }
0x538: {  	[tilespmem:$0x4D38] =	vst v0  }
0x539: {  	[tilespmem:$0x4D48] =	vst v0  }
0x53a: {  	[tilespmem:$0x4D58] =	vst v0  }
0x53b: {  	[tilespmem:$0x4D68] =	vst v0  }
0x53c: {  	[tilespmem:$0x4D78] =	vst v0  }
0x53d: {  	[tilespmem:$0x4D88] =	vst v0  }
0x53e: {  	[tilespmem:$0x4D98] =	vst v0  }
0x53f: {  	[tilespmem:$0x4DA8] =	vst v0  }
0x540: {  	[tilespmem:$0x4DB8] =	vst v0  }
0x541: {  	[tilespmem:$0x4DC8] =	vst v0  }
0x542: {  	[tilespmem:$0x4DD8] =	vst v0  }
0x543: {  	[tilespmem:$0x4DE8] =	vst v0  }
0x544: {  	[tilespmem:$0x4DF8] =	vst v0  }
0x545: {  	[tilespmem:$0x4E08] =	vst v0  }
0x546: {  	[tilespmem:$0x4E18] =	vst v0  }
0x547: {  	[tilespmem:$0x4E28] =	vst v0  }
0x548: {  	[tilespmem:$0x4E38] =	vst v0  }
0x549: {  	[tilespmem:$0x4E48] =	vst v0  }
0x54a: {  	[tilespmem:$0x4E58] =	vst v0  }
0x54b: {  	[tilespmem:$0x4E68] =	vst v0  }
0x54c: {  	[tilespmem:$0x4E78] =	vst v0  }
0x54d: {  	[tilespmem:$0x4E88] =	vst v0  }
0x54e: {  	[tilespmem:$0x4E98] =	vst v0  }
0x54f: {  	[tilespmem:$0x4EA8] =	vst v0  }
0x550: {  	[tilespmem:$0x4EB8] =	vst v0  }
0x551: {  	[tilespmem:$0x4EC8] =	vst v0  }
0x552: {  	[tilespmem:$0x4ED8] =	vst v0  }
0x553: {  	[tilespmem:$0x4EE8] =	vst v0  }
0x554: {  	[tilespmem:$0x4EF8] =	vst v0  }
0x555: {  	[tilespmem:$0x4F08] =	vst v0  }
0x556: {  	[tilespmem:$0x4F18] =	vst v0  }
0x557: {  	[tilespmem:$0x4F28] =	vst v0  }
0x558: {  	[tilespmem:$0x4F38] =	vst v0  }
0x559: {  	[tilespmem:$0x4F48] =	vst v0  }
0x55a: {  	[tilespmem:$0x4F58] =	vst v0  }
0x55b: {  	[tilespmem:$0x4F68] =	vst v0  }
0x55c: {  	[tilespmem:$0x4F78] =	vst v0  }
0x55d: {  	[tilespmem:$0x4F88] =	vst v0  }
0x55e: {  	[tilespmem:$0x4F98] =	vst v0  }
0x55f: {  	[tilespmem:$0x4FA8] =	vst v0  }
0x560: {  	[tilespmem:$0x4FB8] =	vst v0  }
0x561: {  	[tilespmem:$0x4FC8] =	vst v0  }
0x562: {  	[tilespmem:$0x4FD8] =	vst v0  }
0x563: {  	[tilespmem:$0x4FE8] =	vst v0  }
0x564: {  	[tilespmem:$0x4FF8] =	vst v0  }
0x565: {  	[tilespmem:$0x5008] =	vst v0  }
0x566: {  	[tilespmem:$0x5018] =	vst v0  }
0x567: {  	[tilespmem:$0x5028] =	vst v0  }
0x568: {  	[tilespmem:$0x5038] =	vst v0  }
0x569: {  	[tilespmem:$0x5048] =	vst v0  }
0x56a: {  	[tilespmem:$0x5058] =	vst v0  }
0x56b: {  	[tilespmem:$0x5068] =	vst v0  }
0x56c: {  	[tilespmem:$0x5078] =	vst v0  }
0x56d: {  	[tilespmem:$0x5088] =	vst v0  }
0x56e: {  	[tilespmem:$0x5098] =	vst v0  }
0x56f: {  	[tilespmem:$0x50A8] =	vst v0  }
0x570: {  	[tilespmem:$0x50B8] =	vst v0  }
0x571: {  	[tilespmem:$0x50C8] =	vst v0  }
0x572: {  	[tilespmem:$0x50D8] =	vst v0  }
0x573: {  	[tilespmem:$0x50E8] =	vst v0  }
0x574: {  	[tilespmem:$0x50F8] =	vst v0  }
0x575: {  	[tilespmem:$0x51A8] =	vst v0  }
0x576: {  	[tilespmem:$0x5FE8] =	vst v0  }
0x577: {  	[tilespmem:$0x5FD8] =	vst v0  }
0x578: {  	[tilespmem:$0x5FC8] =	vst v0  }
0x579: {  	[tilespmem:$0x5FB8] =	vst v0  }
0x57a: {  	[tilespmem:$0x5FA8] =	vst v0  }
0x57b: {  	[tilespmem:$0x5F98] =	vst v0  }
0x57c: {  	[tilespmem:$0x5F88] =	vst v0  }
0x57d: {  	[tilespmem:$0x5F78] =	vst v0  }
0x57e: {  	[tilespmem:$0x5F68] =	vst v0  }
0x57f: {  	[tilespmem:$0x5F58] =	vst v0  }
0x580: {  	[tilespmem:$0x5F48] =	vst v0  }
0x581: {  	[tilespmem:$0x5F38] =	vst v0  }
0x582: {  	[tilespmem:$0x5F28] =	vst v0  }
0x583: {  	[tilespmem:$0x5F18] =	vst v0  }
0x584: {  	[tilespmem:$0x5F08] =	vst v0  }
0x585: {  	[tilespmem:$0x5EF8] =	vst v0  }
0x586: {  	[tilespmem:$0x5EE8] =	vst v0  }
0x587: {  	[tilespmem:$0x5ED8] =	vst v0  }
0x588: {  	[tilespmem:$0x5EC8] =	vst v0  }
0x589: {  	[tilespmem:$0x5EB8] =	vst v0  }
0x58a: {  	[tilespmem:$0x5EA8] =	vst v0  }
0x58b: {  	[tilespmem:$0x5E98] =	vst v0  }
0x58c: {  	[tilespmem:$0x5E88] =	vst v0  }
0x58d: {  	[tilespmem:$0x5E78] =	vst v0  }
0x58e: {  	[tilespmem:$0x5E68] =	vst v0  }
0x58f: {  	[tilespmem:$0x5E58] =	vst v0  }
0x590: {  	[tilespmem:$0x5E48] =	vst v0  }
0x591: {  	[tilespmem:$0x5E38] =	vst v0  }
0x592: {  	[tilespmem:$0x5E28] =	vst v0  }
0x593: {  	[tilespmem:$0x5E18] =	vst v0  }
0x594: {  	[tilespmem:$0x5E08] =	vst v0  }
0x595: {  	[tilespmem:$0x5DF8] =	vst v0  }
0x596: {  	[tilespmem:$0x5DE8] =	vst v0  }
0x597: {  	[tilespmem:$0x5DD8] =	vst v0  }
0x598: {  	[tilespmem:$0x5DC8] =	vst v0  }
0x599: {  	[tilespmem:$0x5DB8] =	vst v0  }
0x59a: {  	[tilespmem:$0x5DA8] =	vst v0  }
0x59b: {  	[tilespmem:$0x5D98] =	vst v0  }
0x59c: {  	[tilespmem:$0x5D88] =	vst v0  }
0x59d: {  	[tilespmem:$0x5D78] =	vst v0  }
0x59e: {  	[tilespmem:$0x5D68] =	vst v0  }
0x59f: {  	[tilespmem:$0x5D58] =	vst v0  }
0x5a0: {  	[tilespmem:$0x5D48] =	vst v0  }
0x5a1: {  	[tilespmem:$0x5D38] =	vst v0  }
0x5a2: {  	[tilespmem:$0x5D28] =	vst v0  }
0x5a3: {  	[tilespmem:$0x5D18] =	vst v0  }
0x5a4: {  	[tilespmem:$0x5D08] =	vst v0  }
0x5a5: {  	[tilespmem:$0x5CF8] =	vst v0  }
0x5a6: {  	[tilespmem:$0x5CE8] =	vst v0  }
0x5a7: {  	[tilespmem:$0x5CD8] =	vst v0  }
0x5a8: {  	[tilespmem:$0x5CC8] =	vst v0  }
0x5a9: {  	[tilespmem:$0x5CB8] =	vst v0  }
0x5aa: {  	[tilespmem:$0x5CA8] =	vst v0  }
0x5ab: {  	[tilespmem:$0x5C98] =	vst v0  }
0x5ac: {  	[tilespmem:$0x5C88] =	vst v0  }
0x5ad: {  	[tilespmem:$0x5C78] =	vst v0  }
0x5ae: {  	[tilespmem:$0x5C68] =	vst v0  }
0x5af: {  	[tilespmem:$0x5C58] =	vst v0  }
0x5b0: {  	[tilespmem:$0x5C48] =	vst v0  }
0x5b1: {  	[tilespmem:$0x5C38] =	vst v0  }
0x5b2: {  	[tilespmem:$0x5C28] =	vst v0  }
0x5b3: {  	[tilespmem:$0x5C18] =	vst v0  }
0x5b4: {  	[tilespmem:$0x5C08] =	vst v0  }
0x5b5: {  	[tilespmem:$0x5BF8] =	vst v0  }
0x5b6: {  	[tilespmem:$0x5BE8] =	vst v0  }
0x5b7: {  	[tilespmem:$0x5BD8] =	vst v0  }
0x5b8: {  	[tilespmem:$0x5BC8] =	vst v0  }
0x5b9: {  	[tilespmem:$0x5BB8] =	vst v0  }
0x5ba: {  	[tilespmem:$0x5BA8] =	vst v0  }
0x5bb: {  	[tilespmem:$0x5B98] =	vst v0  }
0x5bc: {  	[tilespmem:$0x5B88] =	vst v0  }
0x5bd: {  	[tilespmem:$0x5B78] =	vst v0  }
0x5be: {  	[tilespmem:$0x5B68] =	vst v0  }
0x5bf: {  	[tilespmem:$0x5B58] =	vst v0  }
0x5c0: {  	[tilespmem:$0x5B48] =	vst v0  }
0x5c1: {  	[tilespmem:$0x5B38] =	vst v0  }
0x5c2: {  	[tilespmem:$0x5B28] =	vst v0  }
0x5c3: {  	[tilespmem:$0x5B18] =	vst v0  }
0x5c4: {  	[tilespmem:$0x5B08] =	vst v0  }
0x5c5: {  	[tilespmem:$0x5AF8] =	vst v0  }
0x5c6: {  	[tilespmem:$0x5AE8] =	vst v0  }
0x5c7: {  	[tilespmem:$0x5AD8] =	vst v0  }
0x5c8: {  	[tilespmem:$0x5AC8] =	vst v0  }
0x5c9: {  	[tilespmem:$0x5AB8] =	vst v0  }
0x5ca: {  	[tilespmem:$0x5AA8] =	vst v0  }
0x5cb: {  	[tilespmem:$0x5A98] =	vst v0  }
0x5cc: {  	[tilespmem:$0x5A88] =	vst v0  }
0x5cd: {  	[tilespmem:$0x5A78] =	vst v0  }
0x5ce: {  	[tilespmem:$0x5A68] =	vst v0  }
0x5cf: {  	[tilespmem:$0x5A58] =	vst v0  }
0x5d0: {  	[tilespmem:$0x5A48] =	vst v0  }
0x5d1: {  	[tilespmem:$0x5A38] =	vst v0  }
0x5d2: {  	[tilespmem:$0x5A28] =	vst v0  }
0x5d3: {  	[tilespmem:$0x5A18] =	vst v0  }
0x5d4: {  	[tilespmem:$0x5A08] =	vst v0  }
0x5d5: {  	[tilespmem:$0x59F8] =	vst v0  }
0x5d6: {  	[tilespmem:$0x59E8] =	vst v0  }
0x5d7: {  	[tilespmem:$0x59D8] =	vst v0  }
0x5d8: {  	[tilespmem:$0x59C8] =	vst v0  }
0x5d9: {  	[tilespmem:$0x59B8] =	vst v0  }
0x5da: {  	[tilespmem:$0x59A8] =	vst v0  }
0x5db: {  	[tilespmem:$0x5998] =	vst v0  }
0x5dc: {  	[tilespmem:$0x5988] =	vst v0  }
0x5dd: {  	[tilespmem:$0x5978] =	vst v0  }
0x5de: {  	[tilespmem:$0x5968] =	vst v0  }
0x5df: {  	[tilespmem:$0x5958] =	vst v0  }
0x5e0: {  	[tilespmem:$0x5948] =	vst v0  }
0x5e1: {  	[tilespmem:$0x5938] =	vst v0  }
0x5e2: {  	[tilespmem:$0x5928] =	vst v0  }
0x5e3: {  	[tilespmem:$0x5918] =	vst v0  }
0x5e4: {  	[tilespmem:$0x5908] =	vst v0  }
0x5e5: {  	[tilespmem:$0x58F8] =	vst v0  }
0x5e6: {  	[tilespmem:$0x58E8] =	vst v0  }
0x5e7: {  	[tilespmem:$0x58D8] =	vst v0  }
0x5e8: {  	[tilespmem:$0x58C8] =	vst v0  }
0x5e9: {  	[tilespmem:$0x58B8] =	vst v0  }
0x5ea: {  	[tilespmem:$0x58A8] =	vst v0  }
0x5eb: {  	[tilespmem:$0x5898] =	vst v0  }
0x5ec: {  	[tilespmem:$0x5888] =	vst v0  }
0x5ed: {  	[tilespmem:$0x5878] =	vst v0  }
0x5ee: {  	[tilespmem:$0x5868] =	vst v0  }
0x5ef: {  	[tilespmem:$0x5858] =	vst v0  }
0x5f0: {  	[tilespmem:$0x5848] =	vst v0  }
0x5f1: {  	[tilespmem:$0x5838] =	vst v0  }
0x5f2: {  	[tilespmem:$0x5828] =	vst v0  }
0x5f3: {  	[tilespmem:$0x5818] =	vst v0  }
0x5f4: {  	[tilespmem:$0x5808] =	vst v0  }
0x5f5: {  	[tilespmem:$0x57F8] =	vst v0  }
0x5f6: {  	[tilespmem:$0x57E8] =	vst v0  }
0x5f7: {  	[tilespmem:$0x57D8] =	vst v0  }
0x5f8: {  	[tilespmem:$0x57C8] =	vst v0  }
0x5f9: {  	[tilespmem:$0x57B8] =	vst v0  }
0x5fa: {  	[tilespmem:$0x57A8] =	vst v0  }
0x5fb: {  	[tilespmem:$0x5798] =	vst v0  }
0x5fc: {  	[tilespmem:$0x5788] =	vst v0  }
0x5fd: {  	[tilespmem:$0x5778] =	vst v0  }
0x5fe: {  	[tilespmem:$0x5768] =	vst v0  }
0x5ff: {  	[tilespmem:$0x5758] =	vst v0  }
0x600: {  	[tilespmem:$0x5748] =	vst v0  }
0x601: {  	[tilespmem:$0x5738] =	vst v0  }
0x602: {  	[tilespmem:$0x5728] =	vst v0  }
0x603: {  	[tilespmem:$0x5718] =	vst v0  }
0x604: {  	[tilespmem:$0x5708] =	vst v0  }
0x605: {  	[tilespmem:$0x56F8] =	vst v0  }
0x606: {  	[tilespmem:$0x56E8] =	vst v0  }
0x607: {  	[tilespmem:$0x56D8] =	vst v0  }
0x608: {  	[tilespmem:$0x56C8] =	vst v0  }
0x609: {  	[tilespmem:$0x56B8] =	vst v0  }
0x60a: {  	[tilespmem:$0x56A8] =	vst v0  }
0x60b: {  	[tilespmem:$0x5698] =	vst v0  }
0x60c: {  	[tilespmem:$0x5688] =	vst v0  }
0x60d: {  	[tilespmem:$0x5678] =	vst v0  }
0x60e: {  	[tilespmem:$0x5668] =	vst v0  }
0x60f: {  	[tilespmem:$0x5658] =	vst v0  }
0x610: {  	[tilespmem:$0x5648] =	vst v0  }
0x611: {  	[tilespmem:$0x5638] =	vst v0  }
0x612: {  	[tilespmem:$0x5628] =	vst v0  }
0x613: {  	[tilespmem:$0x5618] =	vst v0  }
0x614: {  	[tilespmem:$0x5608] =	vst v0  }
0x615: {  	[tilespmem:$0x55F8] =	vst v0  }
0x616: {  	[tilespmem:$0x55E8] =	vst v0  }
0x617: {  	[tilespmem:$0x55D8] =	vst v0  }
0x618: {  	[tilespmem:$0x55C8] =	vst v0  }
0x619: {  	[tilespmem:$0x55B8] =	vst v0  }
0x61a: {  	[tilespmem:$0x55A8] =	vst v0  }
0x61b: {  	[tilespmem:$0x5598] =	vst v0  }
0x61c: {  	[tilespmem:$0x5588] =	vst v0  }
0x61d: {  	[tilespmem:$0x5578] =	vst v0  }
0x61e: {  	[tilespmem:$0x5568] =	vst v0  }
0x61f: {  	[tilespmem:$0x5558] =	vst v0  }
0x620: {  	[tilespmem:$0x5548] =	vst v0  }
0x621: {  	[tilespmem:$0x5538] =	vst v0  }
0x622: {  	[tilespmem:$0x5528] =	vst v0  }
0x623: {  	[tilespmem:$0x5518] =	vst v0  }
0x624: {  	[tilespmem:$0x5508] =	vst v0  }
0x625: {  	[tilespmem:$0x54F8] =	vst v0  }
0x626: {  	[tilespmem:$0x54E8] =	vst v0  }
0x627: {  	[tilespmem:$0x54D8] =	vst v0  }
0x628: {  	[tilespmem:$0x54C8] =	vst v0  }
0x629: {  	[tilespmem:$0x54B8] =	vst v0  }
0x62a: {  	[tilespmem:$0x54A8] =	vst v0  }
0x62b: {  	[tilespmem:$0x5498] =	vst v0  }
0x62c: {  	[tilespmem:$0x5488] =	vst v0  }
0x62d: {  	[tilespmem:$0x5478] =	vst v0  }
0x62e: {  	[tilespmem:$0x5468] =	vst v0  }
0x62f: {  	[tilespmem:$0x5458] =	vst v0  }
0x630: {  	[tilespmem:$0x5448] =	vst v0  }
0x631: {  	[tilespmem:$0x5438] =	vst v0  }
0x632: {  	[tilespmem:$0x5428] =	vst v0  }
0x633: {  	[tilespmem:$0x5418] =	vst v0  }
0x634: {  	[tilespmem:$0x5408] =	vst v0  }
0x635: {  	[tilespmem:$0x53F8] =	vst v0  }
0x636: {  	[tilespmem:$0x53E8] =	vst v0  }
0x637: {  	[tilespmem:$0x53D8] =	vst v0  }
0x638: {  	[tilespmem:$0x53C8] =	vst v0  }
0x639: {  	[tilespmem:$0x53B8] =	vst v0  }
0x63a: {  	[tilespmem:$0x53A8] =	vst v0  }
0x63b: {  	[tilespmem:$0x5398] =	vst v0  }
0x63c: {  	[tilespmem:$0x5388] =	vst v0  }
0x63d: {  	[tilespmem:$0x5378] =	vst v0  }
0x63e: {  	[tilespmem:$0x5368] =	vst v0  }
0x63f: {  	[tilespmem:$0x5358] =	vst v0  }
0x640: {  	[tilespmem:$0x5348] =	vst v0  }
0x641: {  	[tilespmem:$0x5338] =	vst v0  }
0x642: {  	[tilespmem:$0x5328] =	vst v0  }
0x643: {  	[tilespmem:$0x5318] =	vst v0  }
0x644: {  	[tilespmem:$0x5308] =	vst v0  }
0x645: {  	[tilespmem:$0x52F8] =	vst v0  }
0x646: {  	[tilespmem:$0x52E8] =	vst v0  }
0x647: {  	[tilespmem:$0x52D8] =	vst v0  }
0x648: {  	[tilespmem:$0x52C8] =	vst v0  }
0x649: {  	[tilespmem:$0x52B8] =	vst v0  }
0x64a: {  	[tilespmem:$0x52A8] =	vst v0  }
0x64b: {  	[tilespmem:$0x5298] =	vst v0  }
0x64c: {  	[tilespmem:$0x5288] =	vst v0  }
0x64d: {  	[tilespmem:$0x5278] =	vst v0  }
0x64e: {  	[tilespmem:$0x5268] =	vst v0  }
0x64f: {  	[tilespmem:$0x5258] =	vst v0  }
0x650: {  	[tilespmem:$0x5248] =	vst v0  }
0x651: {  	[tilespmem:$0x5238] =	vst v0  }
0x652: {  	[tilespmem:$0x5228] =	vst v0  }
0x653: {  	[tilespmem:$0x5218] =	vst v0  }
0x654: {  	[tilespmem:$0x5208] =	vst v0  }
0x655: {  	[tilespmem:$0x51F8] =	vst v0  }
0x656: {  	[tilespmem:$0x51E8] =	vst v0  }
0x657: {  	s10 =	stileid.u32;
	[tilespmem:$0x51D8] =	vst v0  }
0x658: {  	s0 =	smul.u32 $0x23, s10;
	[tilespmem:$0x51C8] =	vst v0  }
0x659: {  	s1 =	smin.u32 s10, $0x6;
	[tilespmem:$0x51B8] =	vst v0  }
0x65a: {  	[tilespmem:$0x5188] =	vst v0;
	s0 =	sadd.s32 s1, s0  }
0x65b: {  	p0 =	slt.u32 s10, $0x6;
	[tilespmem:$0x5198] =	vst v0;
	s1 =	simm.s32 $0x2AC0;
	s8 =	smul.u32 $0x130, s0  }
0x65c: {  	s1 =	simm.s32 @!p0 $0x2990;
	[tilespmem:$0x5178] =	vst v0  }
0x65d: {  	[tilespmem:$0x5118] =	vst v0;
	s0 =	sadd.s32 s1, s8  }
0x65e: {  	s6 =	simm.s32 $0x2;
	s29 =	simm.s32 $0x9;
	[tilespmem:$0x5168] =	vst v0;
	s9 =	smin.u32 s0, $0x2A000  }
0x65f: {  	s30 =	simm.s32 $0xA;
	s12 =	simm.s32 $0xB;
	[tilespmem:$0x5158] =	vst v0;
	s0 =	ssub.s32 s9, s8  }
0x660: {  	s18 =	simm.s32 $0x0;
	p1 =	por $0x0, $0x0;
	[tilespmem:$0x5148] =	vst v0;
	p0 =	sgt.s32 s0, $0x0  }
0x661: {  	s19 =	simm.s32 $0xC;
	s23 =	simm.s32 $0x0;
	[tilespmem:$0x5138] =	vst v0;
	s0 =	simm.s32 @!p0 $0x0  }
0x662: {  	s20 =	simm.s32 $0x0;
	s22 =	simm.s32 $0x0;
	[tilespmem:$0x5128] =	vst v0;
	s28 =	smulhi.u32 $0x6BCA1AF3, s0  }
0x663: {  	s2 =	sand.u32 $0x1, s2;
	s31 =	smul.u32 $0x280, s10;
	[tilespmem:$0x5108] =	vst v0;
	[sflag:s6] =	ssyncpa.u1 $0x0  }
0x664: {  	v0 =	vimm.s32 $0xFFFFFFFF;
	[dreg:$0x4] =	wrdreg s2;
	s2 =	smul.u32 $0x5400, s2;
	s1 =	sshrl.u32 s28, $0x7  }
0x665: {  	s5 =	sadd.s32 $0x5E00, s4;
	[tilespmem:$0xBF48] =	vst v0;
	[sflag:s29] =	ssyncpa.u1 $0x0;
	s7 =	smul.u32 $0x130, s1  }
.Ltmp7:
0x666: {  	s16 =	sshrl.u32 s31, $0x2;
	s2 =	sadd.s32 s2, s4;
	(pc) =	sbr.rel .LBB3_1-.Ltmp7, $4  }
0x667: {  	[sflag:s30] =	ssyncpa.u1 $0x0;
	p0 =	sne.s32 s0, s7;
	s0 =	simm.s32 $0x1  }
0x668: {  	s4 =	sadd.s32 $0x1B9A800, s4;
	[sflag:s12] =	ssyncpa.u1 $0x0;
	s0 =	simm.s32 @!p0 $0x0  }
0x669: {  	s14 =	sadd.s32 $0x2FC00, s2;
	s15 =	sadd.s32 $0x4AA00, s2;
	s13 =	sadd.s32 s0, s1  }
0x66a: {  	v0 =	vlaneseq.u32;
	s21 =	smov.u32 s8;
	p0 =	por $0x1, $0x1;
	s17 =	sadd.s32 $0x1, s13  }
.LBB3_22:
0x66b: {  	s0 =	sshrl.u32 s0, $0x2  }
.LBB3_24:
0x66c: {  	_ =	swait.ge [sflag:s19], s0  }
0x66d: {  	s30 =	ssub.s32 $0x0, s0;
	v1 =	vmov s25;
	vm0 =	veq.s32 v0, $0x0;
	[sflag:s19] =	ssyncset.done $0x0  }
0x66e: {  	vm15 =	veq.s32 v0, $0x2;
	v1 =	vsel vm0, s31, v1;
	[sflag:s19] =	ssyncadd.s32 s30  }
0x66f: {  	v1 =	vsel vm15, s23, v1;
	[sflag:s19] =	ssyncpa.u1 $0x1  }
0x670: {  	[tilespmem:$0xBF48] =	vst v1  }
.LBB3_25:
0x671: {  	s0 =	sadd.s32 $0x130, s21  }
0x672: {  	s1 =	smov.u32 s8;
	p2 =	slt.s32 s0, s9  }
0x673: {  	s1 =	smov.u32 @p2 s0;
	p2 =	sne.s32 s22, s17  }
.Ltmp8:
0x674: {  	_ = 	snop;
	(pc) =	sbr.rel @!p2 .LBB3_26-.Ltmp8, $4  }
0x675: {  	_ = 	snop  }
0x676: {  	s23 =	smov.u32 s20  }
0x677: {  	s31 =	sadd.s32 $0x1, s22;
	s20 =	smov.u32 s21;
	p0 =	por !p0, !p0  }
0x678: {  	p1 =	por !p1, !p1;
	s22 =	smov.u32 s31;
	s21 =	smov.u32 s1  }
.LBB3_1:
0x679: {  	p2 =	sge.u32 s22, s13  }
0x67a: {  	s0 =	smulhi.u32 @!p2 $0xAAAAAAAB, s22  }
0x67b: {  	s1 =	smov.u32 s21;
	p3 =	sgt.s32 @!p2 s21, $0x29ED0  }
0x67c: {  	s2 =	sshra.s32 @!p2 s21, $0x1F;
	p3 =	por !p3, p2;
	s0 =	sshrl.u32 @!p2 s0, $0x1  }
0x67d: {  	s2 =	sand.u32 @!p2 s2, s21;
	s1 =	simm.s32 @p3 $0x29ED0;
	s0 =	smul.u32 @!p2 $0x3, s0  }
0x67e: {  	s1 =	ssub.s32 @!p2 s1, s2  }
0x67f: {  	s1 =	sadd.s32 @!p2 $0xFFFD6130, s1;
	s0 =	ssub.s32 @!p2 s22, s0  }
0x680: {  	s2 =	sshll.u32 @!p2 s1, $0x2;
	p3 =	sgt.s32 @!p2 s1, $0x12F;
	s0 =	smul.u32 @!p2 $0x4C0, s0  }
0x681: {  	s6 =	sand.u32 @!p2 $0x7, s21;
	s1 =	ssub.s32 @!p2 $0x4C0, s2;
	p3 =	por !p3, p2  }
0x682: {  	s2 =	sshrl.u32 @!p2 s21, $0x3;
	s1 =	sshrl.u32 @!p2 s1, $0x2;
	s0 =	sshrl.u32 @!p2 s0, $0x2  }
0x683: {  	s2 =	sadd.s32 @!p2 s2, s14;
	s1 =	simm.s32 @!p3 $0x0;
	s0 =	sadd.s32 @!p2 $0xC988, s0  }
0x684: {  	[tilespmem:s0], [sflag:$0xA] =	stream.linear.gather @!p2 [hbm4b:s2+s6], s1, $0x38;
	[tilespmem:$0x1FF78] =	vst v63  }
0x685: {  	s1 =	sadd.s32 $0xFFFFFFFF, s22  }
0x686: {  	p2 =	sge.u32 s1, s13  }
0x687: {  	p3 =	sgt.s32 @!p2 s20, $0x29ED0  }
0x688: {  	s0 =	smov.u32 s20;
	s2 =	sshra.s32 @!p2 s20, $0x1F;
	p3 =	por !p3, p2  }
0x689: {  	s2 =	sand.u32 @!p2 s2, s20;
	s0 =	simm.s32 @p3 $0x29ED0  }
0x68a: {  	s0 =	ssub.s32 @!p2 s0, s2  }
0x68b: {  	s0 =	sadd.s32 @!p2 $0xFFFD6130, s0  }
0x68c: {  	s2 =	sshll.u32 @!p2 s0, $0x2  }
0x68d: {  	p3 =	sgt.s32 @!p2 s0, $0x12F;
	s0 =	ssub.s32 @!p2 $0x4C0, s2  }
0x68e: {  	p3 =	por !p3, p2;
	s0 =	sshrl.u32 @!p2 s0, $0x2  }
0x68f: {  	s6 =	simm.s32 @!p2 $0xA;
	s2 =	sand.u32 @!p2 $0x1, s1;
	s0 =	simm.s32 @!p3 $0x0  }
0x690: {  	s2 =	smul.u32 @!p2 $0x4C0, s2;
	_ =	swait.ge @!p2 [sflag:s6], s0  }
0x691: {  	s7 =	ssub.s32 @!p2 $0x0, s0;
	[sflag:s6] =	ssyncset.done @!p2 $0x0  }
0x692: {  	s2 =	sshrl.u32 @!p2 s2, $0x2;
	[sflag:s6] =	ssyncadd.s32 @!p2 s7;
	s6 =	sshrl.u32 @!p2 s20, $0x3  }
0x693: {  	s2 =	sadd.s32 @!p2 $0xCD18, s2;
	s7 =	sand.u32 @!p2 $0x7, s20;
	s6 =	sadd.s32 @!p2 s6, s15  }
0x694: {  	[tilespmem:s2], [sflag:$0xB] =	stream.linear.gather @!p2 [hbm4b:s6+s7], s0, $0x38;
	[tilespmem:$0x1FF78] =	vst v63  }
0x695: {  	s0 =	ssub.s32 @!p2 $0x2A000, s20  }
0x696: {  	p3 =	slt.s32 @!p2 s0, $0x1  }
0x697: {  	p3 =	por p2, p3  }
.Ltmp9:
0x698: {  	_ = 	snop;
	(pc) =	sbr.rel @p3 .LBB3_7-.Ltmp9, $1  }
0x699: {  	_ =	sdelay $0x3  }
0x69a: {  	s2 =	smulhi.u32 $0xAAAAAAAB, s1;
	_ =	sdelay $0x1  }
0x69b: {  	s2 =	sshrl.u32 s2, $0x1  }
0x69c: {  	s2 =	smul.u32 $0x3, s2;
	_ =	sdelay $0x1  }
0x69d: {  	s29 =	ssub.s32 s1, s2  }
0x69e: {  	s6 =	simm.s32 $0x1;
	s1 =	smul.u32 $0x4C0, s29  }
.Ltmp10:
0x69f: {  	s6 =	simm.s32 @!p0 $0x0;
	(pc) =	sbr.rel .LBB3_4-.Ltmp10, $4  }
0x6a0: {  	s30 =	smul.u32 $0x26000, s6  }
0x6a1: {  	p3 =	slt.s32 @!p2 s0, $0x130;
	s1 =	sshrl.u32 s1, $0x2  }
0x6a2: {  	p2 =	por !p3, p2;
	s2 =	sshrl.u32 s30, $0x2;
	s31 =	sadd.s32 $0xC988, s1  }
0x6a3: {  	s24 =	simm.s32 $0x0;
	s0 =	simm.s32 @p2 $0x130;
	s1 =	sadd.s32 $0xCF78, s2;
	v1 =	vmov s31  }
.LBB3_3:
0x6a4: {  	p2 =	sge.s32 s24, s0  }
.Ltmp11:
0x6a5: {  	_ = 	snop;
	(pc) =	sbr.rel @p2 .LBB3_7-.Ltmp11, $2  }
0x6a6: {  	_ =	sdelay $0x2  }
0x6a7: {  	s1 =	sadd.s32 $0x800, s1  }
.LBB3_4:
0x6a8: {  	p2 =	sle.s32 s0, s24  }
.Ltmp12:
0x6a9: {  	_ = 	snop;
	(pc) =	sbr.rel @p2 .LBB3_3-.Ltmp12, $2  }
0x6aa: {  	_ =	sdelay $0x2  }
0x6ab: {  	s2 =	smov.u32 s24;
	s24 =	sadd.s32 $0x10, s24  }
0x6ac: {  	s6 =	ssub.s32 s0, s2  }
0x6ad: {  	p2 =	slt.s32 s6, $0x10  }
0x6ae: {  	s6 =	simm.s32 @!p2 $0x10  }
0x6af: {  	v2 =	vmov s6  }
0x6b0: {  	vm0 =	vgt.s32 v2, v0;
	_ =	sdelay $0x5  }
0x6b1: {  	v2 =	vld.idx.msk [tilespmem:v1+s2+$0x0 ss:$0x1], vm0;
	_ =	sdelay $0x2  }
0x6b2: {  	s7 =	smov.u32 s0;
	p2 =	slt.s32 s24, s0  }
0x6b3: {  	s25 =	simm.s32 $0x0;
	s7 =	smov.u32 @p2 s24;
	s6 =	smov.u32 s1  }
.LBB3_6:
0x6b4: {  	(v2sf) =	vpush v2, s25;
	_ =	sdelay $0xc  }
0x6b5: {  	s25 =	sadd.s32 $0x1, s25  }
0x6b6: {  	s31 =	sadd.s32 s25, s2  }
0x6b7: {  	p2 =	slt.s32 s31, s7;
	s10 =	spop (v2sf)  }
.Ltmp13:
0x6b8: {  	s10 =	sshll.u32 s10, $0x4;
	(pc) =	sbr.rel @p2 .LBB3_6-.Ltmp13, $4  }
0x6b9: {  	s10 =	sand.u32 $0x1FFFFFF0, s10  }
0x6ba: {  	s10 =	sadd.s32 s4, s10  }
0x6bb: {  	[tilespmem:s6], [sflag:$0x9] =	stream.linear.gather [hbm4b:s10+s18], $0x50, $0x38;
	[tilespmem:$0x1FF78] =	vst v63  }
0x6bc: {  	s6 =	sadd.s32 $0x80, s6  }
.Ltmp14:
0x6bd: {  	_ = 	snop;
	(pc) =	sbr.rel .LBB3_3-.Ltmp14, $1  }
0x6be: {  	_ =	sdelay $0x3  }
.LBB3_7:
0x6bf: {  	p2 =	slt.u32 s22, $0x2  }
.Ltmp15:
0x6c0: {  	_ = 	snop;
	(pc) =	sbr.rel @p2 .LBB3_25-.Ltmp15, $1  }
0x6c1: {  	_ =	sdelay $0x3  }
0x6c2: {  	s0 =	ssub.s32 $0x2A000, s23;
	p2 =	sgt.s32 s23, $0x29ED0  }
0x6c3: {  	s1 =	smov.u32 s23;
	s2 =	sshra.s32 s23, $0x1F;
	p3 =	slt.s32 s0, $0x130  }
0x6c4: {  	s1 =	simm.s32 @!p2 $0x29ED0;
	s2 =	sand.u32 s2, s23;
	s0 =	simm.s32 @!p3 $0x130  }
0x6c5: {  	s1 =	ssub.s32 s1, s2;
	s0 =	smul.u32 $0x140, s0  }
0x6c6: {  	s1 =	sadd.s32 $0xFFFD6130, s1  }
0x6c7: {  	s25 =	simm.s32 $0x9;
	s11 =	sshll.u32 s1, $0x2;
	s0 =	sshrl.u32 s0, $0x2  }
0x6c8: {  	p2 =	sgt.s32 s1, $0x12F;
	s24 =	ssub.s32 $0x4C0, s11;
	_ =	swait.ge [sflag:s25], s0  }
0x6c9: {  	s0 =	ssub.s32 $0x0, s0;
	s1 =	sshrl.u32 s24, $0x2;
	[sflag:s25] =	ssyncset.done $0x0  }
0x6ca: {  	s1 =	simm.s32 @p2 $0x0;
	[sflag:s25] =	ssyncadd.s32 s0  }
0x6cb: {  	_ =	swait.ge [sflag:s12], s1  }
0x6cc: {  	s26 =	ssub.s32 $0x0, s1;
	[sflag:s12] =	ssyncset.done $0x0  }
0x6cd: {  	[sflag:s12] =	ssyncadd.s32 s26  }
0x6ce: {  	v1 =	vld [tilespmem:$0xBF48];
	_ =	sdelay $0x4  }
0x6cf: {  	(v2sf) =	vpush v1, $0x0  }
0x6d0: {  	(v2sf) =	vpush v1, $0x1  }
0x6d1: {  	(v2sf) =	vpush v1, $0x2;
	_ =	sdelay $0x3  }
0x6d2: {  	s0 =	sadd.s32 $0x130, s23  }
0x6d3: {  	p2 =	slt.s32 s9, s0;
	s1 =	ssub.s32 $0x54000, s23  }
0x6d4: {  	s0 =	smov.u32 @p2 s9;
	p2 =	sgt.s32 s1, $0x0  }
0x6d5: {  	s0 =	ssub.s32 s0, s23;
	s1 =	simm.s32 @!p2 $0x0  }
0x6d6: {  	p2 =	slt.s32 s1, s0  }
0x6d7: {  	s0 =	smov.u32 @p2 s1  }
0x6d8: {  	s26 =	simm.s32 $0x1;
	p2 =	slt.s32 s0, $0x1  }
.Ltmp16:
0x6d9: {  	s26 =	simm.s32 @!p1 $0x0;
	(pc) =	sbr.rel @p2 .LBB3_12-.Ltmp16, $4  }
0x6da: {  	s30 =	smul.u32 $0x4C0, s26  }
0x6db: {  	s28 =	spop (v2sf)  }
0x6dc: {  	s31 =	sshrl.u32 s30, $0x2;
	s29 =	spop (v2sf)  }
0x6dd: {  	s24 =	sadd.s32 $0xCD18, s31;
	s23 =	spop (v2sf)  }
0x6de: {  	s1 =	smin.u32 s0, $0x10  }
0x6df: {  	v1 =	vmov s1  }
0x6e0: {  	p3 =	sgt.s32 s0, $0x10;
	vm1 =	vgt.u32 v1, v0  }
.Ltmp17:
0x6e1: {  	_ = 	snop;
	(pc) =	sbr.rel @!p3 .LBB3_11-.Ltmp17, $2  }
0x6e2: {  	_ =	sdelay $0x2  }
0x6e3: {  	s2 =	simm.s32 $0x10;
	s25 =	sadd.s32 $0xFFFFFFF0, s0;
	s1 =	smov.u32 s24;
	vm0 =	vmmov vm1  }
.LBB3_10:
0x6e4: {  	s6 =	smin.u32 s25, $0x10;
	s2 =	sadd.s32 $0x10, s2;
	v1 =	vld.msk [tilespmem:s1+$0x0 ss:$0x1], vm1  }
0x6e5: {  	v2 =	vmov s6;
	p3 =	slt.s32 s2, s0  }
0x6e6: {  	vm1 =	vgt.u32 v2, v0  }
.Ltmp18:
0x6e7: {  	(pc) =	sbr.rel @p3 .LBB3_10-.Ltmp18, $3  }
0x6e8: {  	_ =	sdelay $0x1  }
0x6e9: {  	v1 =	vshll.u32 v1, $0x4  }
0x6ea: {  	s25 =	sadd.s32 $0xFFFFFFF0, s25;
	[tilespmem:s1+$0x0] =	vst.msk vm0, v1;
	s1 =	sadd.s32 $0x10, s1;
	vm0 =	vmmov vm1  }
.LBB3_11:
0x6eb: {  	_ =	sdelay $0x4  }
0x6ec: {  	v1 =	vld.msk [tilespmem:s1+$0x0 ss:$0x1], vm1;
	_ =	sdelay $0x4  }
0x6ed: {  	v1 =	vshll.u32 v1, $0x4  }
0x6ee: {  	[tilespmem:s1+$0x0] =	vst.msk vm0, v1  }
.LBB3_12:
0x6ef: {  	s1 =	sand.u32 $0x1, s22  }
0x6f0: {  	s2 =	smul.u32 $0x9800, s1  }
0x6f1: {  	p3 =	sne.s32 s29, $0xFFFFFFFF  }
0x6f2: {  	v1 =	vld @!p3 [tilespmem:s2+$0xCF78];
	_ =	sdelay $0x2  }
0x6f3: {  	s1 =	smul.u32 $0x130, s1;
	_ =	sdelay $0x1  }
0x6f4: {  	v2 =	vld.msk @!p3 [tilespmem:s1+$0xCD18], $0x1;
	[tilespmem:$0xA8] =	vst @!p3 v1  }
0x6f5: {  	v1 =	vld @!p3 [tilespmem:s2+$0xCF88];
	_ =	sdelay $0x4  }
0x6f6: {  	[tilespmem:$0xB8] =	vst @!p3 v1  }
0x6f7: {  	(v2sf) =	vpush @!p3 v2, $0x0;
	v1 =	vld @!p3 [tilespmem:s2+$0xCF98];
	_ =	sdelay $0x4  }
0x6f8: {  	[tilespmem:$0xC8] =	vst @!p3 v1  }
0x6f9: {  	v1 =	vld @!p3 [tilespmem:s2+$0xCFA8];
	_ =	sdelay $0x4  }
0x6fa: {  	[tilespmem:$0xD8] =	vst @!p3 v1  }
0x6fb: {  	v1 =	vld @!p3 [tilespmem:s2+$0xCFB8]  }
.Ltmp19:
0x6fc: {  	_ = 	snop;
	(pc) =	sbr.rel @p2 .LBB3_23-.Ltmp19, $4  }
0x6fd: {  	_ = 	snop  }
0x6fe: {  	s30 =	spop @!p3 (v2sf)  }
0x6ff: {  	s23 =	simm.s32 @!p3 $0x0;
	s25 =	smov.u32 s30  }
0x700: {  	s30 =	smov.u32 @p3 s28;
	s25 =	smov.u32 @p3 s29;
	[tilespmem:$0xE8] =	vst @!p3 v1;
	[sflag:s19] =	ssyncpa.u1 $0x0  }
0x701: {  	v1 =	vld.msk [tilespmem:s24+$0x0], $0x1;
	_ =	sdelay $0x4  }
0x702: {  	(v2sf) =	vpush v1, $0x0;
	_ =	sdelay $0xd  }
0x703: {  	s2 =	smul.u32 $0x26000, s26  }
0x704: {  	s26 =	ssub.s32 $0x0, s0;
	s28 =	simm.s32 $0x0;
	s1 =	spop (v2sf)  }
0x705: {  	s7 =	smov.u32 s30;
	s0 =	sadd.s32 $0x1, s26;
	p2 =	seq.s32 s30, s1  }
0x706: {  	p4 =	seq.s32 s0, $0x0;
	p3 =	sgt.s32 @!p2 s30, $0x0;
	s6 =	smul.u32 @!p2 $0x140, s28  }
.Ltmp20:
0x707: {  	s2 =	sshrl.u32 s2, $0x2;
	p3 =	por !p3, p2;
	(pc) =	sbr.rel @p4 .LBB3_15-.Ltmp20, $4  }
0x708: {  	s29 =	sadd.s32 $0xCF98, s2;
	s7 =	simm.s32 @p3 $0x0  }
0x709: {  	s2 =	simm.s32 @!p2 $0x1;
	s6 =	sshra.s32 @!p2 s6, $0x2;
	s10 =	smin.u32 @!p2 s7, $0x270F6  }
0x70a: {  	s2 =	smov.u32 @p2 s28;
	s7 =	sadd.s32 @!p2 $0x5FF8, s6;
	s31 =	sand.u32 @!p2 $0x3FFF8, s10  }
0x70b: {  	s6 =	sand.u32 @!p2 $0x7, s10;
	s10 =	sadd.s32 @!p2 s5, s31;
	s31 =	sadd.s32 $0x1, s24  }
.LBB3_14:
0x70c: {  	s11 =	smov.u32 s2  }
0x70d: {  	[tilespmem:s7], [sflag:$0x2] =	stream.linear.gather @!p2 [hbm4b:s10+s6], $0x50, $0x38;
	[tilespmem:$0x1FF78] =	vst v63  }
0x70e: {  	s0 =	sadd.s32 $0x1, s0;
	s6 =	smov.u32 s1;
	v1 =	vld.msk [tilespmem:s31+$0x0], $0x1  }
0x70f: {  	p3 =	seq.s32 s0, $0x0;
	_ =	sdelay $0x3  }
0x710: {  	(v2sf) =	vpush v1, $0x0;
	_ =	sdelay $0xe  }
0x711: {  	s1 =	spop (v2sf)  }
0x712: {  	p2 =	seq.s32 s6, s1  }
0x713: {  	p4 =	sgt.s32 @!p2 s6, $0x0;
	s7 =	smul.u32 @!p2 $0x140, s2;
	s2 =	sadd.s32 @!p2 $0x1, s2  }
.Ltmp21:
0x714: {  	p4 =	por !p4, p2;
	s2 =	smov.u32 @p2 s11;
	(pc) =	sbr.rel @!p3 .LBB3_14-.Ltmp21, $4  }
0x715: {  	s6 =	simm.s32 @p4 $0x0;
	s7 =	sshra.s32 @!p2 s7, $0x2  }
0x716: {  	s6 =	smin.u32 @!p2 s6, $0x270F6;
	s7 =	sadd.s32 @!p2 $0x5FF8, s7  }
0x717: {  	s10 =	sand.u32 @!p2 $0x3FFF8, s6;
	s6 =	sand.u32 @!p2 $0x7, s6  }
0x718: {  	s31 =	sadd.s32 $0x1, s31;
	s10 =	sadd.s32 @!p2 s5, s10  }
.LBB3_15:
0x719: {  	s0 =	smul.u32 $0x140, s2  }
0x71a: {  	[tilespmem:s7], [sflag:$0x2] =	stream.linear.gather @!p2 [hbm4b:s10+s6], $0x50, $0x38;
	[tilespmem:$0x1FF78] =	vst v63  }
.Ltmp22:
0x71b: {  	_ = 	snop;
	(pc) =	sbr.rel .LBB3_16-.Ltmp22, $4  }
0x71c: {  	s1 =	simm.s32 $0x2;
	s0 =	sshrl.u32 s0, $0x2  }
0x71d: {  	_ =	swait.ge [sflag:s1], s0  }
0x71e: {  	s0 =	ssub.s32 $0x0, s0;
	[sflag:s1] =	ssyncset.done $0x0  }
0x71f: {  	[sflag:s1] =	ssyncadd.s32 s0;
	s0 =	simm.s32 $0x0  }
.LBB3_17:
0x720: {  	v1 =	vld [tilespmem:s29+$0xFFFFFFE0]  }
0x721: {  	v2 =	vld [tilespmem:s1+$0xA8];
	_ =	sdelay $0x4  }
0x722: {  	v1 =	vmax.f32 v1, v2  }
0x723: {  	v2 =	vld [tilespmem:s1+$0xB8];
	[tilespmem:s1+$0xA8] =	vst v1  }
0x724: {  	v1 =	vld [tilespmem:s29+$0xFFFFFFF0];
	_ =	sdelay $0x4  }
0x725: {  	v1 =	vmax.f32 v1, v2  }
0x726: {  	v2 =	vld [tilespmem:s1+$0xC8];
	[tilespmem:s1+$0xB8] =	vst v1  }
0x727: {  	v1 =	vld [tilespmem:s29+$0x0];
	_ =	sdelay $0x4  }
0x728: {  	v1 =	vmax.f32 v1, v2  }
0x729: {  	v2 =	vld [tilespmem:s1+$0xD8];
	[tilespmem:s1+$0xC8] =	vst v1  }
0x72a: {  	v1 =	vld [tilespmem:s29+$0x10];
	_ =	sdelay $0x4  }
0x72b: {  	v1 =	vmax.f32 v1, v2  }
0x72c: {  	v2 =	vld [tilespmem:s1+$0xE8];
	[tilespmem:s1+$0xD8] =	vst v1  }
0x72d: {  	v1 =	vld [tilespmem:s29+$0x20];
	_ =	sdelay $0x4  }
0x72e: {  	v1 =	vmax.f32 v1, v2  }
0x72f: {  	[tilespmem:s1+$0xE8] =	vst v1  }
.LBB3_21:
0x730: {  	s26 =	sadd.s32 $0x1, s26  }
0x731: {  	p2 =	seq.s32 s26, $0x0  }
.Ltmp23:
0x732: {  	_ = 	snop;
	(pc) =	sbr.rel @p2 .LBB3_22-.Ltmp23, $2  }
0x733: {  	_ =	sdelay $0x2  }
0x734: {  	s24 =	sadd.s32 $0x1, s24;
	s29 =	sadd.s32 $0x80, s29;
	s30 =	smov.u32 s31  }
.LBB3_16:
0x735: {  	v1 =	vld.msk [tilespmem:s24+$0x0], $0x1;
	_ =	sdelay $0x4  }
0x736: {  	(v2sf) =	vpush v1, $0x0;
	_ =	sdelay $0xe  }
0x737: {  	s31 =	spop (v2sf)  }
0x738: {  	p2 =	sne.s32 s30, s31  }
.Ltmp24:
0x739: {  	_ = 	snop;
	(pc) =	sbr.rel @!p2 .LBB3_17-.Ltmp24, $3  }
0x73a: {  	_ = 	snop  }
0x73b: {  	s1 =	smul.u32 $0x140, s23;
	_ =	sdelay $0x1  }
0x73c: {  	s1 =	sshra.s32 s1, $0x2  }
0x73d: {  	p2 =	seq.s32 s30, s25  }
.Ltmp25:
0x73e: {  	_ = 	snop;
	(pc) =	sbr.rel @!p2 .LBB3_19-.Ltmp25, $1  }
0x73f: {  	_ =	sdelay $0x3  }
.Ltmp26:
0x740: {  	s1 =	sadd.s32 $0xA8, s1;
	(pc) =	sbr.rel .LBB3_20-.Ltmp26, $4  }
0x741: {  	[spmem:s16] =	stream.linear.scatter [tilespmem:s1], [sflag:$0x1], $0x50, $0x38;
	[tilespmem:$0x1FF78] =	vst v63  }
0x742: {  	_ =	swait.ge [sflag:s3], $0x50  }
0x743: {  	[sflag:s3] =	ssyncset.done $0x0  }
0x744: {  	[sflag:s3] =	ssyncadd.s32 $0xFFFFFFB0  }
.LBB3_19:
0x745: {  	s2 =	smul.u32 $0x140, s28;
	_ =	sdelay $0x1  }
0x746: {  	v2 =	vld [tilespmem:s1+$0xA8];
	s2 =	sshra.s32 s2, $0x2  }
0x747: {  	v1 =	vld [tilespmem:s2+$0x5FF8];
	_ =	sdelay $0x4  }
0x748: {  	v1 =	vmax.f32 v1, v2  }
0x749: {  	v2 =	vld [tilespmem:s1+$0xB8];
	[tilespmem:s1+$0xA8] =	vst v1  }
0x74a: {  	v1 =	vld [tilespmem:s2+$0x6008];
	_ =	sdelay $0x4  }
0x74b: {  	v1 =	vmax.f32 v1, v2  }
0x74c: {  	v2 =	vld [tilespmem:s1+$0xC8];
	[tilespmem:s1+$0xB8] =	vst v1  }
0x74d: {  	v1 =	vld [tilespmem:s2+$0x6018];
	_ =	sdelay $0x4  }
0x74e: {  	v1 =	vmax.f32 v1, v2  }
0x74f: {  	v2 =	vld [tilespmem:s1+$0xD8];
	[tilespmem:s1+$0xC8] =	vst v1  }
0x750: {  	v1 =	vld [tilespmem:s2+$0x6028];
	_ =	sdelay $0x4  }
0x751: {  	v1 =	vmax.f32 v1, v2  }
0x752: {  	v2 =	vld [tilespmem:s1+$0xE8];
	[tilespmem:s1+$0xD8] =	vst v1  }
0x753: {  	v1 =	vld [tilespmem:s2+$0x6038];
	_ =	sdelay $0x3  }
0x754: {  	p2 =	sgt.u32 s30, $0x270F6  }
0x755: {  	s2 =	sand.u32 @!p2 $0x3FFF8, s30;
	v1 =	vmax.f32 v1, v2  }
0x756: {  	s6 =	sadd.s32 $0xA8, s1;
	[tilespmem:s1+$0xE8] =	vst v1;
	s1 =	sadd.s32 @!p2 s5, s2;
	s2 =	sand.u32 @!p2 $0x7, s30  }
0x757: {  	[hbm4b:s1+s2] =	stream.linear.scatter @!p2 [tilespmem:s6], [sflag:$0xC], $0x50, $0x38;
	[tilespmem:$0x1FF78] =	vst v63  }
0x758: {  	s1 =	simm.s32 $0x0  }
0x759: {  	s1 =	simm.s32 @!p2 $0x140  }
0x75a: {  	s0 =	sadd.s32 s1, s0  }
.LBB3_20:
0x75b: {  	s1 =	sadd.s32 $0x1, s23  }
0x75c: {  	s2 =	sshrl.u32 s1, $0x4  }
0x75d: {  	s2 =	smulhi.u32 $0xD79435F, s2;
	_ =	sdelay $0x1  }
0x75e: {  	s2 =	smul.u32 $0x130, s2  }
0x75f: {  	v1 =	vld [tilespmem:s29+$0xFFFFFFE0]  }
0x760: {  	s23 =	ssub.s32 s1, s2  }
0x761: {  	s1 =	smul.u32 $0x140, s23;
	_ =	sdelay $0x1  }
0x762: {  	s1 =	sshrl.u32 s1, $0x2  }
0x763: {  	[tilespmem:s1+$0xA8] =	vst v1  }
0x764: {  	v1 =	vld [tilespmem:s29+$0xFFFFFFF0];
	_ =	sdelay $0x4  }
0x765: {  	[tilespmem:s1+$0xB8] =	vst v1  }
0x766: {  	v1 =	vld [tilespmem:s29+$0x0];
	_ =	sdelay $0x4  }
0x767: {  	[tilespmem:s1+$0xC8] =	vst v1  }
0x768: {  	v1 =	vld [tilespmem:s29+$0x10];
	_ =	sdelay $0x4  }
0x769: {  	[tilespmem:s1+$0xD8] =	vst v1  }
0x76a: {  	v1 =	vld [tilespmem:s29+$0x20]  }
.Ltmp27:
0x76b: {  	_ = 	snop;
	(pc) =	sbr.rel .LBB3_21-.Ltmp27, $2  }
0x76c: {  	_ =	sdelay $0x2  }
0x76d: {  	s28 =	sadd.s32 $0x1, s28;
	[tilespmem:s1+$0xE8] =	vst v1  }
.LBB3_23:
.Ltmp28:
0x76e: {  	(pc) =	sbr.rel .LBB3_24-.Ltmp28, $4  }
0x76f: {  	_ = 	snop  }
0x770: {  	s0 =	simm.s32 $0x2  }
0x771: {  	_ =	swait.ge [sflag:s0], $0x0  }
0x772: {  	s31 =	smov.u32 s30;
	[sflag:s0] =	ssyncset.done $0x0;
	s0 =	simm.s32 $0x0  }
.LBB3_26:
0x773: {  	_ =	sfence.sel $0x180000  }
0x774: {  	s0 =	simm.s32 $0x9;
	[bflag:$0x0] =	sbarrier.arrive $0xFFFF  }
0x775: {  	s24 =	simm.s32 $0xA;
	[sflag:s0] =	ssyncpa.u1 $0x1  }
0x776: {  	s25 =	simm.s32 $0xB;
	[sflag:s24] =	ssyncpa.u1 $0x1  }
0x777: {  	s26 =	simm.s32 $0x2;
	[sflag:s25] =	ssyncpa.u1 $0x1  }
0x778: {  	[sflag:s26] =	ssyncpa.u1 $0x1  }
0x779: {  	v0 =	vld [tilespmem:$0xBF48];
	_ =	sdelay $0x4  }
0x77a: {  	(v2sf) =	vpush v0, $0x0  }
0x77b: {  	(v2sf) =	vpush v0, $0x1  }
0x77c: {  	(v2sf) =	vpush v0, $0x2;
	_ =	sdelay $0xc  }
0x77d: {  	s0 =	spop (v2sf)  }
0x77e: {  	s1 =	spop (v2sf)  }
0x77f: {  	s2 =	smov.u32 s0;
	p0 =	sne.s32 s0, s1;
	s3 =	spop (v2sf)  }
0x780: {  	s2 =	simm.s32 @!p0 $0xFFFFFFFF;
	p0 =	seq.s32 s3, $0xFFFFFFFF  }
0x781: {  	v2 =	vimm.s32 $0x1;
	v3 =	vlaneseq.u32;
	v1 =	vmov s2;
	p1 =	sne.s32 @!p0 s0, s1  }
0x782: {  	s14 =	stileid.u32;
	v0 =	vperm.xlane v0, v2;
	s0 =	simm.s32 @!p0 $0x1;
	v1 =	vperm.xlane v1, v3;
	p1 =	por !p1, p0  }
0x783: {  	vm0 =	vcmask $0x3F04;
	s2 =	sshll.u32 s14, $0x1;
	s1 =	smul.u32 @!p0 $0x140, s3;
	s0 =	simm.s32 @p1 $0x0  }
0x784: {  	s6 =	simm.s32 $0xBF48;
	v0 =	vsel vm0, v1, v0;
	s0 =	sor.u32 @!p0 s0, s2  }
0x785: {  	s4 =	sor.u32 $0xA00, s2;
	s1 =	sshra.s32 @!p0 s1, $0x2;
	[tilespmem:$0xBF48] =	vst v0;
	s0 =	smul.u32 @!p0 $0x140, s0  }
0x786: {  	[spmem:s4] =	stream.linear.scatter [tilespmem:s6], [sflag:$0x1], $0x2, $0x38;
	[tilespmem:$0x1FF78] =	vst v63  }
0x787: {  	s1 =	sadd.s32 @!p0 $0xA8, s1;
	s0 =	sshrl.u32 @!p0 s0, $0x2  }
0x788: {  	[spmem:s0] =	stream.linear.scatter @!p0 [tilespmem:s1], [sflag:$0x1], $0x50, $0x38;
	[tilespmem:$0x1FF78] =	vst v63  }
0x789: {  	s0 =	simm.s32 @!p0 $0x52  }
0x78a: {  	s28 =	simm.s32 $0x1;
	s0 =	simm.s32 @p0 $0x2  }
0x78b: {  	_ =	swait.ge [sflag:s28], s0  }
0x78c: {  	s0 =	ssub.s32 $0x0, s0;
	[sflag:s28] =	ssyncset.done $0x0  }
0x78d: {  	p0 =	sne.s32 s14, $0x0;
	[sflag:s28] =	ssyncadd.s32 s0  }
.Ltmp29:
0x78e: {  	_ =	sfence.stream.spmem;
	(pc) =	sbr.rel @p0 .LBB3_43-.Ltmp29, $4  }
0x78f: {  	s29 =	simm.s32 $0x3;
	[bflag:$0x0] =	sbarrier.arrive $0xFFFF  }
0x790: {  	s30 =	simm.s32 $0x4;
	[sflag:s29] =	ssyncpa.u1 $0x1  }
0x791: {  	s31 =	simm.s32 $0x3C;
	[sflag:s30] =	ssyncpa.u1 $0x1  }
0x792: {  	s15 =	rddreg [dreg:$0x4];
	[sflag:s31] =	ssyncpa.u1 $0x1  }
0x793: {  	_ =	sfence.stream.spmem;
	s0 =	simm.s32 $0x5  }
0x794: {  	s1 =	simm.s32 $0xA00;
	s2 =	simm.s32 $0xBF58;
	[sflag:s0] =	ssyncpa.u1 $0x0  }
0x795: {  	[tilespmem:s2], [sflag:$0x5] =	stream.linear.gather [spmem:s1], $0x20, $0x38;
	[tilespmem:$0x1FF78] =	vst v63  }
0x796: {  	s26 =	simm.s32 $0x0;
	s28 =	simm.s32 $0xBF78  }
0x797: {  	[tilespmem:s28], [sflag:$0x5] =	stream.linear.gather [spmem:s26], $0xA00, $0x38;
	[tilespmem:$0x1FF78] =	vst v63  }
0x798: {  	_ =	swait.ge [sflag:s0], $0xA20  }
0x799: {  	[sflag:s0] =	ssyncset.done $0x0  }
0x79a: {  	s29 =	simm.s32 $0x0;
	[sflag:s0] =	ssyncadd.s32 $0xFFFFF5E0  }
0x79b: {  	v0 =	vld.msk [tilespmem:s29+$0xBF58], $0x1;
	_ =	sdelay $0x1  }
0x79c: {  	s30 =	simm.s32 $0x1  }
0x79d: {  	v1 =	vld.msk [tilespmem:s30+$0xBF58], $0x1;
	_ =	sdelay $0x1  }
0x79e: {  	(v2sf) =	vpush v0, $0x0;
	_ =	sdelay $0x2  }
0x79f: {  	(v2sf) =	vpush v1, $0x0;
	_ =	sdelay $0x2  }
0x7a0: {  	s31 =	simm.s32 $0x2  }
0x7a1: {  	v0 =	vld.msk [tilespmem:s31+$0xBF58], $0x1;
	_ =	sdelay $0x2  }
0x7a2: {  	s1 =	simm.s32 $0xFFFFFFFF;
	s2 =	simm.s32 $0xFFFFFFFF;
	s0 =	simm.s32 $0xC  }
.LBB3_28:
0x7a3: {  	s3 =	smov.u32 s2;
	s4 =	smov.u32 s1  }
0x7a4: {  	s1 =	sshra.s32 s0, $0x2;
	p1 =	sne.s32 s0, $0x7C;
	s0 =	sadd.s32 $0x4, s0;
	(v2sf) =	vpush v0, $0x0  }
0x7a5: {  	v0 =	vld.msk [tilespmem:s1+$0xBF58], $0x1  }
.Ltmp30:
0x7a6: {  	(pc) =	sbr.rel @p1 .LBB3_28-.Ltmp30, $4  }
0x7a7: {  	s2 =	spop (v2sf)  }
0x7a8: {  	p2 =	sne.s32 s4, $0xFFFFFFFF;
	s1 =	smov.u32 s2  }
0x7a9: {  	p3 =	seq.s32 s2, $0xFFFFFFFF;
	s1 =	smov.u32 @p2 s4  }
0x7aa: {  	s2 =	smov.u32 @p3 s3;
	s1 =	smov.u32 @p3 s4  }
0x7ab: {  	(v2sf) =	vpush v0, $0x0;
	_ =	sdelay $0x8  }
0x7ac: {  	s0 =	spop (v2sf)  }
0x7ad: {  	p1 =	sne.s32 s1, $0xFFFFFFFF;
	s3 =	smov.u32 s0  }
0x7ae: {  	s9 =	simm.s32 $0x6;
	p2 =	seq.s32 s0, $0xFFFFFFFF;
	s3 =	smov.u32 @p1 s1  }
0x7af: {  	s10 =	simm.s32 $0xBEF8;
	s3 =	smov.u32 @p2 s1;
	s1 =	spop (v2sf)  }
0x7b0: {  	s0 =	smov.u32 @p2 s2;
	p1 =	sne.s32 s3, $0xFFFFFFFF;
	s6 =	smov.u32 s1  }
.Ltmp31:
0x7b1: {  	p2 =	seq.s32 s1, $0xFFFFFFFF;
	s6 =	smov.u32 @p1 s3;
	(pc) =	sbr.rel .LBB3_30-.Ltmp31, $4  }
0x7b2: {  	s11 =	simm.s32 $0x0;
	s6 =	smov.u32 @p2 s3;
	s4 =	spop (v2sf)  }
0x7b3: {  	[sflag:s9] =	ssyncpa.u1 $0x0;
	p1 =	sne.s32 s6, $0xFFFFFFFF;
	s8 =	smov.u32 s4  }
0x7b4: {  	s1 =	smov.u32 @p2 s0;
	p2 =	seq.s32 s4, $0xFFFFFFFF;
	s8 =	smov.u32 @p1 s6  }
0x7b5: {  	s3 =	simm.s32 $0x0;
	s4 =	smov.u32 @p2 s1;
	s8 =	smov.u32 @p2 s6  }
.LBB3_36:
0x7b6: {  	p1 =	sgt.u32 s0, $0x270F6  }
0x7b7: {  	p2 =	seq.s32 @!p1 s0, s8  }
0x7b8: {  	p1 =	por p1, p2  }
0x7b9: {  	p2 =	sne.s32 @!p1 s0, s4  }
0x7ba: {  	p1 =	por p1, !p2  }
0x7bb: {  	s0 =	smul.u32 @p1 $0x140, s11;
	_ =	sdelay $0x1  }
0x7bc: {  	s1 =	sand.u32 @!p1 $0x3FFF8, s0  }
0x7bd: {  	s0 =	sand.u32 @!p1 $0x7, s0;
	s1 =	sadd.s32 @!p1 s5, s1  }
0x7be: {  	[tilespmem:s10], [sflag:$0x6] =	stream.linear.gather @!p1 [hbm4b:s1+s0], $0x50, $0x38;
	[tilespmem:$0x1FF78] =	vst v63  }
0x7bf: {  	_ =	swait.ge @!p1 [sflag:s9], $0x50  }
0x7c0: {  	s0 =	smul.u32 @!p1 $0x140, s11;
	[sflag:s9] =	ssyncset.done @!p1 $0x0  }
0x7c1: {  	[sflag:s9] =	ssyncadd.s32 @!p1 $0xFFFFFFB0  }
0x7c2: {  	s1 =	sshra.s32 @!p1 s0, $0x2;
	v1 =	vld @!p1 [tilespmem:$0xBEF8]  }
0x7c3: {  	v2 =	vld @!p1 [tilespmem:s1+$0xBF78];
	_ =	sdelay $0x4  }
0x7c4: {  	v1 =	vmax.f32 @!p1 v1, v2  }
0x7c5: {  	v2 =	vld @!p1 [tilespmem:s1+$0xBF88];
	[tilespmem:s1+$0xBF78] =	vst @!p1 v1  }
0x7c6: {  	v1 =	vld @!p1 [tilespmem:$0xBF08];
	_ =	sdelay $0x4  }
0x7c7: {  	v1 =	vmax.f32 @!p1 v1, v2  }
0x7c8: {  	v2 =	vld @!p1 [tilespmem:s1+$0xBF98];
	[tilespmem:s1+$0xBF88] =	vst @!p1 v1  }
0x7c9: {  	v1 =	vld @!p1 [tilespmem:$0xBF18];
	_ =	sdelay $0x4  }
0x7ca: {  	v1 =	vmax.f32 @!p1 v1, v2  }
0x7cb: {  	v2 =	vld @!p1 [tilespmem:s1+$0xBFA8];
	[tilespmem:s1+$0xBF98] =	vst @!p1 v1  }
0x7cc: {  	v1 =	vld @!p1 [tilespmem:$0xBF28];
	_ =	sdelay $0x4  }
0x7cd: {  	v1 =	vmax.f32 @!p1 v1, v2  }
0x7ce: {  	v2 =	vld @!p1 [tilespmem:s1+$0xBFB8];
	[tilespmem:s1+$0xBFA8] =	vst @!p1 v1  }
0x7cf: {  	v1 =	vld @!p1 [tilespmem:$0xBF38];
	_ =	sdelay $0x4  }
0x7d0: {  	v1 =	vmax.f32 @!p1 v1, v2  }
0x7d1: {  	[tilespmem:s1+$0xBFB8] =	vst @!p1 v1  }
0x7d2: {  	s0 =	sshra.s32 s0, $0x2;
	[tilespmem:s3+$0xBF58] =	vst.msk $0x1, v0  }
0x7d3: {  	v0 =	vld [tilespmem:s0+$0xBF78];
	_ =	sdelay $0x1  }
0x7d4: {  	s31 =	smul.u32 $0x140, s3;
	_ =	sdelay $0x1  }
0x7d5: {  	s1 =	sshra.s32 s31, $0x2  }
0x7d6: {  	[tilespmem:s1+$0xBF78] =	vst v0  }
0x7d7: {  	v0 =	vld [tilespmem:s0+$0xBF88];
	_ =	sdelay $0x4  }
0x7d8: {  	[tilespmem:s1+$0xBF88] =	vst v0  }
0x7d9: {  	v0 =	vld [tilespmem:s0+$0xBF98];
	_ =	sdelay $0x4  }
0x7da: {  	[tilespmem:s1+$0xBF98] =	vst v0  }
0x7db: {  	v0 =	vld [tilespmem:s0+$0xBFA8];
	_ =	sdelay $0x4  }
0x7dc: {  	[tilespmem:s1+$0xBFA8] =	vst v0  }
0x7dd: {  	v0 =	vld [tilespmem:s0+$0xBFB8];
	_ =	sdelay $0x4  }
0x7de: {  	s3 =	sadd.s32 $0x1, s3;
	[tilespmem:s1+$0xBFB8] =	vst v0  }
.LBB3_37:
0x7df: {  	s11 =	sadd.s32 $0x1, s11  }
0x7e0: {  	p1 =	sne.s32 s11, $0x20  }
.Ltmp32:
0x7e1: {  	_ = 	snop;
	(pc) =	sbr.rel @!p1 .LBB3_38-.Ltmp32, $1  }
0x7e2: {  	_ =	sdelay $0x3  }
.LBB3_30:
0x7e3: {  	v0 =	vld.msk [tilespmem:s11+$0xBF58], $0x1;
	_ =	sdelay $0x4  }
0x7e4: {  	(v2sf) =	vpush v0, $0x0;
	_ =	sdelay $0xe  }
0x7e5: {  	s0 =	spop (v2sf)  }
0x7e6: {  	p1 =	seq.s32 s0, $0xFFFFFFFF  }
.Ltmp33:
0x7e7: {  	_ = 	snop;
	(pc) =	sbr.rel @p1 .LBB3_37-.Ltmp33, $1  }
0x7e8: {  	_ =	sdelay $0x3  }
0x7e9: {  	p1 =	slt.s32 s3, $0x1  }
.Ltmp34:
0x7ea: {  	_ = 	snop;
	(pc) =	sbr.rel @p1 .LBB3_36-.Ltmp34, $1  }
0x7eb: {  	_ =	sdelay $0x3  }
0x7ec: {  	s12 =	simm.s32 $0xBF58;
	p1 =	por $0x0, $0x0  }
0x7ed: {  	v1 =	vld.msk @!p1 [tilespmem:s12+$0x0], $0x1;
	_ =	sdelay $0x4  }
0x7ee: {  	(v2sf) =	vpush @!p1 v1, $0x0;
	_ =	sdelay $0xd  }
0x7ef: {  	p3 =	sne.s32 s3, $0x1  }
.Ltmp35:
0x7f0: {  	s1 =	spop @!p1 (v2sf);
	(pc) =	sbr.rel @!p3 .LBB3_34-.Ltmp35, $4  }
0x7f1: {  	p2 =	seq.s32 @!p1 s0, s1  }
0x7f2: {  	s1 =	simm.s32 $0x0;
	p2 =	por !p2, p1  }
0x7f3: {  	s2 =	simm.s32 $0xFFFFFFFF;
	s1 =	simm.s32 @p2 $0xFFFFFFFF  }
0x7f4: {  	s13 =	simm.s32 $0x1;
	s1 =	smov.u32 @p1 s2  }
.LBB3_33:
0x7f5: {  	s2 =	smov.u32 s1;
	p1 =	sne.s32 s1, $0xFFFFFFFF  }
0x7f6: {  	s12 =	sadd.s32 $0x1, s12;
	s1 =	smov.u32 s13;
	s13 =	sadd.s32 $0x1, s13  }
0x7f7: {  	p2 =	sne.s32 s3, s13;
	v1 =	vld.msk @!p1 [tilespmem:s12+$0x0], $0x1;
	_ =	sdelay $0x4  }
0x7f8: {  	(v2sf) =	vpush @!p1 v1, $0x0;
	_ =	sdelay $0xe  }
.Ltmp36:
0x7f9: {  	s6 =	spop @!p1 (v2sf);
	(pc) =	sbr.rel @p2 .LBB3_33-.Ltmp36, $4  }
0x7fa: {  	p3 =	seq.s32 @!p1 s0, s6  }
0x7fb: {  	p3 =	por !p3, p1  }
0x7fc: {  	s1 =	simm.s32 @p3 $0xFFFFFFFF  }
0x7fd: {  	s1 =	smov.u32 @p1 s2  }
.LBB3_34:
0x7fe: {  	p1 =	seq.s32 s1, $0xFFFFFFFF  }
.Ltmp37:
0x7ff: {  	_ = 	snop;
	(pc) =	sbr.rel @p1 .LBB3_36-.Ltmp37, $1  }
0x800: {  	_ =	sdelay $0x3  }
0x801: {  	s0 =	smul.u32 $0x140, s11  }
0x802: {  	s1 =	smul.u32 $0x140, s1  }
0x803: {  	s0 =	sshra.s32 s0, $0x2  }
0x804: {  	s1 =	sshra.s32 s1, $0x2;
	v0 =	vld [tilespmem:s0+$0xBF78]  }
0x805: {  	v1 =	vld [tilespmem:s1+$0xBF78];
	_ =	sdelay $0x4  }
0x806: {  	v0 =	vmax.f32 v0, v1  }
0x807: {  	v60 =	vld [tilespmem:s1+$0xBF88];
	[tilespmem:s1+$0xBF78] =	vst v0  }
0x808: {  	v0 =	vld [tilespmem:s0+$0xBF88];
	_ =	sdelay $0x4  }
0x809: {  	v0 =	vmax.f32 v0, v60  }
0x80a: {  	v61 =	vld [tilespmem:s1+$0xBF98];
	[tilespmem:s1+$0xBF88] =	vst v0  }
0x80b: {  	v0 =	vld [tilespmem:s0+$0xBF98];
	_ =	sdelay $0x4  }
0x80c: {  	v0 =	vmax.f32 v0, v61  }
0x80d: {  	v62 =	vld [tilespmem:s1+$0xBFA8];
	[tilespmem:s1+$0xBF98] =	vst v0  }
0x80e: {  	v0 =	vld [tilespmem:s0+$0xBFA8];
	_ =	sdelay $0x4  }
0x80f: {  	v0 =	vmax.f32 v0, v62  }
0x810: {  	v63 =	vld [tilespmem:s1+$0xBFB8];
	[tilespmem:s1+$0xBFA8] =	vst v0  }
0x811: {  	v0 =	vld [tilespmem:s0+$0xBFB8];
	_ =	sdelay $0x1  }
.Ltmp38:
0x812: {  	_ = 	snop;
	(pc) =	sbr.rel .LBB3_37-.Ltmp38, $3  }
0x813: {  	_ =	sdelay $0x1  }
0x814: {  	v0 =	vmax.f32 v0, v63  }
0x815: {  	[tilespmem:s1+$0xBFB8] =	vst v0  }
.LBB3_38:
0x816: {  	s0 =	simm.s32 $0x6;
	p1 =	seq.s32 s3, $0x0  }
0x817: {  	[sflag:s0] =	ssyncpa.u1 $0x1;
	v0 =	vimm.s32 @p1 $0xFFFFFFFF  }
0x818: {  	s0 =	sadd.s32 $0xFFFFFFFF, s3;
	[tilespmem:$0xC978] =	vst @p1 v0  }
0x819: {  	v0 =	vld.msk @!p1 [tilespmem:s0+$0xBF58], $0x1;
	_ =	sdelay $0x1  }
0x81a: {  	v1 =	vld.msk @!p1 [tilespmem:$0xBF58], $0x1;
	_ =	sdelay $0x2  }
0x81b: {  	p2 =	seq.s32 @!p1 s0, $0x0;
	v0 =	vbroadcast @!p1 v0, $0x0  }
0x81c: {  	vm0 =	vmmov @!p1 $0x1;
	p3 =	por !p2, p1  }
0x81d: {  	p2 =	sne.s32 @!p1 s8, s4;
	v1 =	vnsel @!p1 vm0, $0xFFFFFFFF, v1;
	vm0 =	vcmask @!p1 $0x308;
	v0 =	vpsel !p3, $0xFFFFFFFF, v0  }
0x81e: {  	p3 =	por !p2, p1;
	v0 =	vsel @!p1 vm0, v1, v0  }
0x81f: {  	s1 =	simm.s32 @!p1 $0xBF78;
	s2 =	simm.s32 @!p1 $0x0;
	s4 =	smul.u32 @!p3 $0x140, s0;
	[tilespmem:$0xC978] =	vst @!p1 v0  }
0x820: {  	[spmem:s2] =	stream.linear.scatter @!p1 [tilespmem:s1], [sflag:$0x1], $0x50, $0x38;
	[tilespmem:$0x1FF78] =	vst v63  }
0x821: {  	s1 =	sshra.s32 @!p3 s4, $0x2  }
0x822: {  	s2 =	simm.s32 @!p3 $0x50;
	s1 =	sadd.s32 @!p3 $0xBF78, s1  }
0x823: {  	[spmem:s2] =	stream.linear.scatter @!p3 [tilespmem:s1], [sflag:$0x1], $0x50, $0x38;
	[tilespmem:$0x1FF78] =	vst v63  }
0x824: {  	s1 =	simm.s32 @!p3 $0x1  }
0x825: {  	_ =	swait.ge @!p3 [sflag:s1], $0xA0  }
0x826: {  	p1 =	por p2, p1;
	[sflag:s1] =	ssyncset.done @!p3 $0x0  }
0x827: {  	[sflag:s1] =	ssyncadd.s32 @!p3 $0xFFFFFF60;
	s1 =	simm.s32 @!p1 $0x1  }
0x828: {  	_ =	swait.ge @!p1 [sflag:s1], $0x50  }
0x829: {  	s29 =	simm.s32 $0xC978;
	[sflag:s1] =	ssyncset.done @!p1 $0x0  }
0x82a: {  	s30 =	simm.s32 $0xA00;
	s31 =	simm.s32 $0x1;
	[sflag:s1] =	ssyncadd.s32 @!p1 $0xFFFFFFB0  }
0x82b: {  	[spmem:s30] =	stream.linear.scatter [tilespmem:s29], [sflag:$0x1], $0x10, $0x38;
	[tilespmem:$0x1FF78] =	vst v63  }
0x82c: {  	_ =	swait.ge [sflag:s31], $0x10  }
0x82d: {  	[sflag:s31] =	ssyncset.done $0x0  }
0x82e: {  	p1 =	seq.s32 s15, $0x0;
	s9 =	rddreg [dreg:$0x1];
	[sflag:s31] =	ssyncadd.s32 $0xFFFFFFF0  }
0x82f: {  	s2 =	sshll.u32 @p1 s9, $0xE;
	s8 =	rddreg [dreg:$0x2]  }
0x830: {  	s1 =	sadd.s32 @p1 $0x15C3C, s2;
	s2 =	sshll.u32 @p1 s8, $0x11  }
0x831: {  	_ =	sfence.stream.spmem;
	s1 =	sor.u32 @p1 s2, s1  }
0x832: {  	[sflag:s1] =	ssyncadd.remote.s32 @p1 $0x1;
	s1 =	simm.s32 @p1 $0x4  }
0x833: {  	s4 =	simm.s32 @!p1 $0x3C;
	s2 =	sand.u32 $0xFFFFFFFE, s9;
	_ =	swait.ge @p1 [sflag:s1], $0x16  }
0x834: {  	s6 =	simm.s32 @!p1 $0x0;
	s2 =	sadd.s32 @!p1 $0x4, s2;
	[sflag:s1] =	ssyncset.done @p1 $0x0  }
0x835: {  	s7 =	simm.s32 @!p1 $0xA0;
	[sflag:s1] =	ssyncadd.s32 @p1 $0xFFFFFFEA;
	s1 =	sshll.u32 @!p1 s2, $0x1A  }
0x836: {  	s2 =	sshll.u32 @!p1 s2, $0xD;
	s1 =	sor.u32 @!p1 s1, s8;
	_ =	swait.eq @!p1 [sflag:s4], $0x1  }
0x837: {  	s2 =	sor.u32 @!p1 $0x1C04, s2;
	s4 =	simm.s32 @!p1 $0x1C03;
	s1 =	sor.u32 @!p1 $0x80004000, s1  }
0x838: {  	[spmem:s7], [sflag:s2] =	dma.general @!p1 [spmem:s6], [sflag:s4], length:$0x14, [dreg:$0x0], stride_count:$0x0, ici_dest:s1, dma_misc:DstOpCode:WRITE  }
0x839: {  	p2 =	slt.s32 s0, $0x2;
	s6 =	simm.s32 @!p1 $0x140;
	s7 =	simm.s32 @!p1 $0x142  }
0x83a: {  	[spmem:s7], [sflag:s2] =	dma.general @!p1 [spmem:s6], [sflag:s4], length:$0x2, [dreg:$0x0], stride_count:$0x0, ici_dest:s1, dma_misc:DstOpCode:WRITE  }
.Ltmp39:
0x83b: {  	s1 =	simm.s32 @!p1 $0x3;
	(pc) =	sbr.rel @p2 .LBB3_42-.Ltmp39, $4  }
0x83c: {  	s2 =	sshll.u32 @!p1 s9, $0xE;
	_ =	swait.ge @!p1 [sflag:s1], $0x16  }
0x83d: {  	s4 =	sshll.u32 @!p1 s8, $0x11;
	s2 =	sadd.s32 @!p1 $0x11C3C, s2;
	[sflag:s1] =	ssyncset.done @!p1 $0x0  }
0x83e: {  	[sflag:s1] =	ssyncadd.s32 @!p1 $0xFFFFFFEA;
	s1 =	sor.u32 @!p1 s4, s2  }
0x83f: {  	s0 =	simm.s32 $0x0;
	[sflag:s1] =	ssyncadd.remote.s32 @!p1 $0xFFFFFFFF  }
0x840: {  	s0 =	simm.s32 $0xBF59  }
0x841: {  	v0 =	vld.msk [tilespmem:s0+$0x0], $0x1;
	_ =	sdelay $0x4  }
0x842: {  	(v2sf) =	vpush v0, $0x0;
	_ =	sdelay $0xc  }
0x843: {  	s1 =	sadd.s32 $0xFFFFFFFE, s3  }
0x844: {  	s1 =	sadd.s32 $0xFFFFFFFF, s1  }
0x845: {  	p2 =	sne.s32 s1, $0x0;
	s2 =	spop (v2sf)  }
.Ltmp40:
0x846: {  	p1 =	sgt.u32 s2, $0x270F6;
	(pc) =	sbr.rel @!p2 .LBB3_41-.Ltmp40, $4  }
0x847: {  	s4 =	simm.s32 $0x0;
	s3 =	sand.u32 @!p1 $0x3FFF8, s2  }
0x848: {  	s0 =	simm.s32 $0xBFC8;
	s2 =	sand.u32 @!p1 $0x7, s2;
	s3 =	sadd.s32 @!p1 s5, s3  }
0x849: {  	[hbm4b:s3+s2] =	stream.linear.scatter @!p1 [tilespmem:s0], [sflag:$0x5], $0x50, $0x38;
	[tilespmem:$0x1FF78] =	vst v63  }
0x84a: {  	s4 =	simm.s32 @!p1 $0x140;
	s2 =	simm.s32 $0x0;
	s3 =	simm.s32 $0xBF5A  }
.LBB3_40:
0x84b: {  	v0 =	vld.msk [tilespmem:s3+$0x0], $0x1;
	s1 =	sadd.s32 $0xFFFFFFFF, s1;
	s2 =	sadd.s32 s2, s4  }
0x84c: {  	p1 =	sne.s32 s1, $0x0;
	_ =	sdelay $0x3  }
0x84d: {  	(v2sf) =	vpush v0, $0x0;
	_ =	sdelay $0xe  }
.Ltmp41:
0x84e: {  	s6 =	spop (v2sf);
	(pc) =	sbr.rel @p1 .LBB3_40-.Ltmp41, $4  }
0x84f: {  	s4 =	simm.s32 $0x0;
	p2 =	sgt.u32 s6, $0x270F6  }
0x850: {  	s0 =	sadd.s32 $0x50, s0;
	s4 =	simm.s32 @!p2 $0x140;
	s7 =	sand.u32 @!p2 $0x3FFF8, s6  }
0x851: {  	s3 =	sadd.s32 $0x1, s3;
	s6 =	sand.u32 @!p2 $0x7, s6;
	s7 =	sadd.s32 @!p2 s5, s7  }
0x852: {  	[hbm4b:s7+s6] =	stream.linear.scatter @!p2 [tilespmem:s0], [sflag:$0x5], $0x50, $0x38;
	[tilespmem:$0x1FF78] =	vst v63  }
.LBB3_41:
0x853: {  	s0 =	sadd.s32 s2, s4  }
0x854: {  	s0 =	sshrl.u32 s0, $0x2  }
.LBB3_42:
0x855: {  	s1 =	simm.s32 $0x5  }
0x856: {  	_ =	swait.ge [sflag:s1], s0  }
0x857: {  	s31 =	ssub.s32 $0x0, s0;
	[sflag:s1] =	ssyncset.done $0x0  }
0x858: {  	[sflag:s1] =	ssyncadd.s32 s31  }
0x859: {  	[sflag:s1] =	ssyncpa.u1 $0x1  }
.LBB3_43:
0x85a: {  	s0 =	sor.u32 s15, s14  }
0x85b: {  	p1 =	sne.s32 s0, $0x0  }
.Ltmp42:
0x85c: {  	_ = 	snop;
	(pc) =	sbr.rel @p1 .LBB3_58-.Ltmp42, $3  }
0x85d: {  	_ =	sdelay $0x1  }
0x85e: {  	[bflag:$0x0] =	sbarrier.arrive $0xFFFF  }
0x85f: {  	_ =	sfence  }
0x860: {  	s0 =	simm.s32 $0x7  }
0x861: {  	s1 =	simm.s32 $0xA00;
	s2 =	simm.s32 $0xBF58;
	[sflag:s0] =	ssyncpa.u1 $0x0  }
0x862: {  	[tilespmem:s2], [sflag:$0x7] =	stream.linear.gather [spmem:s1], $0x20, $0x38;
	[tilespmem:$0x1FF78] =	vst v63  }
0x863: {  	s30 =	simm.s32 $0xBF78;
	s1 =	simm.s32 $0x0  }
0x864: {  	[tilespmem:s30], [sflag:$0x7] =	stream.linear.gather [spmem:s1], $0xA00, $0x38;
	[tilespmem:$0x1FF78] =	vst v63  }
.Ltmp43:
0x865: {  	_ = 	snop;
	(pc) =	sbr.rel .LBB3_45-.Ltmp43, $4  }
0x866: {  	_ =	swait.ge [sflag:s0], $0xA20  }
0x867: {  	[sflag:s0] =	ssyncset.done $0x0  }
0x868: {  	s31 =	simm.s32 $0x8;
	[sflag:s0] =	ssyncadd.s32 $0xFFFFF5E0  }
0x869: {  	s2 =	simm.s32 $0x0;
	[sflag:s31] =	ssyncpa.u1 $0x0  }
.LBB3_51:
0x86a: {  	p1 =	slt.u32 s0, $0x270F7  }
0x86b: {  	s3 =	sand.u32 @p1 $0x3FFF8, s0  }
0x86c: {  	s0 =	sand.u32 @p1 $0x7, s0;
	s4 =	simm.s32 @p1 $0xBEF8;
	s3 =	sadd.s32 @p1 s5, s3  }
0x86d: {  	[tilespmem:s4], [sflag:$0x8] =	stream.linear.gather @p1 [hbm4b:s3+s0], $0x50, $0x38;
	[tilespmem:$0x1FF78] =	vst v63  }
0x86e: {  	s0 =	simm.s32 @p1 $0x8  }
0x86f: {  	_ =	swait.ge @p1 [sflag:s0], $0x50  }
0x870: {  	s3 =	smul.u32 @p1 $0x140, s2;
	[sflag:s0] =	ssyncset.done @p1 $0x0  }
0x871: {  	[sflag:s0] =	ssyncadd.s32 @p1 $0xFFFFFFB0  }
0x872: {  	s0 =	sshra.s32 @p1 s3, $0x2;
	v1 =	vld @p1 [tilespmem:$0xBEF8]  }
0x873: {  	v2 =	vld @p1 [tilespmem:s0+$0xBF78];
	_ =	sdelay $0x4  }
0x874: {  	v1 =	vmax.f32 @p1 v1, v2  }
0x875: {  	v2 =	vld @p1 [tilespmem:s0+$0xBF88];
	[tilespmem:s0+$0xBF78] =	vst @p1 v1  }
0x876: {  	v1 =	vld @p1 [tilespmem:$0xBF08];
	_ =	sdelay $0x4  }
0x877: {  	v1 =	vmax.f32 @p1 v1, v2  }
0x878: {  	v2 =	vld @p1 [tilespmem:s0+$0xBF98];
	[tilespmem:s0+$0xBF88] =	vst @p1 v1  }
0x879: {  	v1 =	vld @p1 [tilespmem:$0xBF18];
	_ =	sdelay $0x4  }
0x87a: {  	v1 =	vmax.f32 @p1 v1, v2  }
0x87b: {  	v2 =	vld @p1 [tilespmem:s0+$0xBFA8];
	[tilespmem:s0+$0xBF98] =	vst @p1 v1  }
0x87c: {  	v1 =	vld @p1 [tilespmem:$0xBF28];
	_ =	sdelay $0x4  }
0x87d: {  	v1 =	vmax.f32 @p1 v1, v2  }
0x87e: {  	v2 =	vld @p1 [tilespmem:s0+$0xBFB8];
	[tilespmem:s0+$0xBFA8] =	vst @p1 v1  }
0x87f: {  	v1 =	vld @p1 [tilespmem:$0xBF38];
	_ =	sdelay $0x3  }
0x880: {  	s4 =	smul.u32 @!p1 $0x140, s2  }
0x881: {  	v1 =	vmax.f32 @p1 v1, v2  }
0x882: {  	s4 =	smov.u32 @p1 s3;
	[tilespmem:s0+$0xBFB8] =	vst @p1 v1  }
0x883: {  	s30 =	sshra.s32 s4, $0x2;
	[tilespmem:s1+$0xBF58] =	vst.msk $0x1, v0  }
0x884: {  	v0 =	vld [tilespmem:s30+$0xBF78];
	_ =	sdelay $0x1  }
0x885: {  	s31 =	smul.u32 $0x140, s1;
	_ =	sdelay $0x1  }
0x886: {  	s3 =	sshra.s32 s31, $0x2  }
0x887: {  	[tilespmem:s3+$0xBF78] =	vst v0  }
0x888: {  	v0 =	vld [tilespmem:s30+$0xBF88];
	_ =	sdelay $0x4  }
0x889: {  	[tilespmem:s3+$0xBF88] =	vst v0  }
0x88a: {  	v0 =	vld [tilespmem:s30+$0xBF98];
	_ =	sdelay $0x4  }
0x88b: {  	[tilespmem:s3+$0xBF98] =	vst v0  }
0x88c: {  	v0 =	vld [tilespmem:s30+$0xBFA8];
	_ =	sdelay $0x4  }
0x88d: {  	[tilespmem:s3+$0xBFA8] =	vst v0  }
0x88e: {  	v0 =	vld [tilespmem:s30+$0xBFB8];
	_ =	sdelay $0x4  }
0x88f: {  	s1 =	sadd.s32 $0x1, s1;
	[tilespmem:s3+$0xBFB8] =	vst v0  }
.LBB3_52:
0x890: {  	s2 =	sadd.s32 $0x1, s2  }
0x891: {  	p1 =	sne.s32 s2, $0x20  }
.Ltmp44:
0x892: {  	_ = 	snop;
	(pc) =	sbr.rel @!p1 .LBB3_53-.Ltmp44, $1  }
0x893: {  	_ =	sdelay $0x3  }
.LBB3_45:
0x894: {  	v0 =	vld.msk [tilespmem:s2+$0xBF58], $0x1;
	_ =	sdelay $0x4  }
0x895: {  	(v2sf) =	vpush v0, $0x0;
	_ =	sdelay $0xe  }
0x896: {  	s0 =	spop (v2sf)  }
0x897: {  	p1 =	seq.s32 s0, $0xFFFFFFFF  }
.Ltmp45:
0x898: {  	_ = 	snop;
	(pc) =	sbr.rel @p1 .LBB3_52-.Ltmp45, $1  }
0x899: {  	_ =	sdelay $0x3  }
0x89a: {  	p1 =	slt.s32 s1, $0x1  }
.Ltmp46:
0x89b: {  	_ = 	snop;
	(pc) =	sbr.rel @p1 .LBB3_51-.Ltmp46, $1  }
0x89c: {  	_ =	sdelay $0x3  }
0x89d: {  	s3 =	simm.s32 $0xBF58;
	p1 =	por $0x0, $0x0  }
0x89e: {  	v1 =	vld.msk @!p1 [tilespmem:s3+$0x0], $0x1;
	_ =	sdelay $0x4  }
0x89f: {  	(v2sf) =	vpush @!p1 v1, $0x0;
	_ =	sdelay $0xd  }
0x8a0: {  	p3 =	sne.s32 s1, $0x1  }
.Ltmp47:
0x8a1: {  	s4 =	spop @!p1 (v2sf);
	(pc) =	sbr.rel @!p3 .LBB3_49-.Ltmp47, $4  }
0x8a2: {  	p2 =	seq.s32 @!p1 s0, s4  }
0x8a3: {  	s4 =	simm.s32 $0x0;
	p2 =	por !p2, p1  }
0x8a4: {  	s7 =	simm.s32 $0xFFFFFFFF;
	s4 =	simm.s32 @p2 $0xFFFFFFFF  }
0x8a5: {  	s6 =	simm.s32 $0x1;
	s4 =	smov.u32 @p1 s7  }
.LBB3_48:
0x8a6: {  	s7 =	smov.u32 s4;
	p1 =	sne.s32 s4, $0xFFFFFFFF  }
0x8a7: {  	s3 =	sadd.s32 $0x1, s3;
	s4 =	smov.u32 s6;
	s6 =	sadd.s32 $0x1, s6  }
0x8a8: {  	p2 =	sne.s32 s1, s6;
	v1 =	vld.msk @!p1 [tilespmem:s3+$0x0], $0x1;
	_ =	sdelay $0x4  }
0x8a9: {  	(v2sf) =	vpush @!p1 v1, $0x0;
	_ =	sdelay $0xe  }
.Ltmp48:
0x8aa: {  	s8 =	spop @!p1 (v2sf);
	(pc) =	sbr.rel @p2 .LBB3_48-.Ltmp48, $4  }
0x8ab: {  	p3 =	seq.s32 @!p1 s0, s8  }
0x8ac: {  	p3 =	por !p3, p1  }
0x8ad: {  	s4 =	simm.s32 @p3 $0xFFFFFFFF  }
0x8ae: {  	s4 =	smov.u32 @p1 s7  }
.LBB3_49:
0x8af: {  	p1 =	seq.s32 s4, $0xFFFFFFFF  }
.Ltmp49:
0x8b0: {  	_ = 	snop;
	(pc) =	sbr.rel @p1 .LBB3_51-.Ltmp49, $1  }
0x8b1: {  	_ =	sdelay $0x3  }
0x8b2: {  	s0 =	smul.u32 $0x140, s2  }
0x8b3: {  	s3 =	smul.u32 $0x140, s4  }
0x8b4: {  	s0 =	sshra.s32 s0, $0x2  }
0x8b5: {  	s3 =	sshra.s32 s3, $0x2;
	v0 =	vld [tilespmem:s0+$0xBF78]  }
0x8b6: {  	v1 =	vld [tilespmem:s3+$0xBF78];
	_ =	sdelay $0x4  }
0x8b7: {  	v0 =	vmax.f32 v0, v1  }
0x8b8: {  	v60 =	vld [tilespmem:s3+$0xBF88];
	[tilespmem:s3+$0xBF78] =	vst v0  }
0x8b9: {  	v0 =	vld [tilespmem:s0+$0xBF88];
	_ =	sdelay $0x4  }
0x8ba: {  	v0 =	vmax.f32 v0, v60  }
0x8bb: {  	v61 =	vld [tilespmem:s3+$0xBF98];
	[tilespmem:s3+$0xBF88] =	vst v0  }
0x8bc: {  	v0 =	vld [tilespmem:s0+$0xBF98];
	_ =	sdelay $0x4  }
0x8bd: {  	v0 =	vmax.f32 v0, v61  }
0x8be: {  	v62 =	vld [tilespmem:s3+$0xBFA8];
	[tilespmem:s3+$0xBF98] =	vst v0  }
0x8bf: {  	v0 =	vld [tilespmem:s0+$0xBFA8];
	_ =	sdelay $0x4  }
0x8c0: {  	v0 =	vmax.f32 v0, v62  }
0x8c1: {  	v63 =	vld [tilespmem:s3+$0xBFB8];
	[tilespmem:s3+$0xBFA8] =	vst v0  }
0x8c2: {  	v0 =	vld [tilespmem:s0+$0xBFB8];
	_ =	sdelay $0x1  }
.Ltmp50:
0x8c3: {  	_ = 	snop;
	(pc) =	sbr.rel .LBB3_52-.Ltmp50, $3  }
0x8c4: {  	_ =	sdelay $0x1  }
0x8c5: {  	v0 =	vmax.f32 v0, v63  }
0x8c6: {  	[tilespmem:s3+$0xBFB8] =	vst v0  }
.LBB3_53:
0x8c7: {  	p1 =	slt.s32 s1, $0x1  }
.Ltmp51:
0x8c8: {  	_ = 	snop;
	(pc) =	sbr.rel @p1 .LBB3_57-.Ltmp51, $3  }
0x8c9: {  	_ =	sdelay $0x1  }
0x8ca: {  	s0 =	simm.s32 $0x8  }
0x8cb: {  	[sflag:s0] =	ssyncpa.u1 $0x1;
	s0 =	simm.s32 $0x0  }
0x8cc: {  	s2 =	simm.s32 $0xBF58  }
0x8cd: {  	v0 =	vld.msk [tilespmem:s2+$0x0], $0x1;
	_ =	sdelay $0x4  }
0x8ce: {  	(v2sf) =	vpush v0, $0x0;
	_ =	sdelay $0xe  }
0x8cf: {  	s1 =	sadd.s32 $0xFFFFFFFF, s1;
	s3 =	spop (v2sf)  }
0x8d0: {  	p2 =	sne.s32 s1, $0x0;
	p1 =	sgt.u32 s3, $0x270F6  }
.Ltmp52:
0x8d1: {  	s4 =	sand.u32 @!p1 $0x3FFF8, s3;
	(pc) =	sbr.rel @!p2 .LBB3_56-.Ltmp52, $4  }
0x8d2: {  	s2 =	simm.s32 $0xBF78;
	s3 =	sand.u32 @!p1 $0x7, s3;
	s4 =	sadd.s32 @!p1 s5, s4  }
0x8d3: {  	[hbm4b:s4+s3] =	stream.linear.scatter @!p1 [tilespmem:s2], [sflag:$0x7], $0x50, $0x38;
	[tilespmem:$0x1FF78] =	vst v63  }
0x8d4: {  	s4 =	simm.s32 $0x0  }
0x8d5: {  	s3 =	simm.s32 $0xBF59;
	s4 =	simm.s32 @!p1 $0x140  }
.LBB3_55:
0x8d6: {  	v0 =	vld.msk [tilespmem:s3+$0x0], $0x1;
	s1 =	sadd.s32 $0xFFFFFFFF, s1;
	s0 =	sadd.s32 s0, s4  }
0x8d7: {  	p1 =	sne.s32 s1, $0x0;
	_ =	sdelay $0x3  }
0x8d8: {  	(v2sf) =	vpush v0, $0x0;
	_ =	sdelay $0xe  }
.Ltmp53:
0x8d9: {  	s6 =	spop (v2sf);
	(pc) =	sbr.rel @p1 .LBB3_55-.Ltmp53, $4  }
0x8da: {  	s4 =	simm.s32 $0x0;
	p2 =	sgt.u32 s6, $0x270F6  }
0x8db: {  	s2 =	sadd.s32 $0x50, s2;
	s4 =	simm.s32 @!p2 $0x140;
	s7 =	sand.u32 @!p2 $0x3FFF8, s6  }
0x8dc: {  	s3 =	sadd.s32 $0x1, s3;
	s6 =	sand.u32 @!p2 $0x7, s6;
	s7 =	sadd.s32 @!p2 s5, s7  }
0x8dd: {  	[hbm4b:s7+s6] =	stream.linear.scatter @!p2 [tilespmem:s2], [sflag:$0x7], $0x50, $0x38;
	[tilespmem:$0x1FF78] =	vst v63  }
.LBB3_56:
0x8de: {  	s0 =	sadd.s32 s0, s4  }
0x8df: {  	s0 =	sshrl.u32 s0, $0x2  }
.LBB3_57:
0x8e0: {  	s1 =	simm.s32 $0x7  }
0x8e1: {  	_ =	swait.ge [sflag:s1], s0  }
0x8e2: {  	s31 =	ssub.s32 $0x0, s0;
	[sflag:s1] =	ssyncset.done $0x0  }
0x8e3: {  	[sflag:s1] =	ssyncadd.s32 s31  }
0x8e4: {  	[sflag:s1] =	ssyncpa.u1 $0x1  }
.LBB3_58:
0x8e5: {  	_ =	sfence;
	s0 =	simm.s32 $0x1  }
0x8e6: {  	[sflag:s0] =	ssyncpa.u1 $0x1  }
0x8e7: {  	_ =	strace $0x9000004D  }
0x8e8: {  	[bflag:$0x2] =	sbarrier.arrive $0xFFFF  }
0x8e9: {  	s0 =	rddreg [dreg:$0x3]  }
0x8ea: {  	s0 =	sadd.s32 @!p0 $0x100000, s0  }
0x8eb: {  	[sflag:s0] =	ssyncadd.tile.s32 @!p0 $0x1;
	_ =	shalt  }
.Lfunc_end3:
_tile_overlayer_lowered:
.L_overlay_start_3:
0x8ec: {  	(tag) =	ssettag $0x3  }
0x8ed: {  	s0 =	rddreg [dreg:$0x0];
	s2 =	stileid.u32  }
0x8ee: {  	s1 =	rddreg [dreg:$0x1];
	p0 =	sne.s32 s2, $0x0  }
0x8ef: {  	s3 =	rddreg [dreg:$0x2];
	[bflag:$0x3] =	sbarrier.arrive $0xFFFF;
	s2 =	simm.s32 @!p0 $0x1C01  }
0x8f0: {  	[timem:s3], [sflag:s2] =	dma.local @!p0 [hbm:s0], s1  }
0x8f1: {  	s0 =	simm.s32 @!p0 $0x1  }
0x8f2: {  	_ =	swait.ge @!p0 [sflag:s0], s1  }
0x8f3: {  	s1 =	ssub.s32 @!p0 $0x0, s1;
	[sflag:s0] =	ssyncset.done @!p0 $0x0  }
0x8f4: {  	[sflag:s0] =	ssyncadd.s32 @!p0 s1  }
0x8f5: {  	[bflag:$0x3] =	sbarrier.arrive $0xFFFF  }
0x8f6: {  	_ =	shalt  }

</sc_bundles>
